<compile_context>
chip_gen: v7x
topology: tpu7x:2x2x1
jax: 0.10.2.dev20260603
libtpu: 0.0.44.dev20260713+nightly
codegen_flags: <defaults>
</compile_context>

<pallas_src>
import functools

import jax
import jax.numpy as jnp
from jax import lax
from jax.experimental import pallas as pl
from jax.experimental.pallas import tpu as pltpu
from jax.experimental.pallas import tpu_sc as plsc

_N = 10000
_E = 320000
_HID = 128

_BE = 3200


def _mlp_body(ea_ref, W1_ref, b1_ref, W2_ref, b2_ref, o_ref):
    ea = ea_ref[...]
    W1 = W1_ref[...]
    z = b1_ref[...] + (W1[:, 0:1] * ea[0:1, :] + W1[:, 1:2] * ea[1:2, :]
                       + W1[:, 2:3] * ea[2:3, :] + W1[:, 3:4] * ea[3:4, :])
    z = z * jax.nn.sigmoid(z)
    s = jnp.sum(z * W2_ref[...], axis=0, keepdims=True) + b2_ref[...]
    o_ref[...] = jax.nn.sigmoid(s)


def _edge_mlp(edge_attr, W1, b1, W2, b2):
    eaT = edge_attr.T
    w = pl.pallas_call(
        _mlp_body,
        grid=(_E // _BE,),
        in_specs=[
            pl.BlockSpec((4, _BE), lambda i: (0, i)),
            pl.BlockSpec((64, 4), lambda i: (0, 0)),
            pl.BlockSpec((64, 1), lambda i: (0, 0)),
            pl.BlockSpec((64, 1), lambda i: (0, 0)),
            pl.BlockSpec((1, 1), lambda i: (0, 0)),
        ],
        out_specs=pl.BlockSpec((1, _BE), lambda i: (0, i)),
        out_shape=jax.ShapeDtypeStruct((1, _E), jnp.float32),
    )(eaT, W1, b1.reshape(64, 1), W2.reshape(64, 1), b2.reshape(1, 1))
    return w.reshape(_E)


_BN = 400


def _lin_body(h_ref, w_ref, o_ref):
    o_ref[...] = jnp.dot(h_ref[...], w_ref[...],
                         preferred_element_type=jnp.float32)


def _linear(h, W_lin):
    return pl.pallas_call(
        _lin_body,
        grid=(_N // _BN,),
        in_specs=[
            pl.BlockSpec((_BN, _HID), lambda i: (i, 0)),
            pl.BlockSpec((_HID, _HID), lambda i: (0, 0)),
        ],
        out_specs=pl.BlockSpec((_BN, _HID), lambda i: (i, 0)),
        out_shape=jax.ShapeDtypeStruct((_N, _HID), jnp.float32),
    )(h, W_lin.T)


_NC = 2
_NS = 16
_C = 80
_EPT = _E // (_NC * _NS)
_ZR = 80
_NZCH = _N // _ZR


def _sc_deg_body(col_hbm, w_hbm, d0_hbm, d1_hbm,
                 deg_spm, zb, colb0, wb0, colb1, wb1, dsem0, dsem1):
    c = lax.axis_index("c")
    s = lax.axis_index("s")

    def _z16(i, _):
        zb[pl.ds(i * 16, 16)] = jnp.zeros((16,), jnp.float32)
        return 0
    lax.fori_loop(0, _N // 16, _z16, 0)

    @pl.when(s == 0)
    def _():
        pltpu.sync_copy(zb, deg_spm)
    plsc.subcore_barrier()

    ebase = c * (_E // _NC) + s * _EPT
    bufs = ((colb0, wb0, dsem0), (colb1, wb1, dsem1))
    nch = _EPT // _C

    def _fetch(ch, bi):
        colb, wb, _sm = bufs[bi]
        off = ebase + ch * _C
        pltpu.sync_copy(col_hbm.at[pl.ds(off, _C)], colb)
        pltpu.sync_copy(w_hbm.at[pl.ds(off, _C)], wb)

    def _scat(bi):
        colb, wb, sm = bufs[bi]
        return pltpu.async_copy(wb, deg_spm.at[colb], add=True, sem=sm)

    def _scat_wait(bi):
        colb, wb, sm = bufs[bi]
        pltpu.make_async_copy(wb, deg_spm.at[colb], sm).wait()

    _fetch(0, 0)

    def _deg_pair(i, _):
        for b in (0, 1):
            ch = 2 * i + b
            if b == 0:
                @pl.when(i > 0)
                def _():
                    _scat_wait(1)
            else:
                _scat_wait(0)
            _fetch(ch + 1, 1 - b)
            _scat(b)
        return 0
    lax.fori_loop(0, nch // 2, _deg_pair, 0)
    _scat_wait(1)
    _scat(0)
    _scat_wait(0)
    plsc.subcore_barrier()

    @pl.when(jnp.logical_and(c == 0, s == 0))
    def _():
        pltpu.sync_copy(deg_spm, d0_hbm)

    @pl.when(jnp.logical_and(c == 1, s == 0))
    def _():
        pltpu.sync_copy(deg_spm, d1_hbm)


def _sc_deg(col, w):
    mesh = plsc.VectorSubcoreMesh(core_axis_name="c", subcore_axis_name="s")
    f = pl.kernel(
        _sc_deg_body,
        out_type=(
            jax.ShapeDtypeStruct((_N,), jnp.float32),
            jax.ShapeDtypeStruct((_N,), jnp.float32),
        ),
        mesh=mesh,
        compiler_params=pltpu.CompilerParams(needs_layout_passes=False),
        scratch_types=[
            pltpu.VMEM_SHARED((_N,), jnp.float32),
            pltpu.VMEM((_N,), jnp.float32),
            pltpu.VMEM((_C,), jnp.int32),
            pltpu.VMEM((_C,), jnp.float32),
            pltpu.VMEM((_C,), jnp.int32),
            pltpu.VMEM((_C,), jnp.float32),
            pltpu.SemaphoreType.DMA,
            pltpu.SemaphoreType.DMA,
        ],
    )
    return f(col, w)


def _rsqrt_body(d0_ref, d1_ref, o_ref):
    o_ref[...] = lax.rsqrt(d0_ref[...] + d1_ref[...] + 1.0)


def _deg_rsqrt(d0, d1):
    dis = pl.pallas_call(
        _rsqrt_body,
        out_shape=jax.ShapeDtypeStruct((100, 100), jnp.float32),
    )(d0.reshape(100, 100), d1.reshape(100, 100))
    return dis.reshape(_N)


def _sc_main_body(row_hbm, col_hbm, w_hbm, dis_hbm, xl_hbm, p0_hbm, p1_hbm,
                  out_spm, dis_v,
                  rows0, rowb0, colb0, wb0, normb0, gsem0, ssem0,
                  rows1, rowb1, colb1, wb1, normb1, gsem1, ssem1):
    c = lax.axis_index("c")
    s = lax.axis_index("s")

    def _zr(i, _):
        for q in range(_HID // 16):
            rows0[i, pl.ds(q * 16, 16)] = jnp.zeros((16,), jnp.float32)
        return 0
    lax.fori_loop(0, _ZR, _zr, 0)

    pltpu.sync_copy(dis_hbm, dis_v)

    for k in range((_NZCH + _NS - 1) // _NS):
        ch = s + k * _NS

        @pl.when(ch < _NZCH)
        def _():
            pltpu.sync_copy(rows0, out_spm.at[pl.ds(ch * _ZR, _ZR)])
    plsc.subcore_barrier()

    ebase = c * (_E // _NC) + s * _EPT
    bufs = ((rows0, rowb0, colb0, wb0, normb0, gsem0, ssem0),
            (rows1, rowb1, colb1, wb1, normb1, gsem1, ssem1))
    nch = _EPT // _C

    def _issue(ch, bi):
        rows, rowb, colb, wb, _n, gsem, _s = bufs[bi]
        off = ebase + ch * _C
        pltpu.sync_copy(row_hbm.at[pl.ds(off, _C)], rowb)
        pltpu.sync_copy(col_hbm.at[pl.ds(off, _C)], colb)
        pltpu.sync_copy(w_hbm.at[pl.ds(off, _C)], wb)
        pltpu.async_copy(xl_hbm.at[rowb], rows, gsem)

    def _gwait(bi):
        rows, rowb, _c, _w, _n, gsem, _s = bufs[bi]
        pltpu.make_async_copy(xl_hbm.at[rowb], rows, gsem).wait()

    def _swait(bi):
        rows, _r, colb, _w, _n, _g, ssem = bufs[bi]
        pltpu.make_async_copy(rows, out_spm.at[colb], ssem).wait()

    def _compute(bi):
        rows, rowb, colb, wb, normb, _g, ssem = bufs[bi]
        for k in range(_C // 16):
            r16 = rowb[pl.ds(k * 16, 16)]
            c16 = colb[pl.ds(k * 16, 16)]
            dr = plsc.load_gather(dis_v, [r16])
            dc = plsc.load_gather(dis_v, [c16])
            normb[pl.ds(k * 16, 16)] = dr * wb[pl.ds(k * 16, 16)] * dc

        def _scale(j, _2):
            j0 = 4 * j
            for u in range(4):
                sv = plsc.load_gather(normb, [jnp.broadcast_to(j0 + u, (16,))])
                for q in range(_HID // 16):
                    rows[j0 + u, pl.ds(q * 16, 16)] = (
                        rows[j0 + u, pl.ds(q * 16, 16)] * sv)
            return 0
        lax.fori_loop(0, _C // 4, _scale, 0)
        pltpu.async_copy(rows, out_spm.at[colb], add=True, sem=ssem)

    _issue(0, 0)

    def _main_pair(i, _):
        for b in (0, 1):
            ch = 2 * i + b
            _gwait(b)
            if b == 0:
                @pl.when(i > 0)
                def _():
                    _swait(1)
            else:
                _swait(0)
            _issue(ch + 1, 1 - b)
            _compute(b)
        return 0
    lax.fori_loop(0, nch // 2, _main_pair, 0)
    _gwait(0)
    _swait(1)
    _compute(0)
    _swait(0)
    plsc.subcore_barrier()

    for k in range((_NZCH + _NS - 1) // _NS):
        ch = s + k * _NS

        @pl.when(jnp.logical_and(c == 0, ch < _NZCH))
        def _():
            o = ch * _ZR
            pltpu.sync_copy(out_spm.at[pl.ds(o, _ZR)], p0_hbm.at[pl.ds(o, _ZR)])

        @pl.when(jnp.logical_and(c == 1, ch < _NZCH))
        def _():
            o = ch * _ZR
            pltpu.sync_copy(out_spm.at[pl.ds(o, _ZR)], p1_hbm.at[pl.ds(o, _ZR)])


def _sc_main(row, col, w, dis, xl):
    mesh = plsc.VectorSubcoreMesh(core_axis_name="c", subcore_axis_name="s")
    f = pl.kernel(
        _sc_main_body,
        out_type=(
            jax.ShapeDtypeStruct((_N, _HID), jnp.float32),
            jax.ShapeDtypeStruct((_N, _HID), jnp.float32),
        ),
        mesh=mesh,
        compiler_params=pltpu.CompilerParams(needs_layout_passes=False),
        scratch_types=[
            pltpu.VMEM_SHARED((_N, _HID), jnp.float32),
            pltpu.VMEM((_N,), jnp.float32),
            pltpu.VMEM((_C, _HID), jnp.float32),
            pltpu.VMEM((_C,), jnp.int32),
            pltpu.VMEM((_C,), jnp.int32),
            pltpu.VMEM((_C,), jnp.float32),
            pltpu.VMEM((_C,), jnp.float32),
            pltpu.SemaphoreType.DMA,
            pltpu.SemaphoreType.DMA,
            pltpu.VMEM((_C, _HID), jnp.float32),
            pltpu.VMEM((_C,), jnp.int32),
            pltpu.VMEM((_C,), jnp.int32),
            pltpu.VMEM((_C,), jnp.float32),
            pltpu.VMEM((_C,), jnp.float32),
            pltpu.SemaphoreType.DMA,
            pltpu.SemaphoreType.DMA,
        ],
    )
    return f(row, col, w, dis, xl)


def _final_body(p0_ref, p1_ref, xl_ref, dis_ref, b_ref, o_ref):
    d = dis_ref[...]
    o_ref[...] = p0_ref[...] + p1_ref[...] + d * d * xl_ref[...] + b_ref[...]


def _final(p0, p1, xl, dis, bias):
    return pl.pallas_call(
        _final_body,
        grid=(_N // _BN,),
        in_specs=[
            pl.BlockSpec((_BN, _HID), lambda i: (i, 0)),
            pl.BlockSpec((_BN, _HID), lambda i: (i, 0)),
            pl.BlockSpec((_BN, _HID), lambda i: (i, 0)),
            pl.BlockSpec((_BN, 1), lambda i: (i, 0)),
            pl.BlockSpec((1, _HID), lambda i: (0, 0)),
        ],
        out_specs=pl.BlockSpec((_BN, _HID), lambda i: (i, 0)),
        out_shape=jax.ShapeDtypeStruct((_N, _HID), jnp.float32),
    )(p0, p1, xl, dis.reshape(_N, 1), bias.reshape(1, _HID))


def kernel(h, edge_index, edge_attr, W_lin, bias, W1, b1, W2, b2):
    row = edge_index[0]
    col = edge_index[1]
    w = _edge_mlp(edge_attr, W1, b1, W2, b2)
    xl = _linear(h, W_lin)
    d0, d1 = _sc_deg(col, w)
    dis = _deg_rsqrt(d0, d1)
    p0, p1 = _sc_main(row, col, w, dis, xl)
    return _final(p0, p1, xl, dis, bias)

# --- scband reference (transcript-rebuilt; emitter-appended) ---
"""Pipeline reference for scband-edge-weighted-gcnconv-17763984736712 (READ-ONLY COPY).

The authoritative reference and input builder live on the scoring server;
editing this copy changes nothing except your own understanding.
"""

import jax, jax.numpy as jnp
import numpy as np

N = 10000
E = 320000
HID = 128
EDGE_DIM = 4


def setup_inputs(seed: int = 0) -> dict:
    key = jax.random.key(seed)
    ks = jax.random.split(key, 10)
    h = jax.random.normal(ks[0], (N, HID), dtype=jnp.float32)
    edge_index = jax.random.randint(ks[1], (2, E), 0, N, dtype=jnp.int32)
    edge_attr = jax.random.normal(ks[2], (E, EDGE_DIM), dtype=jnp.float32)
    # GCNConv linear (bias=False inside lin; separate bias param), weight [out, in]
    W_lin = jax.random.normal(ks[3], (HID, HID), dtype=jnp.float32) * (1.0 / np.sqrt(HID))
    bias = jnp.zeros((HID,), dtype=jnp.float32)
    # edge MLP: Linear(edge_dim, hid//2) -> SiLU -> Linear(hid//2, 1)
    W1 = jax.random.normal(ks[4], (HID // 2, EDGE_DIM), dtype=jnp.float32) * (1.0 / np.sqrt(EDGE_DIM))
    b1 = jnp.zeros((HID // 2,), dtype=jnp.float32)
    W2 = jax.random.normal(ks[5], (1, HID // 2), dtype=jnp.float32) * (1.0 / np.sqrt(HID // 2))
    b2 = jnp.zeros((1,), dtype=jnp.float32)
    return {"h": h, "edge_index": edge_index, "edge_attr": edge_attr,
            "W_lin": W_lin, "bias": bias, "W1": W1, "b1": b1, "W2": W2, "b2": b2}


def reference(h, edge_index, edge_attr, W_lin, bias, W1, b1, W2, b2):
    n = h.shape[0]
    # --- edge MLP -> sigmoid -> scalar edge weight in (0,1) ---
    z = edge_attr @ W1.T + b1
    z = z * jax.nn.sigmoid(z)  # SiLU
    w = jax.nn.sigmoid((z @ W2.T + b2).squeeze(-1))  # [E]
    # --- GCNConv with add_self_loops=True, normalize=True ---
    row = edge_index[0]
    col = edge_index[1]
    loop = jnp.arange(n, dtype=edge_index.dtype)
    row_f = jnp.concatenate([row, loop])
    col_f = jnp.concatenate([col, loop])
    ew = jnp.concatenate([w, jnp.ones((n,), dtype=w.dtype)])
    # symmetric normalization: deg from dst-side scatter of edge weights
    deg = jnp.zeros((n,), dtype=jnp.float32).at[col_f].add(ew)
    deg_inv_sqrt = jnp.where(deg > 0, deg ** -0.5, 0.0)
    norm = deg_inv_sqrt[row_f] * ew * deg_inv_sqrt[col_f]
    # linear transform then weighted scatter-add aggregation at dst
    xl = h @ W_lin.T
    msg = norm[:, None] * jnp.take(xl, row_f, axis=0)
    out = jnp.zeros((n, xl.shape[1]), dtype=jnp.float32).at[col_f].add(msg)
    return out + bias

if __name__ == "__main__":
    import jax
    _d = setup_inputs()
    print(jax.jit(kernel)(*tuple(_d.values())))

</pallas_src>

<mosaic_0001>
#map = affine_map<(d0, d1) -> (0)>
module attributes {stable_mosaic.version = 14 : i64} {
  func.func @_sc_deg_body(%arg0: i32, %arg1: i32, %arg2: memref<320000xi32, #tpu.memory_space<hbm>>, %arg3: memref<320000xf32, #tpu.memory_space<hbm>>, %arg4: memref<10000xf32, #tpu.memory_space<hbm>>, %arg5: memref<10000xf32, #tpu.memory_space<hbm>>, %arg6: memref<10000xf32, #tpu.memory_space<vmem_shared>>, %arg7: memref<10000xf32, #tpu.memory_space<vmem>>, %arg8: memref<80xi32, #tpu.memory_space<vmem>>, %arg9: memref<80xf32, #tpu.memory_space<vmem>>, %arg10: memref<80xi32, #tpu.memory_space<vmem>>, %arg11: memref<80xf32, #tpu.memory_space<vmem>>, %arg12: memref<!tpu.dma_semaphore, #tpu.memory_space<semaphore_mem>>, %arg13: memref<!tpu.dma_semaphore, #tpu.memory_space<semaphore_mem>>) attributes {dimension_semantics = [#tpu.dimension_semantics<core_parallel>, #tpu.dimension_semantics<subcore_parallel>], iteration_bounds = array<i64: 2, 16>, scalar_prefetch = 0 : i64, scratch_operands = 8 : i64, tpu.core_type = #tpu.core_type<sc_vector_subcore>, window_params = [{transform_indices = #map}, {transform_indices = #map}, {transform_indices = #map}, {transform_indices = #map}]} {
    %scan3A = arith.constant 0 : i32
    %scan3A_0 = arith.constant 0 : i32
    %scan3A_1 = arith.constant 625 : i32
    %scan3A_2 = arith.addi %scan3A_0, %scan3A_1 : i32
    %scan3A_3 = arith.constant 1 : i32
    %scan3A_4 = scf.for %scan3A_40 = %scan3A_0 to %scan3A_2 step %scan3A_3 iter_args(%scan3A_41 = %scan3A) -> (i32)  : i32 {
      %broadcast_in_dim3A = arith.constant 0.000000e+00 : f32
      %broadcast_in_dim3A_42 = vector.broadcast %broadcast_in_dim3A : f32 to vector<16xf32>
      %mul3A_43 = arith.constant 16 : i32
      %mul3A_44 = arith.muli %scan3A_40, %mul3A_43 : i32
      %swap3A = arith.index_cast %mul3A_44 : i32 to index
      %swap3A_45 = tpu.vector_load %arg7[%swap3A] {strides = array<i32>} : memref<10000xf32, #tpu.memory_space<vmem>>, vector<16xf32>,
      tpu.vector_store %arg7[%swap3A], %broadcast_in_dim3A_42 {strides = array<i32>} : memref<10000xf32, #tpu.memory_space<vmem>>, vector<16xf32>,
      %scan3A_46 = arith.constant 0 : i32
      scf.yield %scan3A_46 : i32
    }
    %scan3A_5 = arith.constant 625 : i32
    %eq3A = arith.constant 0 : i32
    %eq3A_6 = arith.cmpi eq, %arg1, %eq3A : i32
    %convert_element_type3A = arith.extui %eq3A_6 : i1 to i32
    %cond3A = arith.constant 0 : i32
    %cond3A_7 = arith.cmpi ne, %convert_element_type3A, %cond3A : i32
    scf.if %cond3A_7 {
      "tpu.region"() ({
        %run_scoped3A = tpu.sem_alloc : memref<!tpu.dma_semaphore, #tpu.memory_space<semaphore_mem>>
        tpu.enqueue_dma source(%arg7 : memref<10000xf32, #tpu.memory_space<vmem>>) target(%arg6 : memref<10000xf32, #tpu.memory_space<vmem_shared>>) target_semaphore(%run_scoped3A : memref<!tpu.dma_semaphore, #tpu.memory_space<semaphore_mem>>)
        tpu.wait_dma2 semaphore(%run_scoped3A : memref<!tpu.dma_semaphore, #tpu.memory_space<semaphore_mem>>) src(%arg7 : memref<10000xf32, #tpu.memory_space<vmem>>) dst(%arg6 : memref<10000xf32, #tpu.memory_space<vmem_shared>>)
        tpu.yield
      }) : () -> ()
    } else {
    }
    %barrier3A = arith.constant 0 : index
    tpu.barrier barrier_id(%barrier3A)
    %mul3A = arith.constant 160000 : i32
    %mul3A_8 = arith.muli %arg0, %mul3A : i32
    %mul3A_9 = arith.constant 10000 : i32
    %mul3A_10 = arith.muli %arg1, %mul3A_9 : i32
    %add3A = arith.addi %mul3A_8, %mul3A_10 : i32
    %add3A_11 = arith.constant 0 : i32
    %add3A_12 = arith.addi %add3A, %add3A_11 : i32
    "tpu.region"() ({
      %run_scoped3A = tpu.sem_alloc : memref<!tpu.dma_semaphore, #tpu.memory_space<semaphore_mem>>
      %dma_start3A_40 = tpu.memref_slice %arg2[%add3A_12] : memref<320000xi32, #tpu.memory_space<hbm>> -> memref<80xi32, #tpu.memory_space<hbm>>
      %dma_start3A_41 = tpu.memref_slice %arg2[%add3A_12] : memref<320000xi32, #tpu.memory_space<hbm>> -> memref<80xi32, #tpu.memory_space<hbm>>
      tpu.enqueue_dma source(%dma_start3A_41 : memref<80xi32, #tpu.memory_space<hbm>>) target(%arg8 : memref<80xi32, #tpu.memory_space<vmem>>) target_semaphore(%run_scoped3A : memref<!tpu.dma_semaphore, #tpu.memory_space<semaphore_mem>>)
      %dma_wait3A_42 = tpu.memref_slice %arg2[%add3A_12] : memref<320000xi32, #tpu.memory_space<hbm>> -> memref<80xi32, #tpu.memory_space<hbm>>
      %dma_wait3A_43 = tpu.memref_slice %arg2[%add3A_12] : memref<320000xi32, #tpu.memory_space<hbm>> -> memref<80xi32, #tpu.memory_space<hbm>>
      tpu.wait_dma2 semaphore(%run_scoped3A : memref<!tpu.dma_semaphore, #tpu.memory_space<semaphore_mem>>) src(%dma_wait3A_43 : memref<80xi32, #tpu.memory_space<hbm>>) dst(%arg8 : memref<80xi32, #tpu.memory_space<vmem>>)
      tpu.yield
    }) : () -> ()
    "tpu.region"() ({
      %run_scoped3A = tpu.sem_alloc : memref<!tpu.dma_semaphore, #tpu.memory_space<semaphore_mem>>
      %dma_start3A_40 = tpu.memref_slice %arg3[%add3A_12] : memref<320000xf32, #tpu.memory_space<hbm>> -> memref<80xf32, #tpu.memory_space<hbm>>
      %dma_start3A_41 = tpu.memref_slice %arg3[%add3A_12] : memref<320000xf32, #tpu.memory_space<hbm>> -> memref<80xf32, #tpu.memory_space<hbm>>
      tpu.enqueue_dma source(%dma_start3A_41 : memref<80xf32, #tpu.memory_space<hbm>>) target(%arg9 : memref<80xf32, #tpu.memory_space<vmem>>) target_semaphore(%run_scoped3A : memref<!tpu.dma_semaphore, #tpu.memory_space<semaphore_mem>>)
      %dma_wait3A_42 = tpu.memref_slice %arg3[%add3A_12] : memref<320000xf32, #tpu.memory_space<hbm>> -> memref<80xf32, #tpu.memory_space<hbm>>
      %dma_wait3A_43 = tpu.memref_slice %arg3[%add3A_12] : memref<320000xf32, #tpu.memory_space<hbm>> -> memref<80xf32, #tpu.memory_space<hbm>>
      tpu.wait_dma2 semaphore(%run_scoped3A : memref<!tpu.dma_semaphore, #tpu.memory_space<semaphore_mem>>) src(%dma_wait3A_43 : memref<80xf32, #tpu.memory_space<hbm>>) dst(%arg9 : memref<80xf32, #tpu.memory_space<vmem>>)
      tpu.yield
    }) : () -> ()
    %scan3A_13 = arith.constant 0 : i32
    %scan3A_14 = arith.constant 0 : i32
    %scan3A_15 = arith.constant 62 : i32
    %scan3A_16 = arith.addi %scan3A_14, %scan3A_15 : i32
    %scan3A_17 = arith.constant 1 : i32
    %scan3A_18 = scf.for %scan3A_40 = %scan3A_14 to %scan3A_16 step %scan3A_17 iter_args(%scan3A_41 = %scan3A_13) -> (i32)  : i32 {
      %mul3A_42 = arith.constant 2 : i32
      %mul3A_43 = arith.muli %mul3A_42, %scan3A_40 : i32
      %add3A_44 = arith.constant 0 : i32
      %add3A_45 = arith.addi %mul3A_43, %add3A_44 : i32
      %gt3A = arith.constant 0 : i32
      %gt3A_46 = arith.cmpi sgt, %scan3A_40, %gt3A : i32
      %convert_element_type3A_47 = arith.extui %gt3A_46 : i1 to i32
      %cond3A_48 = arith.constant 0 : i32
      %cond3A_49 = arith.cmpi ne, %convert_element_type3A_47, %cond3A_48 : i32
      scf.if %cond3A_49 {
        %dma_wait3A_71 = arith.constant 0 : i32
        %dma_wait3A_72 = tpu.memref_slice %arg6[%dma_wait3A_71] : memref<10000xf32, #tpu.memory_space<vmem_shared>> -> memref<10000xf32, #tpu.memory_space<vmem_shared>>
        tpu.wait_indirect_dma semaphore(%arg13 : memref<!tpu.dma_semaphore, #tpu.memory_space<semaphore_mem>>) src(%arg11 : memref<80xf32, #tpu.memory_space<vmem>>) dst(%dma_wait3A_72 : memref<10000xf32, #tpu.memory_space<vmem_shared>>)
      } else {
      }
      %add3A_50 = arith.constant 1 : i32
      %add3A_51 = arith.addi %add3A_45, %add3A_50 : i32
      %mul3A_52 = arith.constant 80 : i32
      %mul3A_53 = arith.muli %add3A_51, %mul3A_52 : i32
      %add3A_54 = arith.addi %add3A, %mul3A_53 : i32
      "tpu.region"() ({
        %run_scoped3A = tpu.sem_alloc : memref<!tpu.dma_semaphore, #tpu.memory_space<semaphore_mem>>
        %dma_start3A_71 = tpu.memref_slice %arg2[%add3A_54] : memref<320000xi32, #tpu.memory_space<hbm>> -> memref<80xi32, #tpu.memory_space<hbm>>
        %dma_start3A_72 = tpu.memref_slice %arg2[%add3A_54] : memref<320000xi32, #tpu.memory_space<hbm>> -> memref<80xi32, #tpu.memory_space<hbm>>
        tpu.enqueue_dma source(%dma_start3A_72 : memref<80xi32, #tpu.memory_space<hbm>>) target(%arg10 : memref<80xi32, #tpu.memory_space<vmem>>) target_semaphore(%run_scoped3A : memref<!tpu.dma_semaphore, #tpu.memory_space<semaphore_mem>>)
        %dma_wait3A_73 = tpu.memref_slice %arg2[%add3A_54] : memref<320000xi32, #tpu.memory_space<hbm>> -> memref<80xi32, #tpu.memory_space<hbm>>
        %dma_wait3A_74 = tpu.memref_slice %arg2[%add3A_54] : memref<320000xi32, #tpu.memory_space<hbm>> -> memref<80xi32, #tpu.memory_space<hbm>>
        tpu.wait_dma2 semaphore(%run_scoped3A : memref<!tpu.dma_semaphore, #tpu.memory_space<semaphore_mem>>) src(%dma_wait3A_74 : memref<80xi32, #tpu.memory_space<hbm>>) dst(%arg10 : memref<80xi32, #tpu.memory_space<vmem>>)
        tpu.yield
      }) : () -> ()
      "tpu.region"() ({
        %run_scoped3A = tpu.sem_alloc : memref<!tpu.dma_semaphore, #tpu.memory_space<semaphore_mem>>
        %dma_start3A_71 = tpu.memref_slice %arg3[%add3A_54] : memref<320000xf32, #tpu.memory_space<hbm>> -> memref<80xf32, #tpu.memory_space<hbm>>
        %dma_start3A_72 = tpu.memref_slice %arg3[%add3A_54] : memref<320000xf32, #tpu.memory_space<hbm>> -> memref<80xf32, #tpu.memory_space<hbm>>
        tpu.enqueue_dma source(%dma_start3A_72 : memref<80xf32, #tpu.memory_space<hbm>>) target(%arg11 : memref<80xf32, #tpu.memory_space<vmem>>) target_semaphore(%run_scoped3A : memref<!tpu.dma_semaphore, #tpu.memory_space<semaphore_mem>>)
        %dma_wait3A_73 = tpu.memref_slice %arg3[%add3A_54] : memref<320000xf32, #tpu.memory_space<hbm>> -> memref<80xf32, #tpu.memory_space<hbm>>
        %dma_wait3A_74 = tpu.memref_slice %arg3[%add3A_54] : memref<320000xf32, #tpu.memory_space<hbm>> -> memref<80xf32, #tpu.memory_space<hbm>>
        tpu.wait_dma2 semaphore(%run_scoped3A : memref<!tpu.dma_semaphore, #tpu.memory_space<semaphore_mem>>) src(%dma_wait3A_74 : memref<80xf32, #tpu.memory_space<hbm>>) dst(%arg11 : memref<80xf32, #tpu.memory_space<vmem>>)
        tpu.yield
      }) : () -> ()
      %dma_start3A_55 = arith.constant 0 : i32
      %dma_start3A_56 = tpu.memref_slice %arg6[%dma_start3A_55] : memref<10000xf32, #tpu.memory_space<vmem_shared>> -> memref<10000xf32, #tpu.memory_space<vmem_shared>>
      tpu.enqueue_indirect_dma source(%arg9 : memref<80xf32, #tpu.memory_space<vmem>>) target(%dma_start3A_56 : memref<10000xf32, #tpu.memory_space<vmem_shared>>) offsets(%arg8 : memref<80xi32, #tpu.memory_space<vmem>>) semaphore(%arg12 : memref<!tpu.dma_semaphore, #tpu.memory_space<semaphore_mem>>) {add = true}
      %mul3A_57 = arith.constant 2 : i32
      %mul3A_58 = arith.muli %mul3A_57, %scan3A_40 : i32
      %add3A_59 = arith.constant 1 : i32
      %add3A_60 = arith.addi %mul3A_58, %add3A_59 : i32
      %dma_wait3A_61 = arith.constant 0 : i32
      %dma_wait3A_62 = tpu.memref_slice %arg6[%dma_wait3A_61] : memref<10000xf32, #tpu.memory_space<vmem_shared>> -> memref<10000xf32, #tpu.memory_space<vmem_shared>>
      tpu.wait_indirect_dma semaphore(%arg12 : memref<!tpu.dma_semaphore, #tpu.memory_space<semaphore_mem>>) src(%arg9 : memref<80xf32, #tpu.memory_space<vmem>>) dst(%dma_wait3A_62 : memref<10000xf32, #tpu.memory_space<vmem_shared>>)
      %add3A_63 = arith.constant 1 : i32
      %add3A_64 = arith.addi %add3A_60, %add3A_63 : i32
      %mul3A_65 = arith.constant 80 : i32
      %mul3A_66 = arith.muli %add3A_64, %mul3A_65 : i32
      %add3A_67 = arith.addi %add3A, %mul3A_66 : i32
      "tpu.region"() ({
        %run_scoped3A = tpu.sem_alloc : memref<!tpu.dma_semaphore, #tpu.memory_space<semaphore_mem>>
        %dma_start3A_71 = tpu.memref_slice %arg2[%add3A_67] : memref<320000xi32, #tpu.memory_space<hbm>> -> memref<80xi32, #tpu.memory_space<hbm>>
        %dma_start3A_72 = tpu.memref_slice %arg2[%add3A_67] : memref<320000xi32, #tpu.memory_space<hbm>> -> memref<80xi32, #tpu.memory_space<hbm>>
        tpu.enqueue_dma source(%dma_start3A_72 : memref<80xi32, #tpu.memory_space<hbm>>) target(%arg8 : memref<80xi32, #tpu.memory_space<vmem>>) target_semaphore(%run_scoped3A : memref<!tpu.dma_semaphore, #tpu.memory_space<semaphore_mem>>)
        %dma_wait3A_73 = tpu.memref_slice %arg2[%add3A_67] : memref<320000xi32, #tpu.memory_space<hbm>> -> memref<80xi32, #tpu.memory_space<hbm>>
        %dma_wait3A_74 = tpu.memref_slice %arg2[%add3A_67] : memref<320000xi32, #tpu.memory_space<hbm>> -> memref<80xi32, #tpu.memory_space<hbm>>
        tpu.wait_dma2 semaphore(%run_scoped3A : memref<!tpu.dma_semaphore, #tpu.memory_space<semaphore_mem>>) src(%dma_wait3A_74 : memref<80xi32, #tpu.memory_space<hbm>>) dst(%arg8 : memref<80xi32, #tpu.memory_space<vmem>>)
        tpu.yield
      }) : () -> ()
      "tpu.region"() ({
        %run_scoped3A = tpu.sem_alloc : memref<!tpu.dma_semaphore, #tpu.memory_space<semaphore_mem>>
        %dma_start3A_71 = tpu.memref_slice %arg3[%add3A_67] : memref<320000xf32, #tpu.memory_space<hbm>> -> memref<80xf32, #tpu.memory_space<hbm>>
        %dma_start3A_72 = tpu.memref_slice %arg3[%add3A_67] : memref<320000xf32, #tpu.memory_space<hbm>> -> memref<80xf32, #tpu.memory_space<hbm>>
        tpu.enqueue_dma source(%dma_start3A_72 : memref<80xf32, #tpu.memory_space<hbm>>) target(%arg9 : memref<80xf32, #tpu.memory_space<vmem>>) target_semaphore(%run_scoped3A : memref<!tpu.dma_semaphore, #tpu.memory_space<semaphore_mem>>)
        %dma_wait3A_73 = tpu.memref_slice %arg3[%add3A_67] : memref<320000xf32, #tpu.memory_space<hbm>> -> memref<80xf32, #tpu.memory_space<hbm>>
        %dma_wait3A_74 = tpu.memref_slice %arg3[%add3A_67] : memref<320000xf32, #tpu.memory_space<hbm>> -> memref<80xf32, #tpu.memory_space<hbm>>
        tpu.wait_dma2 semaphore(%run_scoped3A : memref<!tpu.dma_semaphore, #tpu.memory_space<semaphore_mem>>) src(%dma_wait3A_74 : memref<80xf32, #tpu.memory_space<hbm>>) dst(%arg9 : memref<80xf32, #tpu.memory_space<vmem>>)
        tpu.yield
      }) : () -> ()
      %dma_start3A_68 = arith.constant 0 : i32
      %dma_start3A_69 = tpu.memref_slice %arg6[%dma_start3A_68] : memref<10000xf32, #tpu.memory_space<vmem_shared>> -> memref<10000xf32, #tpu.memory_space<vmem_shared>>
      tpu.enqueue_indirect_dma source(%arg11 : memref<80xf32, #tpu.memory_space<vmem>>) target(%dma_start3A_69 : memref<10000xf32, #tpu.memory_space<vmem_shared>>) offsets(%arg10 : memref<80xi32, #tpu.memory_space<vmem>>) semaphore(%arg13 : memref<!tpu.dma_semaphore, #tpu.memory_space<semaphore_mem>>) {add = true}
      %scan3A_70 = arith.constant 0 : i32
      scf.yield %scan3A_70 : i32
    }
    %scan3A_19 = arith.constant 62 : i32
    %dma_wait3A = arith.constant 0 : i32
    %dma_wait3A_20 = tpu.memref_slice %arg6[%dma_wait3A] : memref<10000xf32, #tpu.memory_space<vmem_shared>> -> memref<10000xf32, #tpu.memory_space<vmem_shared>>
    tpu.wait_indirect_dma semaphore(%arg13 : memref<!tpu.dma_semaphore, #tpu.memory_space<semaphore_mem>>) src(%arg11 : memref<80xf32, #tpu.memory_space<vmem>>) dst(%dma_wait3A_20 : memref<10000xf32, #tpu.memory_space<vmem_shared>>)
    %dma_start3A = arith.constant 0 : i32
    %dma_start3A_21 = tpu.memref_slice %arg6[%dma_start3A] : memref<10000xf32, #tpu.memory_space<vmem_shared>> -> memref<10000xf32, #tpu.memory_space<vmem_shared>>
    tpu.enqueue_indirect_dma source(%arg9 : memref<80xf32, #tpu.memory_space<vmem>>) target(%dma_start3A_21 : memref<10000xf32, #tpu.memory_space<vmem_shared>>) offsets(%arg8 : memref<80xi32, #tpu.memory_space<vmem>>) semaphore(%arg12 : memref<!tpu.dma_semaphore, #tpu.memory_space<semaphore_mem>>) {add = true}
    %dma_wait3A_22 = arith.constant 0 : i32
    %dma_wait3A_23 = tpu.memref_slice %arg6[%dma_wait3A_22] : memref<10000xf32, #tpu.memory_space<vmem_shared>> -> memref<10000xf32, #tpu.memory_space<vmem_shared>>
    tpu.wait_indirect_dma semaphore(%arg12 : memref<!tpu.dma_semaphore, #tpu.memory_space<semaphore_mem>>) src(%arg9 : memref<80xf32, #tpu.memory_space<vmem>>) dst(%dma_wait3A_23 : memref<10000xf32, #tpu.memory_space<vmem_shared>>)
    %barrier3A_24 = arith.constant 0 : index
    tpu.barrier barrier_id(%barrier3A_24)
    %eq3A_25 = arith.constant 0 : i32
    %eq3A_26 = arith.cmpi eq, %arg0, %eq3A_25 : i32
    %eq3A_27 = arith.constant 0 : i32
    %eq3A_28 = arith.cmpi eq, %arg1, %eq3A_27 : i32
    %and3A = arith.andi %eq3A_26, %eq3A_28 : i1
    %convert_element_type3A_29 = arith.extui %and3A : i1 to i32
    %cond3A_30 = arith.constant 0 : i32
    %cond3A_31 = arith.cmpi ne, %convert_element_type3A_29, %cond3A_30 : i32
    scf.if %cond3A_31 {
      "tpu.region"() ({
        %run_scoped3A = tpu.sem_alloc : memref<!tpu.dma_semaphore, #tpu.memory_space<semaphore_mem>>
        tpu.enqueue_dma source(%arg6 : memref<10000xf32, #tpu.memory_space<vmem_shared>>) target(%arg4 : memref<10000xf32, #tpu.memory_space<hbm>>) target_semaphore(%run_scoped3A : memref<!tpu.dma_semaphore, #tpu.memory_space<semaphore_mem>>)
        tpu.wait_dma2 semaphore(%run_scoped3A : memref<!tpu.dma_semaphore, #tpu.memory_space<semaphore_mem>>) src(%arg6 : memref<10000xf32, #tpu.memory_space<vmem_shared>>) dst(%arg4 : memref<10000xf32, #tpu.memory_space<hbm>>)
        tpu.yield
      }) : () -> ()
    } else {
    }
    %eq3A_32 = arith.constant 1 : i32
    %eq3A_33 = arith.cmpi eq, %arg0, %eq3A_32 : i32
    %eq3A_34 = arith.constant 0 : i32
    %eq3A_35 = arith.cmpi eq, %arg1, %eq3A_34 : i32
    %and3A_36 = arith.andi %eq3A_33, %eq3A_35 : i1
    %convert_element_type3A_37 = arith.extui %and3A_36 : i1 to i32
    %cond3A_38 = arith.constant 0 : i32
    %cond3A_39 = arith.cmpi ne, %convert_element_type3A_37, %cond3A_38 : i32
    scf.if %cond3A_39 {
      "tpu.region"() ({
        %run_scoped3A = tpu.sem_alloc : memref<!tpu.dma_semaphore, #tpu.memory_space<semaphore_mem>>
        tpu.enqueue_dma source(%arg6 : memref<10000xf32, #tpu.memory_space<vmem_shared>>) target(%arg5 : memref<10000xf32, #tpu.memory_space<hbm>>) target_semaphore(%run_scoped3A : memref<!tpu.dma_semaphore, #tpu.memory_space<semaphore_mem>>)
        tpu.wait_dma2 semaphore(%run_scoped3A : memref<!tpu.dma_semaphore, #tpu.memory_space<semaphore_mem>>) src(%arg6 : memref<10000xf32, #tpu.memory_space<vmem_shared>>) dst(%arg5 : memref<10000xf32, #tpu.memory_space<hbm>>)
        tpu.yield
      }) : () -> ()
    } else {
    }
    return
  }
}

#map = affine_map<(d0, d1) -> (0)>
#map1 = affine_map<(d0, d1) -> (0, 0)>
module attributes {stable_mosaic.version = 14 : i64} {
  func.func @_sc_main_body(%arg0: i32, %arg1: i32, %arg2: memref<320000xi32, #tpu.memory_space<hbm>>, %arg3: memref<320000xi32, #tpu.memory_space<hbm>>, %arg4: memref<320000xf32, #tpu.memory_space<hbm>>, %arg5: memref<10000xf32, #tpu.memory_space<hbm>>, %arg6: memref<10000x128xf32, #tpu.memory_space<hbm>>, %arg7: memref<10000x128xf32, #tpu.memory_space<hbm>>, %arg8: memref<10000x128xf32, #tpu.memory_space<hbm>>, %arg9: memref<10000x128xf32, #tpu.memory_space<vmem_shared>>, %arg10: memref<10000xf32, #tpu.memory_space<vmem>>, %arg11: memref<80x128xf32, #tpu.memory_space<vmem>>, %arg12: memref<80xi32, #tpu.memory_space<vmem>>, %arg13: memref<80xi32, #tpu.memory_space<vmem>>, %arg14: memref<80xf32, #tpu.memory_space<vmem>>, %arg15: memref<80xf32, #tpu.memory_space<vmem>>, %arg16: memref<!tpu.dma_semaphore, #tpu.memory_space<semaphore_mem>>, %arg17: memref<!tpu.dma_semaphore, #tpu.memory_space<semaphore_mem>>, %arg18: memref<80x128xf32, #tpu.memory_space<vmem>>, %arg19: memref<80xi32, #tpu.memory_space<vmem>>, %arg20: memref<80xi32, #tpu.memory_space<vmem>>, %arg21: memref<80xf32, #tpu.memory_space<vmem>>, %arg22: memref<80xf32, #tpu.memory_space<vmem>>, %arg23: memref<!tpu.dma_semaphore, #tpu.memory_space<semaphore_mem>>, %arg24: memref<!tpu.dma_semaphore, #tpu.memory_space<semaphore_mem>>) attributes {dimension_semantics = [#tpu.dimension_semantics<core_parallel>, #tpu.dimension_semantics<subcore_parallel>], iteration_bounds = array<i64: 2, 16>, scalar_prefetch = 0 : i64, scratch_operands = 16 : i64, tpu.core_type = #tpu.core_type<sc_vector_subcore>, window_params = [{transform_indices = #map}, {transform_indices = #map}, {transform_indices = #map}, {transform_indices = #map}, {transform_indices = #map1}, {transform_indices = #map1}, {transform_indices = #map1}]} {
    %scan3A = arith.constant 0 : i32
    %scan3A_0 = arith.constant 0 : i32
    %scan3A_1 = arith.constant 80 : i32
    %scan3A_2 = arith.addi %scan3A_0, %scan3A_1 : i32
    %scan3A_3 = arith.constant 1 : i32
    %scan3A_4 = scf.for %scan3A_291 = %scan3A_0 to %scan3A_2 step %scan3A_3 iter_args(%scan3A_292 = %scan3A) -> (i32)  : i32 {
      %broadcast_in_dim3A = arith.constant 0.000000e+00 : f32
      %broadcast_in_dim3A_293 = vector.broadcast %broadcast_in_dim3A : f32 to vector<16xf32>
      %swap3A_294 = arith.index_cast %scan3A_291 : i32 to index
      %swap3A_295 = arith.constant 0 : index
      %swap3A_296 = tpu.vector_load %arg11[%swap3A_294, %swap3A_295] {strides = array<i32>} : memref<80x128xf32, #tpu.memory_space<vmem>>, vector<16xf32>,
      tpu.vector_store %arg11[%swap3A_294, %swap3A_295], %broadcast_in_dim3A_293 {strides = array<i32>} : memref<80x128xf32, #tpu.memory_space<vmem>>, vector<16xf32>,
      %broadcast_in_dim3A_297 = arith.constant 0.000000e+00 : f32
      %broadcast_in_dim3A_298 = vector.broadcast %broadcast_in_dim3A_297 : f32 to vector<16xf32>
      %swap3A_299 = arith.index_cast %scan3A_291 : i32 to index
      %swap3A_300 = arith.constant 16 : index
      %swap3A_301 = tpu.vector_load %arg11[%swap3A_299, %swap3A_300] {strides = array<i32>} : memref<80x128xf32, #tpu.memory_space<vmem>>, vector<16xf32>,
      tpu.vector_store %arg11[%swap3A_299, %swap3A_300], %broadcast_in_dim3A_298 {strides = array<i32>} : memref<80x128xf32, #tpu.memory_space<vmem>>, vector<16xf32>,
      %broadcast_in_dim3A_302 = arith.constant 0.000000e+00 : f32
      %broadcast_in_dim3A_303 = vector.broadcast %broadcast_in_dim3A_302 : f32 to vector<16xf32>
      %swap3A_304 = arith.index_cast %scan3A_291 : i32 to index
      %swap3A_305 = arith.constant 32 : index
      %swap3A_306 = tpu.vector_load %arg11[%swap3A_304, %swap3A_305] {strides = array<i32>} : memref<80x128xf32, #tpu.memory_space<vmem>>, vector<16xf32>,
      tpu.vector_store %arg11[%swap3A_304, %swap3A_305], %broadcast_in_dim3A_303 {strides = array<i32>} : memref<80x128xf32, #tpu.memory_space<vmem>>, vector<16xf32>,
      %broadcast_in_dim3A_307 = arith.constant 0.000000e+00 : f32
      %broadcast_in_dim3A_308 = vector.broadcast %broadcast_in_dim3A_307 : f32 to vector<16xf32>
      %swap3A_309 = arith.index_cast %scan3A_291 : i32 to index
      %swap3A_310 = arith.constant 48 : index
      %swap3A_311 = tpu.vector_load %arg11[%swap3A_309, %swap3A_310] {strides = array<i32>} : memref<80x128xf32, #tpu.memory_space<vmem>>, vector<16xf32>,
      tpu.vector_store %arg11[%swap3A_309, %swap3A_310], %broadcast_in_dim3A_308 {strides = array<i32>} : memref<80x128xf32, #tpu.memory_space<vmem>>, vector<16xf32>,
      %broadcast_in_dim3A_312 = arith.constant 0.000000e+00 : f32
      %broadcast_in_dim3A_313 = vector.broadcast %broadcast_in_dim3A_312 : f32 to vector<16xf32>
      %swap3A_314 = arith.index_cast %scan3A_291 : i32 to index
      %swap3A_315 = arith.constant 64 : index
      %swap3A_316 = tpu.vector_load %arg11[%swap3A_314, %swap3A_315] {strides = array<i32>} : memref<80x128xf32, #tpu.memory_space<vmem>>, vector<16xf32>,
      tpu.vector_store %arg11[%swap3A_314, %swap3A_315], %broadcast_in_dim3A_313 {strides = array<i32>} : memref<80x128xf32, #tpu.memory_space<vmem>>, vector<16xf32>,
      %broadcast_in_dim3A_317 = arith.constant 0.000000e+00 : f32
      %broadcast_in_dim3A_318 = vector.broadcast %broadcast_in_dim3A_317 : f32 to vector<16xf32>
      %swap3A_319 = arith.index_cast %scan3A_291 : i32 to index
      %swap3A_320 = arith.constant 80 : index
      %swap3A_321 = tpu.vector_load %arg11[%swap3A_319, %swap3A_320] {strides = array<i32>} : memref<80x128xf32, #tpu.memory_space<vmem>>, vector<16xf32>,
      tpu.vector_store %arg11[%swap3A_319, %swap3A_320], %broadcast_in_dim3A_318 {strides = array<i32>} : memref<80x128xf32, #tpu.memory_space<vmem>>, vector<16xf32>,
      %broadcast_in_dim3A_322 = arith.constant 0.000000e+00 : f32
      %broadcast_in_dim3A_323 = vector.broadcast %broadcast_in_dim3A_322 : f32 to vector<16xf32>
      %swap3A_324 = arith.index_cast %scan3A_291 : i32 to index
      %swap3A_325 = arith.constant 96 : index
      %swap3A_326 = tpu.vector_load %arg11[%swap3A_324, %swap3A_325] {strides = array<i32>} : memref<80x128xf32, #tpu.memory_space<vmem>>, vector<16xf32>,
      tpu.vector_store %arg11[%swap3A_324, %swap3A_325], %broadcast_in_dim3A_323 {strides = array<i32>} : memref<80x128xf32, #tpu.memory_space<vmem>>, vector<16xf32>,
      %broadcast_in_dim3A_327 = arith.constant 0.000000e+00 : f32
      %broadcast_in_dim3A_328 = vector.broadcast %broadcast_in_dim3A_327 : f32 to vector<16xf32>
      %swap3A_329 = arith.index_cast %scan3A_291 : i32 to index
      %swap3A_330 = arith.constant 112 : index
      %swap3A_331 = tpu.vector_load %arg11[%swap3A_329, %swap3A_330] {strides = array<i32>} : memref<80x128xf32, #tpu.memory_space<vmem>>, vector<16xf32>,
      tpu.vector_store %arg11[%swap3A_329, %swap3A_330], %broadcast_in_dim3A_328 {strides = array<i32>} : memref<80x128xf32, #tpu.memory_space<vmem>>, vector<16xf32>,
      %scan3A_332 = arith.constant 0 : i32
      scf.yield %scan3A_332 : i32
    }
    %scan3A_5 = arith.constant 80 : i32
    "tpu.region"() ({
      %run_scoped3A = tpu.sem_alloc : memref<!tpu.dma_semaphore, #tpu.memory_space<semaphore_mem>>
      tpu.enqueue_dma source(%arg5 : memref<10000xf32, #tpu.memory_space<hbm>>) target(%arg10 : memref<10000xf32, #tpu.memory_space<vmem>>) target_semaphore(%run_scoped3A : memref<!tpu.dma_semaphore, #tpu.memory_space<semaphore_mem>>)
      tpu.wait_dma2 semaphore(%run_scoped3A : memref<!tpu.dma_semaphore, #tpu.memory_space<semaphore_mem>>) src(%arg5 : memref<10000xf32, #tpu.memory_space<hbm>>) dst(%arg10 : memref<10000xf32, #tpu.memory_space<vmem>>)
      tpu.yield
    }) : () -> ()
    %add3A = arith.constant 0 : i32
    %add3A_6 = arith.addi %arg1, %add3A : i32
    %lt3A = arith.constant 125 : i32
    %lt3A_7 = arith.cmpi slt, %add3A_6, %lt3A : i32
    %convert_element_type3A = arith.extui %lt3A_7 : i1 to i32
    %cond3A = arith.constant 0 : i32
    %cond3A_8 = arith.cmpi ne, %convert_element_type3A, %cond3A : i32
    scf.if %cond3A_8 {
      %mul3A_291 = arith.constant 80 : i32
      %mul3A_292 = arith.muli %add3A_6, %mul3A_291 : i32
      "tpu.region"() ({
        %run_scoped3A = tpu.sem_alloc : memref<!tpu.dma_semaphore, #tpu.memory_space<semaphore_mem>>
        %dma_start3A_293 = arith.constant 0 : i32
        %dma_start3A_294 = tpu.memref_slice %arg9[%mul3A_292, %dma_start3A_293] : memref<10000x128xf32, #tpu.memory_space<vmem_shared>> -> memref<80x128xf32, #tpu.memory_space<vmem_shared>>
        %dma_start3A_295 = arith.constant 0 : i32
        %dma_start3A_296 = tpu.memref_slice %arg9[%mul3A_292, %dma_start3A_295] : memref<10000x128xf32, #tpu.memory_space<vmem_shared>> -> memref<80x128xf32, #tpu.memory_space<vmem_shared>>
        tpu.enqueue_dma source(%arg11 : memref<80x128xf32, #tpu.memory_space<vmem>>) target(%dma_start3A_296 : memref<80x128xf32, #tpu.memory_space<vmem_shared>>) target_semaphore(%run_scoped3A : memref<!tpu.dma_semaphore, #tpu.memory_space<semaphore_mem>>)
        %dma_wait3A_297 = arith.constant 0 : i32
        %dma_wait3A_298 = tpu.memref_slice %arg9[%mul3A_292, %dma_wait3A_297] : memref<10000x128xf32, #tpu.memory_space<vmem_shared>> -> memref<80x128xf32, #tpu.memory_space<vmem_shared>>
        %dma_wait3A_299 = arith.constant 0 : i32
        %dma_wait3A_300 = tpu.memref_slice %arg9[%mul3A_292, %dma_wait3A_299] : memref<10000x128xf32, #tpu.memory_space<vmem_shared>> -> memref<80x128xf32, #tpu.memory_space<vmem_shared>>
        tpu.wait_dma2 semaphore(%run_scoped3A : memref<!tpu.dma_semaphore, #tpu.memory_space<semaphore_mem>>) src(%arg11 : memref<80x128xf32, #tpu.memory_space<vmem>>) dst(%dma_wait3A_300 : memref<80x128xf32, #tpu.memory_space<vmem_shared>>)
        tpu.yield
      }) : () -> ()
    } else {
    }
    %add3A_9 = arith.constant 16 : i32
    %add3A_10 = arith.addi %arg1, %add3A_9 : i32
    %lt3A_11 = arith.constant 125 : i32
    %lt3A_12 = arith.cmpi slt, %add3A_10, %lt3A_11 : i32
    %convert_element_type3A_13 = arith.extui %lt3A_12 : i1 to i32
    %cond3A_14 = arith.constant 0 : i32
    %cond3A_15 = arith.cmpi ne, %convert_element_type3A_13, %cond3A_14 : i32
    scf.if %cond3A_15 {
      %mul3A_291 = arith.constant 80 : i32
      %mul3A_292 = arith.muli %add3A_10, %mul3A_291 : i32
      "tpu.region"() ({
        %run_scoped3A = tpu.sem_alloc : memref<!tpu.dma_semaphore, #tpu.memory_space<semaphore_mem>>
        %dma_start3A_293 = arith.constant 0 : i32
        %dma_start3A_294 = tpu.memref_slice %arg9[%mul3A_292, %dma_start3A_293] : memref<10000x128xf32, #tpu.memory_space<vmem_shared>> -> memref<80x128xf32, #tpu.memory_space<vmem_shared>>
        %dma_start3A_295 = arith.constant 0 : i32
        %dma_start3A_296 = tpu.memref_slice %arg9[%mul3A_292, %dma_start3A_295] : memref<10000x128xf32, #tpu.memory_space<vmem_shared>> -> memref<80x128xf32, #tpu.memory_space<vmem_shared>>
        tpu.enqueue_dma source(%arg11 : memref<80x128xf32, #tpu.memory_space<vmem>>) target(%dma_start3A_296 : memref<80x128xf32, #tpu.memory_space<vmem_shared>>) target_semaphore(%run_scoped3A : memref<!tpu.dma_semaphore, #tpu.memory_space<semaphore_mem>>)
        %dma_wait3A_297 = arith.constant 0 : i32
        %dma_wait3A_298 = tpu.memref_slice %arg9[%mul3A_292, %dma_wait3A_297] : memref<10000x128xf32, #tpu.memory_space<vmem_shared>> -> memref<80x128xf32, #tpu.memory_space<vmem_shared>>
        %dma_wait3A_299 = arith.constant 0 : i32
        %dma_wait3A_300 = tpu.memref_slice %arg9[%mul3A_292, %dma_wait3A_299] : memref<10000x128xf32, #tpu.memory_space<vmem_shared>> -> memref<80x128xf32, #tpu.memory_space<vmem_shared>>
        tpu.wait_dma2 semaphore(%run_scoped3A : memref<!tpu.dma_semaphore, #tpu.memory_space<semaphore_mem>>) src(%arg11 : memref<80x128xf32, #tpu.memory_space<vmem>>) dst(%dma_wait3A_300 : memref<80x128xf32, #tpu.memory_space<vmem_shared>>)
        tpu.yield
      }) : () -> ()
    } else {
    }
    %add3A_16 = arith.constant 32 : i32
    %add3A_17 = arith.addi %arg1, %add3A_16 : i32
    %lt3A_18 = arith.constant 125 : i32
    %lt3A_19 = arith.cmpi slt, %add3A_17, %lt3A_18 : i32
    %convert_element_type3A_20 = arith.extui %lt3A_19 : i1 to i32
    %cond3A_21 = arith.constant 0 : i32
    %cond3A_22 = arith.cmpi ne, %convert_element_type3A_20, %cond3A_21 : i32
    scf.if %cond3A_22 {
      %mul3A_291 = arith.constant 80 : i32
      %mul3A_292 = arith.muli %add3A_17, %mul3A_291 : i32
      "tpu.region"() ({
        %run_scoped3A = tpu.sem_alloc : memref<!tpu.dma_semaphore, #tpu.memory_space<semaphore_mem>>
        %dma_start3A_293 = arith.constant 0 : i32
        %dma_start3A_294 = tpu.memref_slice %arg9[%mul3A_292, %dma_start3A_293] : memref<10000x128xf32, #tpu.memory_space<vmem_shared>> -> memref<80x128xf32, #tpu.memory_space<vmem_shared>>
        %dma_start3A_295 = arith.constant 0 : i32
        %dma_start3A_296 = tpu.memref_slice %arg9[%mul3A_292, %dma_start3A_295] : memref<10000x128xf32, #tpu.memory_space<vmem_shared>> -> memref<80x128xf32, #tpu.memory_space<vmem_shared>>
        tpu.enqueue_dma source(%arg11 : memref<80x128xf32, #tpu.memory_space<vmem>>) target(%dma_start3A_296 : memref<80x128xf32, #tpu.memory_space<vmem_shared>>) target_semaphore(%run_scoped3A : memref<!tpu.dma_semaphore, #tpu.memory_space<semaphore_mem>>)
        %dma_wait3A_297 = arith.constant 0 : i32
        %dma_wait3A_298 = tpu.memref_slice %arg9[%mul3A_292, %dma_wait3A_297] : memref<10000x128xf32, #tpu.memory_space<vmem_shared>> -> memref<80x128xf32, #tpu.memory_space<vmem_shared>>
        %dma_wait3A_299 = arith.constant 0 : i32
        %dma_wait3A_300 = tpu.memref_slice %arg9[%mul3A_292, %dma_wait3A_299] : memref<10000x128xf32, #tpu.memory_space<vmem_shared>> -> memref<80x128xf32, #tpu.memory_space<vmem_shared>>
        tpu.wait_dma2 semaphore(%run_scoped3A : memref<!tpu.dma_semaphore, #tpu.memory_space<semaphore_mem>>) src(%arg11 : memref<80x128xf32, #tpu.memory_space<vmem>>) dst(%dma_wait3A_300 : memref<80x128xf32, #tpu.memory_space<vmem_shared>>)
        tpu.yield
      }) : () -> ()
    } else {
    }
    %add3A_23 = arith.constant 48 : i32
    %add3A_24 = arith.addi %arg1, %add3A_23 : i32
    %lt3A_25 = arith.constant 125 : i32
    %lt3A_26 = arith.cmpi slt, %add3A_24, %lt3A_25 : i32
    %convert_element_type3A_27 = arith.extui %lt3A_26 : i1 to i32
    %cond3A_28 = arith.constant 0 : i32
    %cond3A_29 = arith.cmpi ne, %convert_element_type3A_27, %cond3A_28 : i32
    scf.if %cond3A_29 {
      %mul3A_291 = arith.constant 80 : i32
      %mul3A_292 = arith.muli %add3A_24, %mul3A_291 : i32
      "tpu.region"() ({
        %run_scoped3A = tpu.sem_alloc : memref<!tpu.dma_semaphore, #tpu.memory_space<semaphore_mem>>
        %dma_start3A_293 = arith.constant 0 : i32
        %dma_start3A_294 = tpu.memref_slice %arg9[%mul3A_292, %dma_start3A_293] : memref<10000x128xf32, #tpu.memory_space<vmem_shared>> -> memref<80x128xf32, #tpu.memory_space<vmem_shared>>
        %dma_start3A_295 = arith.constant 0 : i32
        %dma_start3A_296 = tpu.memref_slice %arg9[%mul3A_292, %dma_start3A_295] : memref<10000x128xf32, #tpu.memory_space<vmem_shared>> -> memref<80x128xf32, #tpu.memory_space<vmem_shared>>
        tpu.enqueue_dma source(%arg11 : memref<80x128xf32, #tpu.memory_space<vmem>>) target(%dma_start3A_296 : memref<80x128xf32, #tpu.memory_space<vmem_shared>>) target_semaphore(%run_scoped3A : memref<!tpu.dma_semaphore, #tpu.memory_space<semaphore_mem>>)
        %dma_wait3A_297 = arith.constant 0 : i32
        %dma_wait3A_298 = tpu.memref_slice %arg9[%mul3A_292, %dma_wait3A_297] : memref<10000x128xf32, #tpu.memory_space<vmem_shared>> -> memref<80x128xf32, #tpu.memory_space<vmem_shared>>
        %dma_wait3A_299 = arith.constant 0 : i32
        %dma_wait3A_300 = tpu.memref_slice %arg9[%mul3A_292, %dma_wait3A_299] : memref<10000x128xf32, #tpu.memory_space<vmem_shared>> -> memref<80x128xf32, #tpu.memory_space<vmem_shared>>
        tpu.wait_dma2 semaphore(%run_scoped3A : memref<!tpu.dma_semaphore, #tpu.memory_space<semaphore_mem>>) src(%arg11 : memref<80x128xf32, #tpu.memory_space<vmem>>) dst(%dma_wait3A_300 : memref<80x128xf32, #tpu.memory_space<vmem_shared>>)
        tpu.yield
      }) : () -> ()
    } else {
    }
    %add3A_30 = arith.constant 64 : i32
    %add3A_31 = arith.addi %arg1, %add3A_30 : i32
    %lt3A_32 = arith.constant 125 : i32
    %lt3A_33 = arith.cmpi slt, %add3A_31, %lt3A_32 : i32
    %convert_element_type3A_34 = arith.extui %lt3A_33 : i1 to i32
    %cond3A_35 = arith.constant 0 : i32
    %cond3A_36 = arith.cmpi ne, %convert_element_type3A_34, %cond3A_35 : i32
    scf.if %cond3A_36 {
      %mul3A_291 = arith.constant 80 : i32
      %mul3A_292 = arith.muli %add3A_31, %mul3A_291 : i32
      "tpu.region"() ({
        %run_scoped3A = tpu.sem_alloc : memref<!tpu.dma_semaphore, #tpu.memory_space<semaphore_mem>>
        %dma_start3A_293 = arith.constant 0 : i32
        %dma_start3A_294 = tpu.memref_slice %arg9[%mul3A_292, %dma_start3A_293] : memref<10000x128xf32, #tpu.memory_space<vmem_shared>> -> memref<80x128xf32, #tpu.memory_space<vmem_shared>>
        %dma_start3A_295 = arith.constant 0 : i32
        %dma_start3A_296 = tpu.memref_slice %arg9[%mul3A_292, %dma_start3A_295] : memref<10000x128xf32, #tpu.memory_space<vmem_shared>> -> memref<80x128xf32, #tpu.memory_space<vmem_shared>>
        tpu.enqueue_dma source(%arg11 : memref<80x128xf32, #tpu.memory_space<vmem>>) target(%dma_start3A_296 : memref<80x128xf32, #tpu.memory_space<vmem_shared>>) target_semaphore(%run_scoped3A : memref<!tpu.dma_semaphore, #tpu.memory_space<semaphore_mem>>)
        %dma_wait3A_297 = arith.constant 0 : i32
        %dma_wait3A_298 = tpu.memref_slice %arg9[%mul3A_292, %dma_wait3A_297] : memref<10000x128xf32, #tpu.memory_space<vmem_shared>> -> memref<80x128xf32, #tpu.memory_space<vmem_shared>>
        %dma_wait3A_299 = arith.constant 0 : i32
        %dma_wait3A_300 = tpu.memref_slice %arg9[%mul3A_292, %dma_wait3A_299] : memref<10000x128xf32, #tpu.memory_space<vmem_shared>> -> memref<80x128xf32, #tpu.memory_space<vmem_shared>>
        tpu.wait_dma2 semaphore(%run_scoped3A : memref<!tpu.dma_semaphore, #tpu.memory_space<semaphore_mem>>) src(%arg11 : memref<80x128xf32, #tpu.memory_space<vmem>>) dst(%dma_wait3A_300 : memref<80x128xf32, #tpu.memory_space<vmem_shared>>)
        tpu.yield
      }) : () -> ()
    } else {
    }
    %add3A_37 = arith.constant 80 : i32
    %add3A_38 = arith.addi %arg1, %add3A_37 : i32
    %lt3A_39 = arith.constant 125 : i32
    %lt3A_40 = arith.cmpi slt, %add3A_38, %lt3A_39 : i32
    %convert_element_type3A_41 = arith.extui %lt3A_40 : i1 to i32
    %cond3A_42 = arith.constant 0 : i32
    %cond3A_43 = arith.cmpi ne, %convert_element_type3A_41, %cond3A_42 : i32
    scf.if %cond3A_43 {
      %mul3A_291 = arith.constant 80 : i32
      %mul3A_292 = arith.muli %add3A_38, %mul3A_291 : i32
      "tpu.region"() ({
        %run_scoped3A = tpu.sem_alloc : memref<!tpu.dma_semaphore, #tpu.memory_space<semaphore_mem>>
        %dma_start3A_293 = arith.constant 0 : i32
        %dma_start3A_294 = tpu.memref_slice %arg9[%mul3A_292, %dma_start3A_293] : memref<10000x128xf32, #tpu.memory_space<vmem_shared>> -> memref<80x128xf32, #tpu.memory_space<vmem_shared>>
        %dma_start3A_295 = arith.constant 0 : i32
        %dma_start3A_296 = tpu.memref_slice %arg9[%mul3A_292, %dma_start3A_295] : memref<10000x128xf32, #tpu.memory_space<vmem_shared>> -> memref<80x128xf32, #tpu.memory_space<vmem_shared>>
        tpu.enqueue_dma source(%arg11 : memref<80x128xf32, #tpu.memory_space<vmem>>) target(%dma_start3A_296 : memref<80x128xf32, #tpu.memory_space<vmem_shared>>) target_semaphore(%run_scoped3A : memref<!tpu.dma_semaphore, #tpu.memory_space<semaphore_mem>>)
        %dma_wait3A_297 = arith.constant 0 : i32
        %dma_wait3A_298 = tpu.memref_slice %arg9[%mul3A_292, %dma_wait3A_297] : memref<10000x128xf32, #tpu.memory_space<vmem_shared>> -> memref<80x128xf32, #tpu.memory_space<vmem_shared>>
        %dma_wait3A_299 = arith.constant 0 : i32
        %dma_wait3A_300 = tpu.memref_slice %arg9[%mul3A_292, %dma_wait3A_299] : memref<10000x128xf32, #tpu.memory_space<vmem_shared>> -> memref<80x128xf32, #tpu.memory_space<vmem_shared>>
        tpu.wait_dma2 semaphore(%run_scoped3A : memref<!tpu.dma_semaphore, #tpu.memory_space<semaphore_mem>>) src(%arg11 : memref<80x128xf32, #tpu.memory_space<vmem>>) dst(%dma_wait3A_300 : memref<80x128xf32, #tpu.memory_space<vmem_shared>>)
        tpu.yield
      }) : () -> ()
    } else {
    }
    %add3A_44 = arith.constant 96 : i32
    %add3A_45 = arith.addi %arg1, %add3A_44 : i32
    %lt3A_46 = arith.constant 125 : i32
    %lt3A_47 = arith.cmpi slt, %add3A_45, %lt3A_46 : i32
    %convert_element_type3A_48 = arith.extui %lt3A_47 : i1 to i32
    %cond3A_49 = arith.constant 0 : i32
    %cond3A_50 = arith.cmpi ne, %convert_element_type3A_48, %cond3A_49 : i32
    scf.if %cond3A_50 {
      %mul3A_291 = arith.constant 80 : i32
      %mul3A_292 = arith.muli %add3A_45, %mul3A_291 : i32
      "tpu.region"() ({
        %run_scoped3A = tpu.sem_alloc : memref<!tpu.dma_semaphore, #tpu.memory_space<semaphore_mem>>
        %dma_start3A_293 = arith.constant 0 : i32
        %dma_start3A_294 = tpu.memref_slice %arg9[%mul3A_292, %dma_start3A_293] : memref<10000x128xf32, #tpu.memory_space<vmem_shared>> -> memref<80x128xf32, #tpu.memory_space<vmem_shared>>
        %dma_start3A_295 = arith.constant 0 : i32
        %dma_start3A_296 = tpu.memref_slice %arg9[%mul3A_292, %dma_start3A_295] : memref<10000x128xf32, #tpu.memory_space<vmem_shared>> -> memref<80x128xf32, #tpu.memory_space<vmem_shared>>
        tpu.enqueue_dma source(%arg11 : memref<80x128xf32, #tpu.memory_space<vmem>>) target(%dma_start3A_296 : memref<80x128xf32, #tpu.memory_space<vmem_shared>>) target_semaphore(%run_scoped3A : memref<!tpu.dma_semaphore, #tpu.memory_space<semaphore_mem>>)
        %dma_wait3A_297 = arith.constant 0 : i32
        %dma_wait3A_298 = tpu.memref_slice %arg9[%mul3A_292, %dma_wait3A_297] : memref<10000x128xf32, #tpu.memory_space<vmem_shared>> -> memref<80x128xf32, #tpu.memory_space<vmem_shared>>
        %dma_wait3A_299 = arith.constant 0 : i32
        %dma_wait3A_300 = tpu.memref_slice %arg9[%mul3A_292, %dma_wait3A_299] : memref<10000x128xf32, #tpu.memory_space<vmem_shared>> -> memref<80x128xf32, #tpu.memory_space<vmem_shared>>
        tpu.wait_dma2 semaphore(%run_scoped3A : memref<!tpu.dma_semaphore, #tpu.memory_space<semaphore_mem>>) src(%arg11 : memref<80x128xf32, #tpu.memory_space<vmem>>) dst(%dma_wait3A_300 : memref<80x128xf32, #tpu.memory_space<vmem_shared>>)
        tpu.yield
      }) : () -> ()
    } else {
    }
    %add3A_51 = arith.constant 112 : i32
    %add3A_52 = arith.addi %arg1, %add3A_51 : i32
    %lt3A_53 = arith.constant 125 : i32
    %lt3A_54 = arith.cmpi slt, %add3A_52, %lt3A_53 : i32
    %convert_element_type3A_55 = arith.extui %lt3A_54 : i1 to i32
    %cond3A_56 = arith.constant 0 : i32
    %cond3A_57 = arith.cmpi ne, %convert_element_type3A_55, %cond3A_56 : i32
    scf.if %cond3A_57 {
      %mul3A_291 = arith.constant 80 : i32
      %mul3A_292 = arith.muli %add3A_52, %mul3A_291 : i32
      "tpu.region"() ({
        %run_scoped3A = tpu.sem_alloc : memref<!tpu.dma_semaphore, #tpu.memory_space<semaphore_mem>>
        %dma_start3A_293 = arith.constant 0 : i32
        %dma_start3A_294 = tpu.memref_slice %arg9[%mul3A_292, %dma_start3A_293] : memref<10000x128xf32, #tpu.memory_space<vmem_shared>> -> memref<80x128xf32, #tpu.memory_space<vmem_shared>>
        %dma_start3A_295 = arith.constant 0 : i32
        %dma_start3A_296 = tpu.memref_slice %arg9[%mul3A_292, %dma_start3A_295] : memref<10000x128xf32, #tpu.memory_space<vmem_shared>> -> memref<80x128xf32, #tpu.memory_space<vmem_shared>>
        tpu.enqueue_dma source(%arg11 : memref<80x128xf32, #tpu.memory_space<vmem>>) target(%dma_start3A_296 : memref<80x128xf32, #tpu.memory_space<vmem_shared>>) target_semaphore(%run_scoped3A : memref<!tpu.dma_semaphore, #tpu.memory_space<semaphore_mem>>)
        %dma_wait3A_297 = arith.constant 0 : i32
        %dma_wait3A_298 = tpu.memref_slice %arg9[%mul3A_292, %dma_wait3A_297] : memref<10000x128xf32, #tpu.memory_space<vmem_shared>> -> memref<80x128xf32, #tpu.memory_space<vmem_shared>>
        %dma_wait3A_299 = arith.constant 0 : i32
        %dma_wait3A_300 = tpu.memref_slice %arg9[%mul3A_292, %dma_wait3A_299] : memref<10000x128xf32, #tpu.memory_space<vmem_shared>> -> memref<80x128xf32, #tpu.memory_space<vmem_shared>>
        tpu.wait_dma2 semaphore(%run_scoped3A : memref<!tpu.dma_semaphore, #tpu.memory_space<semaphore_mem>>) src(%arg11 : memref<80x128xf32, #tpu.memory_space<vmem>>) dst(%dma_wait3A_300 : memref<80x128xf32, #tpu.memory_space<vmem_shared>>)
        tpu.yield
      }) : () -> ()
    } else {
    }
    %barrier3A = arith.constant 0 : index
    tpu.barrier barrier_id(%barrier3A)
    %mul3A = arith.constant 160000 : i32
    %mul3A_58 = arith.muli %arg0, %mul3A : i32
    %mul3A_59 = arith.constant 10000 : i32
    %mul3A_60 = arith.muli %arg1, %mul3A_59 : i32
    %add3A_61 = arith.addi %mul3A_58, %mul3A_60 : i32
    %add3A_62 = arith.constant 0 : i32
    %add3A_63 = arith.addi %add3A_61, %add3A_62 : i32
    "tpu.region"() ({
      %run_scoped3A = tpu.sem_alloc : memref<!tpu.dma_semaphore, #tpu.memory_space<semaphore_mem>>
      %dma_start3A_291 = tpu.memref_slice %arg2[%add3A_63] : memref<320000xi32, #tpu.memory_space<hbm>> -> memref<80xi32, #tpu.memory_space<hbm>>
      %dma_start3A_292 = tpu.memref_slice %arg2[%add3A_63] : memref<320000xi32, #tpu.memory_space<hbm>> -> memref<80xi32, #tpu.memory_space<hbm>>
      tpu.enqueue_dma source(%dma_start3A_292 : memref<80xi32, #tpu.memory_space<hbm>>) target(%arg12 : memref<80xi32, #tpu.memory_space<vmem>>) target_semaphore(%run_scoped3A : memref<!tpu.dma_semaphore, #tpu.memory_space<semaphore_mem>>)
      %dma_wait3A_293 = tpu.memref_slice %arg2[%add3A_63] : memref<320000xi32, #tpu.memory_space<hbm>> -> memref<80xi32, #tpu.memory_space<hbm>>
      %dma_wait3A_294 = tpu.memref_slice %arg2[%add3A_63] : memref<320000xi32, #tpu.memory_space<hbm>> -> memref<80xi32, #tpu.memory_space<hbm>>
      tpu.wait_dma2 semaphore(%run_scoped3A : memref<!tpu.dma_semaphore, #tpu.memory_space<semaphore_mem>>) src(%dma_wait3A_294 : memref<80xi32, #tpu.memory_space<hbm>>) dst(%arg12 : memref<80xi32, #tpu.memory_space<vmem>>)
      tpu.yield
    }) : () -> ()
    "tpu.region"() ({
      %run_scoped3A = tpu.sem_alloc : memref<!tpu.dma_semaphore, #tpu.memory_space<semaphore_mem>>
      %dma_start3A_291 = tpu.memref_slice %arg3[%add3A_63] : memref<320000xi32, #tpu.memory_space<hbm>> -> memref<80xi32, #tpu.memory_space<hbm>>
      %dma_start3A_292 = tpu.memref_slice %arg3[%add3A_63] : memref<320000xi32, #tpu.memory_space<hbm>> -> memref<80xi32, #tpu.memory_space<hbm>>
      tpu.enqueue_dma source(%dma_start3A_292 : memref<80xi32, #tpu.memory_space<hbm>>) target(%arg13 : memref<80xi32, #tpu.memory_space<vmem>>) target_semaphore(%run_scoped3A : memref<!tpu.dma_semaphore, #tpu.memory_space<semaphore_mem>>)
      %dma_wait3A_293 = tpu.memref_slice %arg3[%add3A_63] : memref<320000xi32, #tpu.memory_space<hbm>> -> memref<80xi32, #tpu.memory_space<hbm>>
      %dma_wait3A_294 = tpu.memref_slice %arg3[%add3A_63] : memref<320000xi32, #tpu.memory_space<hbm>> -> memref<80xi32, #tpu.memory_space<hbm>>
      tpu.wait_dma2 semaphore(%run_scoped3A : memref<!tpu.dma_semaphore, #tpu.memory_space<semaphore_mem>>) src(%dma_wait3A_294 : memref<80xi32, #tpu.memory_space<hbm>>) dst(%arg13 : memref<80xi32, #tpu.memory_space<vmem>>)
      tpu.yield
    }) : () -> ()
    "tpu.region"() ({
      %run_scoped3A = tpu.sem_alloc : memref<!tpu.dma_semaphore, #tpu.memory_space<semaphore_mem>>
      %dma_start3A_291 = tpu.memref_slice %arg4[%add3A_63] : memref<320000xf32, #tpu.memory_space<hbm>> -> memref<80xf32, #tpu.memory_space<hbm>>
      %dma_start3A_292 = tpu.memref_slice %arg4[%add3A_63] : memref<320000xf32, #tpu.memory_space<hbm>> -> memref<80xf32, #tpu.memory_space<hbm>>
      tpu.enqueue_dma source(%dma_start3A_292 : memref<80xf32, #tpu.memory_space<hbm>>) target(%arg14 : memref<80xf32, #tpu.memory_space<vmem>>) target_semaphore(%run_scoped3A : memref<!tpu.dma_semaphore, #tpu.memory_space<semaphore_mem>>)
      %dma_wait3A_293 = tpu.memref_slice %arg4[%add3A_63] : memref<320000xf32, #tpu.memory_space<hbm>> -> memref<80xf32, #tpu.memory_space<hbm>>
      %dma_wait3A_294 = tpu.memref_slice %arg4[%add3A_63] : memref<320000xf32, #tpu.memory_space<hbm>> -> memref<80xf32, #tpu.memory_space<hbm>>
      tpu.wait_dma2 semaphore(%run_scoped3A : memref<!tpu.dma_semaphore, #tpu.memory_space<semaphore_mem>>) src(%dma_wait3A_294 : memref<80xf32, #tpu.memory_space<hbm>>) dst(%arg14 : memref<80xf32, #tpu.memory_space<vmem>>)
      tpu.yield
    }) : () -> ()
    %dma_start3A = arith.constant 0 : i32
    %dma_start3A_64 = arith.constant 0 : i32
    %dma_start3A_65 = tpu.memref_slice %arg6[%dma_start3A, %dma_start3A_64] : memref<10000x128xf32, #tpu.memory_space<hbm>> -> memref<10000x128xf32, #tpu.memory_space<hbm>>
    tpu.enqueue_indirect_dma source(%dma_start3A_65 : memref<10000x128xf32, #tpu.memory_space<hbm>>) target(%arg11 : memref<80x128xf32, #tpu.memory_space<vmem>>) offsets(%arg12 : memref<80xi32, #tpu.memory_space<vmem>>) semaphore(%arg16 : memref<!tpu.dma_semaphore, #tpu.memory_space<semaphore_mem>>)
    %scan3A_66 = arith.constant 0 : i32
    %scan3A_67 = arith.constant 0 : i32
    %scan3A_68 = arith.constant 62 : i32
    %scan3A_69 = arith.addi %scan3A_67, %scan3A_68 : i32
    %scan3A_70 = arith.constant 1 : i32
    %scan3A_71 = scf.for %scan3A_291 = %scan3A_67 to %scan3A_69 step %scan3A_70 iter_args(%scan3A_292 = %scan3A_66) -> (i32)  : i32 {
      %mul3A_293 = arith.constant 2 : i32
      %mul3A_294 = arith.muli %mul3A_293, %scan3A_291 : i32
      %add3A_295 = arith.constant 0 : i32
      %add3A_296 = arith.addi %mul3A_294, %add3A_295 : i32
      %dma_wait3A_297 = arith.constant 0 : i32
      %dma_wait3A_298 = arith.constant 0 : i32
      %dma_wait3A_299 = tpu.memref_slice %arg6[%dma_wait3A_297, %dma_wait3A_298] : memref<10000x128xf32, #tpu.memory_space<hbm>> -> memref<10000x128xf32, #tpu.memory_space<hbm>>
      tpu.wait_indirect_dma semaphore(%arg16 : memref<!tpu.dma_semaphore, #tpu.memory_space<semaphore_mem>>) src(%dma_wait3A_299 : memref<10000x128xf32, #tpu.memory_space<hbm>>) dst(%arg11 : memref<80x128xf32, #tpu.memory_space<vmem>>)
      %gt3A = arith.constant 0 : i32
      %gt3A_300 = arith.cmpi sgt, %scan3A_291, %gt3A : i32
      %convert_element_type3A_301 = arith.extui %gt3A_300 : i1 to i32
      %cond3A_302 = arith.constant 0 : i32
      %cond3A_303 = arith.cmpi ne, %convert_element_type3A_301, %cond3A_302 : i32
      scf.if %cond3A_303 {
        %dma_wait3A_471 = arith.constant 0 : i32
        %dma_wait3A_472 = arith.constant 0 : i32
        %dma_wait3A_473 = tpu.memref_slice %arg9[%dma_wait3A_471, %dma_wait3A_472] : memref<10000x128xf32, #tpu.memory_space<vmem_shared>> -> memref<10000x128xf32, #tpu.memory_space<vmem_shared>>
        tpu.wait_indirect_dma semaphore(%arg24 : memref<!tpu.dma_semaphore, #tpu.memory_space<semaphore_mem>>) src(%arg18 : memref<80x128xf32, #tpu.memory_space<vmem>>) dst(%dma_wait3A_473 : memref<10000x128xf32, #tpu.memory_space<vmem_shared>>)
      } else {
      }
      %add3A_304 = arith.constant 1 : i32
      %add3A_305 = arith.addi %add3A_296, %add3A_304 : i32
      %mul3A_306 = arith.constant 80 : i32
      %mul3A_307 = arith.muli %add3A_305, %mul3A_306 : i32
      %add3A_308 = arith.addi %add3A_61, %mul3A_307 : i32
      "tpu.region"() ({
        %run_scoped3A = tpu.sem_alloc : memref<!tpu.dma_semaphore, #tpu.memory_space<semaphore_mem>>
        %dma_start3A_471 = tpu.memref_slice %arg2[%add3A_308] : memref<320000xi32, #tpu.memory_space<hbm>> -> memref<80xi32, #tpu.memory_space<hbm>>
        %dma_start3A_472 = tpu.memref_slice %arg2[%add3A_308] : memref<320000xi32, #tpu.memory_space<hbm>> -> memref<80xi32, #tpu.memory_space<hbm>>
        tpu.enqueue_dma source(%dma_start3A_472 : memref<80xi32, #tpu.memory_space<hbm>>) target(%arg19 : memref<80xi32, #tpu.memory_space<vmem>>) target_semaphore(%run_scoped3A : memref<!tpu.dma_semaphore, #tpu.memory_space<semaphore_mem>>)
        %dma_wait3A_473 = tpu.memref_slice %arg2[%add3A_308] : memref<320000xi32, #tpu.memory_space<hbm>> -> memref<80xi32, #tpu.memory_space<hbm>>
        %dma_wait3A_474 = tpu.memref_slice %arg2[%add3A_308] : memref<320000xi32, #tpu.memory_space<hbm>> -> memref<80xi32, #tpu.memory_space<hbm>>
        tpu.wait_dma2 semaphore(%run_scoped3A : memref<!tpu.dma_semaphore, #tpu.memory_space<semaphore_mem>>) src(%dma_wait3A_474 : memref<80xi32, #tpu.memory_space<hbm>>) dst(%arg19 : memref<80xi32, #tpu.memory_space<vmem>>)
        tpu.yield
      }) : () -> ()
      "tpu.region"() ({
        %run_scoped3A = tpu.sem_alloc : memref<!tpu.dma_semaphore, #tpu.memory_space<semaphore_mem>>
        %dma_start3A_471 = tpu.memref_slice %arg3[%add3A_308] : memref<320000xi32, #tpu.memory_space<hbm>> -> memref<80xi32, #tpu.memory_space<hbm>>
        %dma_start3A_472 = tpu.memref_slice %arg3[%add3A_308] : memref<320000xi32, #tpu.memory_space<hbm>> -> memref<80xi32, #tpu.memory_space<hbm>>
        tpu.enqueue_dma source(%dma_start3A_472 : memref<80xi32, #tpu.memory_space<hbm>>) target(%arg20 : memref<80xi32, #tpu.memory_space<vmem>>) target_semaphore(%run_scoped3A : memref<!tpu.dma_semaphore, #tpu.memory_space<semaphore_mem>>)
        %dma_wait3A_473 = tpu.memref_slice %arg3[%add3A_308] : memref<320000xi32, #tpu.memory_space<hbm>> -> memref<80xi32, #tpu.memory_space<hbm>>
        %dma_wait3A_474 = tpu.memref_slice %arg3[%add3A_308] : memref<320000xi32, #tpu.memory_space<hbm>> -> memref<80xi32, #tpu.memory_space<hbm>>
        tpu.wait_dma2 semaphore(%run_scoped3A : memref<!tpu.dma_semaphore, #tpu.memory_space<semaphore_mem>>) src(%dma_wait3A_474 : memref<80xi32, #tpu.memory_space<hbm>>) dst(%arg20 : memref<80xi32, #tpu.memory_space<vmem>>)
        tpu.yield
      }) : () -> ()
      "tpu.region"() ({
        %run_scoped3A = tpu.sem_alloc : memref<!tpu.dma_semaphore, #tpu.memory_space<semaphore_mem>>
        %dma_start3A_471 = tpu.memref_slice %arg4[%add3A_308] : memref<320000xf32, #tpu.memory_space<hbm>> -> memref<80xf32, #tpu.memory_space<hbm>>
        %dma_start3A_472 = tpu.memref_slice %arg4[%add3A_308] : memref<320000xf32, #tpu.memory_space<hbm>> -> memref<80xf32, #tpu.memory_space<hbm>>
        tpu.enqueue_dma source(%dma_start3A_472 : memref<80xf32, #tpu.memory_space<hbm>>) target(%arg21 : memref<80xf32, #tpu.memory_space<vmem>>) target_semaphore(%run_scoped3A : memref<!tpu.dma_semaphore, #tpu.memory_space<semaphore_mem>>)
        %dma_wait3A_473 = tpu.memref_slice %arg4[%add3A_308] : memref<320000xf32, #tpu.memory_space<hbm>> -> memref<80xf32, #tpu.memory_space<hbm>>
        %dma_wait3A_474 = tpu.memref_slice %arg4[%add3A_308] : memref<320000xf32, #tpu.memory_space<hbm>> -> memref<80xf32, #tpu.memory_space<hbm>>
        tpu.wait_dma2 semaphore(%run_scoped3A : memref<!tpu.dma_semaphore, #tpu.memory_space<semaphore_mem>>) src(%dma_wait3A_474 : memref<80xf32, #tpu.memory_space<hbm>>) dst(%arg21 : memref<80xf32, #tpu.memory_space<vmem>>)
        tpu.yield
      }) : () -> ()
      %dma_start3A_309 = arith.constant 0 : i32
      %dma_start3A_310 = arith.constant 0 : i32
      %dma_start3A_311 = tpu.memref_slice %arg6[%dma_start3A_309, %dma_start3A_310] : memref<10000x128xf32, #tpu.memory_space<hbm>> -> memref<10000x128xf32, #tpu.memory_space<hbm>>
      tpu.enqueue_indirect_dma source(%dma_start3A_311 : memref<10000x128xf32, #tpu.memory_space<hbm>>) target(%arg18 : memref<80x128xf32, #tpu.memory_space<vmem>>) offsets(%arg19 : memref<80xi32, #tpu.memory_space<vmem>>) semaphore(%arg23 : memref<!tpu.dma_semaphore, #tpu.memory_space<semaphore_mem>>)
      %get3A_312 = arith.constant 0 : index
      %get3A_313 = tpu.vector_load %arg12[%get3A_312] {strides = array<i32>} : memref<80xi32, #tpu.memory_space<vmem>>, vector<16xi32>,
      %get3A_314 = arith.constant 0 : index
      %get3A_315 = tpu.vector_load %arg13[%get3A_314] {strides = array<i32>} : memref<80xi32, #tpu.memory_space<vmem>>, vector<16xi32>,
      %gather3A_316 = tpu.vector_load_idx %arg10[%get3A_313] : memref<10000xf32, #tpu.memory_space<vmem>>[vector<16xi32>], vector<16xf32>,
      %gather3A_317 = tpu.vector_load_idx %arg10[%get3A_315] : memref<10000xf32, #tpu.memory_space<vmem>>[vector<16xi32>], vector<16xf32>,
      %get3A_318 = arith.constant 0 : index
      %get3A_319 = tpu.vector_load %arg14[%get3A_318] {strides = array<i32>} : memref<80xf32, #tpu.memory_space<vmem>>, vector<16xf32>,
      %mul3A_320 = arith.mulf %gather3A_316, %get3A_319 : vector<16xf32>
      %mul3A_321 = arith.mulf %mul3A_320, %gather3A_317 : vector<16xf32>
      %swap3A_322 = arith.constant 0 : index
      %swap3A_323 = tpu.vector_load %arg15[%swap3A_322] {strides = array<i32>} : memref<80xf32, #tpu.memory_space<vmem>>, vector<16xf32>,
      tpu.vector_store %arg15[%swap3A_322], %mul3A_321 {strides = array<i32>} : memref<80xf32, #tpu.memory_space<vmem>>, vector<16xf32>,
      %get3A_324 = arith.constant 16 : index
      %get3A_325 = tpu.vector_load %arg12[%get3A_324] {strides = array<i32>} : memref<80xi32, #tpu.memory_space<vmem>>, vector<16xi32>,
      %get3A_326 = arith.constant 16 : index
      %get3A_327 = tpu.vector_load %arg13[%get3A_326] {strides = array<i32>} : memref<80xi32, #tpu.memory_space<vmem>>, vector<16xi32>,
      %gather3A_328 = tpu.vector_load_idx %arg10[%get3A_325] : memref<10000xf32, #tpu.memory_space<vmem>>[vector<16xi32>], vector<16xf32>,
      %gather3A_329 = tpu.vector_load_idx %arg10[%get3A_327] : memref<10000xf32, #tpu.memory_space<vmem>>[vector<16xi32>], vector<16xf32>,
      %get3A_330 = arith.constant 16 : index
      %get3A_331 = tpu.vector_load %arg14[%get3A_330] {strides = array<i32>} : memref<80xf32, #tpu.memory_space<vmem>>, vector<16xf32>,
      %mul3A_332 = arith.mulf %gather3A_328, %get3A_331 : vector<16xf32>
      %mul3A_333 = arith.mulf %mul3A_332, %gather3A_329 : vector<16xf32>
      %swap3A_334 = arith.constant 16 : index
      %swap3A_335 = tpu.vector_load %arg15[%swap3A_334] {strides = array<i32>} : memref<80xf32, #tpu.memory_space<vmem>>, vector<16xf32>,
      tpu.vector_store %arg15[%swap3A_334], %mul3A_333 {strides = array<i32>} : memref<80xf32, #tpu.memory_space<vmem>>, vector<16xf32>,
      %get3A_336 = arith.constant 32 : index
      %get3A_337 = tpu.vector_load %arg12[%get3A_336] {strides = array<i32>} : memref<80xi32, #tpu.memory_space<vmem>>, vector<16xi32>,
      %get3A_338 = arith.constant 32 : index
      %get3A_339 = tpu.vector_load %arg13[%get3A_338] {strides = array<i32>} : memref<80xi32, #tpu.memory_space<vmem>>, vector<16xi32>,
      %gather3A_340 = tpu.vector_load_idx %arg10[%get3A_337] : memref<10000xf32, #tpu.memory_space<vmem>>[vector<16xi32>], vector<16xf32>,
      %gather3A_341 = tpu.vector_load_idx %arg10[%get3A_339] : memref<10000xf32, #tpu.memory_space<vmem>>[vector<16xi32>], vector<16xf32>,
      %get3A_342 = arith.constant 32 : index
      %get3A_343 = tpu.vector_load %arg14[%get3A_342] {strides = array<i32>} : memref<80xf32, #tpu.memory_space<vmem>>, vector<16xf32>,
      %mul3A_344 = arith.mulf %gather3A_340, %get3A_343 : vector<16xf32>
      %mul3A_345 = arith.mulf %mul3A_344, %gather3A_341 : vector<16xf32>
      %swap3A_346 = arith.constant 32 : index
      %swap3A_347 = tpu.vector_load %arg15[%swap3A_346] {strides = array<i32>} : memref<80xf32, #tpu.memory_space<vmem>>, vector<16xf32>,
      tpu.vector_store %arg15[%swap3A_346], %mul3A_345 {strides = array<i32>} : memref<80xf32, #tpu.memory_space<vmem>>, vector<16xf32>,
      %get3A_348 = arith.constant 48 : index
      %get3A_349 = tpu.vector_load %arg12[%get3A_348] {strides = array<i32>} : memref<80xi32, #tpu.memory_space<vmem>>, vector<16xi32>,
      %get3A_350 = arith.constant 48 : index
      %get3A_351 = tpu.vector_load %arg13[%get3A_350] {strides = array<i32>} : memref<80xi32, #tpu.memory_space<vmem>>, vector<16xi32>,
      %gather3A_352 = tpu.vector_load_idx %arg10[%get3A_349] : memref<10000xf32, #tpu.memory_space<vmem>>[vector<16xi32>], vector<16xf32>,
      %gather3A_353 = tpu.vector_load_idx %arg10[%get3A_351] : memref<10000xf32, #tpu.memory_space<vmem>>[vector<16xi32>], vector<16xf32>,
      %get3A_354 = arith.constant 48 : index
      %get3A_355 = tpu.vector_load %arg14[%get3A_354] {strides = array<i32>} : memref<80xf32, #tpu.memory_space<vmem>>, vector<16xf32>,
      %mul3A_356 = arith.mulf %gather3A_352, %get3A_355 : vector<16xf32>
      %mul3A_357 = arith.mulf %mul3A_356, %gather3A_353 : vector<16xf32>
      %swap3A_358 = arith.constant 48 : index
      %swap3A_359 = tpu.vector_load %arg15[%swap3A_358] {strides = array<i32>} : memref<80xf32, #tpu.memory_space<vmem>>, vector<16xf32>,
      tpu.vector_store %arg15[%swap3A_358], %mul3A_357 {strides = array<i32>} : memref<80xf32, #tpu.memory_space<vmem>>, vector<16xf32>,
      %get3A_360 = arith.constant 64 : index
      %get3A_361 = tpu.vector_load %arg12[%get3A_360] {strides = array<i32>} : memref<80xi32, #tpu.memory_space<vmem>>, vector<16xi32>,
      %get3A_362 = arith.constant 64 : index
      %get3A_363 = tpu.vector_load %arg13[%get3A_362] {strides = array<i32>} : memref<80xi32, #tpu.memory_space<vmem>>, vector<16xi32>,
      %gather3A_364 = tpu.vector_load_idx %arg10[%get3A_361] : memref<10000xf32, #tpu.memory_space<vmem>>[vector<16xi32>], vector<16xf32>,
      %gather3A_365 = tpu.vector_load_idx %arg10[%get3A_363] : memref<10000xf32, #tpu.memory_space<vmem>>[vector<16xi32>], vector<16xf32>,
      %get3A_366 = arith.constant 64 : index
      %get3A_367 = tpu.vector_load %arg14[%get3A_366] {strides = array<i32>} : memref<80xf32, #tpu.memory_space<vmem>>, vector<16xf32>,
      %mul3A_368 = arith.mulf %gather3A_364, %get3A_367 : vector<16xf32>
      %mul3A_369 = arith.mulf %mul3A_368, %gather3A_365 : vector<16xf32>
      %swap3A_370 = arith.constant 64 : index
      %swap3A_371 = tpu.vector_load %arg15[%swap3A_370] {strides = array<i32>} : memref<80xf32, #tpu.memory_space<vmem>>, vector<16xf32>,
      tpu.vector_store %arg15[%swap3A_370], %mul3A_369 {strides = array<i32>} : memref<80xf32, #tpu.memory_space<vmem>>, vector<16xf32>,
      %scan3A_372 = arith.constant 0 : i32
      %scan3A_373 = arith.constant 0 : i32
      %scan3A_374 = arith.constant 20 : i32
      %scan3A_375 = arith.addi %scan3A_373, %scan3A_374 : i32
      %scan3A_376 = arith.constant 1 : i32
      %scan3A_377 = scf.for %scan3A_471 = %scan3A_373 to %scan3A_375 step %scan3A_376 iter_args(%scan3A_472 = %scan3A_372) -> (i32)  : i32 {
        %mul3A_473 = arith.constant 4 : i32
        %mul3A_474 = arith.muli %mul3A_473, %scan3A_471 : i32
        %add3A_475 = arith.constant 0 : i32
        %add3A_476 = arith.addi %mul3A_474, %add3A_475 : i32
        %broadcast_in_dim3A = vector.broadcast %add3A_476 : i32 to vector<16xi32>
        %gather3A_477 = tpu.vector_load_idx %arg15[%broadcast_in_dim3A] : memref<80xf32, #tpu.memory_space<vmem>>[vector<16xi32>], vector<16xf32>,
        %add3A_478 = arith.constant 0 : i32
        %add3A_479 = arith.addi %mul3A_474, %add3A_478 : i32
        %get3A_480 = arith.index_cast %add3A_479 : i32 to index
        %get3A_481 = arith.constant 0 : index
        %get3A_482 = tpu.vector_load %arg11[%get3A_480, %get3A_481] {strides = array<i32>} : memref<80x128xf32, #tpu.memory_space<vmem>>, vector<16xf32>,
        %mul3A_483 = arith.mulf %get3A_482, %gather3A_477 : vector<16xf32>
        %add3A_484 = arith.constant 0 : i32
        %add3A_485 = arith.addi %mul3A_474, %add3A_484 : i32
        %swap3A_486 = arith.index_cast %add3A_485 : i32 to index
        %swap3A_487 = arith.constant 0 : index
        %swap3A_488 = tpu.vector_load %arg11[%swap3A_486, %swap3A_487] {strides = array<i32>} : memref<80x128xf32, #tpu.memory_space<vmem>>, vector<16xf32>,
        tpu.vector_store %arg11[%swap3A_486, %swap3A_487], %mul3A_483 {strides = array<i32>} : memref<80x128xf32, #tpu.memory_space<vmem>>, vector<16xf32>,
        %add3A_489 = arith.constant 0 : i32
        %add3A_490 = arith.addi %mul3A_474, %add3A_489 : i32
        %get3A_491 = arith.index_cast %add3A_490 : i32 to index
        %get3A_492 = arith.constant 16 : index
        %get3A_493 = tpu.vector_load %arg11[%get3A_491, %get3A_492] {strides = array<i32>} : memref<80x128xf32, #tpu.memory_space<vmem>>, vector<16xf32>,
        %mul3A_494 = arith.mulf %get3A_493, %gather3A_477 : vector<16xf32>
        %add3A_495 = arith.constant 0 : i32
        %add3A_496 = arith.addi %mul3A_474, %add3A_495 : i32
        %swap3A_497 = arith.index_cast %add3A_496 : i32 to index
        %swap3A_498 = arith.constant 16 : index
        %swap3A_499 = tpu.vector_load %arg11[%swap3A_497, %swap3A_498] {strides = array<i32>} : memref<80x128xf32, #tpu.memory_space<vmem>>, vector<16xf32>,
        tpu.vector_store %arg11[%swap3A_497, %swap3A_498], %mul3A_494 {strides = array<i32>} : memref<80x128xf32, #tpu.memory_space<vmem>>, vector<16xf32>,
        %add3A_500 = arith.constant 0 : i32
        %add3A_501 = arith.addi %mul3A_474, %add3A_500 : i32
        %get3A_502 = arith.index_cast %add3A_501 : i32 to index
        %get3A_503 = arith.constant 32 : index
        %get3A_504 = tpu.vector_load %arg11[%get3A_502, %get3A_503] {strides = array<i32>} : memref<80x128xf32, #tpu.memory_space<vmem>>, vector<16xf32>,
        %mul3A_505 = arith.mulf %get3A_504, %gather3A_477 : vector<16xf32>
        %add3A_506 = arith.constant 0 : i32
        %add3A_507 = arith.addi %mul3A_474, %add3A_506 : i32
        %swap3A_508 = arith.index_cast %add3A_507 : i32 to index
        %swap3A_509 = arith.constant 32 : index
        %swap3A_510 = tpu.vector_load %arg11[%swap3A_508, %swap3A_509] {strides = array<i32>} : memref<80x128xf32, #tpu.memory_space<vmem>>, vector<16xf32>,
        tpu.vector_store %arg11[%swap3A_508, %swap3A_509], %mul3A_505 {strides = array<i32>} : memref<80x128xf32, #tpu.memory_space<vmem>>, vector<16xf32>,
        %add3A_511 = arith.constant 0 : i32
        %add3A_512 = arith.addi %mul3A_474, %add3A_511 : i32
        %get3A_513 = arith.index_cast %add3A_512 : i32 to index
        %get3A_514 = arith.constant 48 : index
        %get3A_515 = tpu.vector_load %arg11[%get3A_513, %get3A_514] {strides = array<i32>} : memref<80x128xf32, #tpu.memory_space<vmem>>, vector<16xf32>,
        %mul3A_516 = arith.mulf %get3A_515, %gather3A_477 : vector<16xf32>
        %add3A_517 = arith.constant 0 : i32
        %add3A_518 = arith.addi %mul3A_474, %add3A_517 : i32
        %swap3A_519 = arith.index_cast %add3A_518 : i32 to index
        %swap3A_520 = arith.constant 48 : index
        %swap3A_521 = tpu.vector_load %arg11[%swap3A_519, %swap3A_520] {strides = array<i32>} : memref<80x128xf32, #tpu.memory_space<vmem>>, vector<16xf32>,
        tpu.vector_store %arg11[%swap3A_519, %swap3A_520], %mul3A_516 {strides = array<i32>} : memref<80x128xf32, #tpu.memory_space<vmem>>, vector<16xf32>,
        %add3A_522 = arith.constant 0 : i32
        %add3A_523 = arith.addi %mul3A_474, %add3A_522 : i32
        %get3A_524 = arith.index_cast %add3A_523 : i32 to index
        %get3A_525 = arith.constant 64 : index
        %get3A_526 = tpu.vector_load %arg11[%get3A_524, %get3A_525] {strides = array<i32>} : memref<80x128xf32, #tpu.memory_space<vmem>>, vector<16xf32>,
        %mul3A_527 = arith.mulf %get3A_526, %gather3A_477 : vector<16xf32>
        %add3A_528 = arith.constant 0 : i32
        %add3A_529 = arith.addi %mul3A_474, %add3A_528 : i32
        %swap3A_530 = arith.index_cast %add3A_529 : i32 to index
        %swap3A_531 = arith.constant 64 : index
        %swap3A_532 = tpu.vector_load %arg11[%swap3A_530, %swap3A_531] {strides = array<i32>} : memref<80x128xf32, #tpu.memory_space<vmem>>, vector<16xf32>,
        tpu.vector_store %arg11[%swap3A_530, %swap3A_531], %mul3A_527 {strides = array<i32>} : memref<80x128xf32, #tpu.memory_space<vmem>>, vector<16xf32>,
        %add3A_533 = arith.constant 0 : i32
        %add3A_534 = arith.addi %mul3A_474, %add3A_533 : i32
        %get3A_535 = arith.index_cast %add3A_534 : i32 to index
        %get3A_536 = arith.constant 80 : index
        %get3A_537 = tpu.vector_load %arg11[%get3A_535, %get3A_536] {strides = array<i32>} : memref<80x128xf32, #tpu.memory_space<vmem>>, vector<16xf32>,
        %mul3A_538 = arith.mulf %get3A_537, %gather3A_477 : vector<16xf32>
        %add3A_539 = arith.constant 0 : i32
        %add3A_540 = arith.addi %mul3A_474, %add3A_539 : i32
        %swap3A_541 = arith.index_cast %add3A_540 : i32 to index
        %swap3A_542 = arith.constant 80 : index
        %swap3A_543 = tpu.vector_load %arg11[%swap3A_541, %swap3A_542] {strides = array<i32>} : memref<80x128xf32, #tpu.memory_space<vmem>>, vector<16xf32>,
        tpu.vector_store %arg11[%swap3A_541, %swap3A_542], %mul3A_538 {strides = array<i32>} : memref<80x128xf32, #tpu.memory_space<vmem>>, vector<16xf32>,
        %add3A_544 = arith.constant 0 : i32
        %add3A_545 = arith.addi %mul3A_474, %add3A_544 : i32
        %get3A_546 = arith.index_cast %add3A_545 : i32 to index
        %get3A_547 = arith.constant 96 : index
        %get3A_548 = tpu.vector_load %arg11[%get3A_546, %get3A_547] {strides = array<i32>} : memref<80x128xf32, #tpu.memory_space<vmem>>, vector<16xf32>,
        %mul3A_549 = arith.mulf %get3A_548, %gather3A_477 : vector<16xf32>
        %add3A_550 = arith.constant 0 : i32
        %add3A_551 = arith.addi %mul3A_474, %add3A_550 : i32
        %swap3A_552 = arith.index_cast %add3A_551 : i32 to index
        %swap3A_553 = arith.constant 96 : index
        %swap3A_554 = tpu.vector_load %arg11[%swap3A_552, %swap3A_553] {strides = array<i32>} : memref<80x128xf32, #tpu.memory_space<vmem>>, vector<16xf32>,
        tpu.vector_store %arg11[%swap3A_552, %swap3A_553], %mul3A_549 {strides = array<i32>} : memref<80x128xf32, #tpu.memory_space<vmem>>, vector<16xf32>,
        %add3A_555 = arith.constant 0 : i32
        %add3A_556 = arith.addi %mul3A_474, %add3A_555 : i32
        %get3A_557 = arith.index_cast %add3A_556 : i32 to index
        %get3A_558 = arith.constant 112 : index
        %get3A_559 = tpu.vector_load %arg11[%get3A_557, %get3A_558] {strides = array<i32>} : memref<80x128xf32, #tpu.memory_space<vmem>>, vector<16xf32>,
        %mul3A_560 = arith.mulf %get3A_559, %gather3A_477 : vector<16xf32>
        %add3A_561 = arith.constant 0 : i32
        %add3A_562 = arith.addi %mul3A_474, %add3A_561 : i32
        %swap3A_563 = arith.index_cast %add3A_562 : i32 to index
        %swap3A_564 = arith.constant 112 : index
        %swap3A_565 = tpu.vector_load %arg11[%swap3A_563, %swap3A_564] {strides = array<i32>} : memref<80x128xf32, #tpu.memory_space<vmem>>, vector<16xf32>,
        tpu.vector_store %arg11[%swap3A_563, %swap3A_564], %mul3A_560 {strides = array<i32>} : memref<80x128xf32, #tpu.memory_space<vmem>>, vector<16xf32>,
        %add3A_566 = arith.constant 1 : i32
        %add3A_567 = arith.addi %mul3A_474, %add3A_566 : i32
        %broadcast_in_dim3A_568 = vector.broadcast %add3A_567 : i32 to vector<16xi32>
        %gather3A_569 = tpu.vector_load_idx %arg15[%broadcast_in_dim3A_568] : memref<80xf32, #tpu.memory_space<vmem>>[vector<16xi32>], vector<16xf32>,
        %add3A_570 = arith.constant 1 : i32
        %add3A_571 = arith.addi %mul3A_474, %add3A_570 : i32
        %get3A_572 = arith.index_cast %add3A_571 : i32 to index
        %get3A_573 = arith.constant 0 : index
        %get3A_574 = tpu.vector_load %arg11[%get3A_572, %get3A_573] {strides = array<i32>} : memref<80x128xf32, #tpu.memory_space<vmem>>, vector<16xf32>,
        %mul3A_575 = arith.mulf %get3A_574, %gather3A_569 : vector<16xf32>
        %add3A_576 = arith.constant 1 : i32
        %add3A_577 = arith.addi %mul3A_474, %add3A_576 : i32
        %swap3A_578 = arith.index_cast %add3A_577 : i32 to index
        %swap3A_579 = arith.constant 0 : index
        %swap3A_580 = tpu.vector_load %arg11[%swap3A_578, %swap3A_579] {strides = array<i32>} : memref<80x128xf32, #tpu.memory_space<vmem>>, vector<16xf32>,
        tpu.vector_store %arg11[%swap3A_578, %swap3A_579], %mul3A_575 {strides = array<i32>} : memref<80x128xf32, #tpu.memory_space<vmem>>, vector<16xf32>,
        %add3A_581 = arith.constant 1 : i32
        %add3A_582 = arith.addi %mul3A_474, %add3A_581 : i32
        %get3A_583 = arith.index_cast %add3A_582 : i32 to index
        %get3A_584 = arith.constant 16 : index
        %get3A_585 = tpu.vector_load %arg11[%get3A_583, %get3A_584] {strides = array<i32>} : memref<80x128xf32, #tpu.memory_space<vmem>>, vector<16xf32>,
        %mul3A_586 = arith.mulf %get3A_585, %gather3A_569 : vector<16xf32>
        %add3A_587 = arith.constant 1 : i32
        %add3A_588 = arith.addi %mul3A_474, %add3A_587 : i32
        %swap3A_589 = arith.index_cast %add3A_588 : i32 to index
        %swap3A_590 = arith.constant 16 : index
        %swap3A_591 = tpu.vector_load %arg11[%swap3A_589, %swap3A_590] {strides = array<i32>} : memref<80x128xf32, #tpu.memory_space<vmem>>, vector<16xf32>,
        tpu.vector_store %arg11[%swap3A_589, %swap3A_590], %mul3A_586 {strides = array<i32>} : memref<80x128xf32, #tpu.memory_space<vmem>>, vector<16xf32>,
        %add3A_592 = arith.constant 1 : i32
        %add3A_593 = arith.addi %mul3A_474, %add3A_592 : i32
        %get3A_594 = arith.index_cast %add3A_593 : i32 to index
        %get3A_595 = arith.constant 32 : index
        %get3A_596 = tpu.vector_load %arg11[%get3A_594, %get3A_595] {strides = array<i32>} : memref<80x128xf32, #tpu.memory_space<vmem>>, vector<16xf32>,
        %mul3A_597 = arith.mulf %get3A_596, %gather3A_569 : vector<16xf32>
        %add3A_598 = arith.constant 1 : i32
        %add3A_599 = arith.addi %mul3A_474, %add3A_598 : i32
        %swap3A_600 = arith.index_cast %add3A_599 : i32 to index
        %swap3A_601 = arith.constant 32 : index
        %swap3A_602 = tpu.vector_load %arg11[%swap3A_600, %swap3A_601] {strides = array<i32>} : memref<80x128xf32, #tpu.memory_space<vmem>>, vector<16xf32>,
        tpu.vector_store %arg11[%swap3A_600, %swap3A_601], %mul3A_597 {strides = array<i32>} : memref<80x128xf32, #tpu.memory_space<vmem>>, vector<16xf32>,
        %add3A_603 = arith.constant 1 : i32
        %add3A_604 = arith.addi %mul3A_474, %add3A_603 : i32
        %get3A_605 = arith.index_cast %add3A_604 : i32 to index
        %get3A_606 = arith.constant 48 : index
        %get3A_607 = tpu.vector_load %arg11[%get3A_605, %get3A_606] {strides = array<i32>} : memref<80x128xf32, #tpu.memory_space<vmem>>, vector<16xf32>,
        %mul3A_608 = arith.mulf %get3A_607, %gather3A_569 : vector<16xf32>
        %add3A_609 = arith.constant 1 : i32
        %add3A_610 = arith.addi %mul3A_474, %add3A_609 : i32
        %swap3A_611 = arith.index_cast %add3A_610 : i32 to index
        %swap3A_612 = arith.constant 48 : index
        %swap3A_613 = tpu.vector_load %arg11[%swap3A_611, %swap3A_612] {strides = array<i32>} : memref<80x128xf32, #tpu.memory_space<vmem>>, vector<16xf32>,
        tpu.vector_store %arg11[%swap3A_611, %swap3A_612], %mul3A_608 {strides = array<i32>} : memref<80x128xf32, #tpu.memory_space<vmem>>, vector<16xf32>,
        %add3A_614 = arith.constant 1 : i32
        %add3A_615 = arith.addi %mul3A_474, %add3A_614 : i32
        %get3A_616 = arith.index_cast %add3A_615 : i32 to index
        %get3A_617 = arith.constant 64 : index
        %get3A_618 = tpu.vector_load %arg11[%get3A_616, %get3A_617] {strides = array<i32>} : memref<80x128xf32, #tpu.memory_space<vmem>>, vector<16xf32>,
        %mul3A_619 = arith.mulf %get3A_618, %gather3A_569 : vector<16xf32>
        %add3A_620 = arith.constant 1 : i32
        %add3A_621 = arith.addi %mul3A_474, %add3A_620 : i32
        %swap3A_622 = arith.index_cast %add3A_621 : i32 to index
        %swap3A_623 = arith.constant 64 : index
        %swap3A_624 = tpu.vector_load %arg11[%swap3A_622, %swap3A_623] {strides = array<i32>} : memref<80x128xf32, #tpu.memory_space<vmem>>, vector<16xf32>,
        tpu.vector_store %arg11[%swap3A_622, %swap3A_623], %mul3A_619 {strides = array<i32>} : memref<80x128xf32, #tpu.memory_space<vmem>>, vector<16xf32>,
        %add3A_625 = arith.constant 1 : i32
        %add3A_626 = arith.addi %mul3A_474, %add3A_625 : i32
        %get3A_627 = arith.index_cast %add3A_626 : i32 to index
        %get3A_628 = arith.constant 80 : index
        %get3A_629 = tpu.vector_load %arg11[%get3A_627, %get3A_628] {strides = array<i32>} : memref<80x128xf32, #tpu.memory_space<vmem>>, vector<16xf32>,
        %mul3A_630 = arith.mulf %get3A_629, %gather3A_569 : vector<16xf32>
        %add3A_631 = arith.constant 1 : i32
        %add3A_632 = arith.addi %mul3A_474, %add3A_631 : i32
        %swap3A_633 = arith.index_cast %add3A_632 : i32 to index
        %swap3A_634 = arith.constant 80 : index
        %swap3A_635 = tpu.vector_load %arg11[%swap3A_633, %swap3A_634] {strides = array<i32>} : memref<80x128xf32, #tpu.memory_space<vmem>>, vector<16xf32>,
        tpu.vector_store %arg11[%swap3A_633, %swap3A_634], %mul3A_630 {strides = array<i32>} : memref<80x128xf32, #tpu.memory_space<vmem>>, vector<16xf32>,
        %add3A_636 = arith.constant 1 : i32
        %add3A_637 = arith.addi %mul3A_474, %add3A_636 : i32
        %get3A_638 = arith.index_cast %add3A_637 : i32 to index
        %get3A_639 = arith.constant 96 : index
        %get3A_640 = tpu.vector_load %arg11[%get3A_638, %get3A_639] {strides = array<i32>} : memref<80x128xf32, #tpu.memory_space<vmem>>, vector<16xf32>,
        %mul3A_641 = arith.mulf %get3A_640, %gather3A_569 : vector<16xf32>
        %add3A_642 = arith.constant 1 : i32
        %add3A_643 = arith.addi %mul3A_474, %add3A_642 : i32
        %swap3A_644 = arith.index_cast %add3A_643 : i32 to index
        %swap3A_645 = arith.constant 96 : index
        %swap3A_646 = tpu.vector_load %arg11[%swap3A_644, %swap3A_645] {strides = array<i32>} : memref<80x128xf32, #tpu.memory_space<vmem>>, vector<16xf32>,
        tpu.vector_store %arg11[%swap3A_644, %swap3A_645], %mul3A_641 {strides = array<i32>} : memref<80x128xf32, #tpu.memory_space<vmem>>, vector<16xf32>,
        %add3A_647 = arith.constant 1 : i32
        %add3A_648 = arith.addi %mul3A_474, %add3A_647 : i32
        %get3A_649 = arith.index_cast %add3A_648 : i32 to index
        %get3A_650 = arith.constant 112 : index
        %get3A_651 = tpu.vector_load %arg11[%get3A_649, %get3A_650] {strides = array<i32>} : memref<80x128xf32, #tpu.memory_space<vmem>>, vector<16xf32>,
        %mul3A_652 = arith.mulf %get3A_651, %gather3A_569 : vector<16xf32>
        %add3A_653 = arith.constant 1 : i32
        %add3A_654 = arith.addi %mul3A_474, %add3A_653 : i32
        %swap3A_655 = arith.index_cast %add3A_654 : i32 to index
        %swap3A_656 = arith.constant 112 : index
        %swap3A_657 = tpu.vector_load %arg11[%swap3A_655, %swap3A_656] {strides = array<i32>} : memref<80x128xf32, #tpu.memory_space<vmem>>, vector<16xf32>,
        tpu.vector_store %arg11[%swap3A_655, %swap3A_656], %mul3A_652 {strides = array<i32>} : memref<80x128xf32, #tpu.memory_space<vmem>>, vector<16xf32>,
        %add3A_658 = arith.constant 2 : i32
        %add3A_659 = arith.addi %mul3A_474, %add3A_658 : i32
        %broadcast_in_dim3A_660 = vector.broadcast %add3A_659 : i32 to vector<16xi32>
        %gather3A_661 = tpu.vector_load_idx %arg15[%broadcast_in_dim3A_660] : memref<80xf32, #tpu.memory_space<vmem>>[vector<16xi32>], vector<16xf32>,
        %add3A_662 = arith.constant 2 : i32
        %add3A_663 = arith.addi %mul3A_474, %add3A_662 : i32
        %get3A_664 = arith.index_cast %add3A_663 : i32 to index
        %get3A_665 = arith.constant 0 : index
        %get3A_666 = tpu.vector_load %arg11[%get3A_664, %get3A_665] {strides = array<i32>} : memref<80x128xf32, #tpu.memory_space<vmem>>, vector<16xf32>,
        %mul3A_667 = arith.mulf %get3A_666, %gather3A_661 : vector<16xf32>
        %add3A_668 = arith.constant 2 : i32
        %add3A_669 = arith.addi %mul3A_474, %add3A_668 : i32
        %swap3A_670 = arith.index_cast %add3A_669 : i32 to index
        %swap3A_671 = arith.constant 0 : index
        %swap3A_672 = tpu.vector_load %arg11[%swap3A_670, %swap3A_671] {strides = array<i32>} : memref<80x128xf32, #tpu.memory_space<vmem>>, vector<16xf32>,
        tpu.vector_store %arg11[%swap3A_670, %swap3A_671], %mul3A_667 {strides = array<i32>} : memref<80x128xf32, #tpu.memory_space<vmem>>, vector<16xf32>,
        %add3A_673 = arith.constant 2 : i32
        %add3A_674 = arith.addi %mul3A_474, %add3A_673 : i32
        %get3A_675 = arith.index_cast %add3A_674 : i32 to index
        %get3A_676 = arith.constant 16 : index
        %get3A_677 = tpu.vector_load %arg11[%get3A_675, %get3A_676] {strides = array<i32>} : memref<80x128xf32, #tpu.memory_space<vmem>>, vector<16xf32>,
        %mul3A_678 = arith.mulf %get3A_677, %gather3A_661 : vector<16xf32>
        %add3A_679 = arith.constant 2 : i32
        %add3A_680 = arith.addi %mul3A_474, %add3A_679 : i32
        %swap3A_681 = arith.index_cast %add3A_680 : i32 to index
        %swap3A_682 = arith.constant 16 : index
        %swap3A_683 = tpu.vector_load %arg11[%swap3A_681, %swap3A_682] {strides = array<i32>} : memref<80x128xf32, #tpu.memory_space<vmem>>, vector<16xf32>,
        tpu.vector_store %arg11[%swap3A_681, %swap3A_682], %mul3A_678 {strides = array<i32>} : memref<80x128xf32, #tpu.memory_space<vmem>>, vector<16xf32>,
        %add3A_684 = arith.constant 2 : i32
        %add3A_685 = arith.addi %mul3A_474, %add3A_684 : i32
        %get3A_686 = arith.index_cast %add3A_685 : i32 to index
        %get3A_687 = arith.constant 32 : index
        %get3A_688 = tpu.vector_load %arg11[%get3A_686, %get3A_687] {strides = array<i32>} : memref<80x128xf32, #tpu.memory_space<vmem>>, vector<16xf32>,
        %mul3A_689 = arith.mulf %get3A_688, %gather3A_661 : vector<16xf32>
        %add3A_690 = arith.constant 2 : i32
        %add3A_691 = arith.addi %mul3A_474, %add3A_690 : i32
        %swap3A_692 = arith.index_cast %add3A_691 : i32 to index
        %swap3A_693 = arith.constant 32 : index
        %swap3A_694 = tpu.vector_load %arg11[%swap3A_692, %swap3A_693] {strides = array<i32>} : memref<80x128xf32, #tpu.memory_space<vmem>>, vector<16xf32>,
        tpu.vector_store %arg11[%swap3A_692, %swap3A_693], %mul3A_689 {strides = array<i32>} : memref<80x128xf32, #tpu.memory_space<vmem>>, vector<16xf32>,
        %add3A_695 = arith.constant 2 : i32
        %add3A_696 = arith.addi %mul3A_474, %add3A_695 : i32
        %get3A_697 = arith.index_cast %add3A_696 : i32 to index
        %get3A_698 = arith.constant 48 : index
        %get3A_699 = tpu.vector_load %arg11[%get3A_697, %get3A_698] {strides = array<i32>} : memref<80x128xf32, #tpu.memory_space<vmem>>, vector<16xf32>,
        %mul3A_700 = arith.mulf %get3A_699, %gather3A_661 : vector<16xf32>
        %add3A_701 = arith.constant 2 : i32
        %add3A_702 = arith.addi %mul3A_474, %add3A_701 : i32
        %swap3A_703 = arith.index_cast %add3A_702 : i32 to index
        %swap3A_704 = arith.constant 48 : index
        %swap3A_705 = tpu.vector_load %arg11[%swap3A_703, %swap3A_704] {strides = array<i32>} : memref<80x128xf32, #tpu.memory_space<vmem>>, vector<16xf32>,
        tpu.vector_store %arg11[%swap3A_703, %swap3A_704], %mul3A_700 {strides = array<i32>} : memref<80x128xf32, #tpu.memory_space<vmem>>, vector<16xf32>,
        %add3A_706 = arith.constant 2 : i32
        %add3A_707 = arith.addi %mul3A_474, %add3A_706 : i32
        %get3A_708 = arith.index_cast %add3A_707 : i32 to index
        %get3A_709 = arith.constant 64 : index
        %get3A_710 = tpu.vector_load %arg11[%get3A_708, %get3A_709] {strides = array<i32>} : memref<80x128xf32, #tpu.memory_space<vmem>>, vector<16xf32>,
        %mul3A_711 = arith.mulf %get3A_710, %gather3A_661 : vector<16xf32>
        %add3A_712 = arith.constant 2 : i32
        %add3A_713 = arith.addi %mul3A_474, %add3A_712 : i32
        %swap3A_714 = arith.index_cast %add3A_713 : i32 to index
        %swap3A_715 = arith.constant 64 : index
        %swap3A_716 = tpu.vector_load %arg11[%swap3A_714, %swap3A_715] {strides = array<i32>} : memref<80x128xf32, #tpu.memory_space<vmem>>, vector<16xf32>,
        tpu.vector_store %arg11[%swap3A_714, %swap3A_715], %mul3A_711 {strides = array<i32>} : memref<80x128xf32, #tpu.memory_space<vmem>>, vector<16xf32>,
        %add3A_717 = arith.constant 2 : i32
        %add3A_718 = arith.addi %mul3A_474, %add3A_717 : i32
        %get3A_719 = arith.index_cast %add3A_718 : i32 to index
        %get3A_720 = arith.constant 80 : index
        %get3A_721 = tpu.vector_load %arg11[%get3A_719, %get3A_720] {strides = array<i32>} : memref<80x128xf32, #tpu.memory_space<vmem>>, vector<16xf32>,
        %mul3A_722 = arith.mulf %get3A_721, %gather3A_661 : vector<16xf32>
        %add3A_723 = arith.constant 2 : i32
        %add3A_724 = arith.addi %mul3A_474, %add3A_723 : i32
        %swap3A_725 = arith.index_cast %add3A_724 : i32 to index
        %swap3A_726 = arith.constant 80 : index
        %swap3A_727 = tpu.vector_load %arg11[%swap3A_725, %swap3A_726] {strides = array<i32>} : memref<80x128xf32, #tpu.memory_space<vmem>>, vector<16xf32>,
        tpu.vector_store %arg11[%swap3A_725, %swap3A_726], %mul3A_722 {strides = array<i32>} : memref<80x128xf32, #tpu.memory_space<vmem>>, vector<16xf32>,
        %add3A_728 = arith.constant 2 : i32
        %add3A_729 = arith.addi %mul3A_474, %add3A_728 : i32
        %get3A_730 = arith.index_cast %add3A_729 : i32 to index
        %get3A_731 = arith.constant 96 : index
        %get3A_732 = tpu.vector_load %arg11[%get3A_730, %get3A_731] {strides = array<i32>} : memref<80x128xf32, #tpu.memory_space<vmem>>, vector<16xf32>,
        %mul3A_733 = arith.mulf %get3A_732, %gather3A_661 : vector<16xf32>
        %add3A_734 = arith.constant 2 : i32
        %add3A_735 = arith.addi %mul3A_474, %add3A_734 : i32
        %swap3A_736 = arith.index_cast %add3A_735 : i32 to index
        %swap3A_737 = arith.constant 96 : index
        %swap3A_738 = tpu.vector_load %arg11[%swap3A_736, %swap3A_737] {strides = array<i32>} : memref<80x128xf32, #tpu.memory_space<vmem>>, vector<16xf32>,
        tpu.vector_store %arg11[%swap3A_736, %swap3A_737], %mul3A_733 {strides = array<i32>} : memref<80x128xf32, #tpu.memory_space<vmem>>, vector<16xf32>,
        %add3A_739 = arith.constant 2 : i32
        %add3A_740 = arith.addi %mul3A_474, %add3A_739 : i32
        %get3A_741 = arith.index_cast %add3A_740 : i32 to index
        %get3A_742 = arith.constant 112 : index
        %get3A_743 = tpu.vector_load %arg11[%get3A_741, %get3A_742] {strides = array<i32>} : memref<80x128xf32, #tpu.memory_space<vmem>>, vector<16xf32>,
        %mul3A_744 = arith.mulf %get3A_743, %gather3A_661 : vector<16xf32>
        %add3A_745 = arith.constant 2 : i32
        %add3A_746 = arith.addi %mul3A_474, %add3A_745 : i32
        %swap3A_747 = arith.index_cast %add3A_746 : i32 to index
        %swap3A_748 = arith.constant 112 : index
        %swap3A_749 = tpu.vector_load %arg11[%swap3A_747, %swap3A_748] {strides = array<i32>} : memref<80x128xf32, #tpu.memory_space<vmem>>, vector<16xf32>,
        tpu.vector_store %arg11[%swap3A_747, %swap3A_748], %mul3A_744 {strides = array<i32>} : memref<80x128xf32, #tpu.memory_space<vmem>>, vector<16xf32>,
        %add3A_750 = arith.constant 3 : i32
        %add3A_751 = arith.addi %mul3A_474, %add3A_750 : i32
        %broadcast_in_dim3A_752 = vector.broadcast %add3A_751 : i32 to vector<16xi32>
        %gather3A_753 = tpu.vector_load_idx %arg15[%broadcast_in_dim3A_752] : memref<80xf32, #tpu.memory_space<vmem>>[vector<16xi32>], vector<16xf32>,
        %add3A_754 = arith.constant 3 : i32
        %add3A_755 = arith.addi %mul3A_474, %add3A_754 : i32
        %get3A_756 = arith.index_cast %add3A_755 : i32 to index
        %get3A_757 = arith.constant 0 : index
        %get3A_758 = tpu.vector_load %arg11[%get3A_756, %get3A_757] {strides = array<i32>} : memref<80x128xf32, #tpu.memory_space<vmem>>, vector<16xf32>,
        %mul3A_759 = arith.mulf %get3A_758, %gather3A_753 : vector<16xf32>
        %add3A_760 = arith.constant 3 : i32
        %add3A_761 = arith.addi %mul3A_474, %add3A_760 : i32
        %swap3A_762 = arith.index_cast %add3A_761 : i32 to index
        %swap3A_763 = arith.constant 0 : index
        %swap3A_764 = tpu.vector_load %arg11[%swap3A_762, %swap3A_763] {strides = array<i32>} : memref<80x128xf32, #tpu.memory_space<vmem>>, vector<16xf32>,
        tpu.vector_store %arg11[%swap3A_762, %swap3A_763], %mul3A_759 {strides = array<i32>} : memref<80x128xf32, #tpu.memory_space<vmem>>, vector<16xf32>,
        %add3A_765 = arith.constant 3 : i32
        %add3A_766 = arith.addi %mul3A_474, %add3A_765 : i32
        %get3A_767 = arith.index_cast %add3A_766 : i32 to index
        %get3A_768 = arith.constant 16 : index
        %get3A_769 = tpu.vector_load %arg11[%get3A_767, %get3A_768] {strides = array<i32>} : memref<80x128xf32, #tpu.memory_space<vmem>>, vector<16xf32>,
        %mul3A_770 = arith.mulf %get3A_769, %gather3A_753 : vector<16xf32>
        %add3A_771 = arith.constant 3 : i32
        %add3A_772 = arith.addi %mul3A_474, %add3A_771 : i32
        %swap3A_773 = arith.index_cast %add3A_772 : i32 to index
        %swap3A_774 = arith.constant 16 : index
        %swap3A_775 = tpu.vector_load %arg11[%swap3A_773, %swap3A_774] {strides = array<i32>} : memref<80x128xf32, #tpu.memory_space<vmem>>, vector<16xf32>,
        tpu.vector_store %arg11[%swap3A_773, %swap3A_774], %mul3A_770 {strides = array<i32>} : memref<80x128xf32, #tpu.memory_space<vmem>>, vector<16xf32>,
        %add3A_776 = arith.constant 3 : i32
        %add3A_777 = arith.addi %mul3A_474, %add3A_776 : i32
        %get3A_778 = arith.index_cast %add3A_777 : i32 to index
        %get3A_779 = arith.constant 32 : index
        %get3A_780 = tpu.vector_load %arg11[%get3A_778, %get3A_779] {strides = array<i32>} : memref<80x128xf32, #tpu.memory_space<vmem>>, vector<16xf32>,
        %mul3A_781 = arith.mulf %get3A_780, %gather3A_753 : vector<16xf32>
        %add3A_782 = arith.constant 3 : i32
        %add3A_783 = arith.addi %mul3A_474, %add3A_782 : i32
        %swap3A_784 = arith.index_cast %add3A_783 : i32 to index
        %swap3A_785 = arith.constant 32 : index
        %swap3A_786 = tpu.vector_load %arg11[%swap3A_784, %swap3A_785] {strides = array<i32>} : memref<80x128xf32, #tpu.memory_space<vmem>>, vector<16xf32>,
        tpu.vector_store %arg11[%swap3A_784, %swap3A_785], %mul3A_781 {strides = array<i32>} : memref<80x128xf32, #tpu.memory_space<vmem>>, vector<16xf32>,
        %add3A_787 = arith.constant 3 : i32
        %add3A_788 = arith.addi %mul3A_474, %add3A_787 : i32
        %get3A_789 = arith.index_cast %add3A_788 : i32 to index
        %get3A_790 = arith.constant 48 : index
        %get3A_791 = tpu.vector_load %arg11[%get3A_789, %get3A_790] {strides = array<i32>} : memref<80x128xf32, #tpu.memory_space<vmem>>, vector<16xf32>,
        %mul3A_792 = arith.mulf %get3A_791, %gather3A_753 : vector<16xf32>
        %add3A_793 = arith.constant 3 : i32
        %add3A_794 = arith.addi %mul3A_474, %add3A_793 : i32
        %swap3A_795 = arith.index_cast %add3A_794 : i32 to index
        %swap3A_796 = arith.constant 48 : index
        %swap3A_797 = tpu.vector_load %arg11[%swap3A_795, %swap3A_796] {strides = array<i32>} : memref<80x128xf32, #tpu.memory_space<vmem>>, vector<16xf32>,
        tpu.vector_store %arg11[%swap3A_795, %swap3A_796], %mul3A_792 {strides = array<i32>} : memref<80x128xf32, #tpu.memory_space<vmem>>, vector<16xf32>,
        %add3A_798 = arith.constant 3 : i32
        %add3A_799 = arith.addi %mul3A_474, %add3A_798 : i32
        %get3A_800 = arith.index_cast %add3A_799 : i32 to index
        %get3A_801 = arith.constant 64 : index
        %get3A_802 = tpu.vector_load %arg11[%get3A_800, %get3A_801] {strides = array<i32>} : memref<80x128xf32, #tpu.memory_space<vmem>>, vector<16xf32>,
        %mul3A_803 = arith.mulf %get3A_802, %gather3A_753 : vector<16xf32>
        %add3A_804 = arith.constant 3 : i32
        %add3A_805 = arith.addi %mul3A_474, %add3A_804 : i32
        %swap3A_806 = arith.index_cast %add3A_805 : i32 to index
        %swap3A_807 = arith.constant 64 : index
        %swap3A_808 = tpu.vector_load %arg11[%swap3A_806, %swap3A_807] {strides = array<i32>} : memref<80x128xf32, #tpu.memory_space<vmem>>, vector<16xf32>,
        tpu.vector_store %arg11[%swap3A_806, %swap3A_807], %mul3A_803 {strides = array<i32>} : memref<80x128xf32, #tpu.memory_space<vmem>>, vector<16xf32>,
        %add3A_809 = arith.constant 3 : i32
        %add3A_810 = arith.addi %mul3A_474, %add3A_809 : i32
        %get3A_811 = arith.index_cast %add3A_810 : i32 to index
        %get3A_812 = arith.constant 80 : index
        %get3A_813 = tpu.vector_load %arg11[%get3A_811, %get3A_812] {strides = array<i32>} : memref<80x128xf32, #tpu.memory_space<vmem>>, vector<16xf32>,
        %mul3A_814 = arith.mulf %get3A_813, %gather3A_753 : vector<16xf32>
        %add3A_815 = arith.constant 3 : i32
        %add3A_816 = arith.addi %mul3A_474, %add3A_815 : i32
        %swap3A_817 = arith.index_cast %add3A_816 : i32 to index
        %swap3A_818 = arith.constant 80 : index
        %swap3A_819 = tpu.vector_load %arg11[%swap3A_817, %swap3A_818] {strides = array<i32>} : memref<80x128xf32, #tpu.memory_space<vmem>>, vector<16xf32>,
        tpu.vector_store %arg11[%swap3A_817, %swap3A_818], %mul3A_814 {strides = array<i32>} : memref<80x128xf32, #tpu.memory_space<vmem>>, vector<16xf32>,
        %add3A_820 = arith.constant 3 : i32
        %add3A_821 = arith.addi %mul3A_474, %add3A_820 : i32
        %get3A_822 = arith.index_cast %add3A_821 : i32 to index
        %get3A_823 = arith.constant 96 : index
        %get3A_824 = tpu.vector_load %arg11[%get3A_822, %get3A_823] {strides = array<i32>} : memref<80x128xf32, #tpu.memory_space<vmem>>, vector<16xf32>,
        %mul3A_825 = arith.mulf %get3A_824, %gather3A_753 : vector<16xf32>
        %add3A_826 = arith.constant 3 : i32
        %add3A_827 = arith.addi %mul3A_474, %add3A_826 : i32
        %swap3A_828 = arith.index_cast %add3A_827 : i32 to index
        %swap3A_829 = arith.constant 96 : index
        %swap3A_830 = tpu.vector_load %arg11[%swap3A_828, %swap3A_829] {strides = array<i32>} : memref<80x128xf32, #tpu.memory_space<vmem>>, vector<16xf32>,
        tpu.vector_store %arg11[%swap3A_828, %swap3A_829], %mul3A_825 {strides = array<i32>} : memref<80x128xf32, #tpu.memory_space<vmem>>, vector<16xf32>,
        %add3A_831 = arith.constant 3 : i32
        %add3A_832 = arith.addi %mul3A_474, %add3A_831 : i32
        %get3A_833 = arith.index_cast %add3A_832 : i32 to index
        %get3A_834 = arith.constant 112 : index
        %get3A_835 = tpu.vector_load %arg11[%get3A_833, %get3A_834] {strides = array<i32>} : memref<80x128xf32, #tpu.memory_space<vmem>>, vector<16xf32>,
        %mul3A_836 = arith.mulf %get3A_835, %gather3A_753 : vector<16xf32>
        %add3A_837 = arith.constant 3 : i32
        %add3A_838 = arith.addi %mul3A_474, %add3A_837 : i32
        %swap3A_839 = arith.index_cast %add3A_838 : i32 to index
        %swap3A_840 = arith.constant 112 : index
        %swap3A_841 = tpu.vector_load %arg11[%swap3A_839, %swap3A_840] {strides = array<i32>} : memref<80x128xf32, #tpu.memory_space<vmem>>, vector<16xf32>,
        tpu.vector_store %arg11[%swap3A_839, %swap3A_840], %mul3A_836 {strides = array<i32>} : memref<80x128xf32, #tpu.memory_space<vmem>>, vector<16xf32>,
        %scan3A_842 = arith.constant 0 : i32
        scf.yield %scan3A_842 : i32
      }
      %scan3A_378 = arith.constant 20 : i32
      %dma_start3A_379 = arith.constant 0 : i32
      %dma_start3A_380 = arith.constant 0 : i32
      %dma_start3A_381 = tpu.memref_slice %arg9[%dma_start3A_379, %dma_start3A_380] : memref<10000x128xf32, #tpu.memory_space<vmem_shared>> -> memref<10000x128xf32, #tpu.memory_space<vmem_shared>>
      tpu.enqueue_indirect_dma source(%arg11 : memref<80x128xf32, #tpu.memory_space<vmem>>) target(%dma_start3A_381 : memref<10000x128xf32, #tpu.memory_space<vmem_shared>>) offsets(%arg13 : memref<80xi32, #tpu.memory_space<vmem>>) semaphore(%arg17 : memref<!tpu.dma_semaphore, #tpu.memory_space<semaphore_mem>>) {add = true}
      %mul3A_382 = arith.constant 2 : i32
      %mul3A_383 = arith.muli %mul3A_382, %scan3A_291 : i32
      %add3A_384 = arith.constant 1 : i32
      %add3A_385 = arith.addi %mul3A_383, %add3A_384 : i32
      %dma_wait3A_386 = arith.constant 0 : i32
      %dma_wait3A_387 = arith.constant 0 : i32
      %dma_wait3A_388 = tpu.memref_slice %arg6[%dma_wait3A_386, %dma_wait3A_387] : memref<10000x128xf32, #tpu.memory_space<hbm>> -> memref<10000x128xf32, #tpu.memory_space<hbm>>
      tpu.wait_indirect_dma semaphore(%arg23 : memref<!tpu.dma_semaphore, #tpu.memory_space<semaphore_mem>>) src(%dma_wait3A_388 : memref<10000x128xf32, #tpu.memory_space<hbm>>) dst(%arg18 : memref<80x128xf32, #tpu.memory_space<vmem>>)
      %dma_wait3A_389 = arith.constant 0 : i32
      %dma_wait3A_390 = arith.constant 0 : i32
      %dma_wait3A_391 = tpu.memref_slice %arg9[%dma_wait3A_389, %dma_wait3A_390] : memref<10000x128xf32, #tpu.memory_space<vmem_shared>> -> memref<10000x128xf32, #tpu.memory_space<vmem_shared>>
      tpu.wait_indirect_dma semaphore(%arg17 : memref<!tpu.dma_semaphore, #tpu.memory_space<semaphore_mem>>) src(%arg11 : memref<80x128xf32, #tpu.memory_space<vmem>>) dst(%dma_wait3A_391 : memref<10000x128xf32, #tpu.memory_space<vmem_shared>>)
      %add3A_392 = arith.constant 1 : i32
      %add3A_393 = arith.addi %add3A_385, %add3A_392 : i32
      %mul3A_394 = arith.constant 80 : i32
      %mul3A_395 = arith.muli %add3A_393, %mul3A_394 : i32
      %add3A_396 = arith.addi %add3A_61, %mul3A_395 : i32
      "tpu.region"() ({
        %run_scoped3A = tpu.sem_alloc : memref<!tpu.dma_semaphore, #tpu.memory_space<semaphore_mem>>
        %dma_start3A_471 = tpu.memref_slice %arg2[%add3A_396] : memref<320000xi32, #tpu.memory_space<hbm>> -> memref<80xi32, #tpu.memory_space<hbm>>
        %dma_start3A_472 = tpu.memref_slice %arg2[%add3A_396] : memref<320000xi32, #tpu.memory_space<hbm>> -> memref<80xi32, #tpu.memory_space<hbm>>
        tpu.enqueue_dma source(%dma_start3A_472 : memref<80xi32, #tpu.memory_space<hbm>>) target(%arg12 : memref<80xi32, #tpu.memory_space<vmem>>) target_semaphore(%run_scoped3A : memref<!tpu.dma_semaphore, #tpu.memory_space<semaphore_mem>>)
        %dma_wait3A_473 = tpu.memref_slice %arg2[%add3A_396] : memref<320000xi32, #tpu.memory_space<hbm>> -> memref<80xi32, #tpu.memory_space<hbm>>
        %dma_wait3A_474 = tpu.memref_slice %arg2[%add3A_396] : memref<320000xi32, #tpu.memory_space<hbm>> -> memref<80xi32, #tpu.memory_space<hbm>>
        tpu.wait_dma2 semaphore(%run_scoped3A : memref<!tpu.dma_semaphore, #tpu.memory_space<semaphore_mem>>) src(%dma_wait3A_474 : memref<80xi32, #tpu.memory_space<hbm>>) dst(%arg12 : memref<80xi32, #tpu.memory_space<vmem>>)
        tpu.yield
      }) : () -> ()
      "tpu.region"() ({
        %run_scoped3A = tpu.sem_alloc : memref<!tpu.dma_semaphore, #tpu.memory_space<semaphore_mem>>
        %dma_start3A_471 = tpu.memref_slice %arg3[%add3A_396] : memref<320000xi32, #tpu.memory_space<hbm>> -> memref<80xi32, #tpu.memory_space<hbm>>
        %dma_start3A_472 = tpu.memref_slice %arg3[%add3A_396] : memref<320000xi32, #tpu.memory_space<hbm>> -> memref<80xi32, #tpu.memory_space<hbm>>
        tpu.enqueue_dma source(%dma_start3A_472 : memref<80xi32, #tpu.memory_space<hbm>>) target(%arg13 : memref<80xi32, #tpu.memory_space<vmem>>) target_semaphore(%run_scoped3A : memref<!tpu.dma_semaphore, #tpu.memory_space<semaphore_mem>>)
        %dma_wait3A_473 = tpu.memref_slice %arg3[%add3A_396] : memref<320000xi32, #tpu.memory_space<hbm>> -> memref<80xi32, #tpu.memory_space<hbm>>
        %dma_wait3A_474 = tpu.memref_slice %arg3[%add3A_396] : memref<320000xi32, #tpu.memory_space<hbm>> -> memref<80xi32, #tpu.memory_space<hbm>>
        tpu.wait_dma2 semaphore(%run_scoped3A : memref<!tpu.dma_semaphore, #tpu.memory_space<semaphore_mem>>) src(%dma_wait3A_474 : memref<80xi32, #tpu.memory_space<hbm>>) dst(%arg13 : memref<80xi32, #tpu.memory_space<vmem>>)
        tpu.yield
      }) : () -> ()
      "tpu.region"() ({
        %run_scoped3A = tpu.sem_alloc : memref<!tpu.dma_semaphore, #tpu.memory_space<semaphore_mem>>
        %dma_start3A_471 = tpu.memref_slice %arg4[%add3A_396] : memref<320000xf32, #tpu.memory_space<hbm>> -> memref<80xf32, #tpu.memory_space<hbm>>
        %dma_start3A_472 = tpu.memref_slice %arg4[%add3A_396] : memref<320000xf32, #tpu.memory_space<hbm>> -> memref<80xf32, #tpu.memory_space<hbm>>
        tpu.enqueue_dma source(%dma_start3A_472 : memref<80xf32, #tpu.memory_space<hbm>>) target(%arg14 : memref<80xf32, #tpu.memory_space<vmem>>) target_semaphore(%run_scoped3A : memref<!tpu.dma_semaphore, #tpu.memory_space<semaphore_mem>>)
        %dma_wait3A_473 = tpu.memref_slice %arg4[%add3A_396] : memref<320000xf32, #tpu.memory_space<hbm>> -> memref<80xf32, #tpu.memory_space<hbm>>
        %dma_wait3A_474 = tpu.memref_slice %arg4[%add3A_396] : memref<320000xf32, #tpu.memory_space<hbm>> -> memref<80xf32, #tpu.memory_space<hbm>>
        tpu.wait_dma2 semaphore(%run_scoped3A : memref<!tpu.dma_semaphore, #tpu.memory_space<semaphore_mem>>) src(%dma_wait3A_474 : memref<80xf32, #tpu.memory_space<hbm>>) dst(%arg14 : memref<80xf32, #tpu.memory_space<vmem>>)
        tpu.yield
      }) : () -> ()
      %dma_start3A_397 = arith.constant 0 : i32
      %dma_start3A_398 = arith.constant 0 : i32
      %dma_start3A_399 = tpu.memref_slice %arg6[%dma_start3A_397, %dma_start3A_398] : memref<10000x128xf32, #tpu.memory_space<hbm>> -> memref<10000x128xf32, #tpu.memory_space<hbm>>
      tpu.enqueue_indirect_dma source(%dma_start3A_399 : memref<10000x128xf32, #tpu.memory_space<hbm>>) target(%arg11 : memref<80x128xf32, #tpu.memory_space<vmem>>) offsets(%arg12 : memref<80xi32, #tpu.memory_space<vmem>>) semaphore(%arg16 : memref<!tpu.dma_semaphore, #tpu.memory_space<semaphore_mem>>)
      %get3A_400 = arith.constant 0 : index
      %get3A_401 = tpu.vector_load %arg19[%get3A_400] {strides = array<i32>} : memref<80xi32, #tpu.memory_space<vmem>>, vector<16xi32>,
      %get3A_402 = arith.constant 0 : index
      %get3A_403 = tpu.vector_load %arg20[%get3A_402] {strides = array<i32>} : memref<80xi32, #tpu.memory_space<vmem>>, vector<16xi32>,
      %gather3A_404 = tpu.vector_load_idx %arg10[%get3A_401] : memref<10000xf32, #tpu.memory_space<vmem>>[vector<16xi32>], vector<16xf32>,
      %gather3A_405 = tpu.vector_load_idx %arg10[%get3A_403] : memref<10000xf32, #tpu.memory_space<vmem>>[vector<16xi32>], vector<16xf32>,
      %get3A_406 = arith.constant 0 : index
      %get3A_407 = tpu.vector_load %arg21[%get3A_406] {strides = array<i32>} : memref<80xf32, #tpu.memory_space<vmem>>, vector<16xf32>,
      %mul3A_408 = arith.mulf %gather3A_404, %get3A_407 : vector<16xf32>
      %mul3A_409 = arith.mulf %mul3A_408, %gather3A_405 : vector<16xf32>
      %swap3A_410 = arith.constant 0 : index
      %swap3A_411 = tpu.vector_load %arg22[%swap3A_410] {strides = array<i32>} : memref<80xf32, #tpu.memory_space<vmem>>, vector<16xf32>,
      tpu.vector_store %arg22[%swap3A_410], %mul3A_409 {strides = array<i32>} : memref<80xf32, #tpu.memory_space<vmem>>, vector<16xf32>,
      %get3A_412 = arith.constant 16 : index
      %get3A_413 = tpu.vector_load %arg19[%get3A_412] {strides = array<i32>} : memref<80xi32, #tpu.memory_space<vmem>>, vector<16xi32>,
      %get3A_414 = arith.constant 16 : index
      %get3A_415 = tpu.vector_load %arg20[%get3A_414] {strides = array<i32>} : memref<80xi32, #tpu.memory_space<vmem>>, vector<16xi32>,
      %gather3A_416 = tpu.vector_load_idx %arg10[%get3A_413] : memref<10000xf32, #tpu.memory_space<vmem>>[vector<16xi32>], vector<16xf32>,
      %gather3A_417 = tpu.vector_load_idx %arg10[%get3A_415] : memref<10000xf32, #tpu.memory_space<vmem>>[vector<16xi32>], vector<16xf32>,
      %get3A_418 = arith.constant 16 : index
      %get3A_419 = tpu.vector_load %arg21[%get3A_418] {strides = array<i32>} : memref<80xf32, #tpu.memory_space<vmem>>, vector<16xf32>,
      %mul3A_420 = arith.mulf %gather3A_416, %get3A_419 : vector<16xf32>
      %mul3A_421 = arith.mulf %mul3A_420, %gather3A_417 : vector<16xf32>
      %swap3A_422 = arith.constant 16 : index
      %swap3A_423 = tpu.vector_load %arg22[%swap3A_422] {strides = array<i32>} : memref<80xf32, #tpu.memory_space<vmem>>, vector<16xf32>,
      tpu.vector_store %arg22[%swap3A_422], %mul3A_421 {strides = array<i32>} : memref<80xf32, #tpu.memory_space<vmem>>, vector<16xf32>,
      %get3A_424 = arith.constant 32 : index
      %get3A_425 = tpu.vector_load %arg19[%get3A_424] {strides = array<i32>} : memref<80xi32, #tpu.memory_space<vmem>>, vector<16xi32>,
      %get3A_426 = arith.constant 32 : index
      %get3A_427 = tpu.vector_load %arg20[%get3A_426] {strides = array<i32>} : memref<80xi32, #tpu.memory_space<vmem>>, vector<16xi32>,
      %gather3A_428 = tpu.vector_load_idx %arg10[%get3A_425] : memref<10000xf32, #tpu.memory_space<vmem>>[vector<16xi32>], vector<16xf32>,
      %gather3A_429 = tpu.vector_load_idx %arg10[%get3A_427] : memref<10000xf32, #tpu.memory_space<vmem>>[vector<16xi32>], vector<16xf32>,
      %get3A_430 = arith.constant 32 : index
      %get3A_431 = tpu.vector_load %arg21[%get3A_430] {strides = array<i32>} : memref<80xf32, #tpu.memory_space<vmem>>, vector<16xf32>,
      %mul3A_432 = arith.mulf %gather3A_428, %get3A_431 : vector<16xf32>
      %mul3A_433 = arith.mulf %mul3A_432, %gather3A_429 : vector<16xf32>
      %swap3A_434 = arith.constant 32 : index
      %swap3A_435 = tpu.vector_load %arg22[%swap3A_434] {strides = array<i32>} : memref<80xf32, #tpu.memory_space<vmem>>, vector<16xf32>,
      tpu.vector_store %arg22[%swap3A_434], %mul3A_433 {strides = array<i32>} : memref<80xf32, #tpu.memory_space<vmem>>, vector<16xf32>,
      %get3A_436 = arith.constant 48 : index
      %get3A_437 = tpu.vector_load %arg19[%get3A_436] {strides = array<i32>} : memref<80xi32, #tpu.memory_space<vmem>>, vector<16xi32>,
      %get3A_438 = arith.constant 48 : index
      %get3A_439 = tpu.vector_load %arg20[%get3A_438] {strides = array<i32>} : memref<80xi32, #tpu.memory_space<vmem>>, vector<16xi32>,
      %gather3A_440 = tpu.vector_load_idx %arg10[%get3A_437] : memref<10000xf32, #tpu.memory_space<vmem>>[vector<16xi32>], vector<16xf32>,
      %gather3A_441 = tpu.vector_load_idx %arg10[%get3A_439] : memref<10000xf32, #tpu.memory_space<vmem>>[vector<16xi32>], vector<16xf32>,
      %get3A_442 = arith.constant 48 : index
      %get3A_443 = tpu.vector_load %arg21[%get3A_442] {strides = array<i32>} : memref<80xf32, #tpu.memory_space<vmem>>, vector<16xf32>,
      %mul3A_444 = arith.mulf %gather3A_440, %get3A_443 : vector<16xf32>
      %mul3A_445 = arith.mulf %mul3A_444, %gather3A_441 : vector<16xf32>
      %swap3A_446 = arith.constant 48 : index
      %swap3A_447 = tpu.vector_load %arg22[%swap3A_446] {strides = array<i32>} : memref<80xf32, #tpu.memory_space<vmem>>, vector<16xf32>,
      tpu.vector_store %arg22[%swap3A_446], %mul3A_445 {strides = array<i32>} : memref<80xf32, #tpu.memory_space<vmem>>, vector<16xf32>,
      %get3A_448 = arith.constant 64 : index
      %get3A_449 = tpu.vector_load %arg19[%get3A_448] {strides = array<i32>} : memref<80xi32, #tpu.memory_space<vmem>>, vector<16xi32>,
      %get3A_450 = arith.constant 64 : index
      %get3A_451 = tpu.vector_load %arg20[%get3A_450] {strides = array<i32>} : memref<80xi32, #tpu.memory_space<vmem>>, vector<16xi32>,
      %gather3A_452 = tpu.vector_load_idx %arg10[%get3A_449] : memref<10000xf32, #tpu.memory_space<vmem>>[vector<16xi32>], vector<16xf32>,
      %gather3A_453 = tpu.vector_load_idx %arg10[%get3A_451] : memref<10000xf32, #tpu.memory_space<vmem>>[vector<16xi32>], vector<16xf32>,
      %get3A_454 = arith.constant 64 : index
      %get3A_455 = tpu.vector_load %arg21[%get3A_454] {strides = array<i32>} : memref<80xf32, #tpu.memory_space<vmem>>, vector<16xf32>,
      %mul3A_456 = arith.mulf %gather3A_452, %get3A_455 : vector<16xf32>
      %mul3A_457 = arith.mulf %mul3A_456, %gather3A_453 : vector<16xf32>
      %swap3A_458 = arith.constant 64 : index
      %swap3A_459 = tpu.vector_load %arg22[%swap3A_458] {strides = array<i32>} : memref<80xf32, #tpu.memory_space<vmem>>, vector<16xf32>,
      tpu.vector_store %arg22[%swap3A_458], %mul3A_457 {strides = array<i32>} : memref<80xf32, #tpu.memory_space<vmem>>, vector<16xf32>,
      %scan3A_460 = arith.constant 0 : i32
      %scan3A_461 = arith.constant 0 : i32
      %scan3A_462 = arith.constant 20 : i32
      %scan3A_463 = arith.addi %scan3A_461, %scan3A_462 : i32
      %scan3A_464 = arith.constant 1 : i32
      %scan3A_465 = scf.for %scan3A_471 = %scan3A_461 to %scan3A_463 step %scan3A_464 iter_args(%scan3A_472 = %scan3A_460) -> (i32)  : i32 {
        %mul3A_473 = arith.constant 4 : i32
        %mul3A_474 = arith.muli %mul3A_473, %scan3A_471 : i32
        %add3A_475 = arith.constant 0 : i32
        %add3A_476 = arith.addi %mul3A_474, %add3A_475 : i32
        %broadcast_in_dim3A = vector.broadcast %add3A_476 : i32 to vector<16xi32>
        %gather3A_477 = tpu.vector_load_idx %arg22[%broadcast_in_dim3A] : memref<80xf32, #tpu.memory_space<vmem>>[vector<16xi32>], vector<16xf32>,
        %add3A_478 = arith.constant 0 : i32
        %add3A_479 = arith.addi %mul3A_474, %add3A_478 : i32
        %get3A_480 = arith.index_cast %add3A_479 : i32 to index
        %get3A_481 = arith.constant 0 : index
        %get3A_482 = tpu.vector_load %arg18[%get3A_480, %get3A_481] {strides = array<i32>} : memref<80x128xf32, #tpu.memory_space<vmem>>, vector<16xf32>,
        %mul3A_483 = arith.mulf %get3A_482, %gather3A_477 : vector<16xf32>
        %add3A_484 = arith.constant 0 : i32
        %add3A_485 = arith.addi %mul3A_474, %add3A_484 : i32
        %swap3A_486 = arith.index_cast %add3A_485 : i32 to index
        %swap3A_487 = arith.constant 0 : index
        %swap3A_488 = tpu.vector_load %arg18[%swap3A_486, %swap3A_487] {strides = array<i32>} : memref<80x128xf32, #tpu.memory_space<vmem>>, vector<16xf32>,
        tpu.vector_store %arg18[%swap3A_486, %swap3A_487], %mul3A_483 {strides = array<i32>} : memref<80x128xf32, #tpu.memory_space<vmem>>, vector<16xf32>,
        %add3A_489 = arith.constant 0 : i32
        %add3A_490 = arith.addi %mul3A_474, %add3A_489 : i32
        %get3A_491 = arith.index_cast %add3A_490 : i32 to index
        %get3A_492 = arith.constant 16 : index
        %get3A_493 = tpu.vector_load %arg18[%get3A_491, %get3A_492] {strides = array<i32>} : memref<80x128xf32, #tpu.memory_space<vmem>>, vector<16xf32>,
        %mul3A_494 = arith.mulf %get3A_493, %gather3A_477 : vector<16xf32>
        %add3A_495 = arith.constant 0 : i32
        %add3A_496 = arith.addi %mul3A_474, %add3A_495 : i32
        %swap3A_497 = arith.index_cast %add3A_496 : i32 to index
        %swap3A_498 = arith.constant 16 : index
        %swap3A_499 = tpu.vector_load %arg18[%swap3A_497, %swap3A_498] {strides = array<i32>} : memref<80x128xf32, #tpu.memory_space<vmem>>, vector<16xf32>,
        tpu.vector_store %arg18[%swap3A_497, %swap3A_498], %mul3A_494 {strides = array<i32>} : memref<80x128xf32, #tpu.memory_space<vmem>>, vector<16xf32>,
        %add3A_500 = arith.constant 0 : i32
        %add3A_501 = arith.addi %mul3A_474, %add3A_500 : i32
        %get3A_502 = arith.index_cast %add3A_501 : i32 to index
        %get3A_503 = arith.constant 32 : index
        %get3A_504 = tpu.vector_load %arg18[%get3A_502, %get3A_503] {strides = array<i32>} : memref<80x128xf32, #tpu.memory_space<vmem>>, vector<16xf32>,
        %mul3A_505 = arith.mulf %get3A_504, %gather3A_477 : vector<16xf32>
        %add3A_506 = arith.constant 0 : i32
        %add3A_507 = arith.addi %mul3A_474, %add3A_506 : i32
        %swap3A_508 = arith.index_cast %add3A_507 : i32 to index
        %swap3A_509 = arith.constant 32 : index
        %swap3A_510 = tpu.vector_load %arg18[%swap3A_508, %swap3A_509] {strides = array<i32>} : memref<80x128xf32, #tpu.memory_space<vmem>>, vector<16xf32>,
        tpu.vector_store %arg18[%swap3A_508, %swap3A_509], %mul3A_505 {strides = array<i32>} : memref<80x128xf32, #tpu.memory_space<vmem>>, vector<16xf32>,
        %add3A_511 = arith.constant 0 : i32
        %add3A_512 = arith.addi %mul3A_474, %add3A_511 : i32
        %get3A_513 = arith.index_cast %add3A_512 : i32 to index
        %get3A_514 = arith.constant 48 : index
        %get3A_515 = tpu.vector_load %arg18[%get3A_513, %get3A_514] {strides = array<i32>} : memref<80x128xf32, #tpu.memory_space<vmem>>, vector<16xf32>,
        %mul3A_516 = arith.mulf %get3A_515, %gather3A_477 : vector<16xf32>
        %add3A_517 = arith.constant 0 : i32
        %add3A_518 = arith.addi %mul3A_474, %add3A_517 : i32
        %swap3A_519 = arith.index_cast %add3A_518 : i32 to index
        %swap3A_520 = arith.constant 48 : index
        %swap3A_521 = tpu.vector_load %arg18[%swap3A_519, %swap3A_520] {strides = array<i32>} : memref<80x128xf32, #tpu.memory_space<vmem>>, vector<16xf32>,
        tpu.vector_store %arg18[%swap3A_519, %swap3A_520], %mul3A_516 {strides = array<i32>} : memref<80x128xf32, #tpu.memory_space<vmem>>, vector<16xf32>,
        %add3A_522 = arith.constant 0 : i32
        %add3A_523 = arith.addi %mul3A_474, %add3A_522 : i32
        %get3A_524 = arith.index_cast %add3A_523 : i32 to index
        %get3A_525 = arith.constant 64 : index
        %get3A_526 = tpu.vector_load %arg18[%get3A_524, %get3A_525] {strides = array<i32>} : memref<80x128xf32, #tpu.memory_space<vmem>>, vector<16xf32>,
        %mul3A_527 = arith.mulf %get3A_526, %gather3A_477 : vector<16xf32>
        %add3A_528 = arith.constant 0 : i32
        %add3A_529 = arith.addi %mul3A_474, %add3A_528 : i32
        %swap3A_530 = arith.index_cast %add3A_529 : i32 to index
        %swap3A_531 = arith.constant 64 : index
        %swap3A_532 = tpu.vector_load %arg18[%swap3A_530, %swap3A_531] {strides = array<i32>} : memref<80x128xf32, #tpu.memory_space<vmem>>, vector<16xf32>,
        tpu.vector_store %arg18[%swap3A_530, %swap3A_531], %mul3A_527 {strides = array<i32>} : memref<80x128xf32, #tpu.memory_space<vmem>>, vector<16xf32>,
        %add3A_533 = arith.constant 0 : i32
        %add3A_534 = arith.addi %mul3A_474, %add3A_533 : i32
        %get3A_535 = arith.index_cast %add3A_534 : i32 to index
        %get3A_536 = arith.constant 80 : index
        %get3A_537 = tpu.vector_load %arg18[%get3A_535, %get3A_536] {strides = array<i32>} : memref<80x128xf32, #tpu.memory_space<vmem>>, vector<16xf32>,
        %mul3A_538 = arith.mulf %get3A_537, %gather3A_477 : vector<16xf32>
        %add3A_539 = arith.constant 0 : i32
        %add3A_540 = arith.addi %mul3A_474, %add3A_539 : i32
        %swap3A_541 = arith.index_cast %add3A_540 : i32 to index
        %swap3A_542 = arith.constant 80 : index
        %swap3A_543 = tpu.vector_load %arg18[%swap3A_541, %swap3A_542] {strides = array<i32>} : memref<80x128xf32, #tpu.memory_space<vmem>>, vector<16xf32>,
        tpu.vector_store %arg18[%swap3A_541, %swap3A_542], %mul3A_538 {strides = array<i32>} : memref<80x128xf32, #tpu.memory_space<vmem>>, vector<16xf32>,
        %add3A_544 = arith.constant 0 : i32
        %add3A_545 = arith.addi %mul3A_474, %add3A_544 : i32
        %get3A_546 = arith.index_cast %add3A_545 : i32 to index
        %get3A_547 = arith.constant 96 : index
        %get3A_548 = tpu.vector_load %arg18[%get3A_546, %get3A_547] {strides = array<i32>} : memref<80x128xf32, #tpu.memory_space<vmem>>, vector<16xf32>,
        %mul3A_549 = arith.mulf %get3A_548, %gather3A_477 : vector<16xf32>
        %add3A_550 = arith.constant 0 : i32
        %add3A_551 = arith.addi %mul3A_474, %add3A_550 : i32
        %swap3A_552 = arith.index_cast %add3A_551 : i32 to index
        %swap3A_553 = arith.constant 96 : index
        %swap3A_554 = tpu.vector_load %arg18[%swap3A_552, %swap3A_553] {strides = array<i32>} : memref<80x128xf32, #tpu.memory_space<vmem>>, vector<16xf32>,
        tpu.vector_store %arg18[%swap3A_552, %swap3A_553], %mul3A_549 {strides = array<i32>} : memref<80x128xf32, #tpu.memory_space<vmem>>, vector<16xf32>,
        %add3A_555 = arith.constant 0 : i32
        %add3A_556 = arith.addi %mul3A_474, %add3A_555 : i32
        %get3A_557 = arith.index_cast %add3A_556 : i32 to index
        %get3A_558 = arith.constant 112 : index
        %get3A_559 = tpu.vector_load %arg18[%get3A_557, %get3A_558] {strides = array<i32>} : memref<80x128xf32, #tpu.memory_space<vmem>>, vector<16xf32>,
        %mul3A_560 = arith.mulf %get3A_559, %gather3A_477 : vector<16xf32>
        %add3A_561 = arith.constant 0 : i32
        %add3A_562 = arith.addi %mul3A_474, %add3A_561 : i32
        %swap3A_563 = arith.index_cast %add3A_562 : i32 to index
        %swap3A_564 = arith.constant 112 : index
        %swap3A_565 = tpu.vector_load %arg18[%swap3A_563, %swap3A_564] {strides = array<i32>} : memref<80x128xf32, #tpu.memory_space<vmem>>, vector<16xf32>,
        tpu.vector_store %arg18[%swap3A_563, %swap3A_564], %mul3A_560 {strides = array<i32>} : memref<80x128xf32, #tpu.memory_space<vmem>>, vector<16xf32>,
        %add3A_566 = arith.constant 1 : i32
        %add3A_567 = arith.addi %mul3A_474, %add3A_566 : i32
        %broadcast_in_dim3A_568 = vector.broadcast %add3A_567 : i32 to vector<16xi32>
        %gather3A_569 = tpu.vector_load_idx %arg22[%broadcast_in_dim3A_568] : memref<80xf32, #tpu.memory_space<vmem>>[vector<16xi32>], vector<16xf32>,
        %add3A_570 = arith.constant 1 : i32
        %add3A_571 = arith.addi %mul3A_474, %add3A_570 : i32
        %get3A_572 = arith.index_cast %add3A_571 : i32 to index
        %get3A_573 = arith.constant 0 : index
        %get3A_574 = tpu.vector_load %arg18[%get3A_572, %get3A_573] {strides = array<i32>} : memref<80x128xf32, #tpu.memory_space<vmem>>, vector<16xf32>,
        %mul3A_575 = arith.mulf %get3A_574, %gather3A_569 : vector<16xf32>
        %add3A_576 = arith.constant 1 : i32
        %add3A_577 = arith.addi %mul3A_474, %add3A_576 : i32
        %swap3A_578 = arith.index_cast %add3A_577 : i32 to index
        %swap3A_579 = arith.constant 0 : index
        %swap3A_580 = tpu.vector_load %arg18[%swap3A_578, %swap3A_579] {strides = array<i32>} : memref<80x128xf32, #tpu.memory_space<vmem>>, vector<16xf32>,
        tpu.vector_store %arg18[%swap3A_578, %swap3A_579], %mul3A_575 {strides = array<i32>} : memref<80x128xf32, #tpu.memory_space<vmem>>, vector<16xf32>,
        %add3A_581 = arith.constant 1 : i32
        %add3A_582 = arith.addi %mul3A_474, %add3A_581 : i32
        %get3A_583 = arith.index_cast %add3A_582 : i32 to index
        %get3A_584 = arith.constant 16 : index
        %get3A_585 = tpu.vector_load %arg18[%get3A_583, %get3A_584] {strides = array<i32>} : memref<80x128xf32, #tpu.memory_space<vmem>>, vector<16xf32>,
        %mul3A_586 = arith.mulf %get3A_585, %gather3A_569 : vector<16xf32>
        %add3A_587 = arith.constant 1 : i32
        %add3A_588 = arith.addi %mul3A_474, %add3A_587 : i32
        %swap3A_589 = arith.index_cast %add3A_588 : i32 to index
        %swap3A_590 = arith.constant 16 : index
        %swap3A_591 = tpu.vector_load %arg18[%swap3A_589, %swap3A_590] {strides = array<i32>} : memref<80x128xf32, #tpu.memory_space<vmem>>, vector<16xf32>,
        tpu.vector_store %arg18[%swap3A_589, %swap3A_590], %mul3A_586 {strides = array<i32>} : memref<80x128xf32, #tpu.memory_space<vmem>>, vector<16xf32>,
        %add3A_592 = arith.constant 1 : i32
        %add3A_593 = arith.addi %mul3A_474, %add3A_592 : i32
        %get3A_594 = arith.index_cast %add3A_593 : i32 to index
        %get3A_595 = arith.constant 32 : index
        %get3A_596 = tpu.vector_load %arg18[%get3A_594, %get3A_595] {strides = array<i32>} : memref<80x128xf32, #tpu.memory_space<vmem>>, vector<16xf32>,
        %mul3A_597 = arith.mulf %get3A_596, %gather3A_569 : vector<16xf32>
        %add3A_598 = arith.constant 1 : i32
        %add3A_599 = arith.addi %mul3A_474, %add3A_598 : i32
        %swap3A_600 = arith.index_cast %add3A_599 : i32 to index
        %swap3A_601 = arith.constant 32 : index
        %swap3A_602 = tpu.vector_load %arg18[%swap3A_600, %swap3A_601] {strides = array<i32>} : memref<80x128xf32, #tpu.memory_space<vmem>>, vector<16xf32>,
        tpu.vector_store %arg18[%swap3A_600, %swap3A_601], %mul3A_597 {strides = array<i32>} : memref<80x128xf32, #tpu.memory_space<vmem>>, vector<16xf32>,
        %add3A_603 = arith.constant 1 : i32
        %add3A_604 = arith.addi %mul3A_474, %add3A_603 : i32
        %get3A_605 = arith.index_cast %add3A_604 : i32 to index
        %get3A_606 = arith.constant 48 : index
        %get3A_607 = tpu.vector_load %arg18[%get3A_605, %get3A_606] {strides = array<i32>} : memref<80x128xf32, #tpu.memory_space<vmem>>, vector<16xf32>,
        %mul3A_608 = arith.mulf %get3A_607, %gather3A_569 : vector<16xf32>
        %add3A_609 = arith.constant 1 : i32
        %add3A_610 = arith.addi %mul3A_474, %add3A_609 : i32
        %swap3A_611 = arith.index_cast %add3A_610 : i32 to index
        %swap3A_612 = arith.constant 48 : index
        %swap3A_613 = tpu.vector_load %arg18[%swap3A_611, %swap3A_612] {strides = array<i32>} : memref<80x128xf32, #tpu.memory_space<vmem>>, vector<16xf32>,
        tpu.vector_store %arg18[%swap3A_611, %swap3A_612], %mul3A_608 {strides = array<i32>} : memref<80x128xf32, #tpu.memory_space<vmem>>, vector<16xf32>,
        %add3A_614 = arith.constant 1 : i32
        %add3A_615 = arith.addi %mul3A_474, %add3A_614 : i32
        %get3A_616 = arith.index_cast %add3A_615 : i32 to index
        %get3A_617 = arith.constant 64 : index
        %get3A_618 = tpu.vector_load %arg18[%get3A_616, %get3A_617] {strides = array<i32>} : memref<80x128xf32, #tpu.memory_space<vmem>>, vector<16xf32>,
        %mul3A_619 = arith.mulf %get3A_618, %gather3A_569 : vector<16xf32>
        %add3A_620 = arith.constant 1 : i32
        %add3A_621 = arith.addi %mul3A_474, %add3A_620 : i32
        %swap3A_622 = arith.index_cast %add3A_621 : i32 to index
        %swap3A_623 = arith.constant 64 : index
        %swap3A_624 = tpu.vector_load %arg18[%swap3A_622, %swap3A_623] {strides = array<i32>} : memref<80x128xf32, #tpu.memory_space<vmem>>, vector<16xf32>,
        tpu.vector_store %arg18[%swap3A_622, %swap3A_623], %mul3A_619 {strides = array<i32>} : memref<80x128xf32, #tpu.memory_space<vmem>>, vector<16xf32>,
        %add3A_625 = arith.constant 1 : i32
        %add3A_626 = arith.addi %mul3A_474, %add3A_625 : i32
        %get3A_627 = arith.index_cast %add3A_626 : i32 to index
        %get3A_628 = arith.constant 80 : index
        %get3A_629 = tpu.vector_load %arg18[%get3A_627, %get3A_628] {strides = array<i32>} : memref<80x128xf32, #tpu.memory_space<vmem>>, vector<16xf32>,
        %mul3A_630 = arith.mulf %get3A_629, %gather3A_569 : vector<16xf32>
        %add3A_631 = arith.constant 1 : i32
        %add3A_632 = arith.addi %mul3A_474, %add3A_631 : i32
        %swap3A_633 = arith.index_cast %add3A_632 : i32 to index
        %swap3A_634 = arith.constant 80 : index
        %swap3A_635 = tpu.vector_load %arg18[%swap3A_633, %swap3A_634] {strides = array<i32>} : memref<80x128xf32, #tpu.memory_space<vmem>>, vector<16xf32>,
        tpu.vector_store %arg18[%swap3A_633, %swap3A_634], %mul3A_630 {strides = array<i32>} : memref<80x128xf32, #tpu.memory_space<vmem>>, vector<16xf32>,
        %add3A_636 = arith.constant 1 : i32
        %add3A_637 = arith.addi %mul3A_474, %add3A_636 : i32
        %get3A_638 = arith.index_cast %add3A_637 : i32 to index
        %get3A_639 = arith.constant 96 : index
        %get3A_640 = tpu.vector_load %arg18[%get3A_638, %get3A_639] {strides = array<i32>} : memref<80x128xf32, #tpu.memory_space<vmem>>, vector<16xf32>,
        %mul3A_641 = arith.mulf %get3A_640, %gather3A_569 : vector<16xf32>
        %add3A_642 = arith.constant 1 : i32
        %add3A_643 = arith.addi %mul3A_474, %add3A_642 : i32
        %swap3A_644 = arith.index_cast %add3A_643 : i32 to index
        %swap3A_645 = arith.constant 96 : index
        %swap3A_646 = tpu.vector_load %arg18[%swap3A_644, %swap3A_645] {strides = array<i32>} : memref<80x128xf32, #tpu.memory_space<vmem>>, vector<16xf32>,
        tpu.vector_store %arg18[%swap3A_644, %swap3A_645], %mul3A_641 {strides = array<i32>} : memref<80x128xf32, #tpu.memory_space<vmem>>, vector<16xf32>,
        %add3A_647 = arith.constant 1 : i32
        %add3A_648 = arith.addi %mul3A_474, %add3A_647 : i32
        %get3A_649 = arith.index_cast %add3A_648 : i32 to index
        %get3A_650 = arith.constant 112 : index
        %get3A_651 = tpu.vector_load %arg18[%get3A_649, %get3A_650] {strides = array<i32>} : memref<80x128xf32, #tpu.memory_space<vmem>>, vector<16xf32>,
        %mul3A_652 = arith.mulf %get3A_651, %gather3A_569 : vector<16xf32>
        %add3A_653 = arith.constant 1 : i32
        %add3A_654 = arith.addi %mul3A_474, %add3A_653 : i32
        %swap3A_655 = arith.index_cast %add3A_654 : i32 to index
        %swap3A_656 = arith.constant 112 : index
        %swap3A_657 = tpu.vector_load %arg18[%swap3A_655, %swap3A_656] {strides = array<i32>} : memref<80x128xf32, #tpu.memory_space<vmem>>, vector<16xf32>,
        tpu.vector_store %arg18[%swap3A_655, %swap3A_656], %mul3A_652 {strides = array<i32>} : memref<80x128xf32, #tpu.memory_space<vmem>>, vector<16xf32>,
        %add3A_658 = arith.constant 2 : i32
        %add3A_659 = arith.addi %mul3A_474, %add3A_658 : i32
        %broadcast_in_dim3A_660 = vector.broadcast %add3A_659 : i32 to vector<16xi32>
        %gather3A_661 = tpu.vector_load_idx %arg22[%broadcast_in_dim3A_660] : memref<80xf32, #tpu.memory_space<vmem>>[vector<16xi32>], vector<16xf32>,
        %add3A_662 = arith.constant 2 : i32
        %add3A_663 = arith.addi %mul3A_474, %add3A_662 : i32
        %get3A_664 = arith.index_cast %add3A_663 : i32 to index
        %get3A_665 = arith.constant 0 : index
        %get3A_666 = tpu.vector_load %arg18[%get3A_664, %get3A_665] {strides = array<i32>} : memref<80x128xf32, #tpu.memory_space<vmem>>, vector<16xf32>,
        %mul3A_667 = arith.mulf %get3A_666, %gather3A_661 : vector<16xf32>
        %add3A_668 = arith.constant 2 : i32
        %add3A_669 = arith.addi %mul3A_474, %add3A_668 : i32
        %swap3A_670 = arith.index_cast %add3A_669 : i32 to index
        %swap3A_671 = arith.constant 0 : index
        %swap3A_672 = tpu.vector_load %arg18[%swap3A_670, %swap3A_671] {strides = array<i32>} : memref<80x128xf32, #tpu.memory_space<vmem>>, vector<16xf32>,
        tpu.vector_store %arg18[%swap3A_670, %swap3A_671], %mul3A_667 {strides = array<i32>} : memref<80x128xf32, #tpu.memory_space<vmem>>, vector<16xf32>,
        %add3A_673 = arith.constant 2 : i32
        %add3A_674 = arith.addi %mul3A_474, %add3A_673 : i32
        %get3A_675 = arith.index_cast %add3A_674 : i32 to index
        %get3A_676 = arith.constant 16 : index
        %get3A_677 = tpu.vector_load %arg18[%get3A_675, %get3A_676] {strides = array<i32>} : memref<80x128xf32, #tpu.memory_space<vmem>>, vector<16xf32>,
        %mul3A_678 = arith.mulf %get3A_677, %gather3A_661 : vector<16xf32>
        %add3A_679 = arith.constant 2 : i32
        %add3A_680 = arith.addi %mul3A_474, %add3A_679 : i32
        %swap3A_681 = arith.index_cast %add3A_680 : i32 to index
        %swap3A_682 = arith.constant 16 : index
        %swap3A_683 = tpu.vector_load %arg18[%swap3A_681, %swap3A_682] {strides = array<i32>} : memref<80x128xf32, #tpu.memory_space<vmem>>, vector<16xf32>,
        tpu.vector_store %arg18[%swap3A_681, %swap3A_682], %mul3A_678 {strides = array<i32>} : memref<80x128xf32, #tpu.memory_space<vmem>>, vector<16xf32>,
        %add3A_684 = arith.constant 2 : i32
        %add3A_685 = arith.addi %mul3A_474, %add3A_684 : i32
        %get3A_686 = arith.index_cast %add3A_685 : i32 to index
        %get3A_687 = arith.constant 32 : index
        %get3A_688 = tpu.vector_load %arg18[%get3A_686, %get3A_687] {strides = array<i32>} : memref<80x128xf32, #tpu.memory_space<vmem>>, vector<16xf32>,
        %mul3A_689 = arith.mulf %get3A_688, %gather3A_661 : vector<16xf32>
        %add3A_690 = arith.constant 2 : i32
        %add3A_691 = arith.addi %mul3A_474, %add3A_690 : i32
        %swap3A_692 = arith.index_cast %add3A_691 : i32 to index
        %swap3A_693 = arith.constant 32 : index
        %swap3A_694 = tpu.vector_load %arg18[%swap3A_692, %swap3A_693] {strides = array<i32>} : memref<80x128xf32, #tpu.memory_space<vmem>>, vector<16xf32>,
        tpu.vector_store %arg18[%swap3A_692, %swap3A_693], %mul3A_689 {strides = array<i32>} : memref<80x128xf32, #tpu.memory_space<vmem>>, vector<16xf32>,
        %add3A_695 = arith.constant 2 : i32
        %add3A_696 = arith.addi %mul3A_474, %add3A_695 : i32
        %get3A_697 = arith.index_cast %add3A_696 : i32 to index
        %get3A_698 = arith.constant 48 : index
        %get3A_699 = tpu.vector_load %arg18[%get3A_697, %get3A_698] {strides = array<i32>} : memref<80x128xf32, #tpu.memory_space<vmem>>, vector<16xf32>,
        %mul3A_700 = arith.mulf %get3A_699, %gather3A_661 : vector<16xf32>
        %add3A_701 = arith.constant 2 : i32
        %add3A_702 = arith.addi %mul3A_474, %add3A_701 : i32
        %swap3A_703 = arith.index_cast %add3A_702 : i32 to index
        %swap3A_704 = arith.constant 48 : index
        %swap3A_705 = tpu.vector_load %arg18[%swap3A_703, %swap3A_704] {strides = array<i32>} : memref<80x128xf32, #tpu.memory_space<vmem>>, vector<16xf32>,
        tpu.vector_store %arg18[%swap3A_703, %swap3A_704], %mul3A_700 {strides = array<i32>} : memref<80x128xf32, #tpu.memory_space<vmem>>, vector<16xf32>,
        %add3A_706 = arith.constant 2 : i32
        %add3A_707 = arith.addi %mul3A_474, %add3A_706 : i32
        %get3A_708 = arith.index_cast %add3A_707 : i32 to index
        %get3A_709 = arith.constant 64 : index
        %get3A_710 = tpu.vector_load %arg18[%get3A_708, %get3A_709] {strides = array<i32>} : memref<80x128xf32, #tpu.memory_space<vmem>>, vector<16xf32>,
        %mul3A_711 = arith.mulf %get3A_710, %gather3A_661 : vector<16xf32>
        %add3A_712 = arith.constant 2 : i32
        %add3A_713 = arith.addi %mul3A_474, %add3A_712 : i32
        %swap3A_714 = arith.index_cast %add3A_713 : i32 to index
        %swap3A_715 = arith.constant 64 : index
        %swap3A_716 = tpu.vector_load %arg18[%swap3A_714, %swap3A_715] {strides = array<i32>} : memref<80x128xf32, #tpu.memory_space<vmem>>, vector<16xf32>,
        tpu.vector_store %arg18[%swap3A_714, %swap3A_715], %mul3A_711 {strides = array<i32>} : memref<80x128xf32, #tpu.memory_space<vmem>>, vector<16xf32>,
        %add3A_717 = arith.constant 2 : i32
        %add3A_718 = arith.addi %mul3A_474, %add3A_717 : i32
        %get3A_719 = arith.index_cast %add3A_718 : i32 to index
        %get3A_720 = arith.constant 80 : index
        %get3A_721 = tpu.vector_load %arg18[%get3A_719, %get3A_720] {strides = array<i32>} : memref<80x128xf32, #tpu.memory_space<vmem>>, vector<16xf32>,
        %mul3A_722 = arith.mulf %get3A_721, %gather3A_661 : vector<16xf32>
        %add3A_723 = arith.constant 2 : i32
        %add3A_724 = arith.addi %mul3A_474, %add3A_723 : i32
        %swap3A_725 = arith.index_cast %add3A_724 : i32 to index
        %swap3A_726 = arith.constant 80 : index
        %swap3A_727 = tpu.vector_load %arg18[%swap3A_725, %swap3A_726] {strides = array<i32>} : memref<80x128xf32, #tpu.memory_space<vmem>>, vector<16xf32>,
        tpu.vector_store %arg18[%swap3A_725, %swap3A_726], %mul3A_722 {strides = array<i32>} : memref<80x128xf32, #tpu.memory_space<vmem>>, vector<16xf32>,
        %add3A_728 = arith.constant 2 : i32
        %add3A_729 = arith.addi %mul3A_474, %add3A_728 : i32
        %get3A_730 = arith.index_cast %add3A_729 : i32 to index
        %get3A_731 = arith.constant 96 : index
        %get3A_732 = tpu.vector_load %arg18[%get3A_730, %get3A_731] {strides = array<i32>} : memref<80x128xf32, #tpu.memory_space<vmem>>, vector<16xf32>,
        %mul3A_733 = arith.mulf %get3A_732, %gather3A_661 : vector<16xf32>
        %add3A_734 = arith.constant 2 : i32
        %add3A_735 = arith.addi %mul3A_474, %add3A_734 : i32
        %swap3A_736 = arith.index_cast %add3A_735 : i32 to index
        %swap3A_737 = arith.constant 96 : index
        %swap3A_738 = tpu.vector_load %arg18[%swap3A_736, %swap3A_737] {strides = array<i32>} : memref<80x128xf32, #tpu.memory_space<vmem>>, vector<16xf32>,
        tpu.vector_store %arg18[%swap3A_736, %swap3A_737], %mul3A_733 {strides = array<i32>} : memref<80x128xf32, #tpu.memory_space<vmem>>, vector<16xf32>,
        %add3A_739 = arith.constant 2 : i32
        %add3A_740 = arith.addi %mul3A_474, %add3A_739 : i32
        %get3A_741 = arith.index_cast %add3A_740 : i32 to index
        %get3A_742 = arith.constant 112 : index
        %get3A_743 = tpu.vector_load %arg18[%get3A_741, %get3A_742] {strides = array<i32>} : memref<80x128xf32, #tpu.memory_space<vmem>>, vector<16xf32>,
        %mul3A_744 = arith.mulf %get3A_743, %gather3A_661 : vector<16xf32>
        %add3A_745 = arith.constant 2 : i32
        %add3A_746 = arith.addi %mul3A_474, %add3A_745 : i32
        %swap3A_747 = arith.index_cast %add3A_746 : i32 to index
        %swap3A_748 = arith.constant 112 : index
        %swap3A_749 = tpu.vector_load %arg18[%swap3A_747, %swap3A_748] {strides = array<i32>} : memref<80x128xf32, #tpu.memory_space<vmem>>, vector<16xf32>,
        tpu.vector_store %arg18[%swap3A_747, %swap3A_748], %mul3A_744 {strides = array<i32>} : memref<80x128xf32, #tpu.memory_space<vmem>>, vector<16xf32>,
        %add3A_750 = arith.constant 3 : i32
        %add3A_751 = arith.addi %mul3A_474, %add3A_750 : i32
        %broadcast_in_dim3A_752 = vector.broadcast %add3A_751 : i32 to vector<16xi32>
        %gather3A_753 = tpu.vector_load_idx %arg22[%broadcast_in_dim3A_752] : memref<80xf32, #tpu.memory_space<vmem>>[vector<16xi32>], vector<16xf32>,
        %add3A_754 = arith.constant 3 : i32
        %add3A_755 = arith.addi %mul3A_474, %add3A_754 : i32
        %get3A_756 = arith.index_cast %add3A_755 : i32 to index
        %get3A_757 = arith.constant 0 : index
        %get3A_758 = tpu.vector_load %arg18[%get3A_756, %get3A_757] {strides = array<i32>} : memref<80x128xf32, #tpu.memory_space<vmem>>, vector<16xf32>,
        %mul3A_759 = arith.mulf %get3A_758, %gather3A_753 : vector<16xf32>
        %add3A_760 = arith.constant 3 : i32
        %add3A_761 = arith.addi %mul3A_474, %add3A_760 : i32
        %swap3A_762 = arith.index_cast %add3A_761 : i32 to index
        %swap3A_763 = arith.constant 0 : index
        %swap3A_764 = tpu.vector_load %arg18[%swap3A_762, %swap3A_763] {strides = array<i32>} : memref<80x128xf32, #tpu.memory_space<vmem>>, vector<16xf32>,
        tpu.vector_store %arg18[%swap3A_762, %swap3A_763], %mul3A_759 {strides = array<i32>} : memref<80x128xf32, #tpu.memory_space<vmem>>, vector<16xf32>,
        %add3A_765 = arith.constant 3 : i32
        %add3A_766 = arith.addi %mul3A_474, %add3A_765 : i32
        %get3A_767 = arith.index_cast %add3A_766 : i32 to index
        %get3A_768 = arith.constant 16 : index
        %get3A_769 = tpu.vector_load %arg18[%get3A_767, %get3A_768] {strides = array<i32>} : memref<80x128xf32, #tpu.memory_space<vmem>>, vector<16xf32>,
        %mul3A_770 = arith.mulf %get3A_769, %gather3A_753 : vector<16xf32>
        %add3A_771 = arith.constant 3 : i32
        %add3A_772 = arith.addi %mul3A_474, %add3A_771 : i32
        %swap3A_773 = arith.index_cast %add3A_772 : i32 to index
        %swap3A_774 = arith.constant 16 : index
        %swap3A_775 = tpu.vector_load %arg18[%swap3A_773, %swap3A_774] {strides = array<i32>} : memref<80x128xf32, #tpu.memory_space<vmem>>, vector<16xf32>,
        tpu.vector_store %arg18[%swap3A_773, %swap3A_774], %mul3A_770 {strides = array<i32>} : memref<80x128xf32, #tpu.memory_space<vmem>>, vector<16xf32>,
        %add3A_776 = arith.constant 3 : i32
        %add3A_777 = arith.addi %mul3A_474, %add3A_776 : i32
        %get3A_778 = arith.index_cast %add3A_777 : i32 to index
        %get3A_779 = arith.constant 32 : index
        %get3A_780 = tpu.vector_load %arg18[%get3A_778, %get3A_779] {strides = array<i32>} : memref<80x128xf32, #tpu.memory_space<vmem>>, vector<16xf32>,
        %mul3A_781 = arith.mulf %get3A_780, %gather3A_753 : vector<16xf32>
        %add3A_782 = arith.constant 3 : i32
        %add3A_783 = arith.addi %mul3A_474, %add3A_782 : i32
        %swap3A_784 = arith.index_cast %add3A_783 : i32 to index
        %swap3A_785 = arith.constant 32 : index
        %swap3A_786 = tpu.vector_load %arg18[%swap3A_784, %swap3A_785] {strides = array<i32>} : memref<80x128xf32, #tpu.memory_space<vmem>>, vector<16xf32>,
        tpu.vector_store %arg18[%swap3A_784, %swap3A_785], %mul3A_781 {strides = array<i32>} : memref<80x128xf32, #tpu.memory_space<vmem>>, vector<16xf32>,
        %add3A_787 = arith.constant 3 : i32
        %add3A_788 = arith.addi %mul3A_474, %add3A_787 : i32
        %get3A_789 = arith.index_cast %add3A_788 : i32 to index
        %get3A_790 = arith.constant 48 : index
        %get3A_791 = tpu.vector_load %arg18[%get3A_789, %get3A_790] {strides = array<i32>} : memref<80x128xf32, #tpu.memory_space<vmem>>, vector<16xf32>,
        %mul3A_792 = arith.mulf %get3A_791, %gather3A_753 : vector<16xf32>
        %add3A_793 = arith.constant 3 : i32
        %add3A_794 = arith.addi %mul3A_474, %add3A_793 : i32
        %swap3A_795 = arith.index_cast %add3A_794 : i32 to index
        %swap3A_796 = arith.constant 48 : index
        %swap3A_797 = tpu.vector_load %arg18[%swap3A_795, %swap3A_796] {strides = array<i32>} : memref<80x128xf32, #tpu.memory_space<vmem>>, vector<16xf32>,
        tpu.vector_store %arg18[%swap3A_795, %swap3A_796], %mul3A_792 {strides = array<i32>} : memref<80x128xf32, #tpu.memory_space<vmem>>, vector<16xf32>,
        %add3A_798 = arith.constant 3 : i32
        %add3A_799 = arith.addi %mul3A_474, %add3A_798 : i32
        %get3A_800 = arith.index_cast %add3A_799 : i32 to index
        %get3A_801 = arith.constant 64 : index
        %get3A_802 = tpu.vector_load %arg18[%get3A_800, %get3A_801] {strides = array<i32>} : memref<80x128xf32, #tpu.memory_space<vmem>>, vector<16xf32>,
        %mul3A_803 = arith.mulf %get3A_802, %gather3A_753 : vector<16xf32>
        %add3A_804 = arith.constant 3 : i32
        %add3A_805 = arith.addi %mul3A_474, %add3A_804 : i32
        %swap3A_806 = arith.index_cast %add3A_805 : i32 to index
        %swap3A_807 = arith.constant 64 : index
        %swap3A_808 = tpu.vector_load %arg18[%swap3A_806, %swap3A_807] {strides = array<i32>} : memref<80x128xf32, #tpu.memory_space<vmem>>, vector<16xf32>,
        tpu.vector_store %arg18[%swap3A_806, %swap3A_807], %mul3A_803 {strides = array<i32>} : memref<80x128xf32, #tpu.memory_space<vmem>>, vector<16xf32>,
        %add3A_809 = arith.constant 3 : i32
        %add3A_810 = arith.addi %mul3A_474, %add3A_809 : i32
        %get3A_811 = arith.index_cast %add3A_810 : i32 to index
        %get3A_812 = arith.constant 80 : index
        %get3A_813 = tpu.vector_load %arg18[%get3A_811, %get3A_812] {strides = array<i32>} : memref<80x128xf32, #tpu.memory_space<vmem>>, vector<16xf32>,
        %mul3A_814 = arith.mulf %get3A_813, %gather3A_753 : vector<16xf32>
        %add3A_815 = arith.constant 3 : i32
        %add3A_816 = arith.addi %mul3A_474, %add3A_815 : i32
        %swap3A_817 = arith.index_cast %add3A_816 : i32 to index
        %swap3A_818 = arith.constant 80 : index
        %swap3A_819 = tpu.vector_load %arg18[%swap3A_817, %swap3A_818] {strides = array<i32>} : memref<80x128xf32, #tpu.memory_space<vmem>>, vector<16xf32>,
        tpu.vector_store %arg18[%swap3A_817, %swap3A_818], %mul3A_814 {strides = array<i32>} : memref<80x128xf32, #tpu.memory_space<vmem>>, vector<16xf32>,
        %add3A_820 = arith.constant 3 : i32
        %add3A_821 = arith.addi %mul3A_474, %add3A_820 : i32
        %get3A_822 = arith.index_cast %add3A_821 : i32 to index
        %get3A_823 = arith.constant 96 : index
        %get3A_824 = tpu.vector_load %arg18[%get3A_822, %get3A_823] {strides = array<i32>} : memref<80x128xf32, #tpu.memory_space<vmem>>, vector<16xf32>,
        %mul3A_825 = arith.mulf %get3A_824, %gather3A_753 : vector<16xf32>
        %add3A_826 = arith.constant 3 : i32
        %add3A_827 = arith.addi %mul3A_474, %add3A_826 : i32
        %swap3A_828 = arith.index_cast %add3A_827 : i32 to index
        %swap3A_829 = arith.constant 96 : index
        %swap3A_830 = tpu.vector_load %arg18[%swap3A_828, %swap3A_829] {strides = array<i32>} : memref<80x128xf32, #tpu.memory_space<vmem>>, vector<16xf32>,
        tpu.vector_store %arg18[%swap3A_828, %swap3A_829], %mul3A_825 {strides = array<i32>} : memref<80x128xf32, #tpu.memory_space<vmem>>, vector<16xf32>,
        %add3A_831 = arith.constant 3 : i32
        %add3A_832 = arith.addi %mul3A_474, %add3A_831 : i32
        %get3A_833 = arith.index_cast %add3A_832 : i32 to index
        %get3A_834 = arith.constant 112 : index
        %get3A_835 = tpu.vector_load %arg18[%get3A_833, %get3A_834] {strides = array<i32>} : memref<80x128xf32, #tpu.memory_space<vmem>>, vector<16xf32>,
        %mul3A_836 = arith.mulf %get3A_835, %gather3A_753 : vector<16xf32>
        %add3A_837 = arith.constant 3 : i32
        %add3A_838 = arith.addi %mul3A_474, %add3A_837 : i32
        %swap3A_839 = arith.index_cast %add3A_838 : i32 to index
        %swap3A_840 = arith.constant 112 : index
        %swap3A_841 = tpu.vector_load %arg18[%swap3A_839, %swap3A_840] {strides = array<i32>} : memref<80x128xf32, #tpu.memory_space<vmem>>, vector<16xf32>,
        tpu.vector_store %arg18[%swap3A_839, %swap3A_840], %mul3A_836 {strides = array<i32>} : memref<80x128xf32, #tpu.memory_space<vmem>>, vector<16xf32>,
        %scan3A_842 = arith.constant 0 : i32
        scf.yield %scan3A_842 : i32
      }
      %scan3A_466 = arith.constant 20 : i32
      %dma_start3A_467 = arith.constant 0 : i32
      %dma_start3A_468 = arith.constant 0 : i32
      %dma_start3A_469 = tpu.memref_slice %arg9[%dma_start3A_467, %dma_start3A_468] : memref<10000x128xf32, #tpu.memory_space<vmem_shared>> -> memref<10000x128xf32, #tpu.memory_space<vmem_shared>>
      tpu.enqueue_indirect_dma source(%arg18 : memref<80x128xf32, #tpu.memory_space<vmem>>) target(%dma_start3A_469 : memref<10000x128xf32, #tpu.memory_space<vmem_shared>>) offsets(%arg20 : memref<80xi32, #tpu.memory_space<vmem>>) semaphore(%arg24 : memref<!tpu.dma_semaphore, #tpu.memory_space<semaphore_mem>>) {add = true}
      %scan3A_470 = arith.constant 0 : i32
      scf.yield %scan3A_470 : i32
    }
    %scan3A_72 = arith.constant 62 : i32
    %dma_wait3A = arith.constant 0 : i32
    %dma_wait3A_73 = arith.constant 0 : i32
    %dma_wait3A_74 = tpu.memref_slice %arg6[%dma_wait3A, %dma_wait3A_73] : memref<10000x128xf32, #tpu.memory_space<hbm>> -> memref<10000x128xf32, #tpu.memory_space<hbm>>
    tpu.wait_indirect_dma semaphore(%arg16 : memref<!tpu.dma_semaphore, #tpu.memory_space<semaphore_mem>>) src(%dma_wait3A_74 : memref<10000x128xf32, #tpu.memory_space<hbm>>) dst(%arg11 : memref<80x128xf32, #tpu.memory_space<vmem>>)
    %dma_wait3A_75 = arith.constant 0 : i32
    %dma_wait3A_76 = arith.constant 0 : i32
    %dma_wait3A_77 = tpu.memref_slice %arg9[%dma_wait3A_75, %dma_wait3A_76] : memref<10000x128xf32, #tpu.memory_space<vmem_shared>> -> memref<10000x128xf32, #tpu.memory_space<vmem_shared>>
    tpu.wait_indirect_dma semaphore(%arg24 : memref<!tpu.dma_semaphore, #tpu.memory_space<semaphore_mem>>) src(%arg18 : memref<80x128xf32, #tpu.memory_space<vmem>>) dst(%dma_wait3A_77 : memref<10000x128xf32, #tpu.memory_space<vmem_shared>>)
    %get3A = arith.constant 0 : index
    %get3A_78 = tpu.vector_load %arg12[%get3A] {strides = array<i32>} : memref<80xi32, #tpu.memory_space<vmem>>, vector<16xi32>,
    %get3A_79 = arith.constant 0 : index
    %get3A_80 = tpu.vector_load %arg13[%get3A_79] {strides = array<i32>} : memref<80xi32, #tpu.memory_space<vmem>>, vector<16xi32>,
    %gather3A = tpu.vector_load_idx %arg10[%get3A_78] : memref<10000xf32, #tpu.memory_space<vmem>>[vector<16xi32>], vector<16xf32>,
    %gather3A_81 = tpu.vector_load_idx %arg10[%get3A_80] : memref<10000xf32, #tpu.memory_space<vmem>>[vector<16xi32>], vector<16xf32>,
    %get3A_82 = arith.constant 0 : index
    %get3A_83 = tpu.vector_load %arg14[%get3A_82] {strides = array<i32>} : memref<80xf32, #tpu.memory_space<vmem>>, vector<16xf32>,
    %mul3A_84 = arith.mulf %gather3A, %get3A_83 : vector<16xf32>
    %mul3A_85 = arith.mulf %mul3A_84, %gather3A_81 : vector<16xf32>
    %swap3A = arith.constant 0 : index
    %swap3A_86 = tpu.vector_load %arg15[%swap3A] {strides = array<i32>} : memref<80xf32, #tpu.memory_space<vmem>>, vector<16xf32>,
    tpu.vector_store %arg15[%swap3A], %mul3A_85 {strides = array<i32>} : memref<80xf32, #tpu.memory_space<vmem>>, vector<16xf32>,
    %get3A_87 = arith.constant 16 : index
    %get3A_88 = tpu.vector_load %arg12[%get3A_87] {strides = array<i32>} : memref<80xi32, #tpu.memory_space<vmem>>, vector<16xi32>,
    %get3A_89 = arith.constant 16 : index
    %get3A_90 = tpu.vector_load %arg13[%get3A_89] {strides = array<i32>} : memref<80xi32, #tpu.memory_space<vmem>>, vector<16xi32>,
    %gather3A_91 = tpu.vector_load_idx %arg10[%get3A_88] : memref<10000xf32, #tpu.memory_space<vmem>>[vector<16xi32>], vector<16xf32>,
    %gather3A_92 = tpu.vector_load_idx %arg10[%get3A_90] : memref<10000xf32, #tpu.memory_space<vmem>>[vector<16xi32>], vector<16xf32>,
    %get3A_93 = arith.constant 16 : index
    %get3A_94 = tpu.vector_load %arg14[%get3A_93] {strides = array<i32>} : memref<80xf32, #tpu.memory_space<vmem>>, vector<16xf32>,
    %mul3A_95 = arith.mulf %gather3A_91, %get3A_94 : vector<16xf32>
    %mul3A_96 = arith.mulf %mul3A_95, %gather3A_92 : vector<16xf32>
    %swap3A_97 = arith.constant 16 : index
    %swap3A_98 = tpu.vector_load %arg15[%swap3A_97] {strides = array<i32>} : memref<80xf32, #tpu.memory_space<vmem>>, vector<16xf32>,
    tpu.vector_store %arg15[%swap3A_97], %mul3A_96 {strides = array<i32>} : memref<80xf32, #tpu.memory_space<vmem>>, vector<16xf32>,
    %get3A_99 = arith.constant 32 : index
    %get3A_100 = tpu.vector_load %arg12[%get3A_99] {strides = array<i32>} : memref<80xi32, #tpu.memory_space<vmem>>, vector<16xi32>,
    %get3A_101 = arith.constant 32 : index
    %get3A_102 = tpu.vector_load %arg13[%get3A_101] {strides = array<i32>} : memref<80xi32, #tpu.memory_space<vmem>>, vector<16xi32>,
    %gather3A_103 = tpu.vector_load_idx %arg10[%get3A_100] : memref<10000xf32, #tpu.memory_space<vmem>>[vector<16xi32>], vector<16xf32>,
    %gather3A_104 = tpu.vector_load_idx %arg10[%get3A_102] : memref<10000xf32, #tpu.memory_space<vmem>>[vector<16xi32>], vector<16xf32>,
    %get3A_105 = arith.constant 32 : index
    %get3A_106 = tpu.vector_load %arg14[%get3A_105] {strides = array<i32>} : memref<80xf32, #tpu.memory_space<vmem>>, vector<16xf32>,
    %mul3A_107 = arith.mulf %gather3A_103, %get3A_106 : vector<16xf32>
    %mul3A_108 = arith.mulf %mul3A_107, %gather3A_104 : vector<16xf32>
    %swap3A_109 = arith.constant 32 : index
    %swap3A_110 = tpu.vector_load %arg15[%swap3A_109] {strides = array<i32>} : memref<80xf32, #tpu.memory_space<vmem>>, vector<16xf32>,
    tpu.vector_store %arg15[%swap3A_109], %mul3A_108 {strides = array<i32>} : memref<80xf32, #tpu.memory_space<vmem>>, vector<16xf32>,
    %get3A_111 = arith.constant 48 : index
    %get3A_112 = tpu.vector_load %arg12[%get3A_111] {strides = array<i32>} : memref<80xi32, #tpu.memory_space<vmem>>, vector<16xi32>,
    %get3A_113 = arith.constant 48 : index
    %get3A_114 = tpu.vector_load %arg13[%get3A_113] {strides = array<i32>} : memref<80xi32, #tpu.memory_space<vmem>>, vector<16xi32>,
    %gather3A_115 = tpu.vector_load_idx %arg10[%get3A_112] : memref<10000xf32, #tpu.memory_space<vmem>>[vector<16xi32>], vector<16xf32>,
    %gather3A_116 = tpu.vector_load_idx %arg10[%get3A_114] : memref<10000xf32, #tpu.memory_space<vmem>>[vector<16xi32>], vector<16xf32>,
    %get3A_117 = arith.constant 48 : index
    %get3A_118 = tpu.vector_load %arg14[%get3A_117] {strides = array<i32>} : memref<80xf32, #tpu.memory_space<vmem>>, vector<16xf32>,
    %mul3A_119 = arith.mulf %gather3A_115, %get3A_118 : vector<16xf32>
    %mul3A_120 = arith.mulf %mul3A_119, %gather3A_116 : vector<16xf32>
    %swap3A_121 = arith.constant 48 : index
    %swap3A_122 = tpu.vector_load %arg15[%swap3A_121] {strides = array<i32>} : memref<80xf32, #tpu.memory_space<vmem>>, vector<16xf32>,
    tpu.vector_store %arg15[%swap3A_121], %mul3A_120 {strides = array<i32>} : memref<80xf32, #tpu.memory_space<vmem>>, vector<16xf32>,
    %get3A_123 = arith.constant 64 : index
    %get3A_124 = tpu.vector_load %arg12[%get3A_123] {strides = array<i32>} : memref<80xi32, #tpu.memory_space<vmem>>, vector<16xi32>,
    %get3A_125 = arith.constant 64 : index
    %get3A_126 = tpu.vector_load %arg13[%get3A_125] {strides = array<i32>} : memref<80xi32, #tpu.memory_space<vmem>>, vector<16xi32>,
    %gather3A_127 = tpu.vector_load_idx %arg10[%get3A_124] : memref<10000xf32, #tpu.memory_space<vmem>>[vector<16xi32>], vector<16xf32>,
    %gather3A_128 = tpu.vector_load_idx %arg10[%get3A_126] : memref<10000xf32, #tpu.memory_space<vmem>>[vector<16xi32>], vector<16xf32>,
    %get3A_129 = arith.constant 64 : index
    %get3A_130 = tpu.vector_load %arg14[%get3A_129] {strides = array<i32>} : memref<80xf32, #tpu.memory_space<vmem>>, vector<16xf32>,
    %mul3A_131 = arith.mulf %gather3A_127, %get3A_130 : vector<16xf32>
    %mul3A_132 = arith.mulf %mul3A_131, %gather3A_128 : vector<16xf32>
    %swap3A_133 = arith.constant 64 : index
    %swap3A_134 = tpu.vector_load %arg15[%swap3A_133] {strides = array<i32>} : memref<80xf32, #tpu.memory_space<vmem>>, vector<16xf32>,
    tpu.vector_store %arg15[%swap3A_133], %mul3A_132 {strides = array<i32>} : memref<80xf32, #tpu.memory_space<vmem>>, vector<16xf32>,
    %scan3A_135 = arith.constant 0 : i32
    %scan3A_136 = arith.constant 0 : i32
    %scan3A_137 = arith.constant 20 : i32
    %scan3A_138 = arith.addi %scan3A_136, %scan3A_137 : i32
    %scan3A_139 = arith.constant 1 : i32
    %scan3A_140 = scf.for %scan3A_291 = %scan3A_136 to %scan3A_138 step %scan3A_139 iter_args(%scan3A_292 = %scan3A_135) -> (i32)  : i32 {
      %mul3A_293 = arith.constant 4 : i32
      %mul3A_294 = arith.muli %mul3A_293, %scan3A_291 : i32
      %add3A_295 = arith.constant 0 : i32
      %add3A_296 = arith.addi %mul3A_294, %add3A_295 : i32
      %broadcast_in_dim3A = vector.broadcast %add3A_296 : i32 to vector<16xi32>
      %gather3A_297 = tpu.vector_load_idx %arg15[%broadcast_in_dim3A] : memref<80xf32, #tpu.memory_space<vmem>>[vector<16xi32>], vector<16xf32>,
      %add3A_298 = arith.constant 0 : i32
      %add3A_299 = arith.addi %mul3A_294, %add3A_298 : i32
      %get3A_300 = arith.index_cast %add3A_299 : i32 to index
      %get3A_301 = arith.constant 0 : index
      %get3A_302 = tpu.vector_load %arg11[%get3A_300, %get3A_301] {strides = array<i32>} : memref<80x128xf32, #tpu.memory_space<vmem>>, vector<16xf32>,
      %mul3A_303 = arith.mulf %get3A_302, %gather3A_297 : vector<16xf32>
      %add3A_304 = arith.constant 0 : i32
      %add3A_305 = arith.addi %mul3A_294, %add3A_304 : i32
      %swap3A_306 = arith.index_cast %add3A_305 : i32 to index
      %swap3A_307 = arith.constant 0 : index
      %swap3A_308 = tpu.vector_load %arg11[%swap3A_306, %swap3A_307] {strides = array<i32>} : memref<80x128xf32, #tpu.memory_space<vmem>>, vector<16xf32>,
      tpu.vector_store %arg11[%swap3A_306, %swap3A_307], %mul3A_303 {strides = array<i32>} : memref<80x128xf32, #tpu.memory_space<vmem>>, vector<16xf32>,
      %add3A_309 = arith.constant 0 : i32
      %add3A_310 = arith.addi %mul3A_294, %add3A_309 : i32
      %get3A_311 = arith.index_cast %add3A_310 : i32 to index
      %get3A_312 = arith.constant 16 : index
      %get3A_313 = tpu.vector_load %arg11[%get3A_311, %get3A_312] {strides = array<i32>} : memref<80x128xf32, #tpu.memory_space<vmem>>, vector<16xf32>,
      %mul3A_314 = arith.mulf %get3A_313, %gather3A_297 : vector<16xf32>
      %add3A_315 = arith.constant 0 : i32
      %add3A_316 = arith.addi %mul3A_294, %add3A_315 : i32
      %swap3A_317 = arith.index_cast %add3A_316 : i32 to index
      %swap3A_318 = arith.constant 16 : index
      %swap3A_319 = tpu.vector_load %arg11[%swap3A_317, %swap3A_318] {strides = array<i32>} : memref<80x128xf32, #tpu.memory_space<vmem>>, vector<16xf32>,
      tpu.vector_store %arg11[%swap3A_317, %swap3A_318], %mul3A_314 {strides = array<i32>} : memref<80x128xf32, #tpu.memory_space<vmem>>, vector<16xf32>,
      %add3A_320 = arith.constant 0 : i32
      %add3A_321 = arith.addi %mul3A_294, %add3A_320 : i32
      %get3A_322 = arith.index_cast %add3A_321 : i32 to index
      %get3A_323 = arith.constant 32 : index
      %get3A_324 = tpu.vector_load %arg11[%get3A_322, %get3A_323] {strides = array<i32>} : memref<80x128xf32, #tpu.memory_space<vmem>>, vector<16xf32>,
      %mul3A_325 = arith.mulf %get3A_324, %gather3A_297 : vector<16xf32>
      %add3A_326 = arith.constant 0 : i32
      %add3A_327 = arith.addi %mul3A_294, %add3A_326 : i32
      %swap3A_328 = arith.index_cast %add3A_327 : i32 to index
      %swap3A_329 = arith.constant 32 : index
      %swap3A_330 = tpu.vector_load %arg11[%swap3A_328, %swap3A_329] {strides = array<i32>} : memref<80x128xf32, #tpu.memory_space<vmem>>, vector<16xf32>,
      tpu.vector_store %arg11[%swap3A_328, %swap3A_329], %mul3A_325 {strides = array<i32>} : memref<80x128xf32, #tpu.memory_space<vmem>>, vector<16xf32>,
      %add3A_331 = arith.constant 0 : i32
      %add3A_332 = arith.addi %mul3A_294, %add3A_331 : i32
      %get3A_333 = arith.index_cast %add3A_332 : i32 to index
      %get3A_334 = arith.constant 48 : index
      %get3A_335 = tpu.vector_load %arg11[%get3A_333, %get3A_334] {strides = array<i32>} : memref<80x128xf32, #tpu.memory_space<vmem>>, vector<16xf32>,
      %mul3A_336 = arith.mulf %get3A_335, %gather3A_297 : vector<16xf32>
      %add3A_337 = arith.constant 0 : i32
      %add3A_338 = arith.addi %mul3A_294, %add3A_337 : i32
      %swap3A_339 = arith.index_cast %add3A_338 : i32 to index
      %swap3A_340 = arith.constant 48 : index
      %swap3A_341 = tpu.vector_load %arg11[%swap3A_339, %swap3A_340] {strides = array<i32>} : memref<80x128xf32, #tpu.memory_space<vmem>>, vector<16xf32>,
      tpu.vector_store %arg11[%swap3A_339, %swap3A_340], %mul3A_336 {strides = array<i32>} : memref<80x128xf32, #tpu.memory_space<vmem>>, vector<16xf32>,
      %add3A_342 = arith.constant 0 : i32
      %add3A_343 = arith.addi %mul3A_294, %add3A_342 : i32
      %get3A_344 = arith.index_cast %add3A_343 : i32 to index
      %get3A_345 = arith.constant 64 : index
      %get3A_346 = tpu.vector_load %arg11[%get3A_344, %get3A_345] {strides = array<i32>} : memref<80x128xf32, #tpu.memory_space<vmem>>, vector<16xf32>,
      %mul3A_347 = arith.mulf %get3A_346, %gather3A_297 : vector<16xf32>
      %add3A_348 = arith.constant 0 : i32
      %add3A_349 = arith.addi %mul3A_294, %add3A_348 : i32
      %swap3A_350 = arith.index_cast %add3A_349 : i32 to index
      %swap3A_351 = arith.constant 64 : index
      %swap3A_352 = tpu.vector_load %arg11[%swap3A_350, %swap3A_351] {strides = array<i32>} : memref<80x128xf32, #tpu.memory_space<vmem>>, vector<16xf32>,
      tpu.vector_store %arg11[%swap3A_350, %swap3A_351], %mul3A_347 {strides = array<i32>} : memref<80x128xf32, #tpu.memory_space<vmem>>, vector<16xf32>,
      %add3A_353 = arith.constant 0 : i32
      %add3A_354 = arith.addi %mul3A_294, %add3A_353 : i32
      %get3A_355 = arith.index_cast %add3A_354 : i32 to index
      %get3A_356 = arith.constant 80 : index
      %get3A_357 = tpu.vector_load %arg11[%get3A_355, %get3A_356] {strides = array<i32>} : memref<80x128xf32, #tpu.memory_space<vmem>>, vector<16xf32>,
      %mul3A_358 = arith.mulf %get3A_357, %gather3A_297 : vector<16xf32>
      %add3A_359 = arith.constant 0 : i32
      %add3A_360 = arith.addi %mul3A_294, %add3A_359 : i32
      %swap3A_361 = arith.index_cast %add3A_360 : i32 to index
      %swap3A_362 = arith.constant 80 : index
      %swap3A_363 = tpu.vector_load %arg11[%swap3A_361, %swap3A_362] {strides = array<i32>} : memref<80x128xf32, #tpu.memory_space<vmem>>, vector<16xf32>,
      tpu.vector_store %arg11[%swap3A_361, %swap3A_362], %mul3A_358 {strides = array<i32>} : memref<80x128xf32, #tpu.memory_space<vmem>>, vector<16xf32>,
      %add3A_364 = arith.constant 0 : i32
      %add3A_365 = arith.addi %mul3A_294, %add3A_364 : i32
      %get3A_366 = arith.index_cast %add3A_365 : i32 to index
      %get3A_367 = arith.constant 96 : index
      %get3A_368 = tpu.vector_load %arg11[%get3A_366, %get3A_367] {strides = array<i32>} : memref<80x128xf32, #tpu.memory_space<vmem>>, vector<16xf32>,
      %mul3A_369 = arith.mulf %get3A_368, %gather3A_297 : vector<16xf32>
      %add3A_370 = arith.constant 0 : i32
      %add3A_371 = arith.addi %mul3A_294, %add3A_370 : i32
      %swap3A_372 = arith.index_cast %add3A_371 : i32 to index
      %swap3A_373 = arith.constant 96 : index
      %swap3A_374 = tpu.vector_load %arg11[%swap3A_372, %swap3A_373] {strides = array<i32>} : memref<80x128xf32, #tpu.memory_space<vmem>>, vector<16xf32>,
      tpu.vector_store %arg11[%swap3A_372, %swap3A_373], %mul3A_369 {strides = array<i32>} : memref<80x128xf32, #tpu.memory_space<vmem>>, vector<16xf32>,
      %add3A_375 = arith.constant 0 : i32
      %add3A_376 = arith.addi %mul3A_294, %add3A_375 : i32
      %get3A_377 = arith.index_cast %add3A_376 : i32 to index
      %get3A_378 = arith.constant 112 : index
      %get3A_379 = tpu.vector_load %arg11[%get3A_377, %get3A_378] {strides = array<i32>} : memref<80x128xf32, #tpu.memory_space<vmem>>, vector<16xf32>,
      %mul3A_380 = arith.mulf %get3A_379, %gather3A_297 : vector<16xf32>
      %add3A_381 = arith.constant 0 : i32
      %add3A_382 = arith.addi %mul3A_294, %add3A_381 : i32
      %swap3A_383 = arith.index_cast %add3A_382 : i32 to index
      %swap3A_384 = arith.constant 112 : index
      %swap3A_385 = tpu.vector_load %arg11[%swap3A_383, %swap3A_384] {strides = array<i32>} : memref<80x128xf32, #tpu.memory_space<vmem>>, vector<16xf32>,
      tpu.vector_store %arg11[%swap3A_383, %swap3A_384], %mul3A_380 {strides = array<i32>} : memref<80x128xf32, #tpu.memory_space<vmem>>, vector<16xf32>,
      %add3A_386 = arith.constant 1 : i32
      %add3A_387 = arith.addi %mul3A_294, %add3A_386 : i32
      %broadcast_in_dim3A_388 = vector.broadcast %add3A_387 : i32 to vector<16xi32>
      %gather3A_389 = tpu.vector_load_idx %arg15[%broadcast_in_dim3A_388] : memref<80xf32, #tpu.memory_space<vmem>>[vector<16xi32>], vector<16xf32>,
      %add3A_390 = arith.constant 1 : i32
      %add3A_391 = arith.addi %mul3A_294, %add3A_390 : i32
      %get3A_392 = arith.index_cast %add3A_391 : i32 to index
      %get3A_393 = arith.constant 0 : index
      %get3A_394 = tpu.vector_load %arg11[%get3A_392, %get3A_393] {strides = array<i32>} : memref<80x128xf32, #tpu.memory_space<vmem>>, vector<16xf32>,
      %mul3A_395 = arith.mulf %get3A_394, %gather3A_389 : vector<16xf32>
      %add3A_396 = arith.constant 1 : i32
      %add3A_397 = arith.addi %mul3A_294, %add3A_396 : i32
      %swap3A_398 = arith.index_cast %add3A_397 : i32 to index
      %swap3A_399 = arith.constant 0 : index
      %swap3A_400 = tpu.vector_load %arg11[%swap3A_398, %swap3A_399] {strides = array<i32>} : memref<80x128xf32, #tpu.memory_space<vmem>>, vector<16xf32>,
      tpu.vector_store %arg11[%swap3A_398, %swap3A_399], %mul3A_395 {strides = array<i32>} : memref<80x128xf32, #tpu.memory_space<vmem>>, vector<16xf32>,
      %add3A_401 = arith.constant 1 : i32
      %add3A_402 = arith.addi %mul3A_294, %add3A_401 : i32
      %get3A_403 = arith.index_cast %add3A_402 : i32 to index
      %get3A_404 = arith.constant 16 : index
      %get3A_405 = tpu.vector_load %arg11[%get3A_403, %get3A_404] {strides = array<i32>} : memref<80x128xf32, #tpu.memory_space<vmem>>, vector<16xf32>,
      %mul3A_406 = arith.mulf %get3A_405, %gather3A_389 : vector<16xf32>
      %add3A_407 = arith.constant 1 : i32
      %add3A_408 = arith.addi %mul3A_294, %add3A_407 : i32
      %swap3A_409 = arith.index_cast %add3A_408 : i32 to index
      %swap3A_410 = arith.constant 16 : index
      %swap3A_411 = tpu.vector_load %arg11[%swap3A_409, %swap3A_410] {strides = array<i32>} : memref<80x128xf32, #tpu.memory_space<vmem>>, vector<16xf32>,
      tpu.vector_store %arg11[%swap3A_409, %swap3A_410], %mul3A_406 {strides = array<i32>} : memref<80x128xf32, #tpu.memory_space<vmem>>, vector<16xf32>,
      %add3A_412 = arith.constant 1 : i32
      %add3A_413 = arith.addi %mul3A_294, %add3A_412 : i32
      %get3A_414 = arith.index_cast %add3A_413 : i32 to index
      %get3A_415 = arith.constant 32 : index
      %get3A_416 = tpu.vector_load %arg11[%get3A_414, %get3A_415] {strides = array<i32>} : memref<80x128xf32, #tpu.memory_space<vmem>>, vector<16xf32>,
      %mul3A_417 = arith.mulf %get3A_416, %gather3A_389 : vector<16xf32>
      %add3A_418 = arith.constant 1 : i32
      %add3A_419 = arith.addi %mul3A_294, %add3A_418 : i32
      %swap3A_420 = arith.index_cast %add3A_419 : i32 to index
      %swap3A_421 = arith.constant 32 : index
      %swap3A_422 = tpu.vector_load %arg11[%swap3A_420, %swap3A_421] {strides = array<i32>} : memref<80x128xf32, #tpu.memory_space<vmem>>, vector<16xf32>,
      tpu.vector_store %arg11[%swap3A_420, %swap3A_421], %mul3A_417 {strides = array<i32>} : memref<80x128xf32, #tpu.memory_space<vmem>>, vector<16xf32>,
      %add3A_423 = arith.constant 1 : i32
      %add3A_424 = arith.addi %mul3A_294, %add3A_423 : i32
      %get3A_425 = arith.index_cast %add3A_424 : i32 to index
      %get3A_426 = arith.constant 48 : index
      %get3A_427 = tpu.vector_load %arg11[%get3A_425, %get3A_426] {strides = array<i32>} : memref<80x128xf32, #tpu.memory_space<vmem>>, vector<16xf32>,
      %mul3A_428 = arith.mulf %get3A_427, %gather3A_389 : vector<16xf32>
      %add3A_429 = arith.constant 1 : i32
      %add3A_430 = arith.addi %mul3A_294, %add3A_429 : i32
      %swap3A_431 = arith.index_cast %add3A_430 : i32 to index
      %swap3A_432 = arith.constant 48 : index
      %swap3A_433 = tpu.vector_load %arg11[%swap3A_431, %swap3A_432] {strides = array<i32>} : memref<80x128xf32, #tpu.memory_space<vmem>>, vector<16xf32>,
      tpu.vector_store %arg11[%swap3A_431, %swap3A_432], %mul3A_428 {strides = array<i32>} : memref<80x128xf32, #tpu.memory_space<vmem>>, vector<16xf32>,
      %add3A_434 = arith.constant 1 : i32
      %add3A_435 = arith.addi %mul3A_294, %add3A_434 : i32
      %get3A_436 = arith.index_cast %add3A_435 : i32 to index
      %get3A_437 = arith.constant 64 : index
      %get3A_438 = tpu.vector_load %arg11[%get3A_436, %get3A_437] {strides = array<i32>} : memref<80x128xf32, #tpu.memory_space<vmem>>, vector<16xf32>,
      %mul3A_439 = arith.mulf %get3A_438, %gather3A_389 : vector<16xf32>
      %add3A_440 = arith.constant 1 : i32
      %add3A_441 = arith.addi %mul3A_294, %add3A_440 : i32
      %swap3A_442 = arith.index_cast %add3A_441 : i32 to index
      %swap3A_443 = arith.constant 64 : index
      %swap3A_444 = tpu.vector_load %arg11[%swap3A_442, %swap3A_443] {strides = array<i32>} : memref<80x128xf32, #tpu.memory_space<vmem>>, vector<16xf32>,
      tpu.vector_store %arg11[%swap3A_442, %swap3A_443], %mul3A_439 {strides = array<i32>} : memref<80x128xf32, #tpu.memory_space<vmem>>, vector<16xf32>,
      %add3A_445 = arith.constant 1 : i32
      %add3A_446 = arith.addi %mul3A_294, %add3A_445 : i32
      %get3A_447 = arith.index_cast %add3A_446 : i32 to index
      %get3A_448 = arith.constant 80 : index
      %get3A_449 = tpu.vector_load %arg11[%get3A_447, %get3A_448] {strides = array<i32>} : memref<80x128xf32, #tpu.memory_space<vmem>>, vector<16xf32>,
      %mul3A_450 = arith.mulf %get3A_449, %gather3A_389 : vector<16xf32>
      %add3A_451 = arith.constant 1 : i32
      %add3A_452 = arith.addi %mul3A_294, %add3A_451 : i32
      %swap3A_453 = arith.index_cast %add3A_452 : i32 to index
      %swap3A_454 = arith.constant 80 : index
      %swap3A_455 = tpu.vector_load %arg11[%swap3A_453, %swap3A_454] {strides = array<i32>} : memref<80x128xf32, #tpu.memory_space<vmem>>, vector<16xf32>,
      tpu.vector_store %arg11[%swap3A_453, %swap3A_454], %mul3A_450 {strides = array<i32>} : memref<80x128xf32, #tpu.memory_space<vmem>>, vector<16xf32>,
      %add3A_456 = arith.constant 1 : i32
      %add3A_457 = arith.addi %mul3A_294, %add3A_456 : i32
      %get3A_458 = arith.index_cast %add3A_457 : i32 to index
      %get3A_459 = arith.constant 96 : index
      %get3A_460 = tpu.vector_load %arg11[%get3A_458, %get3A_459] {strides = array<i32>} : memref<80x128xf32, #tpu.memory_space<vmem>>, vector<16xf32>,
      %mul3A_461 = arith.mulf %get3A_460, %gather3A_389 : vector<16xf32>
      %add3A_462 = arith.constant 1 : i32
      %add3A_463 = arith.addi %mul3A_294, %add3A_462 : i32
      %swap3A_464 = arith.index_cast %add3A_463 : i32 to index
      %swap3A_465 = arith.constant 96 : index
      %swap3A_466 = tpu.vector_load %arg11[%swap3A_464, %swap3A_465] {strides = array<i32>} : memref<80x128xf32, #tpu.memory_space<vmem>>, vector<16xf32>,
      tpu.vector_store %arg11[%swap3A_464, %swap3A_465], %mul3A_461 {strides = array<i32>} : memref<80x128xf32, #tpu.memory_space<vmem>>, vector<16xf32>,
      %add3A_467 = arith.constant 1 : i32
      %add3A_468 = arith.addi %mul3A_294, %add3A_467 : i32
      %get3A_469 = arith.index_cast %add3A_468 : i32 to index
      %get3A_470 = arith.constant 112 : index
      %get3A_471 = tpu.vector_load %arg11[%get3A_469, %get3A_470] {strides = array<i32>} : memref<80x128xf32, #tpu.memory_space<vmem>>, vector<16xf32>,
      %mul3A_472 = arith.mulf %get3A_471, %gather3A_389 : vector<16xf32>
      %add3A_473 = arith.constant 1 : i32
      %add3A_474 = arith.addi %mul3A_294, %add3A_473 : i32
      %swap3A_475 = arith.index_cast %add3A_474 : i32 to index
      %swap3A_476 = arith.constant 112 : index
      %swap3A_477 = tpu.vector_load %arg11[%swap3A_475, %swap3A_476] {strides = array<i32>} : memref<80x128xf32, #tpu.memory_space<vmem>>, vector<16xf32>,
      tpu.vector_store %arg11[%swap3A_475, %swap3A_476], %mul3A_472 {strides = array<i32>} : memref<80x128xf32, #tpu.memory_space<vmem>>, vector<16xf32>,
      %add3A_478 = arith.constant 2 : i32
      %add3A_479 = arith.addi %mul3A_294, %add3A_478 : i32
      %broadcast_in_dim3A_480 = vector.broadcast %add3A_479 : i32 to vector<16xi32>
      %gather3A_481 = tpu.vector_load_idx %arg15[%broadcast_in_dim3A_480] : memref<80xf32, #tpu.memory_space<vmem>>[vector<16xi32>], vector<16xf32>,
      %add3A_482 = arith.constant 2 : i32
      %add3A_483 = arith.addi %mul3A_294, %add3A_482 : i32
      %get3A_484 = arith.index_cast %add3A_483 : i32 to index
      %get3A_485 = arith.constant 0 : index
      %get3A_486 = tpu.vector_load %arg11[%get3A_484, %get3A_485] {strides = array<i32>} : memref<80x128xf32, #tpu.memory_space<vmem>>, vector<16xf32>,
      %mul3A_487 = arith.mulf %get3A_486, %gather3A_481 : vector<16xf32>
      %add3A_488 = arith.constant 2 : i32
      %add3A_489 = arith.addi %mul3A_294, %add3A_488 : i32
      %swap3A_490 = arith.index_cast %add3A_489 : i32 to index
      %swap3A_491 = arith.constant 0 : index
      %swap3A_492 = tpu.vector_load %arg11[%swap3A_490, %swap3A_491] {strides = array<i32>} : memref<80x128xf32, #tpu.memory_space<vmem>>, vector<16xf32>,
      tpu.vector_store %arg11[%swap3A_490, %swap3A_491], %mul3A_487 {strides = array<i32>} : memref<80x128xf32, #tpu.memory_space<vmem>>, vector<16xf32>,
      %add3A_493 = arith.constant 2 : i32
      %add3A_494 = arith.addi %mul3A_294, %add3A_493 : i32
      %get3A_495 = arith.index_cast %add3A_494 : i32 to index
      %get3A_496 = arith.constant 16 : index
      %get3A_497 = tpu.vector_load %arg11[%get3A_495, %get3A_496] {strides = array<i32>} : memref<80x128xf32, #tpu.memory_space<vmem>>, vector<16xf32>,
      %mul3A_498 = arith.mulf %get3A_497, %gather3A_481 : vector<16xf32>
      %add3A_499 = arith.constant 2 : i32
      %add3A_500 = arith.addi %mul3A_294, %add3A_499 : i32
      %swap3A_501 = arith.index_cast %add3A_500 : i32 to index
      %swap3A_502 = arith.constant 16 : index
      %swap3A_503 = tpu.vector_load %arg11[%swap3A_501, %swap3A_502] {strides = array<i32>} : memref<80x128xf32, #tpu.memory_space<vmem>>, vector<16xf32>,
      tpu.vector_store %arg11[%swap3A_501, %swap3A_502], %mul3A_498 {strides = array<i32>} : memref<80x128xf32, #tpu.memory_space<vmem>>, vector<16xf32>,
      %add3A_504 = arith.constant 2 : i32
      %add3A_505 = arith.addi %mul3A_294, %add3A_504 : i32
      %get3A_506 = arith.index_cast %add3A_505 : i32 to index
      %get3A_507 = arith.constant 32 : index
      %get3A_508 = tpu.vector_load %arg11[%get3A_506, %get3A_507] {strides = array<i32>} : memref<80x128xf32, #tpu.memory_space<vmem>>, vector<16xf32>,
      %mul3A_509 = arith.mulf %get3A_508, %gather3A_481 : vector<16xf32>
      %add3A_510 = arith.constant 2 : i32
      %add3A_511 = arith.addi %mul3A_294, %add3A_510 : i32
      %swap3A_512 = arith.index_cast %add3A_511 : i32 to index
      %swap3A_513 = arith.constant 32 : index
      %swap3A_514 = tpu.vector_load %arg11[%swap3A_512, %swap3A_513] {strides = array<i32>} : memref<80x128xf32, #tpu.memory_space<vmem>>, vector<16xf32>,
      tpu.vector_store %arg11[%swap3A_512, %swap3A_513], %mul3A_509 {strides = array<i32>} : memref<80x128xf32, #tpu.memory_space<vmem>>, vector<16xf32>,
      %add3A_515 = arith.constant 2 : i32
      %add3A_516 = arith.addi %mul3A_294, %add3A_515 : i32
      %get3A_517 = arith.index_cast %add3A_516 : i32 to index
      %get3A_518 = arith.constant 48 : index
      %get3A_519 = tpu.vector_load %arg11[%get3A_517, %get3A_518] {strides = array<i32>} : memref<80x128xf32, #tpu.memory_space<vmem>>, vector<16xf32>,
      %mul3A_520 = arith.mulf %get3A_519, %gather3A_481 : vector<16xf32>
      %add3A_521 = arith.constant 2 : i32
      %add3A_522 = arith.addi %mul3A_294, %add3A_521 : i32
      %swap3A_523 = arith.index_cast %add3A_522 : i32 to index
      %swap3A_524 = arith.constant 48 : index
      %swap3A_525 = tpu.vector_load %arg11[%swap3A_523, %swap3A_524] {strides = array<i32>} : memref<80x128xf32, #tpu.memory_space<vmem>>, vector<16xf32>,
      tpu.vector_store %arg11[%swap3A_523, %swap3A_524], %mul3A_520 {strides = array<i32>} : memref<80x128xf32, #tpu.memory_space<vmem>>, vector<16xf32>,
      %add3A_526 = arith.constant 2 : i32
      %add3A_527 = arith.addi %mul3A_294, %add3A_526 : i32
      %get3A_528 = arith.index_cast %add3A_527 : i32 to index
      %get3A_529 = arith.constant 64 : index
      %get3A_530 = tpu.vector_load %arg11[%get3A_528, %get3A_529] {strides = array<i32>} : memref<80x128xf32, #tpu.memory_space<vmem>>, vector<16xf32>,
      %mul3A_531 = arith.mulf %get3A_530, %gather3A_481 : vector<16xf32>
      %add3A_532 = arith.constant 2 : i32
      %add3A_533 = arith.addi %mul3A_294, %add3A_532 : i32
      %swap3A_534 = arith.index_cast %add3A_533 : i32 to index
      %swap3A_535 = arith.constant 64 : index
      %swap3A_536 = tpu.vector_load %arg11[%swap3A_534, %swap3A_535] {strides = array<i32>} : memref<80x128xf32, #tpu.memory_space<vmem>>, vector<16xf32>,
      tpu.vector_store %arg11[%swap3A_534, %swap3A_535], %mul3A_531 {strides = array<i32>} : memref<80x128xf32, #tpu.memory_space<vmem>>, vector<16xf32>,
      %add3A_537 = arith.constant 2 : i32
      %add3A_538 = arith.addi %mul3A_294, %add3A_537 : i32
      %get3A_539 = arith.index_cast %add3A_538 : i32 to index
      %get3A_540 = arith.constant 80 : index
      %get3A_541 = tpu.vector_load %arg11[%get3A_539, %get3A_540] {strides = array<i32>} : memref<80x128xf32, #tpu.memory_space<vmem>>, vector<16xf32>,
      %mul3A_542 = arith.mulf %get3A_541, %gather3A_481 : vector<16xf32>
      %add3A_543 = arith.constant 2 : i32
      %add3A_544 = arith.addi %mul3A_294, %add3A_543 : i32
      %swap3A_545 = arith.index_cast %add3A_544 : i32 to index
      %swap3A_546 = arith.constant 80 : index
      %swap3A_547 = tpu.vector_load %arg11[%swap3A_545, %swap3A_546] {strides = array<i32>} : memref<80x128xf32, #tpu.memory_space<vmem>>, vector<16xf32>,
      tpu.vector_store %arg11[%swap3A_545, %swap3A_546], %mul3A_542 {strides = array<i32>} : memref<80x128xf32, #tpu.memory_space<vmem>>, vector<16xf32>,
      %add3A_548 = arith.constant 2 : i32
      %add3A_549 = arith.addi %mul3A_294, %add3A_548 : i32
      %get3A_550 = arith.index_cast %add3A_549 : i32 to index
      %get3A_551 = arith.constant 96 : index
      %get3A_552 = tpu.vector_load %arg11[%get3A_550, %get3A_551] {strides = array<i32>} : memref<80x128xf32, #tpu.memory_space<vmem>>, vector<16xf32>,
      %mul3A_553 = arith.mulf %get3A_552, %gather3A_481 : vector<16xf32>
      %add3A_554 = arith.constant 2 : i32
      %add3A_555 = arith.addi %mul3A_294, %add3A_554 : i32
      %swap3A_556 = arith.index_cast %add3A_555 : i32 to index
      %swap3A_557 = arith.constant 96 : index
      %swap3A_558 = tpu.vector_load %arg11[%swap3A_556, %swap3A_557] {strides = array<i32>} : memref<80x128xf32, #tpu.memory_space<vmem>>, vector<16xf32>,
      tpu.vector_store %arg11[%swap3A_556, %swap3A_557], %mul3A_553 {strides = array<i32>} : memref<80x128xf32, #tpu.memory_space<vmem>>, vector<16xf32>,
      %add3A_559 = arith.constant 2 : i32
      %add3A_560 = arith.addi %mul3A_294, %add3A_559 : i32
      %get3A_561 = arith.index_cast %add3A_560 : i32 to index
      %get3A_562 = arith.constant 112 : index
      %get3A_563 = tpu.vector_load %arg11[%get3A_561, %get3A_562] {strides = array<i32>} : memref<80x128xf32, #tpu.memory_space<vmem>>, vector<16xf32>,
      %mul3A_564 = arith.mulf %get3A_563, %gather3A_481 : vector<16xf32>
      %add3A_565 = arith.constant 2 : i32
      %add3A_566 = arith.addi %mul3A_294, %add3A_565 : i32
      %swap3A_567 = arith.index_cast %add3A_566 : i32 to index
      %swap3A_568 = arith.constant 112 : index
      %swap3A_569 = tpu.vector_load %arg11[%swap3A_567, %swap3A_568] {strides = array<i32>} : memref<80x128xf32, #tpu.memory_space<vmem>>, vector<16xf32>,
      tpu.vector_store %arg11[%swap3A_567, %swap3A_568], %mul3A_564 {strides = array<i32>} : memref<80x128xf32, #tpu.memory_space<vmem>>, vector<16xf32>,
      %add3A_570 = arith.constant 3 : i32
      %add3A_571 = arith.addi %mul3A_294, %add3A_570 : i32
      %broadcast_in_dim3A_572 = vector.broadcast %add3A_571 : i32 to vector<16xi32>
      %gather3A_573 = tpu.vector_load_idx %arg15[%broadcast_in_dim3A_572] : memref<80xf32, #tpu.memory_space<vmem>>[vector<16xi32>], vector<16xf32>,
      %add3A_574 = arith.constant 3 : i32
      %add3A_575 = arith.addi %mul3A_294, %add3A_574 : i32
      %get3A_576 = arith.index_cast %add3A_575 : i32 to index
      %get3A_577 = arith.constant 0 : index
      %get3A_578 = tpu.vector_load %arg11[%get3A_576, %get3A_577] {strides = array<i32>} : memref<80x128xf32, #tpu.memory_space<vmem>>, vector<16xf32>,
      %mul3A_579 = arith.mulf %get3A_578, %gather3A_573 : vector<16xf32>
      %add3A_580 = arith.constant 3 : i32
      %add3A_581 = arith.addi %mul3A_294, %add3A_580 : i32
      %swap3A_582 = arith.index_cast %add3A_581 : i32 to index
      %swap3A_583 = arith.constant 0 : index
      %swap3A_584 = tpu.vector_load %arg11[%swap3A_582, %swap3A_583] {strides = array<i32>} : memref<80x128xf32, #tpu.memory_space<vmem>>, vector<16xf32>,
      tpu.vector_store %arg11[%swap3A_582, %swap3A_583], %mul3A_579 {strides = array<i32>} : memref<80x128xf32, #tpu.memory_space<vmem>>, vector<16xf32>,
      %add3A_585 = arith.constant 3 : i32
      %add3A_586 = arith.addi %mul3A_294, %add3A_585 : i32
      %get3A_587 = arith.index_cast %add3A_586 : i32 to index
      %get3A_588 = arith.constant 16 : index
      %get3A_589 = tpu.vector_load %arg11[%get3A_587, %get3A_588] {strides = array<i32>} : memref<80x128xf32, #tpu.memory_space<vmem>>, vector<16xf32>,
      %mul3A_590 = arith.mulf %get3A_589, %gather3A_573 : vector<16xf32>
      %add3A_591 = arith.constant 3 : i32
      %add3A_592 = arith.addi %mul3A_294, %add3A_591 : i32
      %swap3A_593 = arith.index_cast %add3A_592 : i32 to index
      %swap3A_594 = arith.constant 16 : index
      %swap3A_595 = tpu.vector_load %arg11[%swap3A_593, %swap3A_594] {strides = array<i32>} : memref<80x128xf32, #tpu.memory_space<vmem>>, vector<16xf32>,
      tpu.vector_store %arg11[%swap3A_593, %swap3A_594], %mul3A_590 {strides = array<i32>} : memref<80x128xf32, #tpu.memory_space<vmem>>, vector<16xf32>,
      %add3A_596 = arith.constant 3 : i32
      %add3A_597 = arith.addi %mul3A_294, %add3A_596 : i32
      %get3A_598 = arith.index_cast %add3A_597 : i32 to index
      %get3A_599 = arith.constant 32 : index
      %get3A_600 = tpu.vector_load %arg11[%get3A_598, %get3A_599] {strides = array<i32>} : memref<80x128xf32, #tpu.memory_space<vmem>>, vector<16xf32>,
      %mul3A_601 = arith.mulf %get3A_600, %gather3A_573 : vector<16xf32>
      %add3A_602 = arith.constant 3 : i32
      %add3A_603 = arith.addi %mul3A_294, %add3A_602 : i32
      %swap3A_604 = arith.index_cast %add3A_603 : i32 to index
      %swap3A_605 = arith.constant 32 : index
      %swap3A_606 = tpu.vector_load %arg11[%swap3A_604, %swap3A_605] {strides = array<i32>} : memref<80x128xf32, #tpu.memory_space<vmem>>, vector<16xf32>,
      tpu.vector_store %arg11[%swap3A_604, %swap3A_605], %mul3A_601 {strides = array<i32>} : memref<80x128xf32, #tpu.memory_space<vmem>>, vector<16xf32>,
      %add3A_607 = arith.constant 3 : i32
      %add3A_608 = arith.addi %mul3A_294, %add3A_607 : i32
      %get3A_609 = arith.index_cast %add3A_608 : i32 to index
      %get3A_610 = arith.constant 48 : index
      %get3A_611 = tpu.vector_load %arg11[%get3A_609, %get3A_610] {strides = array<i32>} : memref<80x128xf32, #tpu.memory_space<vmem>>, vector<16xf32>,
      %mul3A_612 = arith.mulf %get3A_611, %gather3A_573 : vector<16xf32>
      %add3A_613 = arith.constant 3 : i32
      %add3A_614 = arith.addi %mul3A_294, %add3A_613 : i32
      %swap3A_615 = arith.index_cast %add3A_614 : i32 to index
      %swap3A_616 = arith.constant 48 : index
      %swap3A_617 = tpu.vector_load %arg11[%swap3A_615, %swap3A_616] {strides = array<i32>} : memref<80x128xf32, #tpu.memory_space<vmem>>, vector<16xf32>,
      tpu.vector_store %arg11[%swap3A_615, %swap3A_616], %mul3A_612 {strides = array<i32>} : memref<80x128xf32, #tpu.memory_space<vmem>>, vector<16xf32>,
      %add3A_618 = arith.constant 3 : i32
      %add3A_619 = arith.addi %mul3A_294, %add3A_618 : i32
      %get3A_620 = arith.index_cast %add3A_619 : i32 to index
      %get3A_621 = arith.constant 64 : index
      %get3A_622 = tpu.vector_load %arg11[%get3A_620, %get3A_621] {strides = array<i32>} : memref<80x128xf32, #tpu.memory_space<vmem>>, vector<16xf32>,
      %mul3A_623 = arith.mulf %get3A_622, %gather3A_573 : vector<16xf32>
      %add3A_624 = arith.constant 3 : i32
      %add3A_625 = arith.addi %mul3A_294, %add3A_624 : i32
      %swap3A_626 = arith.index_cast %add3A_625 : i32 to index
      %swap3A_627 = arith.constant 64 : index
      %swap3A_628 = tpu.vector_load %arg11[%swap3A_626, %swap3A_627] {strides = array<i32>} : memref<80x128xf32, #tpu.memory_space<vmem>>, vector<16xf32>,
      tpu.vector_store %arg11[%swap3A_626, %swap3A_627], %mul3A_623 {strides = array<i32>} : memref<80x128xf32, #tpu.memory_space<vmem>>, vector<16xf32>,
      %add3A_629 = arith.constant 3 : i32
      %add3A_630 = arith.addi %mul3A_294, %add3A_629 : i32
      %get3A_631 = arith.index_cast %add3A_630 : i32 to index
      %get3A_632 = arith.constant 80 : index
      %get3A_633 = tpu.vector_load %arg11[%get3A_631, %get3A_632] {strides = array<i32>} : memref<80x128xf32, #tpu.memory_space<vmem>>, vector<16xf32>,
      %mul3A_634 = arith.mulf %get3A_633, %gather3A_573 : vector<16xf32>
      %add3A_635 = arith.constant 3 : i32
      %add3A_636 = arith.addi %mul3A_294, %add3A_635 : i32
      %swap3A_637 = arith.index_cast %add3A_636 : i32 to index
      %swap3A_638 = arith.constant 80 : index
      %swap3A_639 = tpu.vector_load %arg11[%swap3A_637, %swap3A_638] {strides = array<i32>} : memref<80x128xf32, #tpu.memory_space<vmem>>, vector<16xf32>,
      tpu.vector_store %arg11[%swap3A_637, %swap3A_638], %mul3A_634 {strides = array<i32>} : memref<80x128xf32, #tpu.memory_space<vmem>>, vector<16xf32>,
      %add3A_640 = arith.constant 3 : i32
      %add3A_641 = arith.addi %mul3A_294, %add3A_640 : i32
      %get3A_642 = arith.index_cast %add3A_641 : i32 to index
      %get3A_643 = arith.constant 96 : index
      %get3A_644 = tpu.vector_load %arg11[%get3A_642, %get3A_643] {strides = array<i32>} : memref<80x128xf32, #tpu.memory_space<vmem>>, vector<16xf32>,
      %mul3A_645 = arith.mulf %get3A_644, %gather3A_573 : vector<16xf32>
      %add3A_646 = arith.constant 3 : i32
      %add3A_647 = arith.addi %mul3A_294, %add3A_646 : i32
      %swap3A_648 = arith.index_cast %add3A_647 : i32 to index
      %swap3A_649 = arith.constant 96 : index
      %swap3A_650 = tpu.vector_load %arg11[%swap3A_648, %swap3A_649] {strides = array<i32>} : memref<80x128xf32, #tpu.memory_space<vmem>>, vector<16xf32>,
      tpu.vector_store %arg11[%swap3A_648, %swap3A_649], %mul3A_645 {strides = array<i32>} : memref<80x128xf32, #tpu.memory_space<vmem>>, vector<16xf32>,
      %add3A_651 = arith.constant 3 : i32
      %add3A_652 = arith.addi %mul3A_294, %add3A_651 : i32
      %get3A_653 = arith.index_cast %add3A_652 : i32 to index
      %get3A_654 = arith.constant 112 : index
      %get3A_655 = tpu.vector_load %arg11[%get3A_653, %get3A_654] {strides = array<i32>} : memref<80x128xf32, #tpu.memory_space<vmem>>, vector<16xf32>,
      %mul3A_656 = arith.mulf %get3A_655, %gather3A_573 : vector<16xf32>
      %add3A_657 = arith.constant 3 : i32
      %add3A_658 = arith.addi %mul3A_294, %add3A_657 : i32
      %swap3A_659 = arith.index_cast %add3A_658 : i32 to index
      %swap3A_660 = arith.constant 112 : index
      %swap3A_661 = tpu.vector_load %arg11[%swap3A_659, %swap3A_660] {strides = array<i32>} : memref<80x128xf32, #tpu.memory_space<vmem>>, vector<16xf32>,
      tpu.vector_store %arg11[%swap3A_659, %swap3A_660], %mul3A_656 {strides = array<i32>} : memref<80x128xf32, #tpu.memory_space<vmem>>, vector<16xf32>,
      %scan3A_662 = arith.constant 0 : i32
      scf.yield %scan3A_662 : i32
    }
    %scan3A_141 = arith.constant 20 : i32
    %dma_start3A_142 = arith.constant 0 : i32
    %dma_start3A_143 = arith.constant 0 : i32
    %dma_start3A_144 = tpu.memref_slice %arg9[%dma_start3A_142, %dma_start3A_143] : memref<10000x128xf32, #tpu.memory_space<vmem_shared>> -> memref<10000x128xf32, #tpu.memory_space<vmem_shared>>
    tpu.enqueue_indirect_dma source(%arg11 : memref<80x128xf32, #tpu.memory_space<vmem>>) target(%dma_start3A_144 : memref<10000x128xf32, #tpu.memory_space<vmem_shared>>) offsets(%arg13 : memref<80xi32, #tpu.memory_space<vmem>>) semaphore(%arg17 : memref<!tpu.dma_semaphore, #tpu.memory_space<semaphore_mem>>) {add = true}
    %dma_wait3A_145 = arith.constant 0 : i32
    %dma_wait3A_146 = arith.constant 0 : i32
    %dma_wait3A_147 = tpu.memref_slice %arg9[%dma_wait3A_145, %dma_wait3A_146] : memref<10000x128xf32, #tpu.memory_space<vmem_shared>> -> memref<10000x128xf32, #tpu.memory_space<vmem_shared>>
    tpu.wait_indirect_dma semaphore(%arg17 : memref<!tpu.dma_semaphore, #tpu.memory_space<semaphore_mem>>) src(%arg11 : memref<80x128xf32, #tpu.memory_space<vmem>>) dst(%dma_wait3A_147 : memref<10000x128xf32, #tpu.memory_space<vmem_shared>>)
    %barrier3A_148 = arith.constant 0 : index
    tpu.barrier barrier_id(%barrier3A_148)
    %add3A_149 = arith.constant 0 : i32
    %add3A_150 = arith.addi %arg1, %add3A_149 : i32
    %eq3A = arith.constant 0 : i32
    %eq3A_151 = arith.cmpi eq, %arg0, %eq3A : i32
    %lt3A_152 = arith.constant 125 : i32
    %lt3A_153 = arith.cmpi slt, %add3A_150, %lt3A_152 : i32
    %and3A = arith.andi %eq3A_151, %lt3A_153 : i1
    %convert_element_type3A_154 = arith.extui %and3A : i1 to i32
    %cond3A_155 = arith.constant 0 : i32
    %cond3A_156 = arith.cmpi ne, %convert_element_type3A_154, %cond3A_155 : i32
    scf.if %cond3A_156 {
      %mul3A_291 = arith.constant 80 : i32
      %mul3A_292 = arith.muli %add3A_150, %mul3A_291 : i32
      "tpu.region"() ({
        %run_scoped3A = tpu.sem_alloc : memref<!tpu.dma_semaphore, #tpu.memory_space<semaphore_mem>>
        %dma_start3A_293 = arith.constant 0 : i32
        %dma_start3A_294 = tpu.memref_slice %arg7[%mul3A_292, %dma_start3A_293] : memref<10000x128xf32, #tpu.memory_space<hbm>> -> memref<80x128xf32, #tpu.memory_space<hbm>>
        %dma_start3A_295 = arith.constant 0 : i32
        %dma_start3A_296 = tpu.memref_slice %arg9[%mul3A_292, %dma_start3A_295] : memref<10000x128xf32, #tpu.memory_space<vmem_shared>> -> memref<80x128xf32, #tpu.memory_space<vmem_shared>>
        tpu.enqueue_dma source(%dma_start3A_296 : memref<80x128xf32, #tpu.memory_space<vmem_shared>>) target(%dma_start3A_294 : memref<80x128xf32, #tpu.memory_space<hbm>>) target_semaphore(%run_scoped3A : memref<!tpu.dma_semaphore, #tpu.memory_space<semaphore_mem>>)
        %dma_wait3A_297 = arith.constant 0 : i32
        %dma_wait3A_298 = tpu.memref_slice %arg7[%mul3A_292, %dma_wait3A_297] : memref<10000x128xf32, #tpu.memory_space<hbm>> -> memref<80x128xf32, #tpu.memory_space<hbm>>
        %dma_wait3A_299 = arith.constant 0 : i32
        %dma_wait3A_300 = tpu.memref_slice %arg9[%mul3A_292, %dma_wait3A_299] : memref<10000x128xf32, #tpu.memory_space<vmem_shared>> -> memref<80x128xf32, #tpu.memory_space<vmem_shared>>
        tpu.wait_dma2 semaphore(%run_scoped3A : memref<!tpu.dma_semaphore, #tpu.memory_space<semaphore_mem>>) src(%dma_wait3A_300 : memref<80x128xf32, #tpu.memory_space<vmem_shared>>) dst(%dma_wait3A_298 : memref<80x128xf32, #tpu.memory_space<hbm>>)
        tpu.yield
      }) : () -> ()
    } else {
    }
    %eq3A_157 = arith.constant 1 : i32
    %eq3A_158 = arith.cmpi eq, %arg0, %eq3A_157 : i32
    %lt3A_159 = arith.constant 125 : i32
    %lt3A_160 = arith.cmpi slt, %add3A_150, %lt3A_159 : i32
    %and3A_161 = arith.andi %eq3A_158, %lt3A_160 : i1
    %convert_element_type3A_162 = arith.extui %and3A_161 : i1 to i32
    %cond3A_163 = arith.constant 0 : i32
    %cond3A_164 = arith.cmpi ne, %convert_element_type3A_162, %cond3A_163 : i32
    scf.if %cond3A_164 {
      %mul3A_291 = arith.constant 80 : i32
      %mul3A_292 = arith.muli %add3A_150, %mul3A_291 : i32
      "tpu.region"() ({
        %run_scoped3A = tpu.sem_alloc : memref<!tpu.dma_semaphore, #tpu.memory_space<semaphore_mem>>
        %dma_start3A_293 = arith.constant 0 : i32
        %dma_start3A_294 = tpu.memref_slice %arg8[%mul3A_292, %dma_start3A_293] : memref<10000x128xf32, #tpu.memory_space<hbm>> -> memref<80x128xf32, #tpu.memory_space<hbm>>
        %dma_start3A_295 = arith.constant 0 : i32
        %dma_start3A_296 = tpu.memref_slice %arg9[%mul3A_292, %dma_start3A_295] : memref<10000x128xf32, #tpu.memory_space<vmem_shared>> -> memref<80x128xf32, #tpu.memory_space<vmem_shared>>
        tpu.enqueue_dma source(%dma_start3A_296 : memref<80x128xf32, #tpu.memory_space<vmem_shared>>) target(%dma_start3A_294 : memref<80x128xf32, #tpu.memory_space<hbm>>) target_semaphore(%run_scoped3A : memref<!tpu.dma_semaphore, #tpu.memory_space<semaphore_mem>>)
        %dma_wait3A_297 = arith.constant 0 : i32
        %dma_wait3A_298 = tpu.memref_slice %arg8[%mul3A_292, %dma_wait3A_297] : memref<10000x128xf32, #tpu.memory_space<hbm>> -> memref<80x128xf32, #tpu.memory_space<hbm>>
        %dma_wait3A_299 = arith.constant 0 : i32
        %dma_wait3A_300 = tpu.memref_slice %arg9[%mul3A_292, %dma_wait3A_299] : memref<10000x128xf32, #tpu.memory_space<vmem_shared>> -> memref<80x128xf32, #tpu.memory_space<vmem_shared>>
        tpu.wait_dma2 semaphore(%run_scoped3A : memref<!tpu.dma_semaphore, #tpu.memory_space<semaphore_mem>>) src(%dma_wait3A_300 : memref<80x128xf32, #tpu.memory_space<vmem_shared>>) dst(%dma_wait3A_298 : memref<80x128xf32, #tpu.memory_space<hbm>>)
        tpu.yield
      }) : () -> ()
    } else {
    }
    %add3A_165 = arith.constant 16 : i32
    %add3A_166 = arith.addi %arg1, %add3A_165 : i32
    %eq3A_167 = arith.constant 0 : i32
    %eq3A_168 = arith.cmpi eq, %arg0, %eq3A_167 : i32
    %lt3A_169 = arith.constant 125 : i32
    %lt3A_170 = arith.cmpi slt, %add3A_166, %lt3A_169 : i32
    %and3A_171 = arith.andi %eq3A_168, %lt3A_170 : i1
    %convert_element_type3A_172 = arith.extui %and3A_171 : i1 to i32
    %cond3A_173 = arith.constant 0 : i32
    %cond3A_174 = arith.cmpi ne, %convert_element_type3A_172, %cond3A_173 : i32
    scf.if %cond3A_174 {
      %mul3A_291 = arith.constant 80 : i32
      %mul3A_292 = arith.muli %add3A_166, %mul3A_291 : i32
      "tpu.region"() ({
        %run_scoped3A = tpu.sem_alloc : memref<!tpu.dma_semaphore, #tpu.memory_space<semaphore_mem>>
        %dma_start3A_293 = arith.constant 0 : i32
        %dma_start3A_294 = tpu.memref_slice %arg7[%mul3A_292, %dma_start3A_293] : memref<10000x128xf32, #tpu.memory_space<hbm>> -> memref<80x128xf32, #tpu.memory_space<hbm>>
        %dma_start3A_295 = arith.constant 0 : i32
        %dma_start3A_296 = tpu.memref_slice %arg9[%mul3A_292, %dma_start3A_295] : memref<10000x128xf32, #tpu.memory_space<vmem_shared>> -> memref<80x128xf32, #tpu.memory_space<vmem_shared>>
        tpu.enqueue_dma source(%dma_start3A_296 : memref<80x128xf32, #tpu.memory_space<vmem_shared>>) target(%dma_start3A_294 : memref<80x128xf32, #tpu.memory_space<hbm>>) target_semaphore(%run_scoped3A : memref<!tpu.dma_semaphore, #tpu.memory_space<semaphore_mem>>)
        %dma_wait3A_297 = arith.constant 0 : i32
        %dma_wait3A_298 = tpu.memref_slice %arg7[%mul3A_292, %dma_wait3A_297] : memref<10000x128xf32, #tpu.memory_space<hbm>> -> memref<80x128xf32, #tpu.memory_space<hbm>>
        %dma_wait3A_299 = arith.constant 0 : i32
        %dma_wait3A_300 = tpu.memref_slice %arg9[%mul3A_292, %dma_wait3A_299] : memref<10000x128xf32, #tpu.memory_space<vmem_shared>> -> memref<80x128xf32, #tpu.memory_space<vmem_shared>>
        tpu.wait_dma2 semaphore(%run_scoped3A : memref<!tpu.dma_semaphore, #tpu.memory_space<semaphore_mem>>) src(%dma_wait3A_300 : memref<80x128xf32, #tpu.memory_space<vmem_shared>>) dst(%dma_wait3A_298 : memref<80x128xf32, #tpu.memory_space<hbm>>)
        tpu.yield
      }) : () -> ()
    } else {
    }
    %eq3A_175 = arith.constant 1 : i32
    %eq3A_176 = arith.cmpi eq, %arg0, %eq3A_175 : i32
    %lt3A_177 = arith.constant 125 : i32
    %lt3A_178 = arith.cmpi slt, %add3A_166, %lt3A_177 : i32
    %and3A_179 = arith.andi %eq3A_176, %lt3A_178 : i1
    %convert_element_type3A_180 = arith.extui %and3A_179 : i1 to i32
    %cond3A_181 = arith.constant 0 : i32
    %cond3A_182 = arith.cmpi ne, %convert_element_type3A_180, %cond3A_181 : i32
    scf.if %cond3A_182 {
      %mul3A_291 = arith.constant 80 : i32
      %mul3A_292 = arith.muli %add3A_166, %mul3A_291 : i32
      "tpu.region"() ({
        %run_scoped3A = tpu.sem_alloc : memref<!tpu.dma_semaphore, #tpu.memory_space<semaphore_mem>>
        %dma_start3A_293 = arith.constant 0 : i32
        %dma_start3A_294 = tpu.memref_slice %arg8[%mul3A_292, %dma_start3A_293] : memref<10000x128xf32, #tpu.memory_space<hbm>> -> memref<80x128xf32, #tpu.memory_space<hbm>>
        %dma_start3A_295 = arith.constant 0 : i32
        %dma_start3A_296 = tpu.memref_slice %arg9[%mul3A_292, %dma_start3A_295] : memref<10000x128xf32, #tpu.memory_space<vmem_shared>> -> memref<80x128xf32, #tpu.memory_space<vmem_shared>>
        tpu.enqueue_dma source(%dma_start3A_296 : memref<80x128xf32, #tpu.memory_space<vmem_shared>>) target(%dma_start3A_294 : memref<80x128xf32, #tpu.memory_space<hbm>>) target_semaphore(%run_scoped3A : memref<!tpu.dma_semaphore, #tpu.memory_space<semaphore_mem>>)
        %dma_wait3A_297 = arith.constant 0 : i32
        %dma_wait3A_298 = tpu.memref_slice %arg8[%mul3A_292, %dma_wait3A_297] : memref<10000x128xf32, #tpu.memory_space<hbm>> -> memref<80x128xf32, #tpu.memory_space<hbm>>
        %dma_wait3A_299 = arith.constant 0 : i32
        %dma_wait3A_300 = tpu.memref_slice %arg9[%mul3A_292, %dma_wait3A_299] : memref<10000x128xf32, #tpu.memory_space<vmem_shared>> -> memref<80x128xf32, #tpu.memory_space<vmem_shared>>
        tpu.wait_dma2 semaphore(%run_scoped3A : memref<!tpu.dma_semaphore, #tpu.memory_space<semaphore_mem>>) src(%dma_wait3A_300 : memref<80x128xf32, #tpu.memory_space<vmem_shared>>) dst(%dma_wait3A_298 : memref<80x128xf32, #tpu.memory_space<hbm>>)
        tpu.yield
      }) : () -> ()
    } else {
    }
    %add3A_183 = arith.constant 32 : i32
    %add3A_184 = arith.addi %arg1, %add3A_183 : i32
    %eq3A_185 = arith.constant 0 : i32
    %eq3A_186 = arith.cmpi eq, %arg0, %eq3A_185 : i32
    %lt3A_187 = arith.constant 125 : i32
    %lt3A_188 = arith.cmpi slt, %add3A_184, %lt3A_187 : i32
    %and3A_189 = arith.andi %eq3A_186, %lt3A_188 : i1
    %convert_element_type3A_190 = arith.extui %and3A_189 : i1 to i32
    %cond3A_191 = arith.constant 0 : i32
    %cond3A_192 = arith.cmpi ne, %convert_element_type3A_190, %cond3A_191 : i32
    scf.if %cond3A_192 {
      %mul3A_291 = arith.constant 80 : i32
      %mul3A_292 = arith.muli %add3A_184, %mul3A_291 : i32
      "tpu.region"() ({
        %run_scoped3A = tpu.sem_alloc : memref<!tpu.dma_semaphore, #tpu.memory_space<semaphore_mem>>
        %dma_start3A_293 = arith.constant 0 : i32
        %dma_start3A_294 = tpu.memref_slice %arg7[%mul3A_292, %dma_start3A_293] : memref<10000x128xf32, #tpu.memory_space<hbm>> -> memref<80x128xf32, #tpu.memory_space<hbm>>
        %dma_start3A_295 = arith.constant 0 : i32
        %dma_start3A_296 = tpu.memref_slice %arg9[%mul3A_292, %dma_start3A_295] : memref<10000x128xf32, #tpu.memory_space<vmem_shared>> -> memref<80x128xf32, #tpu.memory_space<vmem_shared>>
        tpu.enqueue_dma source(%dma_start3A_296 : memref<80x128xf32, #tpu.memory_space<vmem_shared>>) target(%dma_start3A_294 : memref<80x128xf32, #tpu.memory_space<hbm>>) target_semaphore(%run_scoped3A : memref<!tpu.dma_semaphore, #tpu.memory_space<semaphore_mem>>)
        %dma_wait3A_297 = arith.constant 0 : i32
        %dma_wait3A_298 = tpu.memref_slice %arg7[%mul3A_292, %dma_wait3A_297] : memref<10000x128xf32, #tpu.memory_space<hbm>> -> memref<80x128xf32, #tpu.memory_space<hbm>>
        %dma_wait3A_299 = arith.constant 0 : i32
        %dma_wait3A_300 = tpu.memref_slice %arg9[%mul3A_292, %dma_wait3A_299] : memref<10000x128xf32, #tpu.memory_space<vmem_shared>> -> memref<80x128xf32, #tpu.memory_space<vmem_shared>>
        tpu.wait_dma2 semaphore(%run_scoped3A : memref<!tpu.dma_semaphore, #tpu.memory_space<semaphore_mem>>) src(%dma_wait3A_300 : memref<80x128xf32, #tpu.memory_space<vmem_shared>>) dst(%dma_wait3A_298 : memref<80x128xf32, #tpu.memory_space<hbm>>)
        tpu.yield
      }) : () -> ()
    } else {
    }
    %eq3A_193 = arith.constant 1 : i32
    %eq3A_194 = arith.cmpi eq, %arg0, %eq3A_193 : i32
    %lt3A_195 = arith.constant 125 : i32
    %lt3A_196 = arith.cmpi slt, %add3A_184, %lt3A_195 : i32
    %and3A_197 = arith.andi %eq3A_194, %lt3A_196 : i1
    %convert_element_type3A_198 = arith.extui %and3A_197 : i1 to i32
    %cond3A_199 = arith.constant 0 : i32
    %cond3A_200 = arith.cmpi ne, %convert_element_type3A_198, %cond3A_199 : i32
    scf.if %cond3A_200 {
      %mul3A_291 = arith.constant 80 : i32
      %mul3A_292 = arith.muli %add3A_184, %mul3A_291 : i32
      "tpu.region"() ({
        %run_scoped3A = tpu.sem_alloc : memref<!tpu.dma_semaphore, #tpu.memory_space<semaphore_mem>>
        %dma_start3A_293 = arith.constant 0 : i32
        %dma_start3A_294 = tpu.memref_slice %arg8[%mul3A_292, %dma_start3A_293] : memref<10000x128xf32, #tpu.memory_space<hbm>> -> memref<80x128xf32, #tpu.memory_space<hbm>>
        %dma_start3A_295 = arith.constant 0 : i32
        %dma_start3A_296 = tpu.memref_slice %arg9[%mul3A_292, %dma_start3A_295] : memref<10000x128xf32, #tpu.memory_space<vmem_shared>> -> memref<80x128xf32, #tpu.memory_space<vmem_shared>>
        tpu.enqueue_dma source(%dma_start3A_296 : memref<80x128xf32, #tpu.memory_space<vmem_shared>>) target(%dma_start3A_294 : memref<80x128xf32, #tpu.memory_space<hbm>>) target_semaphore(%run_scoped3A : memref<!tpu.dma_semaphore, #tpu.memory_space<semaphore_mem>>)
        %dma_wait3A_297 = arith.constant 0 : i32
        %dma_wait3A_298 = tpu.memref_slice %arg8[%mul3A_292, %dma_wait3A_297] : memref<10000x128xf32, #tpu.memory_space<hbm>> -> memref<80x128xf32, #tpu.memory_space<hbm>>
        %dma_wait3A_299 = arith.constant 0 : i32
        %dma_wait3A_300 = tpu.memref_slice %arg9[%mul3A_292, %dma_wait3A_299] : memref<10000x128xf32, #tpu.memory_space<vmem_shared>> -> memref<80x128xf32, #tpu.memory_space<vmem_shared>>
        tpu.wait_dma2 semaphore(%run_scoped3A : memref<!tpu.dma_semaphore, #tpu.memory_space<semaphore_mem>>) src(%dma_wait3A_300 : memref<80x128xf32, #tpu.memory_space<vmem_shared>>) dst(%dma_wait3A_298 : memref<80x128xf32, #tpu.memory_space<hbm>>)
        tpu.yield
      }) : () -> ()
    } else {
    }
    %add3A_201 = arith.constant 48 : i32
    %add3A_202 = arith.addi %arg1, %add3A_201 : i32
    %eq3A_203 = arith.constant 0 : i32
    %eq3A_204 = arith.cmpi eq, %arg0, %eq3A_203 : i32
    %lt3A_205 = arith.constant 125 : i32
    %lt3A_206 = arith.cmpi slt, %add3A_202, %lt3A_205 : i32
    %and3A_207 = arith.andi %eq3A_204, %lt3A_206 : i1
    %convert_element_type3A_208 = arith.extui %and3A_207 : i1 to i32
    %cond3A_209 = arith.constant 0 : i32
    %cond3A_210 = arith.cmpi ne, %convert_element_type3A_208, %cond3A_209 : i32
    scf.if %cond3A_210 {
      %mul3A_291 = arith.constant 80 : i32
      %mul3A_292 = arith.muli %add3A_202, %mul3A_291 : i32
      "tpu.region"() ({
        %run_scoped3A = tpu.sem_alloc : memref<!tpu.dma_semaphore, #tpu.memory_space<semaphore_mem>>
        %dma_start3A_293 = arith.constant 0 : i32
        %dma_start3A_294 = tpu.memref_slice %arg7[%mul3A_292, %dma_start3A_293] : memref<10000x128xf32, #tpu.memory_space<hbm>> -> memref<80x128xf32, #tpu.memory_space<hbm>>
        %dma_start3A_295 = arith.constant 0 : i32
        %dma_start3A_296 = tpu.memref_slice %arg9[%mul3A_292, %dma_start3A_295] : memref<10000x128xf32, #tpu.memory_space<vmem_shared>> -> memref<80x128xf32, #tpu.memory_space<vmem_shared>>
        tpu.enqueue_dma source(%dma_start3A_296 : memref<80x128xf32, #tpu.memory_space<vmem_shared>>) target(%dma_start3A_294 : memref<80x128xf32, #tpu.memory_space<hbm>>) target_semaphore(%run_scoped3A : memref<!tpu.dma_semaphore, #tpu.memory_space<semaphore_mem>>)
        %dma_wait3A_297 = arith.constant 0 : i32
        %dma_wait3A_298 = tpu.memref_slice %arg7[%mul3A_292, %dma_wait3A_297] : memref<10000x128xf32, #tpu.memory_space<hbm>> -> memref<80x128xf32, #tpu.memory_space<hbm>>
        %dma_wait3A_299 = arith.constant 0 : i32
        %dma_wait3A_300 = tpu.memref_slice %arg9[%mul3A_292, %dma_wait3A_299] : memref<10000x128xf32, #tpu.memory_space<vmem_shared>> -> memref<80x128xf32, #tpu.memory_space<vmem_shared>>
        tpu.wait_dma2 semaphore(%run_scoped3A : memref<!tpu.dma_semaphore, #tpu.memory_space<semaphore_mem>>) src(%dma_wait3A_300 : memref<80x128xf32, #tpu.memory_space<vmem_shared>>) dst(%dma_wait3A_298 : memref<80x128xf32, #tpu.memory_space<hbm>>)
        tpu.yield
      }) : () -> ()
    } else {
    }
    %eq3A_211 = arith.constant 1 : i32
    %eq3A_212 = arith.cmpi eq, %arg0, %eq3A_211 : i32
    %lt3A_213 = arith.constant 125 : i32
    %lt3A_214 = arith.cmpi slt, %add3A_202, %lt3A_213 : i32
    %and3A_215 = arith.andi %eq3A_212, %lt3A_214 : i1
    %convert_element_type3A_216 = arith.extui %and3A_215 : i1 to i32
    %cond3A_217 = arith.constant 0 : i32
    %cond3A_218 = arith.cmpi ne, %convert_element_type3A_216, %cond3A_217 : i32
    scf.if %cond3A_218 {
      %mul3A_291 = arith.constant 80 : i32
      %mul3A_292 = arith.muli %add3A_202, %mul3A_291 : i32
      "tpu.region"() ({
        %run_scoped3A = tpu.sem_alloc : memref<!tpu.dma_semaphore, #tpu.memory_space<semaphore_mem>>
        %dma_start3A_293 = arith.constant 0 : i32
        %dma_start3A_294 = tpu.memref_slice %arg8[%mul3A_292, %dma_start3A_293] : memref<10000x128xf32, #tpu.memory_space<hbm>> -> memref<80x128xf32, #tpu.memory_space<hbm>>
        %dma_start3A_295 = arith.constant 0 : i32
        %dma_start3A_296 = tpu.memref_slice %arg9[%mul3A_292, %dma_start3A_295] : memref<10000x128xf32, #tpu.memory_space<vmem_shared>> -> memref<80x128xf32, #tpu.memory_space<vmem_shared>>
        tpu.enqueue_dma source(%dma_start3A_296 : memref<80x128xf32, #tpu.memory_space<vmem_shared>>) target(%dma_start3A_294 : memref<80x128xf32, #tpu.memory_space<hbm>>) target_semaphore(%run_scoped3A : memref<!tpu.dma_semaphore, #tpu.memory_space<semaphore_mem>>)
        %dma_wait3A_297 = arith.constant 0 : i32
        %dma_wait3A_298 = tpu.memref_slice %arg8[%mul3A_292, %dma_wait3A_297] : memref<10000x128xf32, #tpu.memory_space<hbm>> -> memref<80x128xf32, #tpu.memory_space<hbm>>
        %dma_wait3A_299 = arith.constant 0 : i32
        %dma_wait3A_300 = tpu.memref_slice %arg9[%mul3A_292, %dma_wait3A_299] : memref<10000x128xf32, #tpu.memory_space<vmem_shared>> -> memref<80x128xf32, #tpu.memory_space<vmem_shared>>
        tpu.wait_dma2 semaphore(%run_scoped3A : memref<!tpu.dma_semaphore, #tpu.memory_space<semaphore_mem>>) src(%dma_wait3A_300 : memref<80x128xf32, #tpu.memory_space<vmem_shared>>) dst(%dma_wait3A_298 : memref<80x128xf32, #tpu.memory_space<hbm>>)
        tpu.yield
      }) : () -> ()
    } else {
    }
    %add3A_219 = arith.constant 64 : i32
    %add3A_220 = arith.addi %arg1, %add3A_219 : i32
    %eq3A_221 = arith.constant 0 : i32
    %eq3A_222 = arith.cmpi eq, %arg0, %eq3A_221 : i32
    %lt3A_223 = arith.constant 125 : i32
    %lt3A_224 = arith.cmpi slt, %add3A_220, %lt3A_223 : i32
    %and3A_225 = arith.andi %eq3A_222, %lt3A_224 : i1
    %convert_element_type3A_226 = arith.extui %and3A_225 : i1 to i32
    %cond3A_227 = arith.constant 0 : i32
    %cond3A_228 = arith.cmpi ne, %convert_element_type3A_226, %cond3A_227 : i32
    scf.if %cond3A_228 {
      %mul3A_291 = arith.constant 80 : i32
      %mul3A_292 = arith.muli %add3A_220, %mul3A_291 : i32
      "tpu.region"() ({
        %run_scoped3A = tpu.sem_alloc : memref<!tpu.dma_semaphore, #tpu.memory_space<semaphore_mem>>
        %dma_start3A_293 = arith.constant 0 : i32
        %dma_start3A_294 = tpu.memref_slice %arg7[%mul3A_292, %dma_start3A_293] : memref<10000x128xf32, #tpu.memory_space<hbm>> -> memref<80x128xf32, #tpu.memory_space<hbm>>
        %dma_start3A_295 = arith.constant 0 : i32
        %dma_start3A_296 = tpu.memref_slice %arg9[%mul3A_292, %dma_start3A_295] : memref<10000x128xf32, #tpu.memory_space<vmem_shared>> -> memref<80x128xf32, #tpu.memory_space<vmem_shared>>
        tpu.enqueue_dma source(%dma_start3A_296 : memref<80x128xf32, #tpu.memory_space<vmem_shared>>) target(%dma_start3A_294 : memref<80x128xf32, #tpu.memory_space<hbm>>) target_semaphore(%run_scoped3A : memref<!tpu.dma_semaphore, #tpu.memory_space<semaphore_mem>>)
        %dma_wait3A_297 = arith.constant 0 : i32
        %dma_wait3A_298 = tpu.memref_slice %arg7[%mul3A_292, %dma_wait3A_297] : memref<10000x128xf32, #tpu.memory_space<hbm>> -> memref<80x128xf32, #tpu.memory_space<hbm>>
        %dma_wait3A_299 = arith.constant 0 : i32
        %dma_wait3A_300 = tpu.memref_slice %arg9[%mul3A_292, %dma_wait3A_299] : memref<10000x128xf32, #tpu.memory_space<vmem_shared>> -> memref<80x128xf32, #tpu.memory_space<vmem_shared>>
        tpu.wait_dma2 semaphore(%run_scoped3A : memref<!tpu.dma_semaphore, #tpu.memory_space<semaphore_mem>>) src(%dma_wait3A_300 : memref<80x128xf32, #tpu.memory_space<vmem_shared>>) dst(%dma_wait3A_298 : memref<80x128xf32, #tpu.memory_space<hbm>>)
        tpu.yield
      }) : () -> ()
    } else {
    }
    %eq3A_229 = arith.constant 1 : i32
    %eq3A_230 = arith.cmpi eq, %arg0, %eq3A_229 : i32
    %lt3A_231 = arith.constant 125 : i32
    %lt3A_232 = arith.cmpi slt, %add3A_220, %lt3A_231 : i32
    %and3A_233 = arith.andi %eq3A_230, %lt3A_232 : i1
    %convert_element_type3A_234 = arith.extui %and3A_233 : i1 to i32
    %cond3A_235 = arith.constant 0 : i32
    %cond3A_236 = arith.cmpi ne, %convert_element_type3A_234, %cond3A_235 : i32
    scf.if %cond3A_236 {
      %mul3A_291 = arith.constant 80 : i32
      %mul3A_292 = arith.muli %add3A_220, %mul3A_291 : i32
      "tpu.region"() ({
        %run_scoped3A = tpu.sem_alloc : memref<!tpu.dma_semaphore, #tpu.memory_space<semaphore_mem>>
        %dma_start3A_293 = arith.constant 0 : i32
        %dma_start3A_294 = tpu.memref_slice %arg8[%mul3A_292, %dma_start3A_293] : memref<10000x128xf32, #tpu.memory_space<hbm>> -> memref<80x128xf32, #tpu.memory_space<hbm>>
        %dma_start3A_295 = arith.constant 0 : i32
        %dma_start3A_296 = tpu.memref_slice %arg9[%mul3A_292, %dma_start3A_295] : memref<10000x128xf32, #tpu.memory_space<vmem_shared>> -> memref<80x128xf32, #tpu.memory_space<vmem_shared>>
        tpu.enqueue_dma source(%dma_start3A_296 : memref<80x128xf32, #tpu.memory_space<vmem_shared>>) target(%dma_start3A_294 : memref<80x128xf32, #tpu.memory_space<hbm>>) target_semaphore(%run_scoped3A : memref<!tpu.dma_semaphore, #tpu.memory_space<semaphore_mem>>)
        %dma_wait3A_297 = arith.constant 0 : i32
        %dma_wait3A_298 = tpu.memref_slice %arg8[%mul3A_292, %dma_wait3A_297] : memref<10000x128xf32, #tpu.memory_space<hbm>> -> memref<80x128xf32, #tpu.memory_space<hbm>>
        %dma_wait3A_299 = arith.constant 0 : i32
        %dma_wait3A_300 = tpu.memref_slice %arg9[%mul3A_292, %dma_wait3A_299] : memref<10000x128xf32, #tpu.memory_space<vmem_shared>> -> memref<80x128xf32, #tpu.memory_space<vmem_shared>>
        tpu.wait_dma2 semaphore(%run_scoped3A : memref<!tpu.dma_semaphore, #tpu.memory_space<semaphore_mem>>) src(%dma_wait3A_300 : memref<80x128xf32, #tpu.memory_space<vmem_shared>>) dst(%dma_wait3A_298 : memref<80x128xf32, #tpu.memory_space<hbm>>)
        tpu.yield
      }) : () -> ()
    } else {
    }
    %add3A_237 = arith.constant 80 : i32
    %add3A_238 = arith.addi %arg1, %add3A_237 : i32
    %eq3A_239 = arith.constant 0 : i32
    %eq3A_240 = arith.cmpi eq, %arg0, %eq3A_239 : i32
    %lt3A_241 = arith.constant 125 : i32
    %lt3A_242 = arith.cmpi slt, %add3A_238, %lt3A_241 : i32
    %and3A_243 = arith.andi %eq3A_240, %lt3A_242 : i1
    %convert_element_type3A_244 = arith.extui %and3A_243 : i1 to i32
    %cond3A_245 = arith.constant 0 : i32
    %cond3A_246 = arith.cmpi ne, %convert_element_type3A_244, %cond3A_245 : i32
    scf.if %cond3A_246 {
      %mul3A_291 = arith.constant 80 : i32
      %mul3A_292 = arith.muli %add3A_238, %mul3A_291 : i32
      "tpu.region"() ({
        %run_scoped3A = tpu.sem_alloc : memref<!tpu.dma_semaphore, #tpu.memory_space<semaphore_mem>>
        %dma_start3A_293 = arith.constant 0 : i32
        %dma_start3A_294 = tpu.memref_slice %arg7[%mul3A_292, %dma_start3A_293] : memref<10000x128xf32, #tpu.memory_space<hbm>> -> memref<80x128xf32, #tpu.memory_space<hbm>>
        %dma_start3A_295 = arith.constant 0 : i32
        %dma_start3A_296 = tpu.memref_slice %arg9[%mul3A_292, %dma_start3A_295] : memref<10000x128xf32, #tpu.memory_space<vmem_shared>> -> memref<80x128xf32, #tpu.memory_space<vmem_shared>>
        tpu.enqueue_dma source(%dma_start3A_296 : memref<80x128xf32, #tpu.memory_space<vmem_shared>>) target(%dma_start3A_294 : memref<80x128xf32, #tpu.memory_space<hbm>>) target_semaphore(%run_scoped3A : memref<!tpu.dma_semaphore, #tpu.memory_space<semaphore_mem>>)
        %dma_wait3A_297 = arith.constant 0 : i32
        %dma_wait3A_298 = tpu.memref_slice %arg7[%mul3A_292, %dma_wait3A_297] : memref<10000x128xf32, #tpu.memory_space<hbm>> -> memref<80x128xf32, #tpu.memory_space<hbm>>
        %dma_wait3A_299 = arith.constant 0 : i32
        %dma_wait3A_300 = tpu.memref_slice %arg9[%mul3A_292, %dma_wait3A_299] : memref<10000x128xf32, #tpu.memory_space<vmem_shared>> -> memref<80x128xf32, #tpu.memory_space<vmem_shared>>
        tpu.wait_dma2 semaphore(%run_scoped3A : memref<!tpu.dma_semaphore, #tpu.memory_space<semaphore_mem>>) src(%dma_wait3A_300 : memref<80x128xf32, #tpu.memory_space<vmem_shared>>) dst(%dma_wait3A_298 : memref<80x128xf32, #tpu.memory_space<hbm>>)
        tpu.yield
      }) : () -> ()
    } else {
    }
    %eq3A_247 = arith.constant 1 : i32
    %eq3A_248 = arith.cmpi eq, %arg0, %eq3A_247 : i32
    %lt3A_249 = arith.constant 125 : i32
    %lt3A_250 = arith.cmpi slt, %add3A_238, %lt3A_249 : i32
    %and3A_251 = arith.andi %eq3A_248, %lt3A_250 : i1
    %convert_element_type3A_252 = arith.extui %and3A_251 : i1 to i32
    %cond3A_253 = arith.constant 0 : i32
    %cond3A_254 = arith.cmpi ne, %convert_element_type3A_252, %cond3A_253 : i32
    scf.if %cond3A_254 {
      %mul3A_291 = arith.constant 80 : i32
      %mul3A_292 = arith.muli %add3A_238, %mul3A_291 : i32
      "tpu.region"() ({
        %run_scoped3A = tpu.sem_alloc : memref<!tpu.dma_semaphore, #tpu.memory_space<semaphore_mem>>
        %dma_start3A_293 = arith.constant 0 : i32
        %dma_start3A_294 = tpu.memref_slice %arg8[%mul3A_292, %dma_start3A_293] : memref<10000x128xf32, #tpu.memory_space<hbm>> -> memref<80x128xf32, #tpu.memory_space<hbm>>
        %dma_start3A_295 = arith.constant 0 : i32
        %dma_start3A_296 = tpu.memref_slice %arg9[%mul3A_292, %dma_start3A_295] : memref<10000x128xf32, #tpu.memory_space<vmem_shared>> -> memref<80x128xf32, #tpu.memory_space<vmem_shared>>
        tpu.enqueue_dma source(%dma_start3A_296 : memref<80x128xf32, #tpu.memory_space<vmem_shared>>) target(%dma_start3A_294 : memref<80x128xf32, #tpu.memory_space<hbm>>) target_semaphore(%run_scoped3A : memref<!tpu.dma_semaphore, #tpu.memory_space<semaphore_mem>>)
        %dma_wait3A_297 = arith.constant 0 : i32
        %dma_wait3A_298 = tpu.memref_slice %arg8[%mul3A_292, %dma_wait3A_297] : memref<10000x128xf32, #tpu.memory_space<hbm>> -> memref<80x128xf32, #tpu.memory_space<hbm>>
        %dma_wait3A_299 = arith.constant 0 : i32
        %dma_wait3A_300 = tpu.memref_slice %arg9[%mul3A_292, %dma_wait3A_299] : memref<10000x128xf32, #tpu.memory_space<vmem_shared>> -> memref<80x128xf32, #tpu.memory_space<vmem_shared>>
        tpu.wait_dma2 semaphore(%run_scoped3A : memref<!tpu.dma_semaphore, #tpu.memory_space<semaphore_mem>>) src(%dma_wait3A_300 : memref<80x128xf32, #tpu.memory_space<vmem_shared>>) dst(%dma_wait3A_298 : memref<80x128xf32, #tpu.memory_space<hbm>>)
        tpu.yield
      }) : () -> ()
    } else {
    }
    %add3A_255 = arith.constant 96 : i32
    %add3A_256 = arith.addi %arg1, %add3A_255 : i32
    %eq3A_257 = arith.constant 0 : i32
    %eq3A_258 = arith.cmpi eq, %arg0, %eq3A_257 : i32
    %lt3A_259 = arith.constant 125 : i32
    %lt3A_260 = arith.cmpi slt, %add3A_256, %lt3A_259 : i32
    %and3A_261 = arith.andi %eq3A_258, %lt3A_260 : i1
    %convert_element_type3A_262 = arith.extui %and3A_261 : i1 to i32
    %cond3A_263 = arith.constant 0 : i32
    %cond3A_264 = arith.cmpi ne, %convert_element_type3A_262, %cond3A_263 : i32
    scf.if %cond3A_264 {
      %mul3A_291 = arith.constant 80 : i32
      %mul3A_292 = arith.muli %add3A_256, %mul3A_291 : i32
      "tpu.region"() ({
        %run_scoped3A = tpu.sem_alloc : memref<!tpu.dma_semaphore, #tpu.memory_space<semaphore_mem>>
        %dma_start3A_293 = arith.constant 0 : i32
        %dma_start3A_294 = tpu.memref_slice %arg7[%mul3A_292, %dma_start3A_293] : memref<10000x128xf32, #tpu.memory_space<hbm>> -> memref<80x128xf32, #tpu.memory_space<hbm>>
        %dma_start3A_295 = arith.constant 0 : i32
        %dma_start3A_296 = tpu.memref_slice %arg9[%mul3A_292, %dma_start3A_295] : memref<10000x128xf32, #tpu.memory_space<vmem_shared>> -> memref<80x128xf32, #tpu.memory_space<vmem_shared>>
        tpu.enqueue_dma source(%dma_start3A_296 : memref<80x128xf32, #tpu.memory_space<vmem_shared>>) target(%dma_start3A_294 : memref<80x128xf32, #tpu.memory_space<hbm>>) target_semaphore(%run_scoped3A : memref<!tpu.dma_semaphore, #tpu.memory_space<semaphore_mem>>)
        %dma_wait3A_297 = arith.constant 0 : i32
        %dma_wait3A_298 = tpu.memref_slice %arg7[%mul3A_292, %dma_wait3A_297] : memref<10000x128xf32, #tpu.memory_space<hbm>> -> memref<80x128xf32, #tpu.memory_space<hbm>>
        %dma_wait3A_299 = arith.constant 0 : i32
        %dma_wait3A_300 = tpu.memref_slice %arg9[%mul3A_292, %dma_wait3A_299] : memref<10000x128xf32, #tpu.memory_space<vmem_shared>> -> memref<80x128xf32, #tpu.memory_space<vmem_shared>>
        tpu.wait_dma2 semaphore(%run_scoped3A : memref<!tpu.dma_semaphore, #tpu.memory_space<semaphore_mem>>) src(%dma_wait3A_300 : memref<80x128xf32, #tpu.memory_space<vmem_shared>>) dst(%dma_wait3A_298 : memref<80x128xf32, #tpu.memory_space<hbm>>)
        tpu.yield
      }) : () -> ()
    } else {
    }
    %eq3A_265 = arith.constant 1 : i32
    %eq3A_266 = arith.cmpi eq, %arg0, %eq3A_265 : i32
    %lt3A_267 = arith.constant 125 : i32
    %lt3A_268 = arith.cmpi slt, %add3A_256, %lt3A_267 : i32
    %and3A_269 = arith.andi %eq3A_266, %lt3A_268 : i1
    %convert_element_type3A_270 = arith.extui %and3A_269 : i1 to i32
    %cond3A_271 = arith.constant 0 : i32
    %cond3A_272 = arith.cmpi ne, %convert_element_type3A_270, %cond3A_271 : i32
    scf.if %cond3A_272 {
      %mul3A_291 = arith.constant 80 : i32
      %mul3A_292 = arith.muli %add3A_256, %mul3A_291 : i32
      "tpu.region"() ({
        %run_scoped3A = tpu.sem_alloc : memref<!tpu.dma_semaphore, #tpu.memory_space<semaphore_mem>>
        %dma_start3A_293 = arith.constant 0 : i32
        %dma_start3A_294 = tpu.memref_slice %arg8[%mul3A_292, %dma_start3A_293] : memref<10000x128xf32, #tpu.memory_space<hbm>> -> memref<80x128xf32, #tpu.memory_space<hbm>>
        %dma_start3A_295 = arith.constant 0 : i32
        %dma_start3A_296 = tpu.memref_slice %arg9[%mul3A_292, %dma_start3A_295] : memref<10000x128xf32, #tpu.memory_space<vmem_shared>> -> memref<80x128xf32, #tpu.memory_space<vmem_shared>>
        tpu.enqueue_dma source(%dma_start3A_296 : memref<80x128xf32, #tpu.memory_space<vmem_shared>>) target(%dma_start3A_294 : memref<80x128xf32, #tpu.memory_space<hbm>>) target_semaphore(%run_scoped3A : memref<!tpu.dma_semaphore, #tpu.memory_space<semaphore_mem>>)
        %dma_wait3A_297 = arith.constant 0 : i32
        %dma_wait3A_298 = tpu.memref_slice %arg8[%mul3A_292, %dma_wait3A_297] : memref<10000x128xf32, #tpu.memory_space<hbm>> -> memref<80x128xf32, #tpu.memory_space<hbm>>
        %dma_wait3A_299 = arith.constant 0 : i32
        %dma_wait3A_300 = tpu.memref_slice %arg9[%mul3A_292, %dma_wait3A_299] : memref<10000x128xf32, #tpu.memory_space<vmem_shared>> -> memref<80x128xf32, #tpu.memory_space<vmem_shared>>
        tpu.wait_dma2 semaphore(%run_scoped3A : memref<!tpu.dma_semaphore, #tpu.memory_space<semaphore_mem>>) src(%dma_wait3A_300 : memref<80x128xf32, #tpu.memory_space<vmem_shared>>) dst(%dma_wait3A_298 : memref<80x128xf32, #tpu.memory_space<hbm>>)
        tpu.yield
      }) : () -> ()
    } else {
    }
    %add3A_273 = arith.constant 112 : i32
    %add3A_274 = arith.addi %arg1, %add3A_273 : i32
    %eq3A_275 = arith.constant 0 : i32
    %eq3A_276 = arith.cmpi eq, %arg0, %eq3A_275 : i32
    %lt3A_277 = arith.constant 125 : i32
    %lt3A_278 = arith.cmpi slt, %add3A_274, %lt3A_277 : i32
    %and3A_279 = arith.andi %eq3A_276, %lt3A_278 : i1
    %convert_element_type3A_280 = arith.extui %and3A_279 : i1 to i32
    %cond3A_281 = arith.constant 0 : i32
    %cond3A_282 = arith.cmpi ne, %convert_element_type3A_280, %cond3A_281 : i32
    scf.if %cond3A_282 {
      %mul3A_291 = arith.constant 80 : i32
      %mul3A_292 = arith.muli %add3A_274, %mul3A_291 : i32
      "tpu.region"() ({
        %run_scoped3A = tpu.sem_alloc : memref<!tpu.dma_semaphore, #tpu.memory_space<semaphore_mem>>
        %dma_start3A_293 = arith.constant 0 : i32
        %dma_start3A_294 = tpu.memref_slice %arg7[%mul3A_292, %dma_start3A_293] : memref<10000x128xf32, #tpu.memory_space<hbm>> -> memref<80x128xf32, #tpu.memory_space<hbm>>
        %dma_start3A_295 = arith.constant 0 : i32
        %dma_start3A_296 = tpu.memref_slice %arg9[%mul3A_292, %dma_start3A_295] : memref<10000x128xf32, #tpu.memory_space<vmem_shared>> -> memref<80x128xf32, #tpu.memory_space<vmem_shared>>
        tpu.enqueue_dma source(%dma_start3A_296 : memref<80x128xf32, #tpu.memory_space<vmem_shared>>) target(%dma_start3A_294 : memref<80x128xf32, #tpu.memory_space<hbm>>) target_semaphore(%run_scoped3A : memref<!tpu.dma_semaphore, #tpu.memory_space<semaphore_mem>>)
        %dma_wait3A_297 = arith.constant 0 : i32
        %dma_wait3A_298 = tpu.memref_slice %arg7[%mul3A_292, %dma_wait3A_297] : memref<10000x128xf32, #tpu.memory_space<hbm>> -> memref<80x128xf32, #tpu.memory_space<hbm>>
        %dma_wait3A_299 = arith.constant 0 : i32
        %dma_wait3A_300 = tpu.memref_slice %arg9[%mul3A_292, %dma_wait3A_299] : memref<10000x128xf32, #tpu.memory_space<vmem_shared>> -> memref<80x128xf32, #tpu.memory_space<vmem_shared>>
        tpu.wait_dma2 semaphore(%run_scoped3A : memref<!tpu.dma_semaphore, #tpu.memory_space<semaphore_mem>>) src(%dma_wait3A_300 : memref<80x128xf32, #tpu.memory_space<vmem_shared>>) dst(%dma_wait3A_298 : memref<80x128xf32, #tpu.memory_space<hbm>>)
        tpu.yield
      }) : () -> ()
    } else {
    }
    %eq3A_283 = arith.constant 1 : i32
    %eq3A_284 = arith.cmpi eq, %arg0, %eq3A_283 : i32
    %lt3A_285 = arith.constant 125 : i32
    %lt3A_286 = arith.cmpi slt, %add3A_274, %lt3A_285 : i32
    %and3A_287 = arith.andi %eq3A_284, %lt3A_286 : i1
    %convert_element_type3A_288 = arith.extui %and3A_287 : i1 to i32
    %cond3A_289 = arith.constant 0 : i32
    %cond3A_290 = arith.cmpi ne, %convert_element_type3A_288, %cond3A_289 : i32
    scf.if %cond3A_290 {
      %mul3A_291 = arith.constant 80 : i32
      %mul3A_292 = arith.muli %add3A_274, %mul3A_291 : i32
      "tpu.region"() ({
        %run_scoped3A = tpu.sem_alloc : memref<!tpu.dma_semaphore, #tpu.memory_space<semaphore_mem>>
        %dma_start3A_293 = arith.constant 0 : i32
        %dma_start3A_294 = tpu.memref_slice %arg8[%mul3A_292, %dma_start3A_293] : memref<10000x128xf32, #tpu.memory_space<hbm>> -> memref<80x128xf32, #tpu.memory_space<hbm>>
        %dma_start3A_295 = arith.constant 0 : i32
        %dma_start3A_296 = tpu.memref_slice %arg9[%mul3A_292, %dma_start3A_295] : memref<10000x128xf32, #tpu.memory_space<vmem_shared>> -> memref<80x128xf32, #tpu.memory_space<vmem_shared>>
        tpu.enqueue_dma source(%dma_start3A_296 : memref<80x128xf32, #tpu.memory_space<vmem_shared>>) target(%dma_start3A_294 : memref<80x128xf32, #tpu.memory_space<hbm>>) target_semaphore(%run_scoped3A : memref<!tpu.dma_semaphore, #tpu.memory_space<semaphore_mem>>)
        %dma_wait3A_297 = arith.constant 0 : i32
        %dma_wait3A_298 = tpu.memref_slice %arg8[%mul3A_292, %dma_wait3A_297] : memref<10000x128xf32, #tpu.memory_space<hbm>> -> memref<80x128xf32, #tpu.memory_space<hbm>>
        %dma_wait3A_299 = arith.constant 0 : i32
        %dma_wait3A_300 = tpu.memref_slice %arg9[%mul3A_292, %dma_wait3A_299] : memref<10000x128xf32, #tpu.memory_space<vmem_shared>> -> memref<80x128xf32, #tpu.memory_space<vmem_shared>>
        tpu.wait_dma2 semaphore(%run_scoped3A : memref<!tpu.dma_semaphore, #tpu.memory_space<semaphore_mem>>) src(%dma_wait3A_300 : memref<80x128xf32, #tpu.memory_space<vmem_shared>>) dst(%dma_wait3A_298 : memref<80x128xf32, #tpu.memory_space<hbm>>)
        tpu.yield
      }) : () -> ()
    } else {
    }
    return
  }
}

module attributes {stable_mosaic.version = 14 : i64} {
  func.func @_mlp_body(%arg0: i32, %arg1: memref<4x3200xf32, #tpu.memory_space<vmem>>, %arg2: memref<64x4xf32, #tpu.memory_space<vmem>>, %arg3: memref<64x1xf32, #tpu.memory_space<vmem>>, %arg4: memref<64x1xf32, #tpu.memory_space<vmem>>, %arg5: memref<1x1xf32, #tpu.memory_space<vmem>>, %arg6: memref<1x3200xf32, #tpu.memory_space<vmem>>) attributes {dimension_semantics = [#tpu.dimension_semantics<arbitrary>], iteration_bounds = array<i64: 100>, scalar_prefetch = 0 : i64, scratch_operands = 0 : i64, tpu.core_type = #tpu.core_type<tc>, window_params = [{transform_indices = @transform_0, window_bounds = array<i64: 4, 3200>}, {pipeline_mode = #tpu.pipeline_mode<synchronous>, transform_indices = @transform_1, window_bounds = array<i64: 64, 4>}, {pipeline_mode = #tpu.pipeline_mode<synchronous>, transform_indices = @transform_2, window_bounds = array<i64: 64, 1>}, {pipeline_mode = #tpu.pipeline_mode<synchronous>, transform_indices = @transform_3, window_bounds = array<i64: 64, 1>}, {pipeline_mode = #tpu.pipeline_mode<synchronous>, transform_indices = @transform_4, window_bounds = array<i64: 1, 1>}, {transform_indices = @transform_5, window_bounds = array<i64: 1, 3200>}]} {
    %get3A = arith.constant 0 : index
    %get3A_0 = arith.constant 0 : index
    %get3A_1 = vector.load %arg1[%get3A, %get3A_0] : memref<4x3200xf32, #tpu.memory_space<vmem>>, vector<4x3200xf32>
    %get3A_2 = arith.constant 0 : index
    %get3A_3 = arith.constant 0 : index
    %get3A_4 = vector.load %arg2[%get3A_2, %get3A_3] : memref<64x4xf32, #tpu.memory_space<vmem>>, vector<64x4xf32>
    %get3A_5 = arith.constant 0 : index
    %get3A_6 = arith.constant 0 : index
    %get3A_7 = vector.load %arg3[%get3A_5, %get3A_6] : memref<64x1xf32, #tpu.memory_space<vmem>>, vector<64x1xf32>
    %slice3A = vector.extract_strided_slice %get3A_4 {offsets = [0, 0], sizes = [64, 1], strides = [1, 1]} : vector<64x4xf32> to vector<64x1xf32>
    %slice3A_8 = vector.extract_strided_slice %get3A_1 {offsets = [0, 0], sizes = [1, 3200], strides = [1, 1]} : vector<4x3200xf32> to vector<1x3200xf32>
    %mul3A = vector.broadcast %slice3A : vector<64x1xf32> to vector<64x3200xf32>
    %mul3A_9 = vector.broadcast %slice3A_8 : vector<1x3200xf32> to vector<64x3200xf32>
    %mul3A_10 = arith.mulf %mul3A, %mul3A_9 : vector<64x3200xf32>
    %slice3A_11 = vector.extract_strided_slice %get3A_4 {offsets = [0, 1], sizes = [64, 1], strides = [1, 1]} : vector<64x4xf32> to vector<64x1xf32>
    %slice3A_12 = vector.extract_strided_slice %get3A_1 {offsets = [1, 0], sizes = [1, 3200], strides = [1, 1]} : vector<4x3200xf32> to vector<1x3200xf32>
    %mul3A_13 = vector.broadcast %slice3A_11 : vector<64x1xf32> to vector<64x3200xf32>
    %mul3A_14 = vector.broadcast %slice3A_12 : vector<1x3200xf32> to vector<64x3200xf32>
    %mul3A_15 = arith.mulf %mul3A_13, %mul3A_14 : vector<64x3200xf32>
    %add3A = arith.addf %mul3A_10, %mul3A_15 : vector<64x3200xf32>
    %slice3A_16 = vector.extract_strided_slice %get3A_4 {offsets = [0, 2], sizes = [64, 1], strides = [1, 1]} : vector<64x4xf32> to vector<64x1xf32>
    %slice3A_17 = vector.extract_strided_slice %get3A_1 {offsets = [2, 0], sizes = [1, 3200], strides = [1, 1]} : vector<4x3200xf32> to vector<1x3200xf32>
    %mul3A_18 = vector.broadcast %slice3A_16 : vector<64x1xf32> to vector<64x3200xf32>
    %mul3A_19 = vector.broadcast %slice3A_17 : vector<1x3200xf32> to vector<64x3200xf32>
    %mul3A_20 = arith.mulf %mul3A_18, %mul3A_19 : vector<64x3200xf32>
    %add3A_21 = arith.addf %add3A, %mul3A_20 : vector<64x3200xf32>
    %slice3A_22 = vector.extract_strided_slice %get3A_4 {offsets = [0, 3], sizes = [64, 1], strides = [1, 1]} : vector<64x4xf32> to vector<64x1xf32>
    %slice3A_23 = vector.extract_strided_slice %get3A_1 {offsets = [3, 0], sizes = [1, 3200], strides = [1, 1]} : vector<4x3200xf32> to vector<1x3200xf32>
    %mul3A_24 = vector.broadcast %slice3A_22 : vector<64x1xf32> to vector<64x3200xf32>
    %mul3A_25 = vector.broadcast %slice3A_23 : vector<1x3200xf32> to vector<64x3200xf32>
    %mul3A_26 = arith.mulf %mul3A_24, %mul3A_25 : vector<64x3200xf32>
    %add3A_27 = arith.addf %add3A_21, %mul3A_26 : vector<64x3200xf32>
    %add3A_28 = vector.broadcast %get3A_7 : vector<64x1xf32> to vector<64x3200xf32>
    %add3A_29 = arith.addf %add3A_28, %add3A_27 : vector<64x3200xf32>
    %logistic3A = arith.negf %add3A_29 : vector<64x3200xf32>
    %logistic3A_30 = math.exp %logistic3A : vector<64x3200xf32>
    %logistic3A_31 = arith.constant 1.000000e+00 : f32
    %logistic3A_32 = vector.broadcast %logistic3A_31 : f32 to vector<64x3200xf32>
    %logistic3A_33 = arith.addf %logistic3A_32, %logistic3A_30 : vector<64x3200xf32>
    %logistic3A_34 = arith.divf %logistic3A_32, %logistic3A_33 : vector<64x3200xf32>
    %mul3A_35 = arith.mulf %add3A_29, %logistic3A_34 : vector<64x3200xf32>
    %get3A_36 = arith.constant 0 : index
    %get3A_37 = arith.constant 0 : index
    %get3A_38 = vector.load %arg4[%get3A_36, %get3A_37] : memref<64x1xf32, #tpu.memory_space<vmem>>, vector<64x1xf32>
    %mul3A_39 = vector.broadcast %get3A_38 : vector<64x1xf32> to vector<64x3200xf32>
    %mul3A_40 = arith.mulf %mul3A_35, %mul3A_39 : vector<64x3200xf32>
    %reduce_sum3A = arith.constant dense<0.000000e+00> : vector<3200xf32>
    %reduce_sum3A_41 = vector.multi_reduction <add>, %mul3A_40, %reduce_sum3A [0] : vector<64x3200xf32> to vector<3200xf32>
    %broadcast_in_dim3A = vector.shape_cast %reduce_sum3A_41 : vector<3200xf32> to vector<1x3200xf32>
    %get3A_42 = arith.constant 0 : index
    %get3A_43 = arith.constant 0 : index
    %get3A_44 = vector.load %arg5[%get3A_42, %get3A_43] : memref<1x1xf32, #tpu.memory_space<vmem>>, vector<1x1xf32>
    %add3A_45 = vector.broadcast %get3A_44 : vector<1x1xf32> to vector<1x3200xf32>
    %add3A_46 = arith.addf %broadcast_in_dim3A, %add3A_45 : vector<1x3200xf32>
    %logistic3A_47 = arith.negf %add3A_46 : vector<1x3200xf32>
    %logistic3A_48 = math.exp %logistic3A_47 : vector<1x3200xf32>
    %logistic3A_49 = arith.constant 1.000000e+00 : f32
    %logistic3A_50 = vector.broadcast %logistic3A_49 : f32 to vector<1x3200xf32>
    %logistic3A_51 = arith.addf %logistic3A_50, %logistic3A_48 : vector<1x3200xf32>
    %logistic3A_52 = arith.divf %logistic3A_50, %logistic3A_51 : vector<1x3200xf32>
    %swap3A = arith.constant 0 : index
    %swap3A_53 = arith.constant 0 : index
    %swap3A_54 = vector.load %arg6[%swap3A, %swap3A_53] : memref<1x3200xf32, #tpu.memory_space<vmem>>, vector<1x3200xf32>
    tpu.vector_store %arg6[%swap3A, %swap3A_53], %logistic3A_52 {strides = array<i32>} : memref<1x3200xf32, #tpu.memory_space<vmem>>, vector<1x3200xf32>,
    return
  }
  func.func @transform_0(%arg0: i32) -> (i32, i32) {
    %c0_i32 = arith.constant 0 : i32
    %c0_i32_0 = arith.constant 0 : i32
    return %c0_i32, %arg0 : i32, i32
  }
  func.func @transform_1(%arg0: i32) -> (i32, i32) {
    %c0_i32 = arith.constant 0 : i32
    %c0_i32_0 = arith.constant 0 : i32
    %c0_i32_1 = arith.constant 0 : i32
    return %c0_i32, %c0_i32_0 : i32, i32
  }
  func.func @transform_2(%arg0: i32) -> (i32, i32) {
    %c0_i32 = arith.constant 0 : i32
    %c0_i32_0 = arith.constant 0 : i32
    %c0_i32_1 = arith.constant 0 : i32
    return %c0_i32, %c0_i32_0 : i32, i32
  }
  func.func @transform_3(%arg0: i32) -> (i32, i32) {
    %c0_i32 = arith.constant 0 : i32
    %c0_i32_0 = arith.constant 0 : i32
    %c0_i32_1 = arith.constant 0 : i32
    return %c0_i32, %c0_i32_0 : i32, i32
  }
  func.func @transform_4(%arg0: i32) -> (i32, i32) {
    %c0_i32 = arith.constant 0 : i32
    %c0_i32_0 = arith.constant 0 : i32
    %c0_i32_1 = arith.constant 0 : i32
    return %c0_i32, %c0_i32_0 : i32, i32
  }
  func.func @transform_5(%arg0: i32) -> (i32, i32) {
    %c0_i32 = arith.constant 0 : i32
    %c0_i32_0 = arith.constant 0 : i32
    return %c0_i32, %arg0 : i32, i32
  }
}

module attributes {stable_mosaic.version = 14 : i64} {
  func.func @_lin_body(%arg0: i32, %arg1: memref<400x128xf32, #tpu.memory_space<vmem>>, %arg2: memref<128x128xf32, #tpu.memory_space<vmem>>, %arg3: memref<400x128xf32, #tpu.memory_space<vmem>>) attributes {dimension_semantics = [#tpu.dimension_semantics<arbitrary>], iteration_bounds = array<i64: 25>, scalar_prefetch = 0 : i64, scratch_operands = 0 : i64, tpu.core_type = #tpu.core_type<tc>, window_params = [{transform_indices = @transform_0, window_bounds = array<i64: 400, 128>}, {pipeline_mode = #tpu.pipeline_mode<synchronous>, transform_indices = @transform_1, window_bounds = array<i64: 128, 128>}, {transform_indices = @transform_2, window_bounds = array<i64: 400, 128>}]} {
    %get3A = arith.constant 0 : index
    %get3A_0 = arith.constant 0 : index
    %get3A_1 = vector.load %arg1[%get3A, %get3A_0] : memref<400x128xf32, #tpu.memory_space<vmem>>, vector<400x128xf32>
    %get3A_2 = arith.constant 0 : index
    %get3A_3 = arith.constant 0 : index
    %get3A_4 = vector.load %arg2[%get3A_2, %get3A_3] : memref<128x128xf32, #tpu.memory_space<vmem>>, vector<128x128xf32>
    %dot_general3A = arith.constant dense<0.000000e+00> : vector<400x128xf32>
    %dot_general3A_5 = tpu.matmul %get3A_1, %get3A_4, %dot_general3A {dimension_numbers = #tpu.dot_dimension_numbers<[1], [0], [0], [1], [0, 0, 1, 1], [], []>, transpose_lhs_hint = false} : vector<400x128xf32>, vector<128x128xf32>, vector<400x128xf32> -> vector<400x128xf32>
    %swap3A = arith.constant 0 : index
    %swap3A_6 = arith.constant 0 : index
    %swap3A_7 = vector.load %arg3[%swap3A, %swap3A_6] : memref<400x128xf32, #tpu.memory_space<vmem>>, vector<400x128xf32>
    tpu.vector_store %arg3[%swap3A, %swap3A_6], %dot_general3A_5 {strides = array<i32>} : memref<400x128xf32, #tpu.memory_space<vmem>>, vector<400x128xf32>,
    return
  }
  func.func @transform_0(%arg0: i32) -> (i32, i32) {
    %c0_i32 = arith.constant 0 : i32
    %c0_i32_0 = arith.constant 0 : i32
    return %arg0, %c0_i32 : i32, i32
  }
  func.func @transform_1(%arg0: i32) -> (i32, i32) {
    %c0_i32 = arith.constant 0 : i32
    %c0_i32_0 = arith.constant 0 : i32
    %c0_i32_1 = arith.constant 0 : i32
    return %c0_i32, %c0_i32_0 : i32, i32
  }
  func.func @transform_2(%arg0: i32) -> (i32, i32) {
    %c0_i32 = arith.constant 0 : i32
    %c0_i32_0 = arith.constant 0 : i32
    return %arg0, %c0_i32 : i32, i32
  }
}

module attributes {stable_mosaic.version = 14 : i64} {
  func.func @_rsqrt_body(%arg0: memref<100x100xf32, #tpu.memory_space<vmem>>, %arg1: memref<100x100xf32, #tpu.memory_space<vmem>>, %arg2: memref<100x100xf32, #tpu.memory_space<vmem>>) attributes {dimension_semantics = [], scalar_prefetch = 0 : i64, scratch_operands = 0 : i64, tpu.core_type = #tpu.core_type<tc>} {
    %get3A = arith.constant 0 : index
    %get3A_0 = arith.constant 0 : index
    %get3A_1 = vector.load %arg0[%get3A, %get3A_0] : memref<100x100xf32, #tpu.memory_space<vmem>>, vector<100x100xf32>
    %get3A_2 = arith.constant 0 : index
    %get3A_3 = arith.constant 0 : index
    %get3A_4 = vector.load %arg1[%get3A_2, %get3A_3] : memref<100x100xf32, #tpu.memory_space<vmem>>, vector<100x100xf32>
    %add3A = arith.addf %get3A_1, %get3A_4 : vector<100x100xf32>
    %add3A_5 = arith.constant 1.000000e+00 : f32
    %add3A_6 = vector.broadcast %add3A_5 : f32 to vector<100x100xf32>
    %add3A_7 = arith.addf %add3A, %add3A_6 : vector<100x100xf32>
    %rsqrt3A = math.rsqrt %add3A_7 : vector<100x100xf32>
    %swap3A = arith.constant 0 : index
    %swap3A_8 = arith.constant 0 : index
    %swap3A_9 = vector.load %arg2[%swap3A, %swap3A_8] : memref<100x100xf32, #tpu.memory_space<vmem>>, vector<100x100xf32>
    tpu.vector_store %arg2[%swap3A, %swap3A_8], %rsqrt3A {strides = array<i32>} : memref<100x100xf32, #tpu.memory_space<vmem>>, vector<100x100xf32>,
    return
  }
}

module attributes {stable_mosaic.version = 14 : i64} {
  func.func @_final_body(%arg0: i32, %arg1: memref<400x128xf32, #tpu.memory_space<vmem>>, %arg2: memref<400x128xf32, #tpu.memory_space<vmem>>, %arg3: memref<400x128xf32, #tpu.memory_space<vmem>>, %arg4: memref<400x1xf32, #tpu.memory_space<vmem>>, %arg5: memref<1x128xf32, #tpu.memory_space<vmem>>, %arg6: memref<400x128xf32, #tpu.memory_space<vmem>>) attributes {dimension_semantics = [#tpu.dimension_semantics<arbitrary>], iteration_bounds = array<i64: 25>, scalar_prefetch = 0 : i64, scratch_operands = 0 : i64, tpu.core_type = #tpu.core_type<tc>, window_params = [{transform_indices = @transform_0, window_bounds = array<i64: 400, 128>}, {transform_indices = @transform_1, window_bounds = array<i64: 400, 128>}, {transform_indices = @transform_2, window_bounds = array<i64: 400, 128>}, {transform_indices = @transform_3, window_bounds = array<i64: 400, 1>}, {pipeline_mode = #tpu.pipeline_mode<synchronous>, transform_indices = @transform_4, window_bounds = array<i64: 1, 128>}, {transform_indices = @transform_5, window_bounds = array<i64: 400, 128>}]} {
    %get3A = arith.constant 0 : index
    %get3A_0 = arith.constant 0 : index
    %get3A_1 = vector.load %arg4[%get3A, %get3A_0] : memref<400x1xf32, #tpu.memory_space<vmem>>, vector<400x1xf32>
    %get3A_2 = arith.constant 0 : index
    %get3A_3 = arith.constant 0 : index
    %get3A_4 = vector.load %arg1[%get3A_2, %get3A_3] : memref<400x128xf32, #tpu.memory_space<vmem>>, vector<400x128xf32>
    %get3A_5 = arith.constant 0 : index
    %get3A_6 = arith.constant 0 : index
    %get3A_7 = vector.load %arg2[%get3A_5, %get3A_6] : memref<400x128xf32, #tpu.memory_space<vmem>>, vector<400x128xf32>
    %add3A = arith.addf %get3A_4, %get3A_7 : vector<400x128xf32>
    %mul3A = arith.mulf %get3A_1, %get3A_1 : vector<400x1xf32>
    %get3A_8 = arith.constant 0 : index
    %get3A_9 = arith.constant 0 : index
    %get3A_10 = vector.load %arg3[%get3A_8, %get3A_9] : memref<400x128xf32, #tpu.memory_space<vmem>>, vector<400x128xf32>
    %mul3A_11 = vector.broadcast %mul3A : vector<400x1xf32> to vector<400x128xf32>
    %mul3A_12 = arith.mulf %mul3A_11, %get3A_10 : vector<400x128xf32>
    %add3A_13 = arith.addf %add3A, %mul3A_12 : vector<400x128xf32>
    %get3A_14 = arith.constant 0 : index
    %get3A_15 = arith.constant 0 : index
    %get3A_16 = vector.load %arg5[%get3A_14, %get3A_15] : memref<1x128xf32, #tpu.memory_space<vmem>>, vector<1x128xf32>
    %add3A_17 = vector.broadcast %get3A_16 : vector<1x128xf32> to vector<400x128xf32>
    %add3A_18 = arith.addf %add3A_13, %add3A_17 : vector<400x128xf32>
    %swap3A = arith.constant 0 : index
    %swap3A_19 = arith.constant 0 : index
    %swap3A_20 = vector.load %arg6[%swap3A, %swap3A_19] : memref<400x128xf32, #tpu.memory_space<vmem>>, vector<400x128xf32>
    tpu.vector_store %arg6[%swap3A, %swap3A_19], %add3A_18 {strides = array<i32>} : memref<400x128xf32, #tpu.memory_space<vmem>>, vector<400x128xf32>,
    return
  }
  func.func @transform_0(%arg0: i32) -> (i32, i32) {
    %c0_i32 = arith.constant 0 : i32
    %c0_i32_0 = arith.constant 0 : i32
    return %arg0, %c0_i32 : i32, i32
  }
  func.func @transform_1(%arg0: i32) -> (i32, i32) {
    %c0_i32 = arith.constant 0 : i32
    %c0_i32_0 = arith.constant 0 : i32
    return %arg0, %c0_i32 : i32, i32
  }
  func.func @transform_2(%arg0: i32) -> (i32, i32) {
    %c0_i32 = arith.constant 0 : i32
    %c0_i32_0 = arith.constant 0 : i32
    return %arg0, %c0_i32 : i32, i32
  }
  func.func @transform_3(%arg0: i32) -> (i32, i32) {
    %c0_i32 = arith.constant 0 : i32
    %c0_i32_0 = arith.constant 0 : i32
    return %arg0, %c0_i32 : i32, i32
  }
  func.func @transform_4(%arg0: i32) -> (i32, i32) {
    %c0_i32 = arith.constant 0 : i32
    %c0_i32_0 = arith.constant 0 : i32
    %c0_i32_1 = arith.constant 0 : i32
    return %c0_i32, %c0_i32_0 : i32, i32
  }
  func.func @transform_5(%arg0: i32) -> (i32, i32) {
    %c0_i32 = arith.constant 0 : i32
    %c0_i32_0 = arith.constant 0 : i32
    return %arg0, %c0_i32 : i32, i32
  }
}

</mosaic_0001>

<sc_bundles>
// kernel: kernel.11.cloned.1.call-start
scs
__scs_entry_jumppad:
0x0: {  	(pc) =	sbr.rel $0x88, $3  }
0x1: {  	(tag) =	ssettag $0x0;
	lr =	simm.s32 $0x1  }
0x2: {  	[smem:$0x3F98] =	sst lr;
	_ =	strace $0xD0000000  }
0x3: {  	_ = 	snop  }
0x4: {  	_ = 	snop  }
0x5: {  	_ = 	snop  }
0x6: {  	_ = 	snop  }
0x7: {  	_ = 	snop  }
__scs_overlays_trampoline_lowered:
0x8: {  	[smem:$0x3FA7] =	sst s0  }
0x9: {  	[smem:$0x3FA8] =	sst s1  }
0xa: {  	[smem:$0x3FA9] =	sst s2  }
0xb: {  	[smem:$0x3FAA] =	sst s3  }
0xc: {  	[smem:$0x3FAB] =	sst s4  }
0xd: {  	[smem:$0x3FAC] =	sst s5  }
0xe: {  	[smem:$0x3FAD] =	sst s6  }
0xf: {  	[smem:$0x3FAE] =	sst s7  }
0x10: {  	[smem:$0x3FAF] =	sst s8  }
0x11: {  	[smem:$0x3FB0] =	sst s9;
	s0 =	simm.s32 @!p0 $0x0  }
0x12: {  	s1 =	sld [smem:$0x3F96];
	s0 =	simm.s32 @p0 $0x1  }
0x13: {  	[smem:$0x3FB1] =	sst s0;
	s0 =	simm.s32 @!p1 $0x0  }
0x14: {  	s2 =	sld [smem:$0x3F95];
	s0 =	simm.s32 @p1 $0x1  }
0x15: {  	[smem:$0x3FB2] =	sst s0;
	s0 =	simm.s32 @!p2 $0x0  }
0x16: {  	s3 =	sld [smem:$0x3FDB];
	s0 =	simm.s32 @p2 $0x1  }
0x17: {  	s4 =	simm.s32 $0x1BF5;
	[smem:$0x3FB4] =	sst s0  }
0x18: {  	s0 =	sld [smem:$0x3F97];
	_ =	swait.ge [sflag:s4], $0x0  }
0x19: {  	s7 =	sld [smem:$0x3F98]  }
0x1a: {  	s8 =	sadd.s32 $0xFFFFE003, lr  }
0x1b: {  	s9 =	sadd.s32 $0xFFFFFEF7, lr;
	s5 =	simm.s32 $0xFFFFFFFF;
	p2 =	slt.u32 s8, $0xFFFFF086  }
0x1c: {  	p1 =	slt.u32 s9, $0xF7A;
	s5 =	simm.s32 @!p2 $0x0  }
0x1d: {  	s5 =	simm.s32 @p1 $0x1;
	p0 =	seq.s32 s7, s2  }
0x1e: {  	s7 =	smul.u32 @!p0 $0xF7A, s2;
	p2 =	seq.s32 @!p0 s5, $0x0  }
0x1f: {  	s9 =	smul.u32 $0xF7A, s1;
	s8 =	simm.s32 @!p0 $0x1BF5;
	p2 =	por !p2, p0  }
0x20: {  	[sflag:s8] =	ssyncset.s32 @!p0 $0xFFFFF086;
	s6 =	sadd.s32 @!p0 s3, s7;
	s7 =	simm.s32 @!p0 $0x108  }
0x21: {  	s3 =	sadd.s32 s3, s9;
	s6 =	sadd.s32 @!p0 $0x88, s6;
	s7 =	simm.s32 @p2 $0x1082  }
0x22: {  	[simem:s7], [sflag:s8] =	dma.local @!p0 [hbm:s6], $0xF7A  }
0x23: {  	s9 =	sor.u32 $0xD0000000, s2;
	s6 =	simm.s32 $0x108;
	_ =	swait.ge @!p0 [sflag:s8], $0x0  }
0x24: {  	s3 =	sadd.s32 $0x88, s3;
	s6 =	simm.s32 @!p1 $0x1082;
	[sflag:s4] =	ssyncset.s32 $0xFFFFF086  }
0x25: {  	[simem:s6], [sflag:s4] =	dma.local [hbm:s3], $0xF7A  }
0x26: {  	[smem:$0x3F98] =	sst s1;
	(tag) =	ssettag s2;
	_ =	strace s9  }
0x27: {  	s1 =	sld [smem:$0x3FA8]  }
0x28: {  	s2 =	sld [smem:$0x3FA9]  }
0x29: {  	s4 =	sld [smem:$0x3FAB]  }
0x2a: {  	p0 =	seq.s32 s5, $0x0;
	s5 =	sld [smem:$0x3FAC]  }
0x2b: {  	s6 =	sld [smem:$0x3FAD]  }
0x2c: {  	s7 =	sld [smem:$0x3FAE]  }
0x2d: {  	s3 =	simm.s32 $0x108;
	s8 =	sld [smem:$0x3FAF]  }
0x2e: {  	s3 =	simm.s32 @!p0 $0x1082;
	s9 =	sld [smem:$0x3FB0]  }
0x2f: {  	lr =	sadd.s32 s0, s3;
	s0 =	sld [smem:$0x3FA7]  }
0x30: {  	s3 =	sld [smem:$0x3FAA]  }
0x31: {  	[smem:$0x3FB3] =	sst s10  }
0x32: {  	s10 =	sld [smem:$0x3FB1];
	_ =	sdelay $0x3  }
0x33: {  	p0 =	seq.s32 s10, $0x1;
	s10 =	sld [smem:$0x3FB3];
	_ =	sdelay $0x3  }
0x34: {  	[smem:$0x3FB3] =	sst s10  }
0x35: {  	s10 =	sld [smem:$0x3FB2];
	_ =	sdelay $0x3  }
0x36: {  	p1 =	seq.s32 s10, $0x1;
	s10 =	sld [smem:$0x3FB3];
	_ =	sdelay $0x3  }
0x37: {  	[smem:$0x3FB3] =	sst s10  }
0x38: {  	s10 =	sld [smem:$0x3FB4]  }
0x39: {  	_ = 	snop;
	(pc) =	sbr.ind lr, $3  }
0x3a: {  	_ = 	snop  }
0x3b: {  	_ = 	snop  }
0x3c: {  	p2 =	seq.s32 s10, $0x1;
	s10 =	sld [smem:$0x3FB3]  }
0x3d: {  	_ =	shalt  }
0x3e: {  	_ =	shalt  }
0x3f: {  	_ =	shalt  }
0x40: {  	_ =	shalt  }
0x41: {  	_ =	shalt  }
0x42: {  	_ =	shalt  }
0x43: {  	_ =	shalt  }
0x44: {  	_ =	shalt  }
0x45: {  	_ =	shalt  }
0x46: {  	_ =	shalt  }
0x47: {  	_ =	shalt  }
0x48: {  	_ =	shalt  }
0x49: {  	_ =	shalt  }
0x4a: {  	_ =	shalt  }
0x4b: {  	_ =	shalt  }
0x4c: {  	_ =	shalt  }
0x4d: {  	_ =	shalt  }
0x4e: {  	_ =	shalt  }
0x4f: {  	_ =	shalt  }
0x50: {  	_ =	shalt  }
0x51: {  	_ =	shalt  }
0x52: {  	_ =	shalt  }
0x53: {  	_ =	shalt  }
0x54: {  	_ =	shalt  }
0x55: {  	_ =	shalt  }
0x56: {  	_ =	shalt  }
0x57: {  	_ =	shalt  }
0x58: {  	_ =	shalt  }
0x59: {  	_ =	shalt  }
0x5a: {  	_ =	shalt  }
0x5b: {  	_ =	shalt  }
0x5c: {  	_ =	shalt  }
0x5d: {  	_ =	shalt  }
0x5e: {  	_ =	shalt  }
0x5f: {  	_ =	shalt  }
0x60: {  	_ =	shalt  }
0x61: {  	_ =	shalt  }
0x62: {  	_ =	shalt  }
0x63: {  	_ =	shalt  }
0x64: {  	_ =	shalt  }
0x65: {  	_ =	shalt  }
0x66: {  	_ =	shalt  }
0x67: {  	_ =	shalt  }
0x68: {  	_ =	shalt  }
0x69: {  	_ =	shalt  }
0x6a: {  	_ =	shalt  }
0x6b: {  	_ =	shalt  }
0x6c: {  	_ =	shalt  }
0x6d: {  	_ =	shalt  }
0x6e: {  	_ =	shalt  }
0x6f: {  	_ =	shalt  }
0x70: {  	_ =	shalt  }
0x71: {  	_ =	shalt  }
0x72: {  	_ =	shalt  }
0x73: {  	_ =	shalt  }
0x74: {  	_ =	shalt  }
0x75: {  	_ =	shalt  }
0x76: {  	_ =	shalt  }
0x77: {  	_ =	shalt  }
0x78: {  	_ =	shalt  }
0x79: {  	_ =	shalt  }
0x7a: {  	_ =	shalt  }
0x7b: {  	_ =	shalt  }
0x7c: {  	_ =	shalt  }
0x7d: {  	_ =	shalt  }
0x7e: {  	_ =	shalt  }
0x7f: {  	_ =	shalt  }
0x80: {  	_ =	shalt  }
0x81: {  	_ =	shalt  }
0x82: {  	_ =	shalt  }
0x83: {  	_ =	shalt  }
0x84: {  	_ =	shalt  }
0x85: {  	_ =	shalt  }
0x86: {  	_ =	shalt  }
0x87: {  	_ =	shalt  }
.Lfunc_end0:
.L_simem_size_0:
called_computation.1_lowered:
.L_overlay_start_0:
0x88: {  	s2 =	sld [smem:$0x3FD9]  }
0x89: {  	s3 =	sld [smem:$0x3FFE];
	_ =	sdelay $0x1  }
0x8a: {  	s1 =	srdreg.scid  }
0x8b: {  	s0 =	sand.u32 $0x1, s1  }
0x8c: {  	s17 =	sshll.u32 s0, $0xA;
	s2 =	sadd.s32 s3, s2  }
0x8d: {  	s2 =	sadd.s32 s2, s17  }
0x8e: {  	[smem:$0x3FBF] =	sst s2  }
0x8f: {  	_ = 	snop  }
0x90: {  	s2 =	sld [smem:$0x3FD0];
	(tm) =	ssettm $0x1  }
0x91: {  	s18 =	sld [smem:$0x3FFB];
	_ =	sdelay $0x3  }
0x92: {  	_ =	strace s18  }
0x93: {  	s3 =	sld [smem:$0x3FFC];
	_ =	sdelay $0x3  }
0x94: {  	_ =	strace s3  }
0x95: {  	s3 =	sld [smem:$0x3FFD];
	_ =	sdelay $0x3  }
0x96: {  	_ =	strace s3  }
0x97: {  	_ =	strace $0x8FFFFFFF  }
0x98: {  	s19 =	sld [smem:$0x3FDB];
	_ =	sdelay $0x1  }
0x99: {  	s4 =	simm.s32 $_scs_section_size  }
0x9a: {  	s5 =	simm.s32 $_size__tile_overlayer_lowered;
	s6 =	simm.s32 $_tile_overlayer_lowered  }
0x9b: {  	s22 =	simm.s32 $0x1BFF;
	s21 =	sshll.u32 s6, $0x1;
	s3 =	sadd.s32 s4, s19  }
0x9c: {  	s7 =	simm.s32 $0x0;
	s20 =	sshll.u32 s5, $0x1;
	s5 =	sadd.s32 s21, s3  }
0x9d: {  	[timem:s7], [sflag:s22] =	dma.local [hbm:s5], s20  }
0x9e: {  	_ =	swait.ge [sflag:s22], s20  }
0x9f: {  	s4 =	ssub.s32 $0x0, s20;
	[sflag:s22] =	ssyncset.done $0x0  }
0xa0: {  	[sflag:s22] =	ssyncadd.s32 s4;
	_ =	sdelay $0x1  }
0xa1: {  	s23 =	simm.s32 $0x1B8B  }
0xa2: {  	_ =	swait.ge [sflag:s23], $0x1  }
0xa3: {  	[sflag:s23] =	ssyncset.done $0x0  }
0xa4: {  	s25 =	simm.s32 $0x1B8E;
	s24 =	sld [smem:$0x3FFE];
	[sflag:s23] =	ssyncadd.s32 $0xFFFFFFFF  }
0xa5: {  	s26 =	simm.s32 $execute0_lowered;
	[smem:$0x3FD2] =	sst s25  }
0xa6: {  	s5 =	sshll.u32 s26, $0x1;
	_ =	strace $0x80000049;
	[dreg:$0x1] =	wrdreg $0xFFFFFFFF  }
0xa7: {  	s28 =	simm.s32 $_size_execute0_lowered;
	s3 =	sadd.s32 s3, s5;
	[dreg:$0x0] =	wrdreg $0x0  }
0xa8: {  	s5 =	sshll.u32 s28, $0x1;
	[dreg:$0x2] =	wrdreg s3  }
0xa9: {  	[dreg:$0x3] =	wrdreg s5  }
0xaa: {  	[dreg:$0x4] =	wrdreg $0xC0  }
0xab: {  	_ =	task [dreg:s7], $0x5FFFF  }
0xac: {  	[dreg:$0x1] =	wrdreg $0xFFFFFFFF  }
0xad: {  	[dreg:$0x0] =	wrdreg $0x60  }
0xae: {  	[dreg:$0x2] =	wrdreg s24  }
0xaf: {  	[dreg:$0x3] =	wrdreg s2  }
0xb0: {  	[dreg:$0x4] =	wrdreg $0x0  }
0xb1: {  	[dreg:$0x5] =	wrdreg $0x9  }
0xb2: {  	_ =	task.clear_ibuf [dreg:s7], $0x6FFFF;
	_ =	strace $0x90000049  }
0xb3: {  	s29 =	simm.s32 $0x9;
	_ =	strace $0x8000004B  }
0xb4: {  	_ =	swait.ge [sflag:s29], $0x1  }
0xb5: {  	[sflag:s29] =	ssyncadd.s32 $0xFFFFFFFF  }
0xb6: {  	_ =	strace $0x9000004B  }
0xb7: {  	_ =	sfence  }
0xb8: {  	s30 =	sld [smem:$0x0];
	_ =	sdelay $0x2  }
0xb9: {  	s31 =	sshll.u32 s1, $0xD;
	s1 =	sshrl.u32 s1, $0x2  }
0xba: {  	s3 =	sand.u32 $0x4000, s31;
	s1 =	sadd.s32 s1, s30  }
0xbb: {  	s0 =	sor.u32 s3, s0;
	s1 =	sshll.u32 s1, $0x11  }
0xbc: {  	s0 =	sor.u32 s1, s0  }
0xbd: {  	s0 =	sadd.s32 $0x8F2B, s0  }
0xbe: {  	[sflag:s0] =	ssyncadd.remote.s32 $0x1  }
0xbf: {  	_ =	sfence.sel $0xFFFF  }
0xc0: {  	[dreg:$0x0] =	wrdreg $0xFFFFFFFF;
	(pc) =	sbr.abs _section_cstart, $3  }
0xc1: {  	[dreg:$0x1] =	wrdreg $0xFFFFFFFF  }
0xc2: {  	_ =	task.clear_ibuf [dreg:s7], $0x2FFFF;
	_ =	strace $0x9FFFFFFF  }
0xc3: {  	(tm) =	ssettm $0x7FFFFFFF  }
tec
execute0_lowered:
.L_overlay_start_1:
0x0: {  	(tag) =	ssettag $0x1  }
0x1: {  	s0 =	srdreg.scid;
	s16 =	stileid.u32  }
0x2: {  	s4 =	rddreg [dreg:$0x0];
	s28 =	simm.s32 $0x0;
	s11 =	smul.u32 $0x2710, s16  }
0x3: {  	s2 =	sand.u32 $0x1, s0;
	s0 =	simm.s32 $0x0;
	s14 =	smul.u32 $0x500, s16  }
0x4: {  	s5 =	sadd.s32 $0x1FE00, s4;
	s7 =	sor.u32 $0x10, s16;
	s23 =	smul.u32 $0x27100, s2  }
0x5: {  	s6 =	sadd.s32 $0x47000, s4;
	s8 =	sor.u32 $0x20, s16;
	s24 =	smul.u32 $0x500, s7  }
0x6: {  	s9 =	sor.u32 $0x30, s16;
	s10 =	sor.u32 $0x40, s16;
	s25 =	smul.u32 $0x500, s8  }
0x7: {  	s12 =	sor.u32 $0x50, s16;
	s13 =	sor.u32 $0x60, s16;
	s30 =	smul.u32 $0x500, s9  }
0x8: {  	s15 =	sor.u32 $0x70, s16;
	p3 =	slt.u32 s16, $0xD;
	s18 =	smul.u32 $0x500, s10  }
0x9: {  	p4 =	sgt.u32 s16, $0xC;
	s1 =	ssub.s32 $0x2, s2;
	s20 =	smul.u32 $0x500, s12  }
0xa: {  	[smem:$0x7FF] =	sst s0;
	s22 =	smul.u32 $0x500, s13;
	p2 =	seq.s32 s2, $0x0  }
0xb: {  	p0 =	seq.s32 s2, $0x1;
	p1 =	sne.s32 s2, $0x0;
	s17 =	sadd.s32 s5, s14  }
0xc: {  	s3 =	sshrl.u32 s1, $0x1;
	s14 =	sadd.s32 s6, s14;
	[dreg:$0x4] =	wrdreg s17  }
0xd: {  	p2 =	por !p2, !p3;
	p3 =	por !p3, !p0;
	[dreg:$0x5] =	wrdreg s14  }
0xe: {  	s1 =	ssub.s32 s1, s3;
	s26 =	sadd.s32 s5, s24;
	s17 =	rddreg [dreg:$0x1]  }
0xf: {  	s3 =	sadd.s32 s11, s23;
	s11 =	sadd.s32 s6, s24;
	[dreg:$0x6] =	wrdreg s26  }
0x10: {  	s31 =	sadd.s32 s5, s25;
	s14 =	sadd.s32 s6, s25;
	[dreg:$0x7] =	wrdreg s11  }
0x11: {  	s19 =	sadd.s32 s5, s30;
	s21 =	sadd.s32 s5, s18;
	[dreg:$0x8] =	wrdreg s31  }
0x12: {  	s23 =	sadd.s32 s5, s20;
	s24 =	smul.u32 $0x500, s15;
	[dreg:$0x9] =	wrdreg s14  }
0x13: {  	s25 =	sadd.s32 s5, s22;
	p2 =	por !p2, !p2;
	[dreg:$0xa] =	wrdreg s19  }
0x14: {  	p3 =	por !p3, !p3;
	s11 =	sadd.s32 s6, s30;
	[dreg:$0xc] =	wrdreg s21  }
0x15: {  	s14 =	sadd.s32 s6, s18;
	[dreg:$0xe] =	wrdreg s23;
	s30 =	smul.u32 $0xA000, s7  }
0x16: {  	[dreg:$0x10] =	wrdreg s25;
	s21 =	sadd.s32 $0xBC00, s4;
	s31 =	smul.u32 $0xA000, s16  }
0x17: {  	s23 =	sadd.s32 $0x15A00, s4;
	s7 =	smul.u32 $0xA000, s9;
	[dreg:$0xb] =	wrdreg s11  }
0x18: {  	s1 =	smax.u32 s1, $0x1;
	[dreg:$0xd] =	wrdreg s14;
	s11 =	sadd.s32 s6, s20  }
0x19: {  	s14 =	sadd.s32 s6, s22;
	s5 =	sadd.s32 s5, s24;
	s20 =	rddreg [dreg:$0x2]  }
0x1a: {  	s26 =	sadd.s32 s6, s24;
	s6 =	smul.u32 $0xA000, s8;
	[dreg:$0xf] =	wrdreg s11  }
0x1b: {  	s22 =	sadd.s32 $0x1E00, s4;
	s8 =	smul.u32 $0xA000, s10;
	[dreg:$0x11] =	wrdreg s14  }
0x1c: {  	s4 =	sadd.s32 $0x1F800, s4;
	s10 =	smul.u32 $0xA000, s12;
	[dreg:$0x12] =	wrdreg s5  }
0x1d: {  	s12 =	smul.u32 $0xA000, s13;
	s24 =	sshrl.u32 s3, $0x3;
	[dreg:$0x13] =	wrdreg s26  }
0x1e: {  	s5 =	sshrl.u32 s31, $0x2;
	s2 =	sshrl.u32 s30, $0x2;
	s9 =	sshrl.u32 s7, $0x2  }
0x1f: {  	s14 =	smul.u32 $0xA000, s15;
	s26 =	sadd.s32 s21, s24;
	s30 =	sadd.s32 s22, s24  }
0x20: {  	s31 =	sadd.s32 s23, s24;
	s7 =	sadd.s32 $0xA0, s3;
	s24 =	simm.s32 $0x1B280  }
0x21: {  	_ =	strace $0x8000004A;
	[dreg:$0x14] =	wrdreg s4;
	s5 =	sadd.s32 s5, s20  }
0x22: {  	s2 =	sadd.s32 s2, s20;
	s4 =	sshrl.u32 s6, $0x2;
	[dreg:$0x1d] =	wrdreg s26  }
0x23: {  	s11 =	sadd.s32 s9, s20;
	s13 =	sshrl.u32 s10, $0x2;
	[dreg:$0x1e] =	wrdreg s30  }
0x24: {  	s18 =	sshrl.u32 s12, $0x2;
	[dreg:$0x1f] =	wrdreg s31;
	s6 =	sadd.s32 $0x50, s3  }
0x25: {  	[smem:$0x7FD] =	sst s1;
	s9 =	simm.s32 $0x13880;
	s10 =	simm.s32 $0x5  }
0x26: {  	s12 =	simm.s32 $0x18800;
	s3 =	simm.s32 $0x1B300;
	[dreg:$0x15] =	wrdreg s5  }
0x27: {  	s1 =	simm.s32 $0x1B380;
	[dreg:$0x16] =	wrdreg s2;
	s4 =	sadd.s32 s4, s20  }
0x28: {  	[dreg:$0x18] =	wrdreg s11;
	s2 =	sshrl.u32 s8, $0x2;
	s15 =	sadd.s32 s13, s20  }
0x29: {  	s25 =	sadd.s32 s18, s20;
	s19 =	sshrl.u32 s14, $0x2;
	s11 =	simm.s32 $0x16000  }
0x2a: {  	s13 =	simm.s32 $0x18880;
	s14 =	simm.s32 $0x18900;
	[dreg:$0x17] =	wrdreg s4  }
0x2b: {  	s18 =	simm.s32 $0x1;
	s5 =	simm.s32 $0x18980;
	[dreg:$0x1a] =	wrdreg s15  }
0x2c: {  	s8 =	simm.s32 $0x2;
	s2 =	sadd.s32 s2, s20;
	[dreg:$0x1b] =	wrdreg s25  }
0x2d: {  	s29 =	sadd.s32 s19, s20;
	s15 =	simm.s32 $0x50;
	[dreg:$0x19] =	wrdreg s2  }
0x2e: {  	v0 =	vimm.f32 $0.0e+00;
	s19 =	simm.s32 $0x1B200;
	s4 =	simm.s32 $0x18A00;
	[dreg:$0x1c] =	wrdreg s29  }
.LBB2_1:
0x2f: {  	[smem:$0x7FC] =	sst s28;
	s16 =	simm.s32 $0x0;
	s26 =	simm.s32 $0x200  }
.LBB2_2:
0x30: {  	p5 =	sne.s32 s26, $0x9E00;
	[tilespmem:s16+$0x16070] =	vst v0  }
0x31: {  	[tilespmem:s16+$0x16000] =	vst v0  }
0x32: {  	[tilespmem:s16+$0x16010] =	vst v0  }
.Ltmp0:
0x33: {  	[tilespmem:s16+$0x16020] =	vst v0;
	(pc) =	sbr.rel @p5 .LBB2_2-.Ltmp0, $4  }
0x34: {  	[tilespmem:s16+$0x16030] =	vst v0  }
0x35: {  	[tilespmem:s16+$0x16040] =	vst v0  }
0x36: {  	[tilespmem:s16+$0x16050] =	vst v0  }
0x37: {  	[tilespmem:s16+$0x16060] =	vst v0;
	s16 =	sshra.s32 s26, $0x2;
	s26 =	sadd.s32 $0x200, s26  }
0x38: {  	[tilespmem:s16+$0x16070] =	vst v0  }
0x39: {  	[tilespmem:s16+$0x16000] =	vst v0  }
0x3a: {  	[tilespmem:s16+$0x16010] =	vst v0  }
0x3b: {  	[tilespmem:s16+$0x16020] =	vst v0  }
0x3c: {  	[tilespmem:s16+$0x16030] =	vst v0  }
0x3d: {  	[tilespmem:s16+$0x16040] =	vst v0  }
0x3e: {  	[tilespmem:s16+$0x16050] =	vst v0  }
0x3f: {  	[tilespmem:s16+$0x16060] =	vst v0;
	s2 =	rddreg [dreg:$0x14]  }
0x40: {  	[tilespmem:s9], [sflag:$0x5] =	stream.linear.gather [hbm4b:s2+s0], $0x2780, $0x38;
	[tilespmem:$0x1B400] =	vst v63  }
0x41: {  	_ =	swait.ge [sflag:s10], $0x2780  }
0x42: {  	[sflag:s10] =	ssyncset.done $0x0  }
0x43: {  	s28 =	rddreg [dreg:$0x15];
	[sflag:s10] =	ssyncadd.s32 $0xFFFFD880  }
0x44: {  	[spmem:s28] =	stream.linear.scatter [tilespmem:s11], [sflag:$0x5], $0x2800, $0x38;
	[tilespmem:$0x1B400] =	vst v63  }
0x45: {  	_ =	swait.ge [sflag:s10], $0x2800  }
0x46: {  	[sflag:s10] =	ssyncset.done $0x0  }
0x47: {  	s30 =	rddreg [dreg:$0x16];
	[sflag:s10] =	ssyncadd.s32 $0xFFFFD800  }
0x48: {  	[spmem:s30] =	stream.linear.scatter [tilespmem:s11], [sflag:$0x5], $0x2800, $0x38;
	[tilespmem:$0x1B400] =	vst v63  }
0x49: {  	_ =	swait.ge [sflag:s10], $0x2800  }
0x4a: {  	[sflag:s10] =	ssyncset.done $0x0  }
0x4b: {  	s31 =	rddreg [dreg:$0x17];
	[sflag:s10] =	ssyncadd.s32 $0xFFFFD800  }
0x4c: {  	[spmem:s31] =	stream.linear.scatter [tilespmem:s11], [sflag:$0x5], $0x2800, $0x38;
	[tilespmem:$0x1B400] =	vst v63  }
0x4d: {  	_ =	swait.ge [sflag:s10], $0x2800  }
0x4e: {  	[sflag:s10] =	ssyncset.done $0x0  }
0x4f: {  	s16 =	rddreg [dreg:$0x18];
	[sflag:s10] =	ssyncadd.s32 $0xFFFFD800  }
0x50: {  	[spmem:s16] =	stream.linear.scatter [tilespmem:s11], [sflag:$0x5], $0x2800, $0x38;
	[tilespmem:$0x1B400] =	vst v63  }
0x51: {  	_ =	swait.ge [sflag:s10], $0x2800  }
0x52: {  	[sflag:s10] =	ssyncset.done $0x0  }
0x53: {  	s26 =	rddreg [dreg:$0x19];
	[sflag:s10] =	ssyncadd.s32 $0xFFFFD800  }
0x54: {  	[spmem:s26] =	stream.linear.scatter [tilespmem:s11], [sflag:$0x5], $0x2800, $0x38;
	[tilespmem:$0x1B400] =	vst v63  }
0x55: {  	_ =	swait.ge [sflag:s10], $0x2800  }
0x56: {  	[sflag:s10] =	ssyncset.done $0x0  }
0x57: {  	s28 =	rddreg [dreg:$0x1a];
	[sflag:s10] =	ssyncadd.s32 $0xFFFFD800  }
0x58: {  	[spmem:s28] =	stream.linear.scatter [tilespmem:s11], [sflag:$0x5], $0x2800, $0x38;
	[tilespmem:$0x1B400] =	vst v63  }
0x59: {  	_ =	swait.ge [sflag:s10], $0x2800  }
0x5a: {  	[sflag:s10] =	ssyncset.done $0x0  }
0x5b: {  	[sflag:s10] =	ssyncadd.s32 $0xFFFFD800  }
0x5c: {  	[spmem:s25] =	stream.linear.scatter [tilespmem:s11], [sflag:$0x5], $0x2800, $0x38;
	[tilespmem:$0x1B400] =	vst v63  }
0x5d: {  	_ =	swait.ge [sflag:s10], $0x2800  }
0x5e: {  	[sflag:s10] =	ssyncset.done $0x0  }
0x5f: {  	s16 =	simm.s32 @!p4 $0x16000;
	[sflag:s10] =	ssyncadd.s32 $0xFFFFD800  }
0x60: {  	[spmem:s29] =	stream.linear.scatter @!p4 [tilespmem:s16], [sflag:$0x5], $0x2800, $0x38;
	[tilespmem:$0x1B400] =	vst v63  }
0x61: {  	s16 =	simm.s32 @!p4 $0x5  }
0x62: {  	_ =	swait.ge @!p4 [sflag:s16], $0x2800  }
0x63: {  	[sflag:s16] =	ssyncset.done @!p4 $0x0  }
0x64: {  	[sflag:s16] =	ssyncadd.s32 @!p4 $0xFFFFD800  }
0x65: {  	[bflag:$0x0] =	sbarrier.arrive $0xFFFF  }
0x66: {  	s26 =	simm.s32 $0x0;
	s29 =	rddreg [dreg:$0x1d]  }
0x67: {  	[tilespmem:s12], [sflag:$0x5] =	stream.linear.gather [hbm4b:s29+s26], $0x50, $0x38;
	[tilespmem:$0x1B400] =	vst v63  }
0x68: {  	_ =	swait.ge [sflag:s10], $0x50  }
0x69: {  	[sflag:s10] =	ssyncset.done $0x0  }
0x6a: {  	s30 =	rddreg [dreg:$0x1e];
	[sflag:s10] =	ssyncadd.s32 $0xFFFFFFB0  }
0x6b: {  	[tilespmem:s13], [sflag:$0x5] =	stream.linear.gather [hbm4b:s30+s26], $0x50, $0x38;
	[tilespmem:$0x1B400] =	vst v63  }
0x6c: {  	_ =	swait.ge [sflag:s10], $0x50  }
0x6d: {  	[sflag:s10] =	ssyncset.done $0x0  }
0x6e: {  	s31 =	rddreg [dreg:$0x1f];
	[sflag:s10] =	ssyncadd.s32 $0xFFFFFFB0  }
0x6f: {  	[tilespmem:s14], [sflag:$0x5] =	stream.linear.gather [hbm4b:s31+s26], $0x50, $0x38;
	[tilespmem:$0x1B400] =	vst v63  }
0x70: {  	_ =	swait.ge [sflag:s10], $0x50  }
0x71: {  	[sflag:s10] =	ssyncset.done $0x0  }
0x72: {  	[sflag:s10] =	ssyncadd.s32 $0xFFFFFFB0  }
0x73: {  	[tilespmem:s11], [sflag:$0x1] =	stream.indirect.gather [hbm4b:s17+s15], $0x80, s12, s15, $0xb8;
	[tilespmem:$0x1B400] =	vst v63  }
.LBB2_4:
0x74: {  	_ =	swait.ge [sflag:s18], $0x2800  }
0x75: {  	p5 =	seq.s32 s26, $0x0;
	s28 =	smul.u32 $0xA0, s26;
	[sflag:s18] =	ssyncset.done $0x0  }
0x76: {  	s16 =	simm.s32 @!p5 $0x4;
	[sflag:s18] =	ssyncadd.s32 $0xFFFFD800  }
0x77: {  	s29 =	sadd.s32 s28, s6;
	_ =	swait.ge @!p5 [sflag:s16], $0x2800  }
0x78: {  	s29 =	sshrl.u32 s29, $0x3;
	[sflag:s16] =	ssyncset.done @!p5 $0x0  }
0x79: {  	s2 =	sadd.s32 s21, s29;
	[sflag:s16] =	ssyncadd.s32 @!p5 $0xFFFFD800  }
0x7a: {  	[tilespmem:s19], [sflag:$0x5] =	stream.linear.gather [hbm4b:s2+s0], $0x50, $0x38;
	[tilespmem:$0x1B400] =	vst v63  }
0x7b: {  	_ =	swait.ge [sflag:s10], $0x50  }
0x7c: {  	[sflag:s10] =	ssyncset.done $0x0  }
0x7d: {  	s25 =	sadd.s32 s22, s29;
	[sflag:s10] =	ssyncadd.s32 $0xFFFFFFB0  }
0x7e: {  	[tilespmem:s24], [sflag:$0x5] =	stream.linear.gather [hbm4b:s25+s0], $0x50, $0x38;
	[tilespmem:$0x1B400] =	vst v63  }
0x7f: {  	_ =	swait.ge [sflag:s10], $0x50  }
0x80: {  	[sflag:s10] =	ssyncset.done $0x0  }
0x81: {  	s2 =	sadd.s32 s23, s29;
	[sflag:s10] =	ssyncadd.s32 $0xFFFFFFB0  }
0x82: {  	[tilespmem:s3], [sflag:$0x5] =	stream.linear.gather [hbm4b:s2+s0], $0x50, $0x38;
	[tilespmem:$0x1B400] =	vst v63  }
0x83: {  	_ =	swait.ge [sflag:s10], $0x50  }
0x84: {  	[sflag:s10] =	ssyncset.done $0x0  }
0x85: {  	[sflag:s10] =	ssyncadd.s32 $0xFFFFFFB0  }
0x86: {  	[tilespmem:s4], [sflag:$0x3] =	stream.indirect.gather [hbm4b:s17+s15], $0x80, s19, s15, $0xb8;
	[tilespmem:$0x1B400] =	vst v63  }
0x87: {  	v1 =	vld [tilespmem:$0x18800];
	_ =	sdelay $0x1  }
0x88: {  	v2 =	vld [tilespmem:$0x18880];
	_ =	sdelay $0x4  }
0x89: {  	v3 =	vld [tilespmem:$0x18900]  }
0x8a: {  	v1 =	vld.idx.msk [tilespmem:v1+s9+$0x0], $0xffff  }
0x8b: {  	v4 =	vld [tilespmem:$0x18810]  }
0x8c: {  	v2 =	vld.idx.msk [tilespmem:v2+s9+$0x0], $0xffff  }
0x8d: {  	v5 =	vld [tilespmem:$0x18890];
	_ =	sdelay $0x1  }
0x8e: {  	v1 =	vmul.f32 v3, v1;
	_ =	sdelay $0x1  }
0x8f: {  	v1 =	vmul.f32 v1, v2;
	_ =	sdelay $0x1  }
0x90: {  	v2 =	vld [tilespmem:$0x18910];
	[tilespmem:$0x18980] =	vst v1  }
0x91: {  	v1 =	vld.idx.msk [tilespmem:v4+s9+$0x0], $0xffff  }
0x92: {  	v3 =	vld.idx.msk [tilespmem:v5+s9+$0x0], $0xffff  }
0x93: {  	v4 =	vld [tilespmem:$0x18820]  }
0x94: {  	v5 =	vld [tilespmem:$0x188A0];
	_ =	sdelay $0x1  }
0x95: {  	v1 =	vmul.f32 v2, v1;
	_ =	sdelay $0x1  }
0x96: {  	v1 =	vmul.f32 v1, v3;
	_ =	sdelay $0x1  }
0x97: {  	v2 =	vld [tilespmem:$0x18920];
	[tilespmem:$0x18990] =	vst v1  }
0x98: {  	v1 =	vld.idx.msk [tilespmem:v4+s9+$0x0], $0xffff  }
0x99: {  	v3 =	vld.idx.msk [tilespmem:v5+s9+$0x0], $0xffff  }
0x9a: {  	v4 =	vld [tilespmem:$0x18830]  }
0x9b: {  	v5 =	vld [tilespmem:$0x188B0];
	_ =	sdelay $0x1  }
0x9c: {  	v1 =	vmul.f32 v2, v1;
	_ =	sdelay $0x1  }
0x9d: {  	v1 =	vmul.f32 v1, v3;
	_ =	sdelay $0x1  }
0x9e: {  	v2 =	vld [tilespmem:$0x18930];
	[tilespmem:$0x189A0] =	vst v1  }
0x9f: {  	v1 =	vld.idx.msk [tilespmem:v4+s9+$0x0], $0xffff  }
0xa0: {  	v3 =	vld.idx.msk [tilespmem:v5+s9+$0x0], $0xffff  }
0xa1: {  	v4 =	vld [tilespmem:$0x18840];
	_ =	sdelay $0x2  }
0xa2: {  	v1 =	vmul.f32 v2, v1;
	v2 =	vld [tilespmem:$0x188C0];
	_ =	sdelay $0x1  }
0xa3: {  	v1 =	vmul.f32 v1, v3;
	_ =	sdelay $0x1  }
0xa4: {  	v3 =	vld [tilespmem:$0x18940];
	[tilespmem:$0x189B0] =	vst v1  }
0xa5: {  	v1 =	vld.idx.msk [tilespmem:v4+s9+$0x0], $0xffff;
	_ =	sdelay $0x2  }
0xa6: {  	s25 =	simm.s32 $0x0;
	v2 =	vld.idx.msk [tilespmem:v2+s9+$0x0], $0xffff  }
0xa7: {  	v4 =	vmov s25  }
0xa8: {  	v1 =	vmul.f32 v3, v1;
	v3 =	vand.u32 $0xFFFFFFFC, v4  }
0xa9: {  	v3 =	vbroadcast v3, $0x0;
	_ =	sdelay $0x1  }
0xaa: {  	v1 =	vmul.f32 v1, v2;
	_ =	sdelay $0x1  }
0xab: {  	s29 =	simm.s32 $0x16100;
	[tilespmem:$0x189C0] =	vst v1  }
0xac: {  	v2 =	vld [tilespmem:s29+$0xFFFFFF70]  }
0xad: {  	v3 =	vld.idx.msk [tilespmem:v3+s5+$0x0], $0xffff  }
0xae: {  	v4 =	vld [tilespmem:s29+$0xFFFFFF00]  }
0xaf: {  	v5 =	vld [tilespmem:s29+$0xFFFFFF20]  }
0xb0: {  	v6 =	vld [tilespmem:s29+$0xFFFFFF30]  }
0xb1: {  	v1 =	vld [tilespmem:s29+$0xFFFFFF50]  }
0xb2: {  	v8 =	vld [tilespmem:s29+$0xFFFFFF10];
	v2 =	vmul.f32 v2, v3  }
0xb3: {  	s2 =	simm.s32 $0x1;
	v7 =	vld [tilespmem:s29+$0xFFFFFF60];
	v4 =	vmul.f32 v4, v3  }
0xb4: {  	v9 =	vld [tilespmem:s29+$0xFFFFFF40];
	v5 =	vmul.f32 v5, v3;
	[tilespmem:s29+$0xFFFFFF70] =	vst v2;
	v2 =	vmov s2  }
0xb5: {  	v6 =	vmul.f32 v6, v3;
	[tilespmem:s29+$0xFFFFFF00] =	vst v4;
	v2 =	vand.u32 $0xFFFFFFFD, v2  }
0xb6: {  	v1 =	vmul.f32 v1, v3;
	[tilespmem:s29+$0xFFFFFF20] =	vst v5;
	v2 =	vbroadcast v2, $0x0  }
0xb7: {  	v4 =	vmul.f32 v8, v3;
	[tilespmem:s29+$0xFFFFFF30] =	vst v6  }
0xb8: {  	v5 =	vmul.f32 v7, v3;
	[tilespmem:s29+$0xFFFFFF50] =	vst v1  }
0xb9: {  	v1 =	vmul.f32 v9, v3;
	[tilespmem:s29+$0xFFFFFF10] =	vst v4  }
0xba: {  	[tilespmem:s29+$0xFFFFFF60] =	vst v5  }
0xbb: {  	[tilespmem:s29+$0xFFFFFF40] =	vst v1;
	v1 =	vld [tilespmem:s29+$0xFFFFFF80]  }
0xbc: {  	v3 =	vld.idx.msk [tilespmem:v2+s5+$0x0], $0xffff  }
0xbd: {  	v2 =	vld [tilespmem:s29+$0xFFFFFFA0]  }
0xbe: {  	v4 =	vld [tilespmem:s29+$0xFFFFFF90]  }
0xbf: {  	v5 =	vld [tilespmem:s29+$0xFFFFFFD0]  }
0xc0: {  	v6 =	vld [tilespmem:s29+$0xFFFFFFE0]  }
0xc1: {  	v7 =	vld [tilespmem:s29+$0xFFFFFFF0];
	v1 =	vmul.f32 v1, v3  }
0xc2: {  	s25 =	simm.s32 $0x2;
	v8 =	vld [tilespmem:s29+$0xFFFFFFB0];
	v2 =	vmul.f32 v2, v3  }
0xc3: {  	v63 =	vld [tilespmem:s29+$0xFFFFFFC0];
	v4 =	vmul.f32 v4, v3;
	[tilespmem:s29+$0xFFFFFF80] =	vst v1;
	v1 =	vmov s25  }
0xc4: {  	v5 =	vmul.f32 v5, v3;
	[tilespmem:s29+$0xFFFFFFA0] =	vst v2;
	v1 =	vand.u32 $0xFFFFFFFE, v1  }
0xc5: {  	v2 =	vmul.f32 v6, v3;
	[tilespmem:s29+$0xFFFFFF90] =	vst v4;
	v4 =	vbroadcast v1, $0x0  }
0xc6: {  	v6 =	vmul.f32 v7, v3;
	[tilespmem:s29+$0xFFFFFFD0] =	vst v5;
	v7 =	vld [tilespmem:s29+$0x30]  }
0xc7: {  	v5 =	vmul.f32 v8, v3;
	v1 =	vld [tilespmem:s29+$0x40];
	[tilespmem:s29+$0xFFFFFFE0] =	vst v2  }
0xc8: {  	v3 =	vmul.f32 v63, v3;
	v2 =	vld [tilespmem:s29+$0x70];
	[tilespmem:s29+$0xFFFFFFF0] =	vst v6  }
0xc9: {  	[tilespmem:s29+$0xFFFFFFB0] =	vst v5;
	v5 =	vld [tilespmem:s29+$0x20]  }
0xca: {  	[tilespmem:s29+$0xFFFFFFC0] =	vst v3;
	v6 =	vld [tilespmem:s29+$0x0]  }
0xcb: {  	v3 =	vld.idx.msk [tilespmem:v4+s5+$0x0], $0xffff  }
0xcc: {  	s30 =	simm.s32 $0x3;
	s31 =	simm.s32 $0x7;
	s16 =	simm.s32 $0x16100;
	v4 =	vld [tilespmem:s29+$0x10]  }
.LBB2_5:
0xcd: {  	p5 =	sne.s32 s31, $0x4F  }
0xce: {  	v8 =	vld [tilespmem:s29+$0x50];
	s16 =	sadd.s32 $0x200, s16;
	s2 =	smov.u32 s31;
	s31 =	sadd.s32 $0x4, s31  }
0xcf: {  	v9 =	vld [tilespmem:s29+$0x60];
	_ =	sdelay $0x1  }
0xd0: {  	v6 =	vmul.f32 v6, v3;
	v4 =	vmul.f32 v4, v3  }
0xd1: {  	v5 =	vmul.f32 v5, v3;
	v7 =	vmul.f32 v7, v3  }
0xd2: {  	v1 =	vmul.f32 v1, v3;
	v2 =	vmul.f32 v2, v3;
	[tilespmem:s29+$0x0] =	vst v6  }
0xd3: {  	[tilespmem:s29+$0x20] =	vst v5;
	v5 =	vmul.f32 v8, v3;
	v3 =	vmul.f32 v9, v3  }
0xd4: {  	[tilespmem:s29+$0x30] =	vst v7;
	v6 =	vld [tilespmem:s29+$0x80]  }
0xd5: {  	[tilespmem:s29+$0x60] =	vst v3;
	v3 =	vmov s30;
	v7 =	vld [tilespmem:s29+$0xD0];
	s30 =	smov.u32 s2  }
0xd6: {  	[tilespmem:s29+$0x50] =	vst v5;
	v5 =	vld [tilespmem:s29+$0xE0]  }
0xd7: {  	[tilespmem:s29+$0x40] =	vst v1;
	v8 =	vld [tilespmem:s29+$0xB0]  }
0xd8: {  	v1 =	vld [tilespmem:s16+$0x40];
	[tilespmem:s29+$0x70] =	vst v2  }
0xd9: {  	v2 =	vld [tilespmem:s16+$0x70];
	[tilespmem:s29+$0x10] =	vst v4  }
0xda: {  	v3 =	vld.idx.msk [tilespmem:v3+s5+$0x0], $0xffff  }
0xdb: {  	v4 =	vld [tilespmem:s29+$0x90]  }
0xdc: {  	v9 =	vld [tilespmem:s29+$0xA0]  }
0xdd: {  	v10 =	vld [tilespmem:s29+$0xC0]  }
0xde: {  	v11 =	vld [tilespmem:s29+$0xF0];
	_ =	sdelay $0x1  }
0xdf: {  	v6 =	vmul.f32 v6, v3;
	v4 =	vmul.f32 v4, v3  }
0xe0: {  	s2 =	sadd.s32 $0xFFFFFFFD, s30;
	v8 =	vmul.f32 v8, v3;
	v9 =	vmul.f32 v9, v3  }
0xe1: {  	v12 =	vmov s2;
	v7 =	vmul.f32 v7, v3;
	[tilespmem:s29+$0x80] =	vst v6;
	v6 =	vmul.f32 v10, v3  }
0xe2: {  	v10 =	vand.u32 $0xFFFFFFFC, v12;
	[tilespmem:s29+$0x90] =	vst v4;
	v4 =	vmul.f32 v5, v3;
	v3 =	vmul.f32 v11, v3  }
0xe3: {  	v5 =	vbroadcast v10, $0x0;
	[tilespmem:s29+$0xA0] =	vst v9  }
0xe4: {  	[tilespmem:s29+$0xD0] =	vst v7  }
0xe5: {  	v7 =	vld [tilespmem:s16+$0xFFFFFF50];
	[tilespmem:s29+$0xB0] =	vst v8  }
0xe6: {  	v8 =	vld [tilespmem:s16+$0xFFFFFF30];
	[tilespmem:s29+$0xC0] =	vst v6  }
0xe7: {  	v6 =	vld [tilespmem:s16+$0xFFFFFF60];
	[tilespmem:s29+$0xE0] =	vst v4  }
0xe8: {  	v4 =	vld [tilespmem:s16+$0xFFFFFF70];
	[tilespmem:s29+$0xF0] =	vst v3;
	s29 =	smov.u32 s16  }
0xe9: {  	v3 =	vld.idx.msk [tilespmem:v5+s5+$0x0], $0xffff  }
0xea: {  	v5 =	vld [tilespmem:s16+$0xFFFFFF00]  }
0xeb: {  	v9 =	vld [tilespmem:s16+$0xFFFFFF20]  }
0xec: {  	v10 =	vld [tilespmem:s16+$0xFFFFFF10]  }
0xed: {  	v11 =	vld [tilespmem:s16+$0xFFFFFF40];
	_ =	sdelay $0x1  }
0xee: {  	v4 =	vmul.f32 v4, v3;
	v5 =	vmul.f32 v5, v3  }
0xef: {  	s2 =	sadd.s32 $0xFFFFFFFE, s30;
	v6 =	vmul.f32 v6, v3;
	v9 =	vmul.f32 v9, v3  }
0xf0: {  	v8 =	vmul.f32 v8, v3;
	v10 =	vmul.f32 v10, v3;
	[tilespmem:s16+$0xFFFFFF70] =	vst v4;
	v4 =	vmov s2  }
0xf1: {  	[tilespmem:s16+$0xFFFFFF00] =	vst v5;
	v5 =	vmul.f32 v11, v3;
	v3 =	vmul.f32 v7, v3;
	v4 =	vand.u32 $0xFFFFFFFD, v4  }
0xf2: {  	[tilespmem:s16+$0xFFFFFF20] =	vst v9;
	v4 =	vbroadcast v4, $0x0  }
0xf3: {  	[tilespmem:s16+$0xFFFFFF30] =	vst v8  }
0xf4: {  	[tilespmem:s16+$0xFFFFFF50] =	vst v3;
	v3 =	vld [tilespmem:s16+$0xFFFFFFF0]  }
0xf5: {  	[tilespmem:s16+$0xFFFFFF10] =	vst v10;
	v7 =	vld [tilespmem:s16+$0xFFFFFFD0]  }
0xf6: {  	[tilespmem:s16+$0xFFFFFF60] =	vst v6;
	v6 =	vld [tilespmem:s16+$0xFFFFFFB0]  }
0xf7: {  	[tilespmem:s16+$0xFFFFFF40] =	vst v5;
	v5 =	vld [tilespmem:s16+$0xFFFFFF90]  }
0xf8: {  	v4 =	vld.idx.msk [tilespmem:v4+s5+$0x0], $0xffff  }
0xf9: {  	v8 =	vld [tilespmem:s16+$0xFFFFFF80]  }
0xfa: {  	v9 =	vld [tilespmem:s16+$0xFFFFFFA0]  }
0xfb: {  	v10 =	vld [tilespmem:s16+$0xFFFFFFC0]  }
0xfc: {  	v11 =	vld [tilespmem:s16+$0xFFFFFFE0];
	_ =	sdelay $0x1  }
0xfd: {  	v5 =	vmul.f32 v5, v4;
	v8 =	vmul.f32 v8, v4  }
0xfe: {  	s2 =	sadd.s32 $0xFFFFFFFF, s30;
	v6 =	vmul.f32 v6, v4;
	v9 =	vmul.f32 v9, v4  }
0xff: {  	v7 =	vmul.f32 v7, v4;
	[tilespmem:s16+$0xFFFFFF80] =	vst v8;
	v8 =	vmul.f32 v10, v4;
	v10 =	vmov s2  }
0x100: {  	v3 =	vmul.f32 v3, v4;
	[tilespmem:s16+$0xFFFFFFA0] =	vst v9;
	v9 =	vmul.f32 v11, v4;
	v4 =	vand.u32 $0xFFFFFFFE, v10  }
0x101: {  	[tilespmem:s16+$0xFFFFFF90] =	vst v5;
	v4 =	vbroadcast v4, $0x0  }
0x102: {  	[tilespmem:s16+$0xFFFFFFD0] =	vst v7  }
0x103: {  	[tilespmem:s16+$0xFFFFFFE0] =	vst v9  }
0x104: {  	[tilespmem:s16+$0xFFFFFFB0] =	vst v6  }
.Ltmp1:
0x105: {  	[tilespmem:s16+$0xFFFFFFF0] =	vst v3;
	v5 =	vld [tilespmem:s16+$0x20];
	(pc) =	sbr.rel @p5 .LBB2_5-.Ltmp1, $4  }
0x106: {  	[tilespmem:s16+$0xFFFFFFC0] =	vst v8;
	v6 =	vld [tilespmem:s16+$0x0]  }
0x107: {  	v3 =	vld.idx.msk [tilespmem:v4+s5+$0x0], $0xffff  }
0x108: {  	v4 =	vld [tilespmem:s16+$0x10]  }
0x109: {  	v7 =	vld [tilespmem:s16+$0x30]  }
0x10a: {  	v8 =	vld [tilespmem:s29+$0x60];
	_ =	sdelay $0x1  }
0x10b: {  	v6 =	vmul.f32 v6, v3  }
0x10c: {  	v9 =	vld [tilespmem:s29+$0x50];
	v5 =	vmul.f32 v5, v3  }
0x10d: {  	v1 =	vmul.f32 v1, v3;
	[tilespmem:s29+$0x0] =	vst v6  }
0x10e: {  	[tilespmem:s29+$0x20] =	vst v5;
	v5 =	vmul.f32 v8, v3  }
0x10f: {  	v2 =	vmul.f32 v2, v3;
	[tilespmem:s29+$0x40] =	vst v1  }
0x110: {  	v7 =	vmul.f32 v7, v3;
	[tilespmem:s29+$0x60] =	vst v5;
	v5 =	vmov s30  }
0x111: {  	[tilespmem:s29+$0x70] =	vst v2;
	v6 =	vmul.f32 v9, v3  }
0x112: {  	v3 =	vmul.f32 v4, v3;
	[tilespmem:s29+$0x30] =	vst v7  }
0x113: {  	[tilespmem:s29+$0x50] =	vst v6  }
0x114: {  	v7 =	vld [tilespmem:s29+$0x80];
	[tilespmem:s29+$0x10] =	vst v3  }
0x115: {  	v1 =	vld.idx.msk [tilespmem:v5+s5+$0x0], $0xffff  }
0x116: {  	v2 =	vld [tilespmem:s29+$0x90]  }
0x117: {  	v3 =	vld [tilespmem:s29+$0xA0]  }
0x118: {  	v4 =	vld [tilespmem:s29+$0xD0]  }
0x119: {  	v5 =	vld [tilespmem:s29+$0xB0]  }
0x11a: {  	v6 =	vld [tilespmem:s29+$0xC0];
	v7 =	vmul.f32 v7, v1  }
0x11b: {  	v8 =	vld [tilespmem:s29+$0xE0];
	v2 =	vmul.f32 v2, v1  }
0x11c: {  	v61 =	vld [tilespmem:s29+$0xF0];
	v3 =	vmul.f32 v3, v1;
	[tilespmem:s29+$0x80] =	vst v7  }
0x11d: {  	v4 =	vmul.f32 v4, v1;
	[tilespmem:s29+$0x90] =	vst v2  }
0x11e: {  	v2 =	vmul.f32 v5, v1;
	[tilespmem:s29+$0xA0] =	vst v3  }
0x11f: {  	v3 =	vmul.f32 v6, v1;
	[tilespmem:s29+$0xD0] =	vst v4  }
0x120: {  	v4 =	vmul.f32 v8, v1;
	[tilespmem:s29+$0xB0] =	vst v2  }
0x121: {  	v1 =	vmul.f32 v61, v1;
	[tilespmem:s29+$0xC0] =	vst v3  }
0x122: {  	[tilespmem:s29+$0xE0] =	vst v4  }
0x123: {  	[tilespmem:s29+$0xF0] =	vst v1;
	s29 =	simm.s32 $0x3  }
0x124: {  	[spmem:s20] =	stream.indirect.scatter.add.f32 [tilespmem:s11], [sflag:$0x2], $0x80, s13, s15, $0xb8;
	[tilespmem:$0x1B400] =	vst v63  }
0x125: {  	_ =	swait.ge [sflag:s29], $0x2800  }
0x126: {  	[sflag:s29] =	ssyncset.done $0x0  }
0x127: {  	[sflag:s29] =	ssyncadd.s32 $0xFFFFD800  }
0x128: {  	s2 =	sadd.s32 s28, s7;
	_ =	swait.ge [sflag:s8], $0x2800  }
0x129: {  	s2 =	sshrl.u32 s2, $0x3;
	[sflag:s8] =	ssyncset.done $0x0  }
0x12a: {  	s16 =	sadd.s32 s21, s2;
	[sflag:s8] =	ssyncadd.s32 $0xFFFFD800  }
0x12b: {  	[tilespmem:s12], [sflag:$0x5] =	stream.linear.gather [hbm4b:s16+s0], $0x50, $0x38;
	[tilespmem:$0x1B400] =	vst v63  }
0x12c: {  	_ =	swait.ge [sflag:s10], $0x50  }
0x12d: {  	[sflag:s10] =	ssyncset.done $0x0  }
0x12e: {  	s31 =	sadd.s32 s22, s2;
	[sflag:s10] =	ssyncadd.s32 $0xFFFFFFB0  }
0x12f: {  	[tilespmem:s13], [sflag:$0x5] =	stream.linear.gather [hbm4b:s31+s0], $0x50, $0x38;
	[tilespmem:$0x1B400] =	vst v63  }
0x130: {  	_ =	swait.ge [sflag:s10], $0x50  }
0x131: {  	[sflag:s10] =	ssyncset.done $0x0  }
0x132: {  	s2 =	sadd.s32 s23, s2;
	[sflag:s10] =	ssyncadd.s32 $0xFFFFFFB0  }
0x133: {  	[tilespmem:s14], [sflag:$0x5] =	stream.linear.gather [hbm4b:s2+s0], $0x50, $0x38;
	[tilespmem:$0x1B400] =	vst v63  }
0x134: {  	_ =	swait.ge [sflag:s10], $0x50  }
0x135: {  	[sflag:s10] =	ssyncset.done $0x0  }
0x136: {  	[sflag:s10] =	ssyncadd.s32 $0xFFFFFFB0  }
0x137: {  	[tilespmem:s11], [sflag:$0x1] =	stream.indirect.gather [hbm4b:s17+s15], $0x80, s12, s15, $0xb8;
	[tilespmem:$0x1B400] =	vst v63  }
0x138: {  	v1 =	vld [tilespmem:$0x1B200];
	_ =	sdelay $0x1  }
0x139: {  	v2 =	vld [tilespmem:$0x1B280];
	_ =	sdelay $0x4  }
0x13a: {  	v3 =	vld [tilespmem:$0x1B300]  }
0x13b: {  	v1 =	vld.idx.msk [tilespmem:v1+s9+$0x0], $0xffff  }
0x13c: {  	v4 =	vld [tilespmem:$0x1B210]  }
0x13d: {  	v2 =	vld.idx.msk [tilespmem:v2+s9+$0x0], $0xffff  }
0x13e: {  	v5 =	vld [tilespmem:$0x1B290];
	_ =	sdelay $0x1  }
0x13f: {  	v1 =	vmul.f32 v3, v1;
	_ =	sdelay $0x1  }
0x140: {  	v1 =	vmul.f32 v1, v2;
	_ =	sdelay $0x1  }
0x141: {  	v2 =	vld [tilespmem:$0x1B310];
	[tilespmem:$0x1B380] =	vst v1  }
0x142: {  	v1 =	vld.idx.msk [tilespmem:v4+s9+$0x0], $0xffff  }
0x143: {  	v3 =	vld.idx.msk [tilespmem:v5+s9+$0x0], $0xffff  }
0x144: {  	v4 =	vld [tilespmem:$0x1B220]  }
0x145: {  	v5 =	vld [tilespmem:$0x1B2A0];
	_ =	sdelay $0x1  }
0x146: {  	v1 =	vmul.f32 v2, v1;
	_ =	sdelay $0x1  }
0x147: {  	v1 =	vmul.f32 v1, v3;
	_ =	sdelay $0x1  }
0x148: {  	v2 =	vld [tilespmem:$0x1B320];
	[tilespmem:$0x1B390] =	vst v1  }
0x149: {  	v1 =	vld.idx.msk [tilespmem:v4+s9+$0x0], $0xffff  }
0x14a: {  	v3 =	vld.idx.msk [tilespmem:v5+s9+$0x0], $0xffff  }
0x14b: {  	v4 =	vld [tilespmem:$0x1B230]  }
0x14c: {  	v5 =	vld [tilespmem:$0x1B2B0];
	_ =	sdelay $0x1  }
0x14d: {  	v1 =	vmul.f32 v2, v1;
	_ =	sdelay $0x1  }
0x14e: {  	v1 =	vmul.f32 v1, v3;
	_ =	sdelay $0x1  }
0x14f: {  	v2 =	vld [tilespmem:$0x1B330];
	[tilespmem:$0x1B3A0] =	vst v1  }
0x150: {  	v1 =	vld.idx.msk [tilespmem:v4+s9+$0x0], $0xffff  }
0x151: {  	v3 =	vld.idx.msk [tilespmem:v5+s9+$0x0], $0xffff  }
0x152: {  	v4 =	vld [tilespmem:$0x1B240];
	_ =	sdelay $0x2  }
0x153: {  	v1 =	vmul.f32 v2, v1;
	v2 =	vld [tilespmem:$0x1B2C0];
	_ =	sdelay $0x1  }
0x154: {  	v1 =	vmul.f32 v1, v3;
	_ =	sdelay $0x1  }
0x155: {  	v3 =	vld [tilespmem:$0x1B340];
	[tilespmem:$0x1B3B0] =	vst v1  }
0x156: {  	v1 =	vld.idx.msk [tilespmem:v4+s9+$0x0], $0xffff;
	_ =	sdelay $0x2  }
0x157: {  	s16 =	simm.s32 $0x0;
	v2 =	vld.idx.msk [tilespmem:v2+s9+$0x0], $0xffff  }
0x158: {  	v4 =	vmov s16  }
0x159: {  	v1 =	vmul.f32 v3, v1;
	v3 =	vand.u32 $0xFFFFFFFC, v4  }
0x15a: {  	v3 =	vbroadcast v3, $0x0;
	_ =	sdelay $0x1  }
0x15b: {  	v1 =	vmul.f32 v1, v2;
	_ =	sdelay $0x1  }
0x15c: {  	s28 =	simm.s32 $0x18B00;
	[tilespmem:$0x1B3C0] =	vst v1  }
0x15d: {  	v2 =	vld [tilespmem:s28+$0xFFFFFF70]  }
0x15e: {  	v3 =	vld.idx.msk [tilespmem:v3+s1+$0x0], $0xffff  }
0x15f: {  	v4 =	vld [tilespmem:s28+$0xFFFFFF00]  }
0x160: {  	v5 =	vld [tilespmem:s28+$0xFFFFFF20]  }
0x161: {  	v6 =	vld [tilespmem:s28+$0xFFFFFF30]  }
0x162: {  	v1 =	vld [tilespmem:s28+$0xFFFFFF50]  }
0x163: {  	v8 =	vld [tilespmem:s28+$0xFFFFFF10];
	v2 =	vmul.f32 v2, v3  }
0x164: {  	s25 =	simm.s32 $0x1;
	v7 =	vld [tilespmem:s28+$0xFFFFFF60];
	v4 =	vmul.f32 v4, v3  }
0x165: {  	v62 =	vld [tilespmem:s28+$0xFFFFFF40];
	v5 =	vmul.f32 v5, v3;
	[tilespmem:s28+$0xFFFFFF70] =	vst v2;
	v2 =	vmov s25  }
0x166: {  	v6 =	vmul.f32 v6, v3;
	[tilespmem:s28+$0xFFFFFF00] =	vst v4;
	v2 =	vand.u32 $0xFFFFFFFD, v2  }
0x167: {  	v1 =	vmul.f32 v1, v3;
	[tilespmem:s28+$0xFFFFFF20] =	vst v5;
	v2 =	vbroadcast v2, $0x0  }
0x168: {  	v4 =	vmul.f32 v8, v3;
	[tilespmem:s28+$0xFFFFFF30] =	vst v6  }
0x169: {  	v5 =	vmul.f32 v7, v3;
	[tilespmem:s28+$0xFFFFFF50] =	vst v1  }
0x16a: {  	v1 =	vmul.f32 v62, v3;
	[tilespmem:s28+$0xFFFFFF10] =	vst v4  }
0x16b: {  	[tilespmem:s28+$0xFFFFFF60] =	vst v5  }
0x16c: {  	[tilespmem:s28+$0xFFFFFF40] =	vst v1;
	v1 =	vld [tilespmem:s28+$0xFFFFFF80]  }
0x16d: {  	v3 =	vld.idx.msk [tilespmem:v2+s1+$0x0], $0xffff  }
0x16e: {  	v2 =	vld [tilespmem:s28+$0xFFFFFFA0]  }
0x16f: {  	v4 =	vld [tilespmem:s28+$0xFFFFFF90]  }
0x170: {  	v5 =	vld [tilespmem:s28+$0xFFFFFFD0]  }
0x171: {  	v6 =	vld [tilespmem:s28+$0xFFFFFFE0]  }
0x172: {  	v7 =	vld [tilespmem:s28+$0xFFFFFFF0];
	v1 =	vmul.f32 v1, v3  }
0x173: {  	s31 =	simm.s32 $0x2;
	v8 =	vld [tilespmem:s28+$0xFFFFFFB0];
	v2 =	vmul.f32 v2, v3  }
0x174: {  	v63 =	vld [tilespmem:s28+$0xFFFFFFC0];
	v4 =	vmul.f32 v4, v3;
	[tilespmem:s28+$0xFFFFFF80] =	vst v1;
	v1 =	vmov s31  }
0x175: {  	v5 =	vmul.f32 v5, v3;
	[tilespmem:s28+$0xFFFFFFA0] =	vst v2;
	v1 =	vand.u32 $0xFFFFFFFE, v1  }
0x176: {  	v2 =	vmul.f32 v6, v3;
	[tilespmem:s28+$0xFFFFFF90] =	vst v4;
	v4 =	vbroadcast v1, $0x0  }
0x177: {  	v6 =	vmul.f32 v7, v3;
	[tilespmem:s28+$0xFFFFFFD0] =	vst v5;
	v7 =	vld [tilespmem:s28+$0x30]  }
0x178: {  	v5 =	vmul.f32 v8, v3;
	v1 =	vld [tilespmem:s28+$0x40];
	[tilespmem:s28+$0xFFFFFFE0] =	vst v2  }
0x179: {  	v3 =	vmul.f32 v63, v3;
	v2 =	vld [tilespmem:s28+$0x70];
	[tilespmem:s28+$0xFFFFFFF0] =	vst v6  }
0x17a: {  	[tilespmem:s28+$0xFFFFFFB0] =	vst v5;
	v5 =	vld [tilespmem:s28+$0x20]  }
0x17b: {  	[tilespmem:s28+$0xFFFFFFC0] =	vst v3;
	v6 =	vld [tilespmem:s28+$0x0]  }
0x17c: {  	v3 =	vld.idx.msk [tilespmem:v4+s1+$0x0], $0xffff  }
0x17d: {  	s30 =	simm.s32 $0x7;
	s16 =	simm.s32 $0x18B00;
	v4 =	vld [tilespmem:s28+$0x10]  }
.LBB2_7:
0x17e: {  	p5 =	sne.s32 s30, $0x4F  }
0x17f: {  	v8 =	vld [tilespmem:s28+$0x50];
	s16 =	sadd.s32 $0x200, s16;
	s2 =	smov.u32 s30;
	s30 =	sadd.s32 $0x4, s30  }
0x180: {  	v9 =	vld [tilespmem:s28+$0x60];
	_ =	sdelay $0x1  }
0x181: {  	v6 =	vmul.f32 v6, v3;
	v4 =	vmul.f32 v4, v3  }
0x182: {  	v5 =	vmul.f32 v5, v3;
	v7 =	vmul.f32 v7, v3  }
0x183: {  	v1 =	vmul.f32 v1, v3;
	v2 =	vmul.f32 v2, v3;
	[tilespmem:s28+$0x0] =	vst v6  }
0x184: {  	[tilespmem:s28+$0x20] =	vst v5;
	v5 =	vmul.f32 v8, v3;
	v3 =	vmul.f32 v9, v3  }
0x185: {  	[tilespmem:s28+$0x30] =	vst v7;
	v6 =	vld [tilespmem:s28+$0x80]  }
0x186: {  	[tilespmem:s28+$0x60] =	vst v3;
	v3 =	vmov s29;
	v7 =	vld [tilespmem:s28+$0xD0];
	s29 =	smov.u32 s2  }
0x187: {  	[tilespmem:s28+$0x50] =	vst v5;
	v5 =	vld [tilespmem:s28+$0xE0]  }
0x188: {  	[tilespmem:s28+$0x40] =	vst v1;
	v8 =	vld [tilespmem:s28+$0xB0]  }
0x189: {  	v1 =	vld [tilespmem:s16+$0x40];
	[tilespmem:s28+$0x70] =	vst v2  }
0x18a: {  	v2 =	vld [tilespmem:s16+$0x70];
	[tilespmem:s28+$0x10] =	vst v4  }
0x18b: {  	v3 =	vld.idx.msk [tilespmem:v3+s1+$0x0], $0xffff  }
0x18c: {  	v4 =	vld [tilespmem:s28+$0x90]  }
0x18d: {  	v9 =	vld [tilespmem:s28+$0xA0]  }
0x18e: {  	v10 =	vld [tilespmem:s28+$0xC0]  }
0x18f: {  	v11 =	vld [tilespmem:s28+$0xF0];
	_ =	sdelay $0x1  }
0x190: {  	v6 =	vmul.f32 v6, v3;
	v4 =	vmul.f32 v4, v3  }
0x191: {  	s2 =	sadd.s32 $0xFFFFFFFD, s29;
	v8 =	vmul.f32 v8, v3;
	v9 =	vmul.f32 v9, v3  }
0x192: {  	v12 =	vmov s2;
	v7 =	vmul.f32 v7, v3;
	[tilespmem:s28+$0x80] =	vst v6;
	v6 =	vmul.f32 v10, v3  }
0x193: {  	v10 =	vand.u32 $0xFFFFFFFC, v12;
	[tilespmem:s28+$0x90] =	vst v4;
	v4 =	vmul.f32 v5, v3;
	v3 =	vmul.f32 v11, v3  }
0x194: {  	v5 =	vbroadcast v10, $0x0;
	[tilespmem:s28+$0xA0] =	vst v9  }
0x195: {  	[tilespmem:s28+$0xD0] =	vst v7  }
0x196: {  	v7 =	vld [tilespmem:s16+$0xFFFFFF50];
	[tilespmem:s28+$0xB0] =	vst v8  }
0x197: {  	v8 =	vld [tilespmem:s16+$0xFFFFFF30];
	[tilespmem:s28+$0xC0] =	vst v6  }
0x198: {  	v6 =	vld [tilespmem:s16+$0xFFFFFF60];
	[tilespmem:s28+$0xE0] =	vst v4  }
0x199: {  	v4 =	vld [tilespmem:s16+$0xFFFFFF70];
	[tilespmem:s28+$0xF0] =	vst v3;
	s28 =	smov.u32 s16  }
0x19a: {  	v3 =	vld.idx.msk [tilespmem:v5+s1+$0x0], $0xffff  }
0x19b: {  	v5 =	vld [tilespmem:s16+$0xFFFFFF00]  }
0x19c: {  	v9 =	vld [tilespmem:s16+$0xFFFFFF20]  }
0x19d: {  	v10 =	vld [tilespmem:s16+$0xFFFFFF10]  }
0x19e: {  	v11 =	vld [tilespmem:s16+$0xFFFFFF40];
	_ =	sdelay $0x1  }
0x19f: {  	v4 =	vmul.f32 v4, v3;
	v5 =	vmul.f32 v5, v3  }
0x1a0: {  	s2 =	sadd.s32 $0xFFFFFFFE, s29;
	v6 =	vmul.f32 v6, v3;
	v9 =	vmul.f32 v9, v3  }
0x1a1: {  	v8 =	vmul.f32 v8, v3;
	v10 =	vmul.f32 v10, v3;
	[tilespmem:s16+$0xFFFFFF70] =	vst v4;
	v4 =	vmov s2  }
0x1a2: {  	[tilespmem:s16+$0xFFFFFF00] =	vst v5;
	v5 =	vmul.f32 v11, v3;
	v3 =	vmul.f32 v7, v3;
	v4 =	vand.u32 $0xFFFFFFFD, v4  }
0x1a3: {  	[tilespmem:s16+$0xFFFFFF20] =	vst v9;
	v4 =	vbroadcast v4, $0x0  }
0x1a4: {  	[tilespmem:s16+$0xFFFFFF30] =	vst v8  }
0x1a5: {  	[tilespmem:s16+$0xFFFFFF50] =	vst v3;
	v3 =	vld [tilespmem:s16+$0xFFFFFFF0]  }
0x1a6: {  	[tilespmem:s16+$0xFFFFFF10] =	vst v10;
	v7 =	vld [tilespmem:s16+$0xFFFFFFD0]  }
0x1a7: {  	[tilespmem:s16+$0xFFFFFF60] =	vst v6;
	v6 =	vld [tilespmem:s16+$0xFFFFFFB0]  }
0x1a8: {  	[tilespmem:s16+$0xFFFFFF40] =	vst v5;
	v5 =	vld [tilespmem:s16+$0xFFFFFF90]  }
0x1a9: {  	v4 =	vld.idx.msk [tilespmem:v4+s1+$0x0], $0xffff  }
0x1aa: {  	v8 =	vld [tilespmem:s16+$0xFFFFFF80]  }
0x1ab: {  	v9 =	vld [tilespmem:s16+$0xFFFFFFA0]  }
0x1ac: {  	v10 =	vld [tilespmem:s16+$0xFFFFFFC0]  }
0x1ad: {  	v11 =	vld [tilespmem:s16+$0xFFFFFFE0];
	_ =	sdelay $0x1  }
0x1ae: {  	v5 =	vmul.f32 v5, v4;
	v8 =	vmul.f32 v8, v4  }
0x1af: {  	s2 =	sadd.s32 $0xFFFFFFFF, s29;
	v6 =	vmul.f32 v6, v4;
	v9 =	vmul.f32 v9, v4  }
0x1b0: {  	v7 =	vmul.f32 v7, v4;
	[tilespmem:s16+$0xFFFFFF80] =	vst v8;
	v8 =	vmul.f32 v10, v4;
	v10 =	vmov s2  }
0x1b1: {  	v3 =	vmul.f32 v3, v4;
	[tilespmem:s16+$0xFFFFFFA0] =	vst v9;
	v9 =	vmul.f32 v11, v4;
	v4 =	vand.u32 $0xFFFFFFFE, v10  }
0x1b2: {  	[tilespmem:s16+$0xFFFFFF90] =	vst v5;
	v4 =	vbroadcast v4, $0x0  }
0x1b3: {  	[tilespmem:s16+$0xFFFFFFD0] =	vst v7  }
0x1b4: {  	[tilespmem:s16+$0xFFFFFFE0] =	vst v9  }
0x1b5: {  	[tilespmem:s16+$0xFFFFFFB0] =	vst v6  }
.Ltmp2:
0x1b6: {  	[tilespmem:s16+$0xFFFFFFF0] =	vst v3;
	v5 =	vld [tilespmem:s16+$0x20];
	(pc) =	sbr.rel @p5 .LBB2_7-.Ltmp2, $4  }
0x1b7: {  	[tilespmem:s16+$0xFFFFFFC0] =	vst v8;
	v6 =	vld [tilespmem:s16+$0x0]  }
0x1b8: {  	v3 =	vld.idx.msk [tilespmem:v4+s1+$0x0], $0xffff  }
0x1b9: {  	v4 =	vld [tilespmem:s16+$0x10]  }
0x1ba: {  	v7 =	vld [tilespmem:s16+$0x30]  }
0x1bb: {  	_ =	sdelay $0x1  }
0x1bc: {  	v8 =	vld [tilespmem:s28+$0x60];
	v6 =	vmul.f32 v6, v3  }
0x1bd: {  	v9 =	vld [tilespmem:s28+$0x50];
	v5 =	vmul.f32 v5, v3  }
0x1be: {  	v1 =	vmul.f32 v1, v3;
	[tilespmem:s28+$0x0] =	vst v6  }
0x1bf: {  	v2 =	vmul.f32 v2, v3;
	[tilespmem:s28+$0x20] =	vst v5  }
0x1c0: {  	v7 =	vmul.f32 v7, v3;
	[tilespmem:s28+$0x40] =	vst v1  }
0x1c1: {  	v57 =	vmov s29;
	[tilespmem:s28+$0x70] =	vst v2;
	v54 =	vmul.f32 v8, v3  }
0x1c2: {  	v55 =	vmul.f32 v9, v3;
	[tilespmem:s28+$0x30] =	vst v7  }
0x1c3: {  	v3 =	vmul.f32 v4, v3;
	[tilespmem:s28+$0x60] =	vst v54  }
0x1c4: {  	[tilespmem:s28+$0x50] =	vst v55  }
0x1c5: {  	v56 =	vld [tilespmem:s28+$0x80];
	[tilespmem:s28+$0x10] =	vst v3  }
0x1c6: {  	v1 =	vld.idx.msk [tilespmem:v57+s1+$0x0], $0xffff  }
0x1c7: {  	v2 =	vld [tilespmem:s28+$0x90]  }
0x1c8: {  	v3 =	vld [tilespmem:s28+$0xA0]  }
0x1c9: {  	v58 =	vld [tilespmem:s28+$0xD0]  }
0x1ca: {  	v61 =	vld [tilespmem:s28+$0xE0]  }
0x1cb: {  	v59 =	vld [tilespmem:s28+$0xB0];
	v7 =	vmul.f32 v56, v1  }
0x1cc: {  	v60 =	vld [tilespmem:s28+$0xC0];
	v2 =	vmul.f32 v2, v1  }
0x1cd: {  	v62 =	vld [tilespmem:s28+$0xF0];
	v3 =	vmul.f32 v3, v1;
	[tilespmem:s28+$0x80] =	vst v7  }
0x1ce: {  	v4 =	vmul.f32 v58, v1;
	[tilespmem:s28+$0x90] =	vst v2  }
0x1cf: {  	s26 =	sadd.s32 $0x1, s26;
	v63 =	vmul.f32 v61, v1;
	[tilespmem:s28+$0xA0] =	vst v3  }
0x1d0: {  	p5 =	sne.s32 s26, $0x3E;
	v2 =	vmul.f32 v59, v1;
	[tilespmem:s28+$0xD0] =	vst v4  }
.Ltmp3:
0x1d1: {  	v3 =	vmul.f32 v60, v1;
	[tilespmem:s28+$0xE0] =	vst v63;
	(pc) =	sbr.rel @p5 .LBB2_4-.Ltmp3, $4  }
0x1d2: {  	v1 =	vmul.f32 v62, v1;
	[tilespmem:s28+$0xB0] =	vst v2  }
0x1d3: {  	[tilespmem:s28+$0xC0] =	vst v3  }
0x1d4: {  	[tilespmem:s28+$0xF0] =	vst v1  }
0x1d5: {  	[spmem:s20] =	stream.indirect.scatter.add.f32 [tilespmem:s4], [sflag:$0x4], $0x80, s24, s15, $0xb8;
	[tilespmem:$0x1B400] =	vst v63  }
0x1d6: {  	_ =	swait.ge [sflag:s18], $0x2800  }
0x1d7: {  	[sflag:s18] =	ssyncset.done $0x0  }
0x1d8: {  	s2 =	simm.s32 $0x4;
	[sflag:s18] =	ssyncadd.s32 $0xFFFFD800  }
0x1d9: {  	_ =	swait.ge [sflag:s2], $0x2800  }
0x1da: {  	[sflag:s2] =	ssyncset.done $0x0  }
0x1db: {  	[sflag:s2] =	ssyncadd.s32 $0xFFFFD800  }
0x1dc: {  	v1 =	vld [tilespmem:$0x18800];
	_ =	sdelay $0x1  }
0x1dd: {  	v2 =	vld [tilespmem:$0x18880];
	_ =	sdelay $0x4  }
0x1de: {  	v3 =	vld [tilespmem:$0x18900]  }
0x1df: {  	v1 =	vld.idx.msk [tilespmem:v1+s9+$0x0], $0xffff  }
0x1e0: {  	v4 =	vld [tilespmem:$0x18810]  }
0x1e1: {  	v2 =	vld.idx.msk [tilespmem:v2+s9+$0x0], $0xffff  }
0x1e2: {  	v5 =	vld [tilespmem:$0x18890];
	_ =	sdelay $0x1  }
0x1e3: {  	v1 =	vmul.f32 v3, v1;
	_ =	sdelay $0x1  }
0x1e4: {  	v1 =	vmul.f32 v1, v2;
	_ =	sdelay $0x1  }
0x1e5: {  	v2 =	vld [tilespmem:$0x18910];
	[tilespmem:$0x18980] =	vst v1  }
0x1e6: {  	v1 =	vld.idx.msk [tilespmem:v4+s9+$0x0], $0xffff  }
0x1e7: {  	v3 =	vld.idx.msk [tilespmem:v5+s9+$0x0], $0xffff  }
0x1e8: {  	v4 =	vld [tilespmem:$0x18820]  }
0x1e9: {  	v5 =	vld [tilespmem:$0x188A0];
	_ =	sdelay $0x1  }
0x1ea: {  	v1 =	vmul.f32 v2, v1;
	_ =	sdelay $0x1  }
0x1eb: {  	v1 =	vmul.f32 v1, v3;
	_ =	sdelay $0x1  }
0x1ec: {  	v2 =	vld [tilespmem:$0x18920];
	[tilespmem:$0x18990] =	vst v1  }
0x1ed: {  	v1 =	vld.idx.msk [tilespmem:v4+s9+$0x0], $0xffff  }
0x1ee: {  	v3 =	vld.idx.msk [tilespmem:v5+s9+$0x0], $0xffff  }
0x1ef: {  	v4 =	vld [tilespmem:$0x18830]  }
0x1f0: {  	v5 =	vld [tilespmem:$0x188B0];
	_ =	sdelay $0x1  }
0x1f1: {  	v1 =	vmul.f32 v2, v1;
	_ =	sdelay $0x1  }
0x1f2: {  	v1 =	vmul.f32 v1, v3;
	_ =	sdelay $0x1  }
0x1f3: {  	v2 =	vld [tilespmem:$0x18930];
	[tilespmem:$0x189A0] =	vst v1  }
0x1f4: {  	v1 =	vld.idx.msk [tilespmem:v4+s9+$0x0], $0xffff  }
0x1f5: {  	v3 =	vld.idx.msk [tilespmem:v5+s9+$0x0], $0xffff  }
0x1f6: {  	v4 =	vld [tilespmem:$0x18840];
	_ =	sdelay $0x2  }
0x1f7: {  	v1 =	vmul.f32 v2, v1;
	v2 =	vld [tilespmem:$0x188C0];
	_ =	sdelay $0x1  }
0x1f8: {  	v1 =	vmul.f32 v1, v3;
	_ =	sdelay $0x1  }
0x1f9: {  	v3 =	vld [tilespmem:$0x18940];
	[tilespmem:$0x189B0] =	vst v1  }
0x1fa: {  	v1 =	vld.idx.msk [tilespmem:v4+s9+$0x0], $0xffff;
	_ =	sdelay $0x2  }
0x1fb: {  	s26 =	simm.s32 $0x0;
	v2 =	vld.idx.msk [tilespmem:v2+s9+$0x0], $0xffff  }
0x1fc: {  	v4 =	vmov s26  }
0x1fd: {  	v1 =	vmul.f32 v3, v1;
	v3 =	vand.u32 $0xFFFFFFFC, v4  }
0x1fe: {  	v3 =	vbroadcast v3, $0x0;
	_ =	sdelay $0x1  }
0x1ff: {  	v1 =	vmul.f32 v1, v2;
	_ =	sdelay $0x1  }
0x200: {  	s26 =	simm.s32 $0x16100;
	[tilespmem:$0x189C0] =	vst v1  }
0x201: {  	v2 =	vld [tilespmem:s26+$0xFFFFFF70]  }
0x202: {  	v3 =	vld.idx.msk [tilespmem:v3+s5+$0x0], $0xffff  }
0x203: {  	v4 =	vld [tilespmem:s26+$0xFFFFFF00]  }
0x204: {  	v5 =	vld [tilespmem:s26+$0xFFFFFF20]  }
0x205: {  	v6 =	vld [tilespmem:s26+$0xFFFFFF30]  }
0x206: {  	v1 =	vld [tilespmem:s26+$0xFFFFFF50]  }
0x207: {  	v8 =	vld [tilespmem:s26+$0xFFFFFF10];
	v2 =	vmul.f32 v2, v3  }
0x208: {  	s30 =	simm.s32 $0x1;
	v7 =	vld [tilespmem:s26+$0xFFFFFF60];
	v4 =	vmul.f32 v4, v3  }
0x209: {  	v9 =	vld [tilespmem:s26+$0xFFFFFF40];
	v5 =	vmul.f32 v5, v3;
	[tilespmem:s26+$0xFFFFFF70] =	vst v2;
	v2 =	vmov s30  }
0x20a: {  	v6 =	vmul.f32 v6, v3;
	[tilespmem:s26+$0xFFFFFF00] =	vst v4;
	v2 =	vand.u32 $0xFFFFFFFD, v2  }
0x20b: {  	v1 =	vmul.f32 v1, v3;
	[tilespmem:s26+$0xFFFFFF20] =	vst v5;
	v2 =	vbroadcast v2, $0x0  }
0x20c: {  	v4 =	vmul.f32 v8, v3;
	[tilespmem:s26+$0xFFFFFF30] =	vst v6  }
0x20d: {  	v5 =	vmul.f32 v7, v3;
	[tilespmem:s26+$0xFFFFFF50] =	vst v1  }
0x20e: {  	v1 =	vmul.f32 v9, v3;
	[tilespmem:s26+$0xFFFFFF10] =	vst v4  }
0x20f: {  	[tilespmem:s26+$0xFFFFFF60] =	vst v5  }
0x210: {  	[tilespmem:s26+$0xFFFFFF40] =	vst v1;
	v1 =	vld [tilespmem:s26+$0xFFFFFF80]  }
0x211: {  	v3 =	vld.idx.msk [tilespmem:v2+s5+$0x0], $0xffff  }
0x212: {  	v2 =	vld [tilespmem:s26+$0xFFFFFFA0]  }
0x213: {  	v4 =	vld [tilespmem:s26+$0xFFFFFF90]  }
0x214: {  	v5 =	vld [tilespmem:s26+$0xFFFFFFD0]  }
0x215: {  	v6 =	vld [tilespmem:s26+$0xFFFFFFE0]  }
0x216: {  	v7 =	vld [tilespmem:s26+$0xFFFFFFF0];
	v1 =	vmul.f32 v1, v3  }
0x217: {  	s31 =	simm.s32 $0x2;
	v8 =	vld [tilespmem:s26+$0xFFFFFFB0];
	v2 =	vmul.f32 v2, v3  }
0x218: {  	v63 =	vld [tilespmem:s26+$0xFFFFFFC0];
	v4 =	vmul.f32 v4, v3;
	[tilespmem:s26+$0xFFFFFF80] =	vst v1;
	v1 =	vmov s31  }
0x219: {  	v5 =	vmul.f32 v5, v3;
	[tilespmem:s26+$0xFFFFFFA0] =	vst v2;
	v1 =	vand.u32 $0xFFFFFFFE, v1  }
0x21a: {  	v2 =	vmul.f32 v6, v3;
	[tilespmem:s26+$0xFFFFFF90] =	vst v4;
	v4 =	vbroadcast v1, $0x0  }
0x21b: {  	v6 =	vmul.f32 v7, v3;
	[tilespmem:s26+$0xFFFFFFD0] =	vst v5;
	v7 =	vld [tilespmem:s26+$0x30]  }
0x21c: {  	v5 =	vmul.f32 v8, v3;
	v1 =	vld [tilespmem:s26+$0x40];
	[tilespmem:s26+$0xFFFFFFE0] =	vst v2  }
0x21d: {  	v3 =	vmul.f32 v63, v3;
	v2 =	vld [tilespmem:s26+$0x70];
	[tilespmem:s26+$0xFFFFFFF0] =	vst v6  }
0x21e: {  	[tilespmem:s26+$0xFFFFFFB0] =	vst v5;
	v5 =	vld [tilespmem:s26+$0x20]  }
0x21f: {  	[tilespmem:s26+$0xFFFFFFC0] =	vst v3;
	v6 =	vld [tilespmem:s26+$0x0]  }
0x220: {  	v3 =	vld.idx.msk [tilespmem:v4+s5+$0x0], $0xffff  }
0x221: {  	s28 =	simm.s32 $0x3;
	s29 =	simm.s32 $0x7;
	s16 =	simm.s32 $0x16100;
	v4 =	vld [tilespmem:s26+$0x10]  }
.LBB2_10:
0x222: {  	p5 =	sne.s32 s29, $0x4F  }
0x223: {  	v8 =	vld [tilespmem:s26+$0x50];
	s16 =	sadd.s32 $0x200, s16;
	s2 =	smov.u32 s29;
	s29 =	sadd.s32 $0x4, s29  }
0x224: {  	v9 =	vld [tilespmem:s26+$0x60];
	_ =	sdelay $0x1  }
0x225: {  	v6 =	vmul.f32 v6, v3;
	v4 =	vmul.f32 v4, v3  }
0x226: {  	v5 =	vmul.f32 v5, v3;
	v7 =	vmul.f32 v7, v3  }
0x227: {  	v1 =	vmul.f32 v1, v3;
	v2 =	vmul.f32 v2, v3;
	[tilespmem:s26+$0x0] =	vst v6  }
0x228: {  	[tilespmem:s26+$0x20] =	vst v5;
	v5 =	vmul.f32 v8, v3;
	v3 =	vmul.f32 v9, v3  }
0x229: {  	[tilespmem:s26+$0x30] =	vst v7;
	v6 =	vld [tilespmem:s26+$0x80]  }
0x22a: {  	[tilespmem:s26+$0x60] =	vst v3;
	v3 =	vmov s28;
	v7 =	vld [tilespmem:s26+$0xD0];
	s28 =	smov.u32 s2  }
0x22b: {  	[tilespmem:s26+$0x50] =	vst v5;
	v5 =	vld [tilespmem:s26+$0xE0]  }
0x22c: {  	[tilespmem:s26+$0x40] =	vst v1;
	v8 =	vld [tilespmem:s26+$0xB0]  }
0x22d: {  	v1 =	vld [tilespmem:s16+$0x40];
	[tilespmem:s26+$0x70] =	vst v2  }
0x22e: {  	v2 =	vld [tilespmem:s16+$0x70];
	[tilespmem:s26+$0x10] =	vst v4  }
0x22f: {  	v3 =	vld.idx.msk [tilespmem:v3+s5+$0x0], $0xffff  }
0x230: {  	v4 =	vld [tilespmem:s26+$0x90]  }
0x231: {  	v9 =	vld [tilespmem:s26+$0xA0]  }
0x232: {  	v10 =	vld [tilespmem:s26+$0xC0]  }
0x233: {  	v11 =	vld [tilespmem:s26+$0xF0];
	_ =	sdelay $0x1  }
0x234: {  	v6 =	vmul.f32 v6, v3;
	v4 =	vmul.f32 v4, v3  }
0x235: {  	s2 =	sadd.s32 $0xFFFFFFFD, s28;
	v8 =	vmul.f32 v8, v3;
	v9 =	vmul.f32 v9, v3  }
0x236: {  	v12 =	vmov s2;
	v7 =	vmul.f32 v7, v3;
	[tilespmem:s26+$0x80] =	vst v6;
	v6 =	vmul.f32 v10, v3  }
0x237: {  	v10 =	vand.u32 $0xFFFFFFFC, v12;
	[tilespmem:s26+$0x90] =	vst v4;
	v4 =	vmul.f32 v5, v3;
	v3 =	vmul.f32 v11, v3  }
0x238: {  	v5 =	vbroadcast v10, $0x0;
	[tilespmem:s26+$0xA0] =	vst v9  }
0x239: {  	[tilespmem:s26+$0xD0] =	vst v7  }
0x23a: {  	v7 =	vld [tilespmem:s16+$0xFFFFFF50];
	[tilespmem:s26+$0xB0] =	vst v8  }
0x23b: {  	v8 =	vld [tilespmem:s16+$0xFFFFFF30];
	[tilespmem:s26+$0xC0] =	vst v6  }
0x23c: {  	v6 =	vld [tilespmem:s16+$0xFFFFFF60];
	[tilespmem:s26+$0xE0] =	vst v4  }
0x23d: {  	v4 =	vld [tilespmem:s16+$0xFFFFFF70];
	[tilespmem:s26+$0xF0] =	vst v3;
	s26 =	smov.u32 s16  }
0x23e: {  	v3 =	vld.idx.msk [tilespmem:v5+s5+$0x0], $0xffff  }
0x23f: {  	v5 =	vld [tilespmem:s16+$0xFFFFFF00]  }
0x240: {  	v9 =	vld [tilespmem:s16+$0xFFFFFF20]  }
0x241: {  	v10 =	vld [tilespmem:s16+$0xFFFFFF10]  }
0x242: {  	v11 =	vld [tilespmem:s16+$0xFFFFFF40];
	_ =	sdelay $0x1  }
0x243: {  	v4 =	vmul.f32 v4, v3;
	v5 =	vmul.f32 v5, v3  }
0x244: {  	s2 =	sadd.s32 $0xFFFFFFFE, s28;
	v6 =	vmul.f32 v6, v3;
	v9 =	vmul.f32 v9, v3  }
0x245: {  	v8 =	vmul.f32 v8, v3;
	v10 =	vmul.f32 v10, v3;
	[tilespmem:s16+$0xFFFFFF70] =	vst v4;
	v4 =	vmov s2  }
0x246: {  	[tilespmem:s16+$0xFFFFFF00] =	vst v5;
	v5 =	vmul.f32 v11, v3;
	v3 =	vmul.f32 v7, v3;
	v4 =	vand.u32 $0xFFFFFFFD, v4  }
0x247: {  	[tilespmem:s16+$0xFFFFFF20] =	vst v9;
	v4 =	vbroadcast v4, $0x0  }
0x248: {  	[tilespmem:s16+$0xFFFFFF30] =	vst v8  }
0x249: {  	[tilespmem:s16+$0xFFFFFF50] =	vst v3;
	v3 =	vld [tilespmem:s16+$0xFFFFFFF0]  }
0x24a: {  	[tilespmem:s16+$0xFFFFFF10] =	vst v10;
	v7 =	vld [tilespmem:s16+$0xFFFFFFD0]  }
0x24b: {  	[tilespmem:s16+$0xFFFFFF60] =	vst v6;
	v6 =	vld [tilespmem:s16+$0xFFFFFFB0]  }
0x24c: {  	[tilespmem:s16+$0xFFFFFF40] =	vst v5;
	v5 =	vld [tilespmem:s16+$0xFFFFFF90]  }
0x24d: {  	v4 =	vld.idx.msk [tilespmem:v4+s5+$0x0], $0xffff  }
0x24e: {  	v8 =	vld [tilespmem:s16+$0xFFFFFF80]  }
0x24f: {  	v9 =	vld [tilespmem:s16+$0xFFFFFFA0]  }
0x250: {  	v10 =	vld [tilespmem:s16+$0xFFFFFFC0]  }
0x251: {  	v11 =	vld [tilespmem:s16+$0xFFFFFFE0];
	_ =	sdelay $0x1  }
0x252: {  	v5 =	vmul.f32 v5, v4;
	v8 =	vmul.f32 v8, v4  }
0x253: {  	s2 =	sadd.s32 $0xFFFFFFFF, s28;
	v6 =	vmul.f32 v6, v4;
	v9 =	vmul.f32 v9, v4  }
0x254: {  	v7 =	vmul.f32 v7, v4;
	[tilespmem:s16+$0xFFFFFF80] =	vst v8;
	v8 =	vmul.f32 v10, v4;
	v10 =	vmov s2  }
0x255: {  	v3 =	vmul.f32 v3, v4;
	[tilespmem:s16+$0xFFFFFFA0] =	vst v9;
	v9 =	vmul.f32 v11, v4;
	v4 =	vand.u32 $0xFFFFFFFE, v10  }
0x256: {  	[tilespmem:s16+$0xFFFFFF90] =	vst v5;
	v4 =	vbroadcast v4, $0x0  }
0x257: {  	[tilespmem:s16+$0xFFFFFFD0] =	vst v7  }
0x258: {  	[tilespmem:s16+$0xFFFFFFE0] =	vst v9  }
0x259: {  	[tilespmem:s16+$0xFFFFFFB0] =	vst v6  }
.Ltmp4:
0x25a: {  	[tilespmem:s16+$0xFFFFFFF0] =	vst v3;
	v5 =	vld [tilespmem:s16+$0x20];
	(pc) =	sbr.rel @p5 .LBB2_10-.Ltmp4, $4  }
0x25b: {  	[tilespmem:s16+$0xFFFFFFC0] =	vst v8;
	v6 =	vld [tilespmem:s16+$0x0]  }
0x25c: {  	v3 =	vld.idx.msk [tilespmem:v4+s5+$0x0], $0xffff  }
0x25d: {  	v4 =	vld [tilespmem:s16+$0x10]  }
0x25e: {  	v7 =	vld [tilespmem:s16+$0x30]  }
0x25f: {  	_ =	sdelay $0x1  }
0x260: {  	v8 =	vld [tilespmem:s26+$0x60];
	v6 =	vmul.f32 v6, v3  }
0x261: {  	v9 =	vld [tilespmem:s26+$0x50];
	v5 =	vmul.f32 v5, v3  }
0x262: {  	v1 =	vmul.f32 v1, v3;
	[tilespmem:s26+$0x0] =	vst v6  }
0x263: {  	v2 =	vmul.f32 v2, v3;
	[tilespmem:s26+$0x20] =	vst v5  }
0x264: {  	v7 =	vmul.f32 v7, v3;
	[tilespmem:s26+$0x40] =	vst v1  }
0x265: {  	v57 =	vmov s28;
	[tilespmem:s26+$0x70] =	vst v2;
	v54 =	vmul.f32 v8, v3  }
0x266: {  	v55 =	vmul.f32 v9, v3;
	[tilespmem:s26+$0x30] =	vst v7  }
0x267: {  	v3 =	vmul.f32 v4, v3;
	[tilespmem:s26+$0x60] =	vst v54  }
0x268: {  	[tilespmem:s26+$0x50] =	vst v55  }
0x269: {  	v56 =	vld [tilespmem:s26+$0x80];
	[tilespmem:s26+$0x10] =	vst v3  }
0x26a: {  	v1 =	vld.idx.msk [tilespmem:v57+s5+$0x0], $0xffff  }
0x26b: {  	v2 =	vld [tilespmem:s26+$0x90]  }
0x26c: {  	v3 =	vld [tilespmem:s26+$0xA0]  }
0x26d: {  	v58 =	vld [tilespmem:s26+$0xD0]  }
0x26e: {  	v61 =	vld [tilespmem:s26+$0xE0]  }
0x26f: {  	v59 =	vld [tilespmem:s26+$0xB0];
	v7 =	vmul.f32 v56, v1  }
0x270: {  	v60 =	vld [tilespmem:s26+$0xC0];
	v2 =	vmul.f32 v2, v1  }
0x271: {  	v62 =	vld [tilespmem:s26+$0xF0];
	v3 =	vmul.f32 v3, v1;
	[tilespmem:s26+$0x80] =	vst v7  }
0x272: {  	v4 =	vmul.f32 v58, v1;
	[tilespmem:s26+$0x90] =	vst v2  }
0x273: {  	v63 =	vmul.f32 v61, v1;
	[tilespmem:s26+$0xA0] =	vst v3  }
0x274: {  	v2 =	vmul.f32 v59, v1;
	[tilespmem:s26+$0xD0] =	vst v4  }
0x275: {  	v3 =	vmul.f32 v60, v1;
	[tilespmem:s26+$0xE0] =	vst v63  }
0x276: {  	v1 =	vmul.f32 v62, v1;
	[tilespmem:s26+$0xB0] =	vst v2  }
0x277: {  	[tilespmem:s26+$0xC0] =	vst v3  }
0x278: {  	[tilespmem:s26+$0xF0] =	vst v1  }
0x279: {  	[spmem:s20] =	stream.indirect.scatter.add.f32 [tilespmem:s11], [sflag:$0x2], $0x80, s13, s15, $0xb8;
	[tilespmem:$0x1B400] =	vst v63  }
0x27a: {  	_ =	swait.ge [sflag:s8], $0x2800  }
0x27b: {  	[sflag:s8] =	ssyncset.done $0x0  }
0x27c: {  	[sflag:s8] =	ssyncadd.s32 $0xFFFFD800  }
0x27d: {  	s30 =	stileid.u32;
	[bflag:$0x0] =	sbarrier.arrive $0xFFFF  }
0x27e: {  	s2 =	sshll.u32 @!p1 s30, $0x6;
	s28 =	rddreg [dreg:$0x15]  }
0x27f: {  	s16 =	sor.u32 @!p1 $0x1C05, s2;
	s26 =	rddreg [dreg:$0x4];
	s2 =	sshrl.u32 @!p1 s28, $0x3  }
0x280: {  	[hbm:s26], [sflag:s16] =	dma.local @!p1 [spmem:s2], $0x500  }
0x281: {  	s26 =	simm.s32 @!p1 $0x5  }
0x282: {  	s2 =	sshll.u32 @p0 s30, $0x6;
	_ =	swait.ge @!p1 [sflag:s26], $0x500  }
0x283: {  	s29 =	sor.u32 @p0 $0x1C05, s2;
	[sflag:s26] =	ssyncset.done @!p1 $0x0  }
0x284: {  	s2 =	sshrl.u32 @p0 s28, $0x3;
	s28 =	rddreg [dreg:$0x5];
	[sflag:s26] =	ssyncadd.s32 @!p1 $0xFFFFFB00  }
0x285: {  	[hbm:s28], [sflag:s29] =	dma.local @p0 [spmem:s2], $0x500  }
0x286: {  	s28 =	simm.s32 @p0 $0x5  }
0x287: {  	_ =	swait.ge @p0 [sflag:s28], $0x500  }
0x288: {  	[sflag:s28] =	ssyncset.done @p0 $0x0;
	s25 =	rddreg [dreg:$0x16]  }
0x289: {  	s31 =	rddreg [dreg:$0x6];
	[sflag:s28] =	ssyncadd.s32 @p0 $0xFFFFFB00;
	s2 =	sshrl.u32 @!p1 s25, $0x3  }
0x28a: {  	[hbm:s31], [sflag:s16] =	dma.local @!p1 [spmem:s2], $0x500  }
0x28b: {  	_ =	swait.ge @!p1 [sflag:s26], $0x500  }
0x28c: {  	[sflag:s26] =	ssyncset.done @!p1 $0x0  }
0x28d: {  	s2 =	sshrl.u32 @p0 s25, $0x3;
	s31 =	rddreg [dreg:$0x7];
	[sflag:s26] =	ssyncadd.s32 @!p1 $0xFFFFFB00  }
0x28e: {  	[hbm:s31], [sflag:s29] =	dma.local @p0 [spmem:s2], $0x500  }
0x28f: {  	_ =	swait.ge @p0 [sflag:s28], $0x500  }
0x290: {  	[sflag:s28] =	ssyncset.done @p0 $0x0;
	s25 =	rddreg [dreg:$0x17]  }
0x291: {  	s31 =	rddreg [dreg:$0x8];
	[sflag:s28] =	ssyncadd.s32 @p0 $0xFFFFFB00;
	s2 =	sshrl.u32 @!p1 s25, $0x3  }
0x292: {  	[hbm:s31], [sflag:s16] =	dma.local @!p1 [spmem:s2], $0x500  }
0x293: {  	_ =	swait.ge @!p1 [sflag:s26], $0x500  }
0x294: {  	[sflag:s26] =	ssyncset.done @!p1 $0x0  }
0x295: {  	s2 =	sshrl.u32 @p0 s25, $0x3;
	s31 =	rddreg [dreg:$0x9];
	[sflag:s26] =	ssyncadd.s32 @!p1 $0xFFFFFB00  }
0x296: {  	[hbm:s31], [sflag:s29] =	dma.local @p0 [spmem:s2], $0x500  }
0x297: {  	_ =	swait.ge @p0 [sflag:s28], $0x500  }
0x298: {  	[sflag:s28] =	ssyncset.done @p0 $0x0;
	s25 =	rddreg [dreg:$0x18]  }
0x299: {  	s31 =	rddreg [dreg:$0xa];
	[sflag:s28] =	ssyncadd.s32 @p0 $0xFFFFFB00;
	s2 =	sshrl.u32 @!p1 s25, $0x3  }
0x29a: {  	[hbm:s31], [sflag:s16] =	dma.local @!p1 [spmem:s2], $0x500  }
0x29b: {  	_ =	swait.ge @!p1 [sflag:s26], $0x500  }
0x29c: {  	[sflag:s26] =	ssyncset.done @!p1 $0x0  }
0x29d: {  	s2 =	sshrl.u32 @p0 s25, $0x3;
	s31 =	rddreg [dreg:$0xb];
	[sflag:s26] =	ssyncadd.s32 @!p1 $0xFFFFFB00  }
0x29e: {  	[hbm:s31], [sflag:s29] =	dma.local @p0 [spmem:s2], $0x500  }
0x29f: {  	_ =	swait.ge @p0 [sflag:s28], $0x500  }
0x2a0: {  	[sflag:s28] =	ssyncset.done @p0 $0x0;
	s25 =	rddreg [dreg:$0x19]  }
0x2a1: {  	s31 =	rddreg [dreg:$0xc];
	[sflag:s28] =	ssyncadd.s32 @p0 $0xFFFFFB00;
	s2 =	sshrl.u32 @!p1 s25, $0x3  }
0x2a2: {  	[hbm:s31], [sflag:s16] =	dma.local @!p1 [spmem:s2], $0x500  }
0x2a3: {  	_ =	swait.ge @!p1 [sflag:s26], $0x500  }
0x2a4: {  	[sflag:s26] =	ssyncset.done @!p1 $0x0  }
0x2a5: {  	s2 =	sshrl.u32 @p0 s25, $0x3;
	s31 =	rddreg [dreg:$0xd];
	[sflag:s26] =	ssyncadd.s32 @!p1 $0xFFFFFB00  }
0x2a6: {  	[hbm:s31], [sflag:s29] =	dma.local @p0 [spmem:s2], $0x500  }
0x2a7: {  	_ =	swait.ge @p0 [sflag:s28], $0x500  }
0x2a8: {  	[sflag:s28] =	ssyncset.done @p0 $0x0;
	s25 =	rddreg [dreg:$0x1a]  }
0x2a9: {  	s31 =	rddreg [dreg:$0xe];
	[sflag:s28] =	ssyncadd.s32 @p0 $0xFFFFFB00;
	s2 =	sshrl.u32 @!p1 s25, $0x3  }
0x2aa: {  	[hbm:s31], [sflag:s16] =	dma.local @!p1 [spmem:s2], $0x500  }
0x2ab: {  	_ =	swait.ge @!p1 [sflag:s26], $0x500  }
0x2ac: {  	[sflag:s26] =	ssyncset.done @!p1 $0x0  }
0x2ad: {  	s2 =	sshrl.u32 @p0 s25, $0x3;
	s31 =	rddreg [dreg:$0xf];
	[sflag:s26] =	ssyncadd.s32 @!p1 $0xFFFFFB00  }
0x2ae: {  	[hbm:s31], [sflag:s29] =	dma.local @p0 [spmem:s2], $0x500  }
0x2af: {  	_ =	swait.ge @p0 [sflag:s28], $0x500  }
0x2b0: {  	[sflag:s28] =	ssyncset.done @p0 $0x0;
	s25 =	rddreg [dreg:$0x1b]  }
0x2b1: {  	s31 =	rddreg [dreg:$0x10];
	[sflag:s28] =	ssyncadd.s32 @p0 $0xFFFFFB00;
	s2 =	sshrl.u32 @!p1 s25, $0x3  }
0x2b2: {  	[hbm:s31], [sflag:s16] =	dma.local @!p1 [spmem:s2], $0x500  }
0x2b3: {  	_ =	swait.ge @!p1 [sflag:s26], $0x500  }
0x2b4: {  	[sflag:s26] =	ssyncset.done @!p1 $0x0  }
0x2b5: {  	s2 =	sshrl.u32 @p0 s25, $0x3;
	s16 =	rddreg [dreg:$0x11];
	[sflag:s26] =	ssyncadd.s32 @!p1 $0xFFFFFB00  }
0x2b6: {  	[hbm:s16], [sflag:s29] =	dma.local @p0 [spmem:s2], $0x500  }
0x2b7: {  	s2 =	sshll.u32 @p2 s30, $0x6;
	_ =	swait.ge @p0 [sflag:s28], $0x500  }
0x2b8: {  	s2 =	sor.u32 @p2 $0x1C05, s2;
	[sflag:s28] =	ssyncset.done @p0 $0x0;
	s29 =	rddreg [dreg:$0x1c]  }
0x2b9: {  	s26 =	rddreg [dreg:$0x12];
	[sflag:s28] =	ssyncadd.s32 @p0 $0xFFFFFB00;
	s16 =	sshrl.u32 @p2 s29, $0x3  }
0x2ba: {  	[hbm:s26], [sflag:s2] =	dma.local @p2 [spmem:s16], $0x500  }
0x2bb: {  	s2 =	simm.s32 @p2 $0x5  }
0x2bc: {  	_ =	swait.ge @p2 [sflag:s2], $0x500  }
0x2bd: {  	s16 =	sshll.u32 @p3 s30, $0x6;
	[sflag:s2] =	ssyncset.done @p2 $0x0;
	s28 =	rddreg [dreg:$0x13]  }
0x2be: {  	[sflag:s2] =	ssyncadd.s32 @p2 $0xFFFFFB00;
	s2 =	sor.u32 @p3 $0x1C05, s16;
	s16 =	sshrl.u32 @p3 s29, $0x3  }
0x2bf: {  	[hbm:s28], [sflag:s2] =	dma.local @p3 [spmem:s16], $0x500  }
0x2c0: {  	s2 =	simm.s32 @p3 $0x5  }
0x2c1: {  	_ =	swait.ge @p3 [sflag:s2], $0x500  }
0x2c2: {  	s28 =	sld [smem:$0x7FC]  }
0x2c3: {  	s31 =	sld [smem:$0x7FD];
	_ =	sdelay $0x1  }
0x2c4: {  	s28 =	sadd.s32 $0x1, s28  }
0x2c5: {  	p5 =	sne.s32 s28, s31  }
.Ltmp5:
0x2c6: {  	_ = 	snop;
	(pc) =	sbr.rel @p5 .LBB2_1-.Ltmp5, $3  }
0x2c7: {  	_ =	sdelay $0x1  }
0x2c8: {  	[sflag:s2] =	ssyncset.done @p3 $0x0  }
0x2c9: {  	s26 =	stileid.u32;
	[sflag:s2] =	ssyncadd.s32 @p3 $0xFFFFFB00  }
0x2ca: {  	_ =	sfence.sel $0x180000  }
0x2cb: {  	[bflag:$0x0] =	sbarrier.arrive $0xFFFF  }
0x2cc: {  	_ =	strace $0x9000004A  }
0x2cd: {  	[bflag:$0x2] =	sbarrier.arrive $0xFFFF  }
0x2ce: {  	p0 =	sne.s32 s26, $0x0;
	s0 =	rddreg [dreg:$0x3]  }
0x2cf: {  	s0 =	sadd.s32 @!p0 $0x100000, s0  }
0x2d0: {  	[sflag:s0] =	ssyncadd.tile.s32 @!p0 $0x1;
	_ =	shalt  }
.Lfunc_end2:
_tile_overlayer_lowered:
.L_overlay_start_2:
0x2d1: {  	(tag) =	ssettag $0x2  }
0x2d2: {  	s0 =	rddreg [dreg:$0x0];
	s2 =	stileid.u32  }
0x2d3: {  	s1 =	rddreg [dreg:$0x1];
	p0 =	sne.s32 s2, $0x0  }
0x2d4: {  	s3 =	rddreg [dreg:$0x2];
	[bflag:$0x3] =	sbarrier.arrive $0xFFFF;
	s2 =	simm.s32 @!p0 $0x1C05  }
0x2d5: {  	[timem:s3], [sflag:s2] =	dma.local @!p0 [hbm:s0], s1  }
0x2d6: {  	s0 =	simm.s32 @!p0 $0x5  }
0x2d7: {  	_ =	swait.ge @!p0 [sflag:s0], s1  }
0x2d8: {  	s1 =	ssub.s32 @!p0 $0x0, s1;
	[sflag:s0] =	ssyncset.done @!p0 $0x0  }
0x2d9: {  	[sflag:s0] =	ssyncadd.s32 @!p0 s1  }
0x2da: {  	[bflag:$0x3] =	sbarrier.arrive $0xFFFF  }
0x2db: {  	_ =	shalt  }

// kernel: kernel.8.cloned.1.call-start
scs
__scs_entry_jumppad:
0x0: {  	(pc) =	sbr.rel $0x88, $3  }
0x1: {  	(tag) =	ssettag $0x0;
	lr =	simm.s32 $0x1  }
0x2: {  	[smem:$0x3F98] =	sst lr;
	_ =	strace $0xD0000000  }
0x3: {  	_ = 	snop  }
0x4: {  	_ = 	snop  }
0x5: {  	_ = 	snop  }
0x6: {  	_ = 	snop  }
0x7: {  	_ = 	snop  }
__scs_overlays_trampoline_lowered:
0x8: {  	[smem:$0x3FA7] =	sst s0  }
0x9: {  	[smem:$0x3FA8] =	sst s1  }
0xa: {  	[smem:$0x3FA9] =	sst s2  }
0xb: {  	[smem:$0x3FAA] =	sst s3  }
0xc: {  	[smem:$0x3FAB] =	sst s4  }
0xd: {  	[smem:$0x3FAC] =	sst s5  }
0xe: {  	[smem:$0x3FAD] =	sst s6  }
0xf: {  	[smem:$0x3FAE] =	sst s7  }
0x10: {  	[smem:$0x3FAF] =	sst s8  }
0x11: {  	[smem:$0x3FB0] =	sst s9;
	s0 =	simm.s32 @!p0 $0x0  }
0x12: {  	s1 =	sld [smem:$0x3F96];
	s0 =	simm.s32 @p0 $0x1  }
0x13: {  	[smem:$0x3FB1] =	sst s0;
	s0 =	simm.s32 @!p1 $0x0  }
0x14: {  	s2 =	sld [smem:$0x3F95];
	s0 =	simm.s32 @p1 $0x1  }
0x15: {  	[smem:$0x3FB2] =	sst s0;
	s0 =	simm.s32 @!p2 $0x0  }
0x16: {  	s3 =	sld [smem:$0x3FDB];
	s0 =	simm.s32 @p2 $0x1  }
0x17: {  	s4 =	simm.s32 $0x1BF5;
	[smem:$0x3FB4] =	sst s0  }
0x18: {  	s0 =	sld [smem:$0x3F97];
	_ =	swait.ge [sflag:s4], $0x0  }
0x19: {  	s7 =	sld [smem:$0x3F98]  }
0x1a: {  	s8 =	sadd.s32 $0xFFFFE003, lr  }
0x1b: {  	s9 =	sadd.s32 $0xFFFFFEF7, lr;
	s5 =	simm.s32 $0xFFFFFFFF;
	p2 =	slt.u32 s8, $0xFFFFF086  }
0x1c: {  	p1 =	slt.u32 s9, $0xF7A;
	s5 =	simm.s32 @!p2 $0x0  }
0x1d: {  	s5 =	simm.s32 @p1 $0x1;
	p0 =	seq.s32 s7, s2  }
0x1e: {  	s7 =	smul.u32 @!p0 $0xF7A, s2;
	p2 =	seq.s32 @!p0 s5, $0x0  }
0x1f: {  	s9 =	smul.u32 $0xF7A, s1;
	s8 =	simm.s32 @!p0 $0x1BF5;
	p2 =	por !p2, p0  }
0x20: {  	[sflag:s8] =	ssyncset.s32 @!p0 $0xFFFFF086;
	s6 =	sadd.s32 @!p0 s3, s7;
	s7 =	simm.s32 @!p0 $0x108  }
0x21: {  	s3 =	sadd.s32 s3, s9;
	s6 =	sadd.s32 @!p0 $0x88, s6;
	s7 =	simm.s32 @p2 $0x1082  }
0x22: {  	[simem:s7], [sflag:s8] =	dma.local @!p0 [hbm:s6], $0xF7A  }
0x23: {  	s9 =	sor.u32 $0xD0000000, s2;
	s6 =	simm.s32 $0x108;
	_ =	swait.ge @!p0 [sflag:s8], $0x0  }
0x24: {  	s3 =	sadd.s32 $0x88, s3;
	s6 =	simm.s32 @!p1 $0x1082;
	[sflag:s4] =	ssyncset.s32 $0xFFFFF086  }
0x25: {  	[simem:s6], [sflag:s4] =	dma.local [hbm:s3], $0xF7A  }
0x26: {  	[smem:$0x3F98] =	sst s1;
	(tag) =	ssettag s2;
	_ =	strace s9  }
0x27: {  	s1 =	sld [smem:$0x3FA8]  }
0x28: {  	s2 =	sld [smem:$0x3FA9]  }
0x29: {  	s4 =	sld [smem:$0x3FAB]  }
0x2a: {  	p0 =	seq.s32 s5, $0x0;
	s5 =	sld [smem:$0x3FAC]  }
0x2b: {  	s6 =	sld [smem:$0x3FAD]  }
0x2c: {  	s7 =	sld [smem:$0x3FAE]  }
0x2d: {  	s3 =	simm.s32 $0x108;
	s8 =	sld [smem:$0x3FAF]  }
0x2e: {  	s3 =	simm.s32 @!p0 $0x1082;
	s9 =	sld [smem:$0x3FB0]  }
0x2f: {  	lr =	sadd.s32 s0, s3;
	s0 =	sld [smem:$0x3FA7]  }
0x30: {  	s3 =	sld [smem:$0x3FAA]  }
0x31: {  	[smem:$0x3FB3] =	sst s10  }
0x32: {  	s10 =	sld [smem:$0x3FB1];
	_ =	sdelay $0x3  }
0x33: {  	p0 =	seq.s32 s10, $0x1;
	s10 =	sld [smem:$0x3FB3];
	_ =	sdelay $0x3  }
0x34: {  	[smem:$0x3FB3] =	sst s10  }
0x35: {  	s10 =	sld [smem:$0x3FB2];
	_ =	sdelay $0x3  }
0x36: {  	p1 =	seq.s32 s10, $0x1;
	s10 =	sld [smem:$0x3FB3];
	_ =	sdelay $0x3  }
0x37: {  	[smem:$0x3FB3] =	sst s10  }
0x38: {  	s10 =	sld [smem:$0x3FB4]  }
0x39: {  	_ = 	snop;
	(pc) =	sbr.ind lr, $3  }
0x3a: {  	_ = 	snop  }
0x3b: {  	_ = 	snop  }
0x3c: {  	p2 =	seq.s32 s10, $0x1;
	s10 =	sld [smem:$0x3FB3]  }
0x3d: {  	_ =	shalt  }
0x3e: {  	_ =	shalt  }
0x3f: {  	_ =	shalt  }
0x40: {  	_ =	shalt  }
0x41: {  	_ =	shalt  }
0x42: {  	_ =	shalt  }
0x43: {  	_ =	shalt  }
0x44: {  	_ =	shalt  }
0x45: {  	_ =	shalt  }
0x46: {  	_ =	shalt  }
0x47: {  	_ =	shalt  }
0x48: {  	_ =	shalt  }
0x49: {  	_ =	shalt  }
0x4a: {  	_ =	shalt  }
0x4b: {  	_ =	shalt  }
0x4c: {  	_ =	shalt  }
0x4d: {  	_ =	shalt  }
0x4e: {  	_ =	shalt  }
0x4f: {  	_ =	shalt  }
0x50: {  	_ =	shalt  }
0x51: {  	_ =	shalt  }
0x52: {  	_ =	shalt  }
0x53: {  	_ =	shalt  }
0x54: {  	_ =	shalt  }
0x55: {  	_ =	shalt  }
0x56: {  	_ =	shalt  }
0x57: {  	_ =	shalt  }
0x58: {  	_ =	shalt  }
0x59: {  	_ =	shalt  }
0x5a: {  	_ =	shalt  }
0x5b: {  	_ =	shalt  }
0x5c: {  	_ =	shalt  }
0x5d: {  	_ =	shalt  }
0x5e: {  	_ =	shalt  }
0x5f: {  	_ =	shalt  }
0x60: {  	_ =	shalt  }
0x61: {  	_ =	shalt  }
0x62: {  	_ =	shalt  }
0x63: {  	_ =	shalt  }
0x64: {  	_ =	shalt  }
0x65: {  	_ =	shalt  }
0x66: {  	_ =	shalt  }
0x67: {  	_ =	shalt  }
0x68: {  	_ =	shalt  }
0x69: {  	_ =	shalt  }
0x6a: {  	_ =	shalt  }
0x6b: {  	_ =	shalt  }
0x6c: {  	_ =	shalt  }
0x6d: {  	_ =	shalt  }
0x6e: {  	_ =	shalt  }
0x6f: {  	_ =	shalt  }
0x70: {  	_ =	shalt  }
0x71: {  	_ =	shalt  }
0x72: {  	_ =	shalt  }
0x73: {  	_ =	shalt  }
0x74: {  	_ =	shalt  }
0x75: {  	_ =	shalt  }
0x76: {  	_ =	shalt  }
0x77: {  	_ =	shalt  }
0x78: {  	_ =	shalt  }
0x79: {  	_ =	shalt  }
0x7a: {  	_ =	shalt  }
0x7b: {  	_ =	shalt  }
0x7c: {  	_ =	shalt  }
0x7d: {  	_ =	shalt  }
0x7e: {  	_ =	shalt  }
0x7f: {  	_ =	shalt  }
0x80: {  	_ =	shalt  }
0x81: {  	_ =	shalt  }
0x82: {  	_ =	shalt  }
0x83: {  	_ =	shalt  }
0x84: {  	_ =	shalt  }
0x85: {  	_ =	shalt  }
0x86: {  	_ =	shalt  }
0x87: {  	_ =	shalt  }
.Lfunc_end0:
.L_simem_size_0:
called_computation_lowered:
.L_overlay_start_0:
0x88: {  	s2 =	sld [smem:$0x3FD9]  }
0x89: {  	s3 =	sld [smem:$0x3FFE];
	_ =	sdelay $0x1  }
0x8a: {  	s1 =	srdreg.scid  }
0x8b: {  	s0 =	sand.u32 $0x1, s1  }
0x8c: {  	s16 =	sshll.u32 s0, $0xA;
	s2 =	sadd.s32 s3, s2  }
0x8d: {  	s2 =	sadd.s32 s2, s16  }
0x8e: {  	[smem:$0x3FBF] =	sst s2  }
0x8f: {  	_ = 	snop  }
0x90: {  	(tm) =	ssettm $0x1  }
0x91: {  	s17 =	sld [smem:$0x3FFB];
	_ =	sdelay $0x3  }
0x92: {  	_ =	strace s17  }
0x93: {  	s2 =	sld [smem:$0x3FFC];
	_ =	sdelay $0x3  }
0x94: {  	_ =	strace s2  }
0x95: {  	s2 =	sld [smem:$0x3FFD];
	_ =	sdelay $0x3  }
0x96: {  	_ =	strace s2  }
0x97: {  	_ =	strace $0x8FFFFFFF  }
0x98: {  	s18 =	sld [smem:$0x3FDB];
	_ =	sdelay $0x1  }
0x99: {  	s19 =	simm.s32 $_scs_section_size  }
0x9a: {  	s4 =	simm.s32 $_size__tile_overlayer_lowered;
	s5 =	simm.s32 $_tile_overlayer_lowered  }
0x9b: {  	s22 =	simm.s32 $0x1BFF;
	s21 =	sshll.u32 s5, $0x1;
	s2 =	sadd.s32 s19, s18  }
0x9c: {  	s6 =	simm.s32 $0x0;
	s20 =	sshll.u32 s4, $0x1;
	s4 =	sadd.s32 s21, s2  }
0x9d: {  	[timem:s6], [sflag:s22] =	dma.local [hbm:s4], s20  }
0x9e: {  	_ =	swait.ge [sflag:s22], s20  }
0x9f: {  	s3 =	ssub.s32 $0x0, s20;
	[sflag:s22] =	ssyncset.done $0x0  }
0xa0: {  	[sflag:s22] =	ssyncadd.s32 s3;
	_ =	sdelay $0x1  }
0xa1: {  	s23 =	simm.s32 $0x1B8B  }
0xa2: {  	_ =	swait.ge [sflag:s23], $0x1  }
0xa3: {  	[sflag:s23] =	ssyncset.done $0x0  }
0xa4: {  	s25 =	simm.s32 $0x1B8E;
	s24 =	sld [smem:$0x3FFE];
	[sflag:s23] =	ssyncadd.s32 $0xFFFFFFFF  }
0xa5: {  	s26 =	simm.s32 $execute0_lowered;
	[smem:$0x3FD2] =	sst s25  }
0xa6: {  	s4 =	sshll.u32 s26, $0x1;
	_ =	strace $0x80000046;
	[dreg:$0x1] =	wrdreg $0xFFFFFFFF  }
0xa7: {  	s28 =	simm.s32 $_size_execute0_lowered;
	s2 =	sadd.s32 s2, s4;
	[dreg:$0x0] =	wrdreg $0x0  }
0xa8: {  	s4 =	sshll.u32 s28, $0x1;
	[dreg:$0x2] =	wrdreg s2  }
0xa9: {  	[dreg:$0x3] =	wrdreg s4  }
0xaa: {  	[dreg:$0x4] =	wrdreg $0xC0  }
0xab: {  	_ =	task [dreg:s6], $0x5FFFF  }
0xac: {  	[dreg:$0x1] =	wrdreg $0xFFFFFFFF  }
0xad: {  	[dreg:$0x0] =	wrdreg $0x60  }
0xae: {  	[dreg:$0x2] =	wrdreg s24  }
0xaf: {  	[dreg:$0x3] =	wrdreg $0x0  }
0xb0: {  	[dreg:$0x4] =	wrdreg $0x9  }
0xb1: {  	_ =	task.clear_ibuf [dreg:s6], $0x5FFFF;
	_ =	strace $0x90000046  }
0xb2: {  	s29 =	simm.s32 $0x9;
	_ =	strace $0x80000048  }
0xb3: {  	_ =	swait.ge [sflag:s29], $0x1  }
0xb4: {  	[sflag:s29] =	ssyncadd.s32 $0xFFFFFFFF  }
0xb5: {  	_ =	strace $0x90000048  }
0xb6: {  	_ =	sfence  }
0xb7: {  	s30 =	sld [smem:$0x0];
	_ =	sdelay $0x2  }
0xb8: {  	s31 =	sshll.u32 s1, $0xD;
	s1 =	sshrl.u32 s1, $0x2  }
0xb9: {  	s3 =	sand.u32 $0x4000, s31;
	s1 =	sadd.s32 s1, s30  }
0xba: {  	s0 =	sor.u32 s3, s0;
	s1 =	sshll.u32 s1, $0x11  }
0xbb: {  	s0 =	sor.u32 s1, s0  }
0xbc: {  	s0 =	sadd.s32 $0x8F2B, s0  }
0xbd: {  	[sflag:s0] =	ssyncadd.remote.s32 $0x1  }
0xbe: {  	_ =	sfence.sel $0xFFFF  }
0xbf: {  	[dreg:$0x0] =	wrdreg $0xFFFFFFFF;
	(pc) =	sbr.abs _section_cstart, $3  }
0xc0: {  	[dreg:$0x1] =	wrdreg $0xFFFFFFFF  }
0xc1: {  	_ =	task.clear_ibuf [dreg:s6], $0x2FFFF;
	_ =	strace $0x9FFFFFFF  }
0xc2: {  	(tm) =	ssettm $0x7FFFFFFF  }
0xc3: {  	_ =	shalt  }
tec
execute0_lowered:
.L_overlay_start_1:
0x0: {  	(tag) =	ssettag $0x1  }
0x1: {  	s5 =	rddreg [dreg:$0x0]  }
0x2: {  	s1 =	rddreg [dreg:$0x1]  }
0x3: {  	s0 =	rddreg [dreg:$0x2];
	s2 =	simm.s32 $0x0;
	s3 =	srdreg.scid  }
0x4: {  	s18 =	simm.s32 $0x3;
	s19 =	simm.s32 $0x2A78;
	s20 =	simm.s32 $0x2AF8  }
0x5: {  	s21 =	simm.s32 $0x2B78;
	s22 =	simm.s32 $0x50;
	s23 =	simm.s32 $0x1  }
0x6: {  	s24 =	simm.s32 $0x2;
	[smem:$0x7FF] =	sst s2;
	s8 =	sand.u32 $0x1, s3  }
0x7: {  	s3 =	stileid.u32;
	s16 =	sadd.s32 $0x1E00, s5;
	s15 =	sadd.s32 $0x15A00, s5  }
0x8: {  	s4 =	sadd.s32 $0x1F800, s5;
	s5 =	sadd.s32 $0x1FE00, s5;
	s6 =	smul.u32 $0x27100, s8  }
0x9: {  	_ =	strace $0x80000047;
	s7 =	smul.u32 $0x2710, s3;
	s9 =	ssub.s32 $0x2, s8  }
0xa: {  	p0 =	seq.s32 s3, $0x0;
	p1 =	seq.s32 s8, $0x1;
	s25 =	sor.u32 s3, s8  }
0xb: {  	s10 =	sshrl.u32 s9, $0x1;
	p0 =	por !p0, !p1;
	p1 =	sne.s32 s3, $0x0  }
0xc: {  	p2 =	sne.s32 s25, $0x0;
	s25 =	simm.s32 $0x0;
	s12 =	sadd.s32 s7, s6  }
0xd: {  	s9 =	ssub.s32 s9, s10;
	p0 =	por !p0, !p0;
	s11 =	sshrl.u32 s12, $0x3  }
0xe: {  	s8 =	smax.u32 s9, $0x1;
	s14 =	sadd.s32 $0x140, s12;
	s17 =	sadd.s32 $0xF0, s12  }
0xf: {  	s6 =	sadd.s32 s16, s11;
	s7 =	sadd.s32 s15, s11;
	s31 =	sadd.s32 $0xA, s11  }
0x10: {  	s13 =	sadd.s32 $0x14, s11;
	s14 =	sshrl.u32 s14, $0x3;
	s17 =	sshrl.u32 s17, $0x3  }
0x11: {  	s9 =	sadd.s32 s16, s31;
	s10 =	sadd.s32 s15, s31;
	s11 =	sadd.s32 s16, s13  }
0x12: {  	s12 =	sadd.s32 s15, s13;
	s13 =	sadd.s32 s14, s15;
	s14 =	sadd.s32 s14, s16  }
0x13: {  	v0 =	vimm.f32 $0.0e+00;
	s15 =	sadd.s32 s17, s15;
	s16 =	sadd.s32 s17, s16;
	s17 =	simm.s32 $0x29F8  }
.LBB2_1:
0x14: {  	s26 =	simm.s32 $0x40;
	s28 =	simm.s32 $0x0  }
.LBB2_2:
0x15: {  	p3 =	sne.s32 s26, $0x9C00;
	[tilespmem:s28+$0x278] =	vst v0;
	s28 =	smov.u32 s26;
	s26 =	sadd.s32 $0x40, s26  }
.Ltmp0:
0x16: {  	(pc) =	sbr.rel @p3 .LBB2_2-.Ltmp0, $2  }
0x17: {  	_ =	sdelay $0x2  }
0x18: {  	s28 =	sshra.s32 s28, $0x2  }
0x19: {  	[tilespmem:s28+$0x278] =	vst v0;
	s26 =	simm.s32 @!p1 $0x278  }
0x1a: {  	[spmem:s1] =	stream.linear.scatter @!p1 [tilespmem:s26], [sflag:$0x3], $0x2780, $0x38;
	[tilespmem:$0x2BF8] =	vst v63  }
0x1b: {  	s26 =	simm.s32 @!p1 $0x3  }
0x1c: {  	_ =	swait.ge @!p1 [sflag:s26], $0x2780  }
0x1d: {  	[sflag:s26] =	ssyncset.done @!p1 $0x0  }
0x1e: {  	[sflag:s26] =	ssyncadd.s32 @!p1 $0xFFFFD880  }
0x1f: {  	s31 =	simm.s32 $0x0;
	[bflag:$0x0] =	sbarrier.arrive $0xFFFF  }
0x20: {  	[tilespmem:s17], [sflag:$0x3] =	stream.linear.gather [hbm4b:s6+s31], $0x50, $0x38;
	[tilespmem:$0x2BF8] =	vst v63  }
0x21: {  	_ =	swait.ge [sflag:s18], $0x50  }
0x22: {  	[sflag:s18] =	ssyncset.done $0x0  }
0x23: {  	[sflag:s18] =	ssyncadd.s32 $0xFFFFFFB0  }
0x24: {  	[tilespmem:s19], [sflag:$0x3] =	stream.linear.gather [hbm4b:s7+s31], $0x50, $0x38;
	[tilespmem:$0x2BF8] =	vst v63  }
0x25: {  	_ =	swait.ge [sflag:s18], $0x50  }
0x26: {  	[sflag:s18] =	ssyncset.done $0x0  }
0x27: {  	[sflag:s18] =	ssyncadd.s32 $0xFFFFFFB0  }
0x28: {  	[tilespmem:s20], [sflag:$0x3] =	stream.linear.gather [hbm4b:s9+s31], $0x50, $0x38;
	[tilespmem:$0x2BF8] =	vst v63  }
0x29: {  	_ =	swait.ge [sflag:s18], $0x50  }
0x2a: {  	[sflag:s18] =	ssyncset.done $0x0  }
0x2b: {  	[sflag:s18] =	ssyncadd.s32 $0xFFFFFFB0  }
0x2c: {  	[tilespmem:s21], [sflag:$0x3] =	stream.linear.gather [hbm4b:s10+s31], $0x50, $0x38;
	[tilespmem:$0x2BF8] =	vst v63  }
0x2d: {  	_ =	swait.ge [sflag:s18], $0x50  }
0x2e: {  	[sflag:s18] =	ssyncset.done $0x0  }
0x2f: {  	[sflag:s18] =	ssyncadd.s32 $0xFFFFFFB0  }
0x30: {  	[spmem:s1] =	stream.indirect.scatter.add.f32 [tilespmem:s19], [sflag:$0x1], $0x1, s17, s22, $0xb8;
	[tilespmem:$0x2BF8] =	vst v63  }
0x31: {  	_ =	swait.ge [sflag:s23], $0x50  }
0x32: {  	[sflag:s23] =	ssyncset.done $0x0  }
0x33: {  	[sflag:s23] =	ssyncadd.s32 $0xFFFFFFB0  }
0x34: {  	[tilespmem:s17], [sflag:$0x3] =	stream.linear.gather [hbm4b:s11+s31], $0x50, $0x38;
	[tilespmem:$0x2BF8] =	vst v63  }
0x35: {  	_ =	swait.ge [sflag:s18], $0x50  }
0x36: {  	[sflag:s18] =	ssyncset.done $0x0  }
0x37: {  	[sflag:s18] =	ssyncadd.s32 $0xFFFFFFB0  }
0x38: {  	[tilespmem:s19], [sflag:$0x3] =	stream.linear.gather [hbm4b:s12+s31], $0x50, $0x38;
	[tilespmem:$0x2BF8] =	vst v63  }
0x39: {  	_ =	swait.ge [sflag:s18], $0x50  }
0x3a: {  	[sflag:s18] =	ssyncset.done $0x0  }
0x3b: {  	[sflag:s18] =	ssyncadd.s32 $0xFFFFFFB0  }
0x3c: {  	[spmem:s1] =	stream.indirect.scatter.add.f32 [tilespmem:s21], [sflag:$0x2], $0x1, s20, s22, $0xb8;
	[tilespmem:$0x2BF8] =	vst v63  }
0x3d: {  	_ =	swait.ge [sflag:s24], $0x50  }
0x3e: {  	[sflag:s24] =	ssyncset.done $0x0  }
0x3f: {  	s28 =	sadd.s32 $0x0, s16;
	[sflag:s24] =	ssyncadd.s32 $0xFFFFFFB0  }
0x40: {  	[tilespmem:s20], [sflag:$0x3] =	stream.linear.gather [hbm4b:s28+s2], $0x50, $0x38;
	[tilespmem:$0x2BF8] =	vst v63  }
0x41: {  	_ =	swait.ge [sflag:s18], $0x50  }
0x42: {  	[sflag:s18] =	ssyncset.done $0x0  }
0x43: {  	s29 =	sadd.s32 $0x0, s15;
	[sflag:s18] =	ssyncadd.s32 $0xFFFFFFB0  }
0x44: {  	[tilespmem:s21], [sflag:$0x3] =	stream.linear.gather [hbm4b:s29+s2], $0x50, $0x38;
	[tilespmem:$0x2BF8] =	vst v63  }
0x45: {  	_ =	swait.ge [sflag:s18], $0x50  }
0x46: {  	[sflag:s18] =	ssyncset.done $0x0  }
0x47: {  	[sflag:s18] =	ssyncadd.s32 $0xFFFFFFB0  }
0x48: {  	[spmem:s1] =	stream.indirect.scatter.add.f32 [tilespmem:s19], [sflag:$0x1], $0x1, s17, s22, $0xb8;
	[tilespmem:$0x2BF8] =	vst v63  }
0x49: {  	_ =	swait.ge [sflag:s23], $0x50  }
0x4a: {  	[sflag:s23] =	ssyncset.done $0x0  }
0x4b: {  	s30 =	sadd.s32 $0x0, s14;
	[sflag:s23] =	ssyncadd.s32 $0xFFFFFFB0  }
0x4c: {  	[tilespmem:s17], [sflag:$0x3] =	stream.linear.gather [hbm4b:s30+s2], $0x50, $0x38;
	[tilespmem:$0x2BF8] =	vst v63  }
0x4d: {  	_ =	swait.ge [sflag:s18], $0x50  }
0x4e: {  	[sflag:s18] =	ssyncset.done $0x0  }
0x4f: {  	s31 =	sadd.s32 $0x0, s13;
	[sflag:s18] =	ssyncadd.s32 $0xFFFFFFB0  }
0x50: {  	[tilespmem:s19], [sflag:$0x3] =	stream.linear.gather [hbm4b:s31+s2], $0x50, $0x38;
	[tilespmem:$0x2BF8] =	vst v63  }
0x51: {  	_ =	swait.ge [sflag:s18], $0x50  }
0x52: {  	[sflag:s18] =	ssyncset.done $0x0  }
0x53: {  	s26 =	simm.s32 $0x14;
	[sflag:s18] =	ssyncadd.s32 $0xFFFFFFB0  }
.LBB2_4:
0x54: {  	[spmem:s1] =	stream.indirect.scatter.add.f32 [tilespmem:s21], [sflag:$0x2], $0x1, s20, s22, $0xb8;
	[tilespmem:$0x2BF8] =	vst v63  }
0x55: {  	s28 =	smov.u32 s26  }
0x56: {  	p3 =	sne.s32 s26, $0x4B0;
	s26 =	sadd.s32 $0x14, s26;
	_ =	swait.ge [sflag:s24], $0x50  }
0x57: {  	[sflag:s24] =	ssyncset.done $0x0  }
0x58: {  	s29 =	sadd.s32 s28, s16;
	[sflag:s24] =	ssyncadd.s32 $0xFFFFFFB0  }
0x59: {  	[tilespmem:s20], [sflag:$0x3] =	stream.linear.gather [hbm4b:s29+s2], $0x50, $0x38;
	[tilespmem:$0x2BF8] =	vst v63  }
0x5a: {  	_ =	swait.ge [sflag:s18], $0x50  }
0x5b: {  	[sflag:s18] =	ssyncset.done $0x0  }
0x5c: {  	s29 =	sadd.s32 s28, s15;
	[sflag:s18] =	ssyncadd.s32 $0xFFFFFFB0  }
0x5d: {  	[tilespmem:s21], [sflag:$0x3] =	stream.linear.gather [hbm4b:s29+s2], $0x50, $0x38;
	[tilespmem:$0x2BF8] =	vst v63  }
0x5e: {  	_ =	swait.ge [sflag:s18], $0x50  }
0x5f: {  	[sflag:s18] =	ssyncset.done $0x0  }
0x60: {  	[sflag:s18] =	ssyncadd.s32 $0xFFFFFFB0  }
0x61: {  	[spmem:s1] =	stream.indirect.scatter.add.f32 [tilespmem:s19], [sflag:$0x1], $0x1, s17, s22, $0xb8;
	[tilespmem:$0x2BF8] =	vst v63  }
0x62: {  	_ =	swait.ge [sflag:s23], $0x50  }
0x63: {  	[sflag:s23] =	ssyncset.done $0x0  }
0x64: {  	s29 =	sadd.s32 s28, s14;
	[sflag:s23] =	ssyncadd.s32 $0xFFFFFFB0  }
0x65: {  	[tilespmem:s17], [sflag:$0x3] =	stream.linear.gather [hbm4b:s29+s2], $0x50, $0x38;
	[tilespmem:$0x2BF8] =	vst v63  }
0x66: {  	_ =	swait.ge [sflag:s18], $0x50  }
0x67: {  	[sflag:s18] =	ssyncset.done $0x0  }
.Ltmp1:
0x68: {  	s28 =	sadd.s32 s28, s13;
	[sflag:s18] =	ssyncadd.s32 $0xFFFFFFB0;
	(pc) =	sbr.rel @p3 .LBB2_4-.Ltmp1, $4  }
0x69: {  	[tilespmem:s19], [sflag:$0x3] =	stream.linear.gather [hbm4b:s28+s2], $0x50, $0x38;
	[tilespmem:$0x2BF8] =	vst v63  }
0x6a: {  	_ =	swait.ge [sflag:s18], $0x50  }
0x6b: {  	[sflag:s18] =	ssyncset.done $0x0  }
0x6c: {  	[sflag:s18] =	ssyncadd.s32 $0xFFFFFFB0  }
0x6d: {  	[spmem:s1] =	stream.indirect.scatter.add.f32 [tilespmem:s21], [sflag:$0x2], $0x1, s20, s22, $0xb8;
	[tilespmem:$0x2BF8] =	vst v63  }
0x6e: {  	_ =	swait.ge [sflag:s24], $0x50  }
0x6f: {  	[sflag:s24] =	ssyncset.done $0x0  }
0x70: {  	[sflag:s24] =	ssyncadd.s32 $0xFFFFFFB0  }
0x71: {  	[spmem:s1] =	stream.indirect.scatter.add.f32 [tilespmem:s19], [sflag:$0x1], $0x1, s17, s22, $0xb8;
	[tilespmem:$0x2BF8] =	vst v63  }
0x72: {  	_ =	swait.ge [sflag:s23], $0x50  }
0x73: {  	[sflag:s23] =	ssyncset.done $0x0  }
0x74: {  	s26 =	sshll.u32 @!p2 s3, $0x6;
	[sflag:s23] =	ssyncadd.s32 $0xFFFFFFB0  }
0x75: {  	s28 =	sshrl.u32 @!p2 s1, $0x3;
	s26 =	sor.u32 @!p2 $0x1C03, s26;
	[bflag:$0x0] =	sbarrier.arrive $0xFFFF  }
0x76: {  	[hbm:s4], [sflag:s26] =	dma.local @!p2 [spmem:s28], $0x4F0  }
0x77: {  	s26 =	simm.s32 @!p2 $0x3  }
0x78: {  	s25 =	sadd.s32 $0x1, s25;
	_ =	swait.ge @!p2 [sflag:s26], $0x4F0  }
0x79: {  	p3 =	sne.s32 s25, s8;
	[sflag:s26] =	ssyncset.done @!p2 $0x0  }
0x7a: {  	s28 =	simm.s32 @p0 $0x1C03;
	[sflag:s26] =	ssyncadd.s32 @!p2 $0xFFFFFB10;
	s26 =	sshrl.u32 @p0 s1, $0x3  }
0x7b: {  	[hbm:s5], [sflag:s28] =	dma.local @p0 [spmem:s26], $0x4F0  }
.Ltmp2:
0x7c: {  	_ = 	snop;
	(pc) =	sbr.rel @p3 .LBB2_1-.Ltmp2, $4  }
0x7d: {  	s26 =	simm.s32 @p0 $0x3  }
0x7e: {  	_ =	swait.ge @p0 [sflag:s26], $0x4F0  }
0x7f: {  	[sflag:s26] =	ssyncset.done @p0 $0x0  }
0x80: {  	[sflag:s26] =	ssyncadd.s32 @p0 $0xFFFFFB10  }
0x81: {  	_ =	sfence.sel $0x180000  }
0x82: {  	[bflag:$0x0] =	sbarrier.arrive $0xFFFF  }
0x83: {  	_ =	strace $0x90000047  }
0x84: {  	s0 =	sadd.s32 @!p1 $0x100000, s0;
	[bflag:$0x2] =	sbarrier.arrive $0xFFFF  }
0x85: {  	[sflag:s0] =	ssyncadd.tile.s32 @!p1 $0x1;
	_ =	shalt  }
.Lfunc_end2:
_tile_overlayer_lowered:
.L_overlay_start_2:
0x86: {  	(tag) =	ssettag $0x2  }
0x87: {  	s0 =	rddreg [dreg:$0x0];
	s2 =	stileid.u32  }
0x88: {  	s1 =	rddreg [dreg:$0x1];
	p0 =	sne.s32 s2, $0x0  }
0x89: {  	s3 =	rddreg [dreg:$0x2];
	[bflag:$0x3] =	sbarrier.arrive $0xFFFF;
	s2 =	simm.s32 @!p0 $0x1C03  }
0x8a: {  	[timem:s3], [sflag:s2] =	dma.local @!p0 [hbm:s0], s1  }
0x8b: {  	s0 =	simm.s32 @!p0 $0x3  }
0x8c: {  	_ =	swait.ge @!p0 [sflag:s0], s1  }
0x8d: {  	s1 =	ssub.s32 @!p0 $0x0, s1;
	[sflag:s0] =	ssyncset.done @!p0 $0x0  }
0x8e: {  	[sflag:s0] =	ssyncadd.s32 @!p0 s1  }
0x8f: {  	[bflag:$0x3] =	sbarrier.arrive $0xFFFF  }
0x90: {  	_ =	shalt  }

</sc_bundles>
